<compile_context>
chip_gen: v7x
topology: tpu7x:2x2x1
jax: 0.10.2.dev20260603
libtpu: 0.0.44.dev20260713+nightly
codegen_flags: <defaults>
</compile_context>

<pallas_src>
import functools

import jax
import jax.numpy as jnp
from jax import lax
from jax.experimental import pallas as pl
from jax.experimental.pallas import tpu as pltpu
from jax.experimental.pallas import tpu_sc as plsc

T, D, I, E, K = 2048, 768, 1024, 8, 2
D2 = D // 2
RB = 128
NSLOT = 5120
NBLK = NSLOT // RB
WREP = 128
NC, NS = 2, 16
NW = NC * NS
NEG = -1e30


def _fiota(shape, dim):
    return lax.broadcasted_iota(jnp.int32, shape, dim).astype(jnp.float32)


def _route_body(x_ref, wg_ref, bg_ref, pos0_ref, pos1_ref, w0_ref, w1_ref,
                be_ref, rs_ref, par_ref, nxe_ref, hn_ref, nreal_ref):
    logits = lax.dot_general(x_ref[...], wg_ref[...],
                             (((1,), (1,)), ((), ())),
                             preferred_element_type=jnp.float32)
    logits = logits + bg_ref[...]
    m = jnp.max(logits, axis=-1, keepdims=True)
    p = jnp.exp(logits - m)
    s = p / jnp.sum(p, axis=-1, keepdims=True)

    ei = _fiota((T, E), 1)
    m0 = jnp.max(s, axis=-1, keepdims=True)
    i0 = jnp.min(jnp.where(s >= m0, ei, float(E)), axis=-1, keepdims=True)
    s2 = jnp.where(ei == i0, NEG, s)
    m1 = jnp.max(s2, axis=-1, keepdims=True)
    i1 = jnp.min(jnp.where(s2 >= m1, ei, float(E)), axis=-1, keepdims=True)

    w0_ref[...] = jnp.broadcast_to(m0, (T, WREP))
    w1_ref[...] = jnp.broadcast_to(m1, (T, WREP))

    m0e = (ei == i0).astype(jnp.float32)
    m1e = (ei == i1).astype(jnp.float32)

    ri = _fiota((T, T), 0)
    ci = _fiota((T, T), 1)
    ltri = (ci <= ri).astype(jnp.bfloat16)
    mcat = jnp.concatenate([m0e, m1e], axis=1).astype(jnp.bfloat16)
    c01 = jnp.dot(ltri, mcat, preferred_element_type=jnp.float32)
    c0 = c01[:, :E]
    c1 = c01[:, E:]

    n0 = c0[T - 1:T, :]
    n1 = c1[T - 1:T, :]
    n = n0 + n1
    nblk = jnp.floor((n + (RB - 1.0)) * (1.0 / RB))
    r8 = _fiota((E, E), 0)
    c8 = _fiota((E, E), 1)
    sutri = (r8 < c8).astype(jnp.float32)
    blkoff = jnp.dot(nblk, sutri, preferred_element_type=jnp.float32)
    off = blkoff * RB

    ones8 = jnp.ones((1, E), jnp.float32)
    dnt = (((1,), (1,)), ((), ()))

    def _posrow(mask, q):
        qh = jnp.floor(q * (1.0 / RB))
        ql = q - RB * qh
        return (RB * lax.dot_general(ones8, mask * qh, dnt,
                                     preferred_element_type=jnp.float32)
                + lax.dot_general(ones8, mask * ql, dnt,
                                  preferred_element_type=jnp.float32))

    pos0 = _posrow(m0e, off + c0 - m0e)
    pos1 = _posrow(m1e, off + n0 + c1 - m1e)
    pos0_ref[...] = pos0.astype(jnp.int32)
    pos1_ref[...] = pos1.astype(jnp.int32)

    bi = _fiota((E, NBLK), 1)
    eb = _fiota((E, NBLK), 0)
    boffc = jnp.reshape(blkoff, (E, 1))
    nblkc = jnp.reshape(nblk, (E, 1))
    ind = ((bi >= boffc) & (bi < boffc + nblkc)).astype(jnp.float32)
    tail = ((eb == (E - 1.0)) &
            (jnp.sum(ind, axis=0, keepdims=True) == 0.0)).astype(jnp.float32)
    ind2 = jnp.minimum(ind + tail, 1.0)
    bex = jnp.sum(eb * ind2, axis=0, keepdims=True)
    be_ref[...] = bex.astype(jnp.int32)

    presentc = jnp.minimum(
        jnp.sum(ind, axis=1, keepdims=True).astype(jnp.bool_).astype(
            jnp.float32)
        + (_fiota((E, 1), 0) == (E - 1.0)).astype(jnp.float32), 1.0)
    ltm = (c8 < r8).astype(jnp.float32)
    rankc = jnp.dot(ltm, presentc, preferred_element_type=jnp.float32)
    parc = rankc - 2.0 * jnp.floor(rankc * 0.5)
    gtm = (c8 > r8).astype(jnp.float32)
    prow = jnp.sum((r8 == c8).astype(jnp.float32) * presentc, axis=0,
                   keepdims=True)
    candm = gtm * prow * c8 + (1.0 - gtm * prow) * 1e9
    nxt = jnp.min(candm, axis=1, keepdims=True)
    nxt = jnp.where(nxt > float(E), _fiota((E, 1), 0), nxt)
    par_b = jnp.sum(parc * ind2, axis=0, keepdims=True)
    nxe_b = jnp.sum(nxt * ind2, axis=0, keepdims=True)
    rs_b = (bex != jnp.concatenate([bex[:, :1] - 1.0, bex[:, :NBLK - 1]],
                                   axis=1)).astype(jnp.float32)
    hn_b = (nxe_b != bex).astype(jnp.float32)
    par_ref[...] = par_b.astype(jnp.int32)
    nxe_ref[...] = nxe_b.astype(jnp.int32)
    rs_ref[...] = rs_b.astype(jnp.int32)
    hn_ref[...] = hn_b.astype(jnp.int32)
    nreal_ref[...] = jnp.broadcast_to(
        jnp.sum(nblk, axis=1, keepdims=True), (1, NBLK)).astype(jnp.int32)


def _route(x, Wg, bg):
    return pl.pallas_call(
        _route_body,
        out_shape=(
            jax.ShapeDtypeStruct((1, T), jnp.int32),
            jax.ShapeDtypeStruct((1, T), jnp.int32),
            jax.ShapeDtypeStruct((T, WREP), jnp.float32),
            jax.ShapeDtypeStruct((T, WREP), jnp.float32),
            jax.ShapeDtypeStruct((1, NBLK), jnp.int32),
            jax.ShapeDtypeStruct((1, NBLK), jnp.int32),
            jax.ShapeDtypeStruct((1, NBLK), jnp.int32),
            jax.ShapeDtypeStruct((1, NBLK), jnp.int32),
            jax.ShapeDtypeStruct((1, NBLK), jnp.int32),
            jax.ShapeDtypeStruct((1, NBLK), jnp.int32),
        ),
    )(x, Wg, bg)


_TPW = T // NW
_NCH = 4
_CCH = _TPW // _NCH


@functools.cache
def _sc_mesh():
    return plsc.VectorSubcoreMesh(core_axis_name="c", subcore_axis_name="s",
                                  num_cores=NC, num_subcores=NS)


@functools.cache
def _make_dispatch():
    @functools.partial(
        pl.kernel,
        out_type=(
            jax.ShapeDtypeStruct((NSLOT, D), jnp.float32),
            jax.ShapeDtypeStruct((NSLOT, WREP), jnp.float32),
        ),
        mesh=_sc_mesh(),
        scratch_types=[
            pltpu.VMEM((_TPW,), jnp.int32),
            pltpu.VMEM((_TPW,), jnp.int32),
            pltpu.VMEM((_TPW, D), jnp.float32),
            pltpu.VMEM((_TPW, WREP), jnp.float32),
            pltpu.VMEM((_TPW, WREP), jnp.float32),
            pltpu.SemaphoreType.DMA,
            pltpu.SemaphoreType.DMA,
            pltpu.SemaphoreType.DMA,
            pltpu.SemaphoreType.DMA,
            pltpu.SemaphoreType.DMA,
        ],
    )
    def _dispatch(x_hbm, pos0_hbm, pos1_hbm, w0_hbm, w1_hbm, xs_hbm, ws_hbm,
                  i0_v, i1_v, rows_v, w0_v, w1_v, s1, s2, s3, s4, s5):
        wid = lax.axis_index("s") * NC + lax.axis_index("c")
        base = wid * _TPW
        sl = pl.ds(base, _TPW)
        ci0 = pltpu.async_copy(pos0_hbm.at[sl], i0_v, s1)
        ci1 = pltpu.async_copy(pos1_hbm.at[sl], i1_v, s2)
        cx = pltpu.async_copy(x_hbm.at[sl], rows_v, s3)
        cw0 = pltpu.async_copy(w0_hbm.at[sl], w0_v, s4)
        cw1 = pltpu.async_copy(w1_hbm.at[sl], w1_v, s5)
        ci0.wait()
        cx.wait()
        sc0 = pltpu.async_copy(rows_v, xs_hbm.at[i0_v], s1)
        ci1.wait()
        sc1 = pltpu.async_copy(rows_v, xs_hbm.at[i1_v], s2)
        cw0.wait()
        cw1.wait()
        sw0 = pltpu.async_copy(w0_v, ws_hbm.at[i0_v], s3)
        sw1 = pltpu.async_copy(w1_v, ws_hbm.at[i1_v], s4)
        sc0.wait()
        sc1.wait()
        sw0.wait()
        sw1.wait()

    return _dispatch


def _ffn_body(be_ref, rs_ref, par_ref, nxe_ref, hn_ref, nreal_ref,
              xs_ref, w1_hbm, b1_ref, w3_hbm, b3_ref, w2_hbm, b2_ref, ws_ref,
              out_ref, w1b_v, w3b_v, w2b_v, sem0, sem1):
    b = pl.program_id(0)
    e = be_ref[b]
    slot = par_ref[b]
    sems = [sem0, sem1]

    def cps(dste, s):
        sem = sems[0] if isinstance(s, int) and s == 0 else sems[1]
        return (
            pltpu.make_async_copy(w1_hbm.at[dste], w1b_v.at[s], sem),
            pltpu.make_async_copy(w3_hbm.at[dste], w3b_v.at[s], sem),
            pltpu.make_async_copy(w2_hbm.at[dste], w2b_v.at[s], sem),
        )

    @pl.when(b == 0)
    def _():
        for cp in cps(e, 0):
            cp.start()

    @pl.when(rs_ref[b] == 1)
    def _():
        @pl.when(hn_ref[b] == 1)
        def _():
            @pl.when(slot == 0)
            def _():
                for cp in cps(nxe_ref[b], 1):
                    cp.start()

            @pl.when(slot == 1)
            def _():
                for cp in cps(nxe_ref[b], 0):
                    cp.start()

        @pl.when(slot == 0)
        def _():
            for cp in cps(e, 0):
                cp.wait()

        @pl.when(slot == 1)
        def _():
            for cp in cps(e, 1):
                cp.wait()

    @pl.when(b < nreal_ref[0])
    def _():
        xsb = xs_ref[...].astype(jnp.bfloat16)
        w1b = w1b_v[slot].astype(jnp.bfloat16)
        w3b = w3b_v[slot].astype(jnp.bfloat16)
        g = jnp.dot(xsb, w1b, preferred_element_type=jnp.float32) + b1_ref[0]
        u = jnp.dot(xsb, w3b, preferred_element_type=jnp.float32) + b3_ref[0]
        h = g * (1.0 / (1.0 + jnp.exp(-g))) * u
        hb = h.astype(jnp.bfloat16)
        w2b = w2b_v[slot].astype(jnp.bfloat16)
        o = jnp.dot(hb, w2b, preferred_element_type=jnp.float32) + b2_ref[0]
        out_ref[...] = o * ws_ref[:, :1]


def _ffn(be, rs, par, nxe, hn, nreal, xs, W1, b1, W3, b3, W2, b2, ws):
    grid_spec = pltpu.PrefetchScalarGridSpec(
        num_scalar_prefetch=6,
        grid=(NBLK,),
        in_specs=[
            pl.BlockSpec((RB, D), lambda b, *_: (b, 0)),
            pl.BlockSpec(memory_space=pltpu.HBM),
            pl.BlockSpec((1, 1, I), lambda b, be_ref, *_: (be_ref[b], 0, 0)),
            pl.BlockSpec(memory_space=pltpu.HBM),
            pl.BlockSpec((1, 1, I), lambda b, be_ref, *_: (be_ref[b], 0, 0)),
            pl.BlockSpec(memory_space=pltpu.HBM),
            pl.BlockSpec((1, 1, D), lambda b, be_ref, *_: (be_ref[b], 0, 0)),
            pl.BlockSpec((RB, WREP), lambda b, *_: (b, 0)),
        ],
        out_specs=pl.BlockSpec((RB, D), lambda b, *_: (b, 0)),
        scratch_shapes=[
            pltpu.VMEM((2, D, I), jnp.float32),
            pltpu.VMEM((2, D, I), jnp.float32),
            pltpu.VMEM((2, I, D), jnp.float32),
            pltpu.SemaphoreType.DMA,
            pltpu.SemaphoreType.DMA,
        ],
    )
    return pl.pallas_call(
        _ffn_body,
        grid_spec=grid_spec,
        out_shape=jax.ShapeDtypeStruct((NSLOT, D), jnp.float32),
        compiler_params=pltpu.CompilerParams(
            dimension_semantics=("arbitrary",),
        ),
    )(be, rs, par, nxe, hn, nreal, xs, W1, b1, W3, b3, W2, b2, ws)


@functools.cache
def _make_combine():
    @functools.partial(
        pl.kernel,
        out_type=jax.ShapeDtypeStruct((T, D), jnp.float32),
        mesh=_sc_mesh(),
        scratch_types=[
            pltpu.VMEM((_TPW,), jnp.int32),
            pltpu.VMEM((_TPW,), jnp.int32),
            pltpu.VMEM((_TPW, D), jnp.float32),
            pltpu.VMEM((_TPW, D), jnp.float32),
            pltpu.SemaphoreType.DMA,
            pltpu.SemaphoreType.DMA,
            pltpu.SemaphoreType.DMA,
            pltpu.SemaphoreType.DMA,
        ],
    )
    def _combine(out2_hbm, pos0_hbm, pos1_hbm, y_hbm, i0_v, i1_v, r0_v, r1_v,
                 sema0, sema1, semb0, semb1):
        wid = lax.axis_index("s") * NC + lax.axis_index("c")
        base = wid * _TPW
        ci0 = pltpu.async_copy(pos0_hbm.at[pl.ds(base, _TPW)], i0_v, sema0)
        ci1 = pltpu.async_copy(pos1_hbm.at[pl.ds(base, _TPW)], i1_v, sema1)
        ci0.wait()
        ci1.wait()

        def start(c):
            rs = pl.ds(c * _CCH, _CCH)
            s0, s1 = (sema0, sema1) if c % 2 == 0 else (semb0, semb1)
            cp0 = pltpu.async_copy(out2_hbm.at[i0_v.at[rs]], r0_v.at[rs], s0)
            cp1 = pltpu.async_copy(out2_hbm.at[i1_v.at[rs]], r1_v.at[rs], s1)
            return cp0, cp1

        inflight = start(0)
        for c in range(_NCH):
            nxt = start(c + 1) if c + 1 < _NCH else None
            inflight[0].wait()
            inflight[1].wait()

            def row(r, _):
                for j in range(D // 16):
                    sl = pl.ds(j * 16, 16)
                    plsc.addupdate(r0_v.at[r, sl], r1_v[r, sl])
                return _

            lax.fori_loop(c * _CCH, (c + 1) * _CCH, row, 0)
            inflight = nxt
        pltpu.sync_copy(r0_v, y_hbm.at[pl.ds(base, _TPW)])

    return _combine


def kernel(x, Wg, bg, W1, b1, W3, b3, W2, b2):
    (pos0, pos1, w0, w1, be, rs, par, nxe, hn, nreal) = _route(
        x, Wg.T, jnp.reshape(bg, (1, E)))
    xs, ws = _make_dispatch()(
        x, jnp.reshape(pos0, (T,)), jnp.reshape(pos1, (T,)), w0, w1)
    out2 = _ffn(jnp.reshape(be, (NBLK,)), jnp.reshape(rs, (NBLK,)),
                jnp.reshape(par, (NBLK,)), jnp.reshape(nxe, (NBLK,)),
                jnp.reshape(hn, (NBLK,)), jnp.reshape(nreal, (NBLK,)), xs,
                W1, jnp.reshape(b1, (E, 1, I)),
                W3, jnp.reshape(b3, (E, 1, I)),
                W2, jnp.reshape(b2, (E, 1, D)), ws)
    y = _make_combine()(out2, jnp.reshape(pos0, (T,)), jnp.reshape(pos1, (T,)))
    return y

# --- scband reference (transcript-rebuilt; emitter-appended) ---
"""Pipeline reference for scband-deep-sc-10136122819141 (READ-ONLY COPY).

The authoritative reference and input builder live on the scoring server;
editing this copy changes nothing except your own understanding.
"""

import jax, jax.numpy as jnp
import numpy as np

T, D, I, E, TOPK = 2048, 768, 1024, 8, 2
ROUTE_SCALE = 1.0


def setup_inputs(seed: int = 0) -> dict:
    key = jax.random.key(seed)
    ks = jax.random.split(key, 10)
    x = jax.random.normal(ks[0], (T, D), dtype=jnp.float32)
    Wg = jax.random.normal(ks[1], (D, E), dtype=jnp.float32) * 0.02
    bg = jnp.zeros((E,), dtype=jnp.float32)
    W1 = jax.random.normal(ks[2], (E, D, I), dtype=jnp.float32) * (1.0 / np.sqrt(D))
    b1 = jnp.zeros((E, I), dtype=jnp.float32)
    W3 = jax.random.normal(ks[3], (E, D, I), dtype=jnp.float32) * (1.0 / np.sqrt(D))
    b3 = jnp.zeros((E, I), dtype=jnp.float32)
    W2 = jax.random.normal(ks[4], (E, I, D), dtype=jnp.float32) * (1.0 / np.sqrt(I))
    b2 = jnp.zeros((E, D), dtype=jnp.float32)
    return {"x": x, "Wg": Wg, "bg": bg, "W1": W1, "b1": b1, "W3": W3, "b3": b3, "W2": W2, "b2": b2}


def reference(x, Wg, bg, W1, b1, W3, b3, W2, b2):
    # Gate: scores -> softmax -> topk -> gathered weights (route_scale applied)
    logits = x @ Wg + bg
    scores = jax.nn.softmax(logits, axis=-1).astype(jnp.float32)
    weights, indices = jax.lax.top_k(scores, TOPK)  # [T, topk], [T, topk]
    weights = (weights * ROUTE_SCALE).astype(x.dtype)
    # Experts: SwiGLU experts, combined with routing weights (dense masked dispatch,
    # mathematically identical to gather-dispatch/scatter-combine)
    y = jnp.zeros_like(x)
    for e in range(E):
        gate_e = jnp.sum(weights * (indices == e).astype(weights.dtype), axis=-1)  # [T]
        h = jax.nn.silu(x @ W1[e] + b1[e]) * (x @ W3[e] + b3[e])
        out_e = h @ W2[e] + b2[e]
        y = y + gate_e[:, None] * out_e
    return y

if __name__ == "__main__":
    import jax
    _d = setup_inputs()
    print(jax.jit(kernel)(*tuple(_d.values())))

</pallas_src>

<mosaic_0001>
#map = affine_map<(d0, d1) -> (0, 0)>
#map1 = affine_map<(d0, d1) -> (0)>
module attributes {stable_mosaic.version = 14 : i64} {
  func.func @_combine(%arg0: i32, %arg1: i32, %arg2: memref<5120x768xf32, #tpu.memory_space<hbm>>, %arg3: memref<2048xi32, #tpu.memory_space<hbm>>, %arg4: memref<2048xi32, #tpu.memory_space<hbm>>, %arg5: memref<2048x768xf32, #tpu.memory_space<hbm>>, %arg6: memref<64xi32, #tpu.memory_space<vmem>>, %arg7: memref<64xi32, #tpu.memory_space<vmem>>, %arg8: memref<64x768xf32, #tpu.memory_space<vmem>>, %arg9: memref<64x768xf32, #tpu.memory_space<vmem>>, %arg10: memref<!tpu.dma_semaphore, #tpu.memory_space<semaphore_mem>>, %arg11: memref<!tpu.dma_semaphore, #tpu.memory_space<semaphore_mem>>, %arg12: memref<!tpu.dma_semaphore, #tpu.memory_space<semaphore_mem>>, %arg13: memref<!tpu.dma_semaphore, #tpu.memory_space<semaphore_mem>>) attributes {dimension_semantics = [#tpu.dimension_semantics<core_parallel>, #tpu.dimension_semantics<subcore_parallel>], iteration_bounds = array<i64: 2, 16>, scalar_prefetch = 0 : i64, scratch_operands = 8 : i64, tpu.core_type = #tpu.core_type<sc_vector_subcore>, window_params = [{transform_indices = #map}, {transform_indices = #map1}, {transform_indices = #map1}, {transform_indices = #map}]} {
    %mul3A = arith.constant 2 : i32
    %mul3A_0 = arith.muli %arg1, %mul3A : i32
    %add3A = arith.addi %mul3A_0, %arg0 : i32
    %mul3A_1 = arith.constant 64 : i32
    %mul3A_2 = arith.muli %add3A, %mul3A_1 : i32
    %dma_start3A = tpu.memref_slice %arg3[%mul3A_2] : memref<2048xi32, #tpu.memory_space<hbm>> -> memref<64xi32, #tpu.memory_space<hbm>>
    %dma_start3A_3 = tpu.memref_slice %arg3[%mul3A_2] : memref<2048xi32, #tpu.memory_space<hbm>> -> memref<64xi32, #tpu.memory_space<hbm>>
    tpu.enqueue_dma source(%dma_start3A_3 : memref<64xi32, #tpu.memory_space<hbm>>) target(%arg6 : memref<64xi32, #tpu.memory_space<vmem>>) target_semaphore(%arg10 : memref<!tpu.dma_semaphore, #tpu.memory_space<semaphore_mem>>)
    %dma_start3A_4 = tpu.memref_slice %arg4[%mul3A_2] : memref<2048xi32, #tpu.memory_space<hbm>> -> memref<64xi32, #tpu.memory_space<hbm>>
    %dma_start3A_5 = tpu.memref_slice %arg4[%mul3A_2] : memref<2048xi32, #tpu.memory_space<hbm>> -> memref<64xi32, #tpu.memory_space<hbm>>
    tpu.enqueue_dma source(%dma_start3A_5 : memref<64xi32, #tpu.memory_space<hbm>>) target(%arg7 : memref<64xi32, #tpu.memory_space<vmem>>) target_semaphore(%arg11 : memref<!tpu.dma_semaphore, #tpu.memory_space<semaphore_mem>>)
    %dma_wait3A = tpu.memref_slice %arg3[%mul3A_2] : memref<2048xi32, #tpu.memory_space<hbm>> -> memref<64xi32, #tpu.memory_space<hbm>>
    %dma_wait3A_6 = tpu.memref_slice %arg3[%mul3A_2] : memref<2048xi32, #tpu.memory_space<hbm>> -> memref<64xi32, #tpu.memory_space<hbm>>
    tpu.wait_dma2 semaphore(%arg10 : memref<!tpu.dma_semaphore, #tpu.memory_space<semaphore_mem>>) src(%dma_wait3A_6 : memref<64xi32, #tpu.memory_space<hbm>>) dst(%arg6 : memref<64xi32, #tpu.memory_space<vmem>>)
    %dma_wait3A_7 = tpu.memref_slice %arg4[%mul3A_2] : memref<2048xi32, #tpu.memory_space<hbm>> -> memref<64xi32, #tpu.memory_space<hbm>>
    %dma_wait3A_8 = tpu.memref_slice %arg4[%mul3A_2] : memref<2048xi32, #tpu.memory_space<hbm>> -> memref<64xi32, #tpu.memory_space<hbm>>
    tpu.wait_dma2 semaphore(%arg11 : memref<!tpu.dma_semaphore, #tpu.memory_space<semaphore_mem>>) src(%dma_wait3A_8 : memref<64xi32, #tpu.memory_space<hbm>>) dst(%arg7 : memref<64xi32, #tpu.memory_space<vmem>>)
    %dma_start3A_9 = arith.constant 0 : i32
    %dma_start3A_10 = arith.constant 0 : i32
    %dma_start3A_11 = tpu.memref_slice %arg8[%dma_start3A_9, %dma_start3A_10] : memref<64x768xf32, #tpu.memory_space<vmem>> -> memref<16x768xf32, #tpu.memory_space<vmem>>
    %dma_start3A_12 = arith.constant 0 : i32
    %dma_start3A_13 = tpu.memref_slice %arg6[%dma_start3A_12] : memref<64xi32, #tpu.memory_space<vmem>> -> memref<16xi32, #tpu.memory_space<vmem>>
    %dma_start3A_14 = arith.constant 0 : i32
    %dma_start3A_15 = arith.constant 0 : i32
    %dma_start3A_16 = tpu.memref_slice %arg2[%dma_start3A_14, %dma_start3A_15] : memref<5120x768xf32, #tpu.memory_space<hbm>> -> memref<5120x768xf32, #tpu.memory_space<hbm>>
    tpu.enqueue_indirect_dma source(%dma_start3A_16 : memref<5120x768xf32, #tpu.memory_space<hbm>>) target(%dma_start3A_11 : memref<16x768xf32, #tpu.memory_space<vmem>>) offsets(%dma_start3A_13 : memref<16xi32, #tpu.memory_space<vmem>>) semaphore(%arg10 : memref<!tpu.dma_semaphore, #tpu.memory_space<semaphore_mem>>)
    %dma_start3A_17 = arith.constant 0 : i32
    %dma_start3A_18 = arith.constant 0 : i32
    %dma_start3A_19 = tpu.memref_slice %arg9[%dma_start3A_17, %dma_start3A_18] : memref<64x768xf32, #tpu.memory_space<vmem>> -> memref<16x768xf32, #tpu.memory_space<vmem>>
    %dma_start3A_20 = arith.constant 0 : i32
    %dma_start3A_21 = tpu.memref_slice %arg7[%dma_start3A_20] : memref<64xi32, #tpu.memory_space<vmem>> -> memref<16xi32, #tpu.memory_space<vmem>>
    %dma_start3A_22 = arith.constant 0 : i32
    %dma_start3A_23 = arith.constant 0 : i32
    %dma_start3A_24 = tpu.memref_slice %arg2[%dma_start3A_22, %dma_start3A_23] : memref<5120x768xf32, #tpu.memory_space<hbm>> -> memref<5120x768xf32, #tpu.memory_space<hbm>>
    tpu.enqueue_indirect_dma source(%dma_start3A_24 : memref<5120x768xf32, #tpu.memory_space<hbm>>) target(%dma_start3A_19 : memref<16x768xf32, #tpu.memory_space<vmem>>) offsets(%dma_start3A_21 : memref<16xi32, #tpu.memory_space<vmem>>) semaphore(%arg11 : memref<!tpu.dma_semaphore, #tpu.memory_space<semaphore_mem>>)
    %dma_start3A_25 = arith.constant 16 : i32
    %dma_start3A_26 = arith.constant 0 : i32
    %dma_start3A_27 = tpu.memref_slice %arg8[%dma_start3A_25, %dma_start3A_26] : memref<64x768xf32, #tpu.memory_space<vmem>> -> memref<16x768xf32, #tpu.memory_space<vmem>>
    %dma_start3A_28 = arith.constant 16 : i32
    %dma_start3A_29 = tpu.memref_slice %arg6[%dma_start3A_28] : memref<64xi32, #tpu.memory_space<vmem>> -> memref<16xi32, #tpu.memory_space<vmem>>
    %dma_start3A_30 = arith.constant 0 : i32
    %dma_start3A_31 = arith.constant 0 : i32
    %dma_start3A_32 = tpu.memref_slice %arg2[%dma_start3A_30, %dma_start3A_31] : memref<5120x768xf32, #tpu.memory_space<hbm>> -> memref<5120x768xf32, #tpu.memory_space<hbm>>
    tpu.enqueue_indirect_dma source(%dma_start3A_32 : memref<5120x768xf32, #tpu.memory_space<hbm>>) target(%dma_start3A_27 : memref<16x768xf32, #tpu.memory_space<vmem>>) offsets(%dma_start3A_29 : memref<16xi32, #tpu.memory_space<vmem>>) semaphore(%arg12 : memref<!tpu.dma_semaphore, #tpu.memory_space<semaphore_mem>>)
    %dma_start3A_33 = arith.constant 16 : i32
    %dma_start3A_34 = arith.constant 0 : i32
    %dma_start3A_35 = tpu.memref_slice %arg9[%dma_start3A_33, %dma_start3A_34] : memref<64x768xf32, #tpu.memory_space<vmem>> -> memref<16x768xf32, #tpu.memory_space<vmem>>
    %dma_start3A_36 = arith.constant 16 : i32
    %dma_start3A_37 = tpu.memref_slice %arg7[%dma_start3A_36] : memref<64xi32, #tpu.memory_space<vmem>> -> memref<16xi32, #tpu.memory_space<vmem>>
    %dma_start3A_38 = arith.constant 0 : i32
    %dma_start3A_39 = arith.constant 0 : i32
    %dma_start3A_40 = tpu.memref_slice %arg2[%dma_start3A_38, %dma_start3A_39] : memref<5120x768xf32, #tpu.memory_space<hbm>> -> memref<5120x768xf32, #tpu.memory_space<hbm>>
    tpu.enqueue_indirect_dma source(%dma_start3A_40 : memref<5120x768xf32, #tpu.memory_space<hbm>>) target(%dma_start3A_35 : memref<16x768xf32, #tpu.memory_space<vmem>>) offsets(%dma_start3A_37 : memref<16xi32, #tpu.memory_space<vmem>>) semaphore(%arg13 : memref<!tpu.dma_semaphore, #tpu.memory_space<semaphore_mem>>)
    %dma_wait3A_41 = arith.constant 0 : i32
    %dma_wait3A_42 = arith.constant 0 : i32
    %dma_wait3A_43 = tpu.memref_slice %arg8[%dma_wait3A_41, %dma_wait3A_42] : memref<64x768xf32, #tpu.memory_space<vmem>> -> memref<16x768xf32, #tpu.memory_space<vmem>>
    %dma_wait3A_44 = arith.constant 0 : i32
    %dma_wait3A_45 = tpu.memref_slice %arg6[%dma_wait3A_44] : memref<64xi32, #tpu.memory_space<vmem>> -> memref<16xi32, #tpu.memory_space<vmem>>
    %dma_wait3A_46 = arith.constant 0 : i32
    %dma_wait3A_47 = arith.constant 0 : i32
    %dma_wait3A_48 = tpu.memref_slice %arg2[%dma_wait3A_46, %dma_wait3A_47] : memref<5120x768xf32, #tpu.memory_space<hbm>> -> memref<5120x768xf32, #tpu.memory_space<hbm>>
    tpu.wait_indirect_dma semaphore(%arg10 : memref<!tpu.dma_semaphore, #tpu.memory_space<semaphore_mem>>) src(%dma_wait3A_48 : memref<5120x768xf32, #tpu.memory_space<hbm>>) dst(%dma_wait3A_43 : memref<16x768xf32, #tpu.memory_space<vmem>>)
    %dma_wait3A_49 = arith.constant 0 : i32
    %dma_wait3A_50 = arith.constant 0 : i32
    %dma_wait3A_51 = tpu.memref_slice %arg9[%dma_wait3A_49, %dma_wait3A_50] : memref<64x768xf32, #tpu.memory_space<vmem>> -> memref<16x768xf32, #tpu.memory_space<vmem>>
    %dma_wait3A_52 = arith.constant 0 : i32
    %dma_wait3A_53 = tpu.memref_slice %arg7[%dma_wait3A_52] : memref<64xi32, #tpu.memory_space<vmem>> -> memref<16xi32, #tpu.memory_space<vmem>>
    %dma_wait3A_54 = arith.constant 0 : i32
    %dma_wait3A_55 = arith.constant 0 : i32
    %dma_wait3A_56 = tpu.memref_slice %arg2[%dma_wait3A_54, %dma_wait3A_55] : memref<5120x768xf32, #tpu.memory_space<hbm>> -> memref<5120x768xf32, #tpu.memory_space<hbm>>
    tpu.wait_indirect_dma semaphore(%arg11 : memref<!tpu.dma_semaphore, #tpu.memory_space<semaphore_mem>>) src(%dma_wait3A_56 : memref<5120x768xf32, #tpu.memory_space<hbm>>) dst(%dma_wait3A_51 : memref<16x768xf32, #tpu.memory_space<vmem>>)
    %scan3A = arith.constant 0 : i32
    %scan3A_57 = arith.constant 0 : i32
    %scan3A_58 = arith.constant 16 : i32
    %scan3A_59 = arith.addi %scan3A_57, %scan3A_58 : i32
    %scan3A_60 = arith.constant 1 : i32
    scf.for %scan3A_160 = %scan3A_57 to %scan3A_59 step %scan3A_60  : i32 {
      %get3A = arith.index_cast %scan3A_160 : i32 to index
      %get3A_161 = arith.constant 0 : index
      %get3A_162 = tpu.vector_load %arg9[%get3A, %get3A_161] {strides = array<i32>} : memref<64x768xf32, #tpu.memory_space<vmem>>, vector<1x16xf32>,
      %get3A_163 = vector.shape_cast %get3A_162 : vector<1x16xf32> to vector<16xf32>
      %swap3A = arith.index_cast %scan3A_160 : i32 to index
      %swap3A_164 = arith.constant 0 : index
      %swap3A_165 = tpu.vector_load %arg8[%swap3A, %swap3A_164] {strides = array<i32>} : memref<64x768xf32, #tpu.memory_space<vmem>>, vector<1x16xf32>,
      %swap3A_166 = vector.shape_cast %swap3A_165 : vector<1x16xf32> to vector<16xf32>
      %swap3A_167 = vector.shape_cast %get3A_163 : vector<16xf32> to vector<1x16xf32>
      tpu.vector_store %arg8[%swap3A, %swap3A_164], %swap3A_167 {add = true, strides = array<i32>} : memref<64x768xf32, #tpu.memory_space<vmem>>, vector<1x16xf32>,
      %get3A_168 = arith.index_cast %scan3A_160 : i32 to index
      %get3A_169 = arith.constant 16 : index
      %get3A_170 = tpu.vector_load %arg9[%get3A_168, %get3A_169] {strides = array<i32>} : memref<64x768xf32, #tpu.memory_space<vmem>>, vector<1x16xf32>,
      %get3A_171 = vector.shape_cast %get3A_170 : vector<1x16xf32> to vector<16xf32>
      %swap3A_172 = arith.index_cast %scan3A_160 : i32 to index
      %swap3A_173 = arith.constant 16 : index
      %swap3A_174 = tpu.vector_load %arg8[%swap3A_172, %swap3A_173] {strides = array<i32>} : memref<64x768xf32, #tpu.memory_space<vmem>>, vector<1x16xf32>,
      %swap3A_175 = vector.shape_cast %swap3A_174 : vector<1x16xf32> to vector<16xf32>
      %swap3A_176 = vector.shape_cast %get3A_171 : vector<16xf32> to vector<1x16xf32>
      tpu.vector_store %arg8[%swap3A_172, %swap3A_173], %swap3A_176 {add = true, strides = array<i32>} : memref<64x768xf32, #tpu.memory_space<vmem>>, vector<1x16xf32>,
      %get3A_177 = arith.index_cast %scan3A_160 : i32 to index
      %get3A_178 = arith.constant 32 : index
      %get3A_179 = tpu.vector_load %arg9[%get3A_177, %get3A_178] {strides = array<i32>} : memref<64x768xf32, #tpu.memory_space<vmem>>, vector<1x16xf32>,
      %get3A_180 = vector.shape_cast %get3A_179 : vector<1x16xf32> to vector<16xf32>
      %swap3A_181 = arith.index_cast %scan3A_160 : i32 to index
      %swap3A_182 = arith.constant 32 : index
      %swap3A_183 = tpu.vector_load %arg8[%swap3A_181, %swap3A_182] {strides = array<i32>} : memref<64x768xf32, #tpu.memory_space<vmem>>, vector<1x16xf32>,
      %swap3A_184 = vector.shape_cast %swap3A_183 : vector<1x16xf32> to vector<16xf32>
      %swap3A_185 = vector.shape_cast %get3A_180 : vector<16xf32> to vector<1x16xf32>
      tpu.vector_store %arg8[%swap3A_181, %swap3A_182], %swap3A_185 {add = true, strides = array<i32>} : memref<64x768xf32, #tpu.memory_space<vmem>>, vector<1x16xf32>,
      %get3A_186 = arith.index_cast %scan3A_160 : i32 to index
      %get3A_187 = arith.constant 48 : index
      %get3A_188 = tpu.vector_load %arg9[%get3A_186, %get3A_187] {strides = array<i32>} : memref<64x768xf32, #tpu.memory_space<vmem>>, vector<1x16xf32>,
      %get3A_189 = vector.shape_cast %get3A_188 : vector<1x16xf32> to vector<16xf32>
      %swap3A_190 = arith.index_cast %scan3A_160 : i32 to index
      %swap3A_191 = arith.constant 48 : index
      %swap3A_192 = tpu.vector_load %arg8[%swap3A_190, %swap3A_191] {strides = array<i32>} : memref<64x768xf32, #tpu.memory_space<vmem>>, vector<1x16xf32>,
      %swap3A_193 = vector.shape_cast %swap3A_192 : vector<1x16xf32> to vector<16xf32>
      %swap3A_194 = vector.shape_cast %get3A_189 : vector<16xf32> to vector<1x16xf32>
      tpu.vector_store %arg8[%swap3A_190, %swap3A_191], %swap3A_194 {add = true, strides = array<i32>} : memref<64x768xf32, #tpu.memory_space<vmem>>, vector<1x16xf32>,
      %get3A_195 = arith.index_cast %scan3A_160 : i32 to index
      %get3A_196 = arith.constant 64 : index
      %get3A_197 = tpu.vector_load %arg9[%get3A_195, %get3A_196] {strides = array<i32>} : memref<64x768xf32, #tpu.memory_space<vmem>>, vector<1x16xf32>,
      %get3A_198 = vector.shape_cast %get3A_197 : vector<1x16xf32> to vector<16xf32>
      %swap3A_199 = arith.index_cast %scan3A_160 : i32 to index
      %swap3A_200 = arith.constant 64 : index
      %swap3A_201 = tpu.vector_load %arg8[%swap3A_199, %swap3A_200] {strides = array<i32>} : memref<64x768xf32, #tpu.memory_space<vmem>>, vector<1x16xf32>,
      %swap3A_202 = vector.shape_cast %swap3A_201 : vector<1x16xf32> to vector<16xf32>
      %swap3A_203 = vector.shape_cast %get3A_198 : vector<16xf32> to vector<1x16xf32>
      tpu.vector_store %arg8[%swap3A_199, %swap3A_200], %swap3A_203 {add = true, strides = array<i32>} : memref<64x768xf32, #tpu.memory_space<vmem>>, vector<1x16xf32>,
      %get3A_204 = arith.index_cast %scan3A_160 : i32 to index
      %get3A_205 = arith.constant 80 : index
      %get3A_206 = tpu.vector_load %arg9[%get3A_204, %get3A_205] {strides = array<i32>} : memref<64x768xf32, #tpu.memory_space<vmem>>, vector<1x16xf32>,
      %get3A_207 = vector.shape_cast %get3A_206 : vector<1x16xf32> to vector<16xf32>
      %swap3A_208 = arith.index_cast %scan3A_160 : i32 to index
      %swap3A_209 = arith.constant 80 : index
      %swap3A_210 = tpu.vector_load %arg8[%swap3A_208, %swap3A_209] {strides = array<i32>} : memref<64x768xf32, #tpu.memory_space<vmem>>, vector<1x16xf32>,
      %swap3A_211 = vector.shape_cast %swap3A_210 : vector<1x16xf32> to vector<16xf32>
      %swap3A_212 = vector.shape_cast %get3A_207 : vector<16xf32> to vector<1x16xf32>
      tpu.vector_store %arg8[%swap3A_208, %swap3A_209], %swap3A_212 {add = true, strides = array<i32>} : memref<64x768xf32, #tpu.memory_space<vmem>>, vector<1x16xf32>,
      %get3A_213 = arith.index_cast %scan3A_160 : i32 to index
      %get3A_214 = arith.constant 96 : index
      %get3A_215 = tpu.vector_load %arg9[%get3A_213, %get3A_214] {strides = array<i32>} : memref<64x768xf32, #tpu.memory_space<vmem>>, vector<1x16xf32>,
      %get3A_216 = vector.shape_cast %get3A_215 : vector<1x16xf32> to vector<16xf32>
      %swap3A_217 = arith.index_cast %scan3A_160 : i32 to index
      %swap3A_218 = arith.constant 96 : index
      %swap3A_219 = tpu.vector_load %arg8[%swap3A_217, %swap3A_218] {strides = array<i32>} : memref<64x768xf32, #tpu.memory_space<vmem>>, vector<1x16xf32>,
      %swap3A_220 = vector.shape_cast %swap3A_219 : vector<1x16xf32> to vector<16xf32>
      %swap3A_221 = vector.shape_cast %get3A_216 : vector<16xf32> to vector<1x16xf32>
      tpu.vector_store %arg8[%swap3A_217, %swap3A_218], %swap3A_221 {add = true, strides = array<i32>} : memref<64x768xf32, #tpu.memory_space<vmem>>, vector<1x16xf32>,
      %get3A_222 = arith.index_cast %scan3A_160 : i32 to index
      %get3A_223 = arith.constant 112 : index
      %get3A_224 = tpu.vector_load %arg9[%get3A_222, %get3A_223] {strides = array<i32>} : memref<64x768xf32, #tpu.memory_space<vmem>>, vector<1x16xf32>,
      %get3A_225 = vector.shape_cast %get3A_224 : vector<1x16xf32> to vector<16xf32>
      %swap3A_226 = arith.index_cast %scan3A_160 : i32 to index
      %swap3A_227 = arith.constant 112 : index
      %swap3A_228 = tpu.vector_load %arg8[%swap3A_226, %swap3A_227] {strides = array<i32>} : memref<64x768xf32, #tpu.memory_space<vmem>>, vector<1x16xf32>,
      %swap3A_229 = vector.shape_cast %swap3A_228 : vector<1x16xf32> to vector<16xf32>
      %swap3A_230 = vector.shape_cast %get3A_225 : vector<16xf32> to vector<1x16xf32>
      tpu.vector_store %arg8[%swap3A_226, %swap3A_227], %swap3A_230 {add = true, strides = array<i32>} : memref<64x768xf32, #tpu.memory_space<vmem>>, vector<1x16xf32>,
      %get3A_231 = arith.index_cast %scan3A_160 : i32 to index
      %get3A_232 = arith.constant 128 : index
      %get3A_233 = tpu.vector_load %arg9[%get3A_231, %get3A_232] {strides = array<i32>} : memref<64x768xf32, #tpu.memory_space<vmem>>, vector<1x16xf32>,
      %get3A_234 = vector.shape_cast %get3A_233 : vector<1x16xf32> to vector<16xf32>
      %swap3A_235 = arith.index_cast %scan3A_160 : i32 to index
      %swap3A_236 = arith.constant 128 : index
      %swap3A_237 = tpu.vector_load %arg8[%swap3A_235, %swap3A_236] {strides = array<i32>} : memref<64x768xf32, #tpu.memory_space<vmem>>, vector<1x16xf32>,
      %swap3A_238 = vector.shape_cast %swap3A_237 : vector<1x16xf32> to vector<16xf32>
      %swap3A_239 = vector.shape_cast %get3A_234 : vector<16xf32> to vector<1x16xf32>
      tpu.vector_store %arg8[%swap3A_235, %swap3A_236], %swap3A_239 {add = true, strides = array<i32>} : memref<64x768xf32, #tpu.memory_space<vmem>>, vector<1x16xf32>,
      %get3A_240 = arith.index_cast %scan3A_160 : i32 to index
      %get3A_241 = arith.constant 144 : index
      %get3A_242 = tpu.vector_load %arg9[%get3A_240, %get3A_241] {strides = array<i32>} : memref<64x768xf32, #tpu.memory_space<vmem>>, vector<1x16xf32>,
      %get3A_243 = vector.shape_cast %get3A_242 : vector<1x16xf32> to vector<16xf32>
      %swap3A_244 = arith.index_cast %scan3A_160 : i32 to index
      %swap3A_245 = arith.constant 144 : index
      %swap3A_246 = tpu.vector_load %arg8[%swap3A_244, %swap3A_245] {strides = array<i32>} : memref<64x768xf32, #tpu.memory_space<vmem>>, vector<1x16xf32>,
      %swap3A_247 = vector.shape_cast %swap3A_246 : vector<1x16xf32> to vector<16xf32>
      %swap3A_248 = vector.shape_cast %get3A_243 : vector<16xf32> to vector<1x16xf32>
      tpu.vector_store %arg8[%swap3A_244, %swap3A_245], %swap3A_248 {add = true, strides = array<i32>} : memref<64x768xf32, #tpu.memory_space<vmem>>, vector<1x16xf32>,
      %get3A_249 = arith.index_cast %scan3A_160 : i32 to index
      %get3A_250 = arith.constant 160 : index
      %get3A_251 = tpu.vector_load %arg9[%get3A_249, %get3A_250] {strides = array<i32>} : memref<64x768xf32, #tpu.memory_space<vmem>>, vector<1x16xf32>,
      %get3A_252 = vector.shape_cast %get3A_251 : vector<1x16xf32> to vector<16xf32>
      %swap3A_253 = arith.index_cast %scan3A_160 : i32 to index
      %swap3A_254 = arith.constant 160 : index
      %swap3A_255 = tpu.vector_load %arg8[%swap3A_253, %swap3A_254] {strides = array<i32>} : memref<64x768xf32, #tpu.memory_space<vmem>>, vector<1x16xf32>,
      %swap3A_256 = vector.shape_cast %swap3A_255 : vector<1x16xf32> to vector<16xf32>
      %swap3A_257 = vector.shape_cast %get3A_252 : vector<16xf32> to vector<1x16xf32>
      tpu.vector_store %arg8[%swap3A_253, %swap3A_254], %swap3A_257 {add = true, strides = array<i32>} : memref<64x768xf32, #tpu.memory_space<vmem>>, vector<1x16xf32>,
      %get3A_258 = arith.index_cast %scan3A_160 : i32 to index
      %get3A_259 = arith.constant 176 : index
      %get3A_260 = tpu.vector_load %arg9[%get3A_258, %get3A_259] {strides = array<i32>} : memref<64x768xf32, #tpu.memory_space<vmem>>, vector<1x16xf32>,
      %get3A_261 = vector.shape_cast %get3A_260 : vector<1x16xf32> to vector<16xf32>
      %swap3A_262 = arith.index_cast %scan3A_160 : i32 to index
      %swap3A_263 = arith.constant 176 : index
      %swap3A_264 = tpu.vector_load %arg8[%swap3A_262, %swap3A_263] {strides = array<i32>} : memref<64x768xf32, #tpu.memory_space<vmem>>, vector<1x16xf32>,
      %swap3A_265 = vector.shape_cast %swap3A_264 : vector<1x16xf32> to vector<16xf32>
      %swap3A_266 = vector.shape_cast %get3A_261 : vector<16xf32> to vector<1x16xf32>
      tpu.vector_store %arg8[%swap3A_262, %swap3A_263], %swap3A_266 {add = true, strides = array<i32>} : memref<64x768xf32, #tpu.memory_space<vmem>>, vector<1x16xf32>,
      %get3A_267 = arith.index_cast %scan3A_160 : i32 to index
      %get3A_268 = arith.constant 192 : index
      %get3A_269 = tpu.vector_load %arg9[%get3A_267, %get3A_268] {strides = array<i32>} : memref<64x768xf32, #tpu.memory_space<vmem>>, vector<1x16xf32>,
      %get3A_270 = vector.shape_cast %get3A_269 : vector<1x16xf32> to vector<16xf32>
      %swap3A_271 = arith.index_cast %scan3A_160 : i32 to index
      %swap3A_272 = arith.constant 192 : index
      %swap3A_273 = tpu.vector_load %arg8[%swap3A_271, %swap3A_272] {strides = array<i32>} : memref<64x768xf32, #tpu.memory_space<vmem>>, vector<1x16xf32>,
      %swap3A_274 = vector.shape_cast %swap3A_273 : vector<1x16xf32> to vector<16xf32>
      %swap3A_275 = vector.shape_cast %get3A_270 : vector<16xf32> to vector<1x16xf32>
      tpu.vector_store %arg8[%swap3A_271, %swap3A_272], %swap3A_275 {add = true, strides = array<i32>} : memref<64x768xf32, #tpu.memory_space<vmem>>, vector<1x16xf32>,
      %get3A_276 = arith.index_cast %scan3A_160 : i32 to index
      %get3A_277 = arith.constant 208 : index
      %get3A_278 = tpu.vector_load %arg9[%get3A_276, %get3A_277] {strides = array<i32>} : memref<64x768xf32, #tpu.memory_space<vmem>>, vector<1x16xf32>,
      %get3A_279 = vector.shape_cast %get3A_278 : vector<1x16xf32> to vector<16xf32>
      %swap3A_280 = arith.index_cast %scan3A_160 : i32 to index
      %swap3A_281 = arith.constant 208 : index
      %swap3A_282 = tpu.vector_load %arg8[%swap3A_280, %swap3A_281] {strides = array<i32>} : memref<64x768xf32, #tpu.memory_space<vmem>>, vector<1x16xf32>,
      %swap3A_283 = vector.shape_cast %swap3A_282 : vector<1x16xf32> to vector<16xf32>
      %swap3A_284 = vector.shape_cast %get3A_279 : vector<16xf32> to vector<1x16xf32>
      tpu.vector_store %arg8[%swap3A_280, %swap3A_281], %swap3A_284 {add = true, strides = array<i32>} : memref<64x768xf32, #tpu.memory_space<vmem>>, vector<1x16xf32>,
      %get3A_285 = arith.index_cast %scan3A_160 : i32 to index
      %get3A_286 = arith.constant 224 : index
      %get3A_287 = tpu.vector_load %arg9[%get3A_285, %get3A_286] {strides = array<i32>} : memref<64x768xf32, #tpu.memory_space<vmem>>, vector<1x16xf32>,
      %get3A_288 = vector.shape_cast %get3A_287 : vector<1x16xf32> to vector<16xf32>
      %swap3A_289 = arith.index_cast %scan3A_160 : i32 to index
      %swap3A_290 = arith.constant 224 : index
      %swap3A_291 = tpu.vector_load %arg8[%swap3A_289, %swap3A_290] {strides = array<i32>} : memref<64x768xf32, #tpu.memory_space<vmem>>, vector<1x16xf32>,
      %swap3A_292 = vector.shape_cast %swap3A_291 : vector<1x16xf32> to vector<16xf32>
      %swap3A_293 = vector.shape_cast %get3A_288 : vector<16xf32> to vector<1x16xf32>
      tpu.vector_store %arg8[%swap3A_289, %swap3A_290], %swap3A_293 {add = true, strides = array<i32>} : memref<64x768xf32, #tpu.memory_space<vmem>>, vector<1x16xf32>,
      %get3A_294 = arith.index_cast %scan3A_160 : i32 to index
      %get3A_295 = arith.constant 240 : index
      %get3A_296 = tpu.vector_load %arg9[%get3A_294, %get3A_295] {strides = array<i32>} : memref<64x768xf32, #tpu.memory_space<vmem>>, vector<1x16xf32>,
      %get3A_297 = vector.shape_cast %get3A_296 : vector<1x16xf32> to vector<16xf32>
      %swap3A_298 = arith.index_cast %scan3A_160 : i32 to index
      %swap3A_299 = arith.constant 240 : index
      %swap3A_300 = tpu.vector_load %arg8[%swap3A_298, %swap3A_299] {strides = array<i32>} : memref<64x768xf32, #tpu.memory_space<vmem>>, vector<1x16xf32>,
      %swap3A_301 = vector.shape_cast %swap3A_300 : vector<1x16xf32> to vector<16xf32>
      %swap3A_302 = vector.shape_cast %get3A_297 : vector<16xf32> to vector<1x16xf32>
      tpu.vector_store %arg8[%swap3A_298, %swap3A_299], %swap3A_302 {add = true, strides = array<i32>} : memref<64x768xf32, #tpu.memory_space<vmem>>, vector<1x16xf32>,
      %get3A_303 = arith.index_cast %scan3A_160 : i32 to index
      %get3A_304 = arith.constant 256 : index
      %get3A_305 = tpu.vector_load %arg9[%get3A_303, %get3A_304] {strides = array<i32>} : memref<64x768xf32, #tpu.memory_space<vmem>>, vector<1x16xf32>,
      %get3A_306 = vector.shape_cast %get3A_305 : vector<1x16xf32> to vector<16xf32>
      %swap3A_307 = arith.index_cast %scan3A_160 : i32 to index
      %swap3A_308 = arith.constant 256 : index
      %swap3A_309 = tpu.vector_load %arg8[%swap3A_307, %swap3A_308] {strides = array<i32>} : memref<64x768xf32, #tpu.memory_space<vmem>>, vector<1x16xf32>,
      %swap3A_310 = vector.shape_cast %swap3A_309 : vector<1x16xf32> to vector<16xf32>
      %swap3A_311 = vector.shape_cast %get3A_306 : vector<16xf32> to vector<1x16xf32>
      tpu.vector_store %arg8[%swap3A_307, %swap3A_308], %swap3A_311 {add = true, strides = array<i32>} : memref<64x768xf32, #tpu.memory_space<vmem>>, vector<1x16xf32>,
      %get3A_312 = arith.index_cast %scan3A_160 : i32 to index
      %get3A_313 = arith.constant 272 : index
      %get3A_314 = tpu.vector_load %arg9[%get3A_312, %get3A_313] {strides = array<i32>} : memref<64x768xf32, #tpu.memory_space<vmem>>, vector<1x16xf32>,
      %get3A_315 = vector.shape_cast %get3A_314 : vector<1x16xf32> to vector<16xf32>
      %swap3A_316 = arith.index_cast %scan3A_160 : i32 to index
      %swap3A_317 = arith.constant 272 : index
      %swap3A_318 = tpu.vector_load %arg8[%swap3A_316, %swap3A_317] {strides = array<i32>} : memref<64x768xf32, #tpu.memory_space<vmem>>, vector<1x16xf32>,
      %swap3A_319 = vector.shape_cast %swap3A_318 : vector<1x16xf32> to vector<16xf32>
      %swap3A_320 = vector.shape_cast %get3A_315 : vector<16xf32> to vector<1x16xf32>
      tpu.vector_store %arg8[%swap3A_316, %swap3A_317], %swap3A_320 {add = true, strides = array<i32>} : memref<64x768xf32, #tpu.memory_space<vmem>>, vector<1x16xf32>,
      %get3A_321 = arith.index_cast %scan3A_160 : i32 to index
      %get3A_322 = arith.constant 288 : index
      %get3A_323 = tpu.vector_load %arg9[%get3A_321, %get3A_322] {strides = array<i32>} : memref<64x768xf32, #tpu.memory_space<vmem>>, vector<1x16xf32>,
      %get3A_324 = vector.shape_cast %get3A_323 : vector<1x16xf32> to vector<16xf32>
      %swap3A_325 = arith.index_cast %scan3A_160 : i32 to index
      %swap3A_326 = arith.constant 288 : index
      %swap3A_327 = tpu.vector_load %arg8[%swap3A_325, %swap3A_326] {strides = array<i32>} : memref<64x768xf32, #tpu.memory_space<vmem>>, vector<1x16xf32>,
      %swap3A_328 = vector.shape_cast %swap3A_327 : vector<1x16xf32> to vector<16xf32>
      %swap3A_329 = vector.shape_cast %get3A_324 : vector<16xf32> to vector<1x16xf32>
      tpu.vector_store %arg8[%swap3A_325, %swap3A_326], %swap3A_329 {add = true, strides = array<i32>} : memref<64x768xf32, #tpu.memory_space<vmem>>, vector<1x16xf32>,
      %get3A_330 = arith.index_cast %scan3A_160 : i32 to index
      %get3A_331 = arith.constant 304 : index
      %get3A_332 = tpu.vector_load %arg9[%get3A_330, %get3A_331] {strides = array<i32>} : memref<64x768xf32, #tpu.memory_space<vmem>>, vector<1x16xf32>,
      %get3A_333 = vector.shape_cast %get3A_332 : vector<1x16xf32> to vector<16xf32>
      %swap3A_334 = arith.index_cast %scan3A_160 : i32 to index
      %swap3A_335 = arith.constant 304 : index
      %swap3A_336 = tpu.vector_load %arg8[%swap3A_334, %swap3A_335] {strides = array<i32>} : memref<64x768xf32, #tpu.memory_space<vmem>>, vector<1x16xf32>,
      %swap3A_337 = vector.shape_cast %swap3A_336 : vector<1x16xf32> to vector<16xf32>
      %swap3A_338 = vector.shape_cast %get3A_333 : vector<16xf32> to vector<1x16xf32>
      tpu.vector_store %arg8[%swap3A_334, %swap3A_335], %swap3A_338 {add = true, strides = array<i32>} : memref<64x768xf32, #tpu.memory_space<vmem>>, vector<1x16xf32>,
      %get3A_339 = arith.index_cast %scan3A_160 : i32 to index
      %get3A_340 = arith.constant 320 : index
      %get3A_341 = tpu.vector_load %arg9[%get3A_339, %get3A_340] {strides = array<i32>} : memref<64x768xf32, #tpu.memory_space<vmem>>, vector<1x16xf32>,
      %get3A_342 = vector.shape_cast %get3A_341 : vector<1x16xf32> to vector<16xf32>
      %swap3A_343 = arith.index_cast %scan3A_160 : i32 to index
      %swap3A_344 = arith.constant 320 : index
      %swap3A_345 = tpu.vector_load %arg8[%swap3A_343, %swap3A_344] {strides = array<i32>} : memref<64x768xf32, #tpu.memory_space<vmem>>, vector<1x16xf32>,
      %swap3A_346 = vector.shape_cast %swap3A_345 : vector<1x16xf32> to vector<16xf32>
      %swap3A_347 = vector.shape_cast %get3A_342 : vector<16xf32> to vector<1x16xf32>
      tpu.vector_store %arg8[%swap3A_343, %swap3A_344], %swap3A_347 {add = true, strides = array<i32>} : memref<64x768xf32, #tpu.memory_space<vmem>>, vector<1x16xf32>,
      %get3A_348 = arith.index_cast %scan3A_160 : i32 to index
      %get3A_349 = arith.constant 336 : index
      %get3A_350 = tpu.vector_load %arg9[%get3A_348, %get3A_349] {strides = array<i32>} : memref<64x768xf32, #tpu.memory_space<vmem>>, vector<1x16xf32>,
      %get3A_351 = vector.shape_cast %get3A_350 : vector<1x16xf32> to vector<16xf32>
      %swap3A_352 = arith.index_cast %scan3A_160 : i32 to index
      %swap3A_353 = arith.constant 336 : index
      %swap3A_354 = tpu.vector_load %arg8[%swap3A_352, %swap3A_353] {strides = array<i32>} : memref<64x768xf32, #tpu.memory_space<vmem>>, vector<1x16xf32>,
      %swap3A_355 = vector.shape_cast %swap3A_354 : vector<1x16xf32> to vector<16xf32>
      %swap3A_356 = vector.shape_cast %get3A_351 : vector<16xf32> to vector<1x16xf32>
      tpu.vector_store %arg8[%swap3A_352, %swap3A_353], %swap3A_356 {add = true, strides = array<i32>} : memref<64x768xf32, #tpu.memory_space<vmem>>, vector<1x16xf32>,
      %get3A_357 = arith.index_cast %scan3A_160 : i32 to index
      %get3A_358 = arith.constant 352 : index
      %get3A_359 = tpu.vector_load %arg9[%get3A_357, %get3A_358] {strides = array<i32>} : memref<64x768xf32, #tpu.memory_space<vmem>>, vector<1x16xf32>,
      %get3A_360 = vector.shape_cast %get3A_359 : vector<1x16xf32> to vector<16xf32>
      %swap3A_361 = arith.index_cast %scan3A_160 : i32 to index
      %swap3A_362 = arith.constant 352 : index
      %swap3A_363 = tpu.vector_load %arg8[%swap3A_361, %swap3A_362] {strides = array<i32>} : memref<64x768xf32, #tpu.memory_space<vmem>>, vector<1x16xf32>,
      %swap3A_364 = vector.shape_cast %swap3A_363 : vector<1x16xf32> to vector<16xf32>
      %swap3A_365 = vector.shape_cast %get3A_360 : vector<16xf32> to vector<1x16xf32>
      tpu.vector_store %arg8[%swap3A_361, %swap3A_362], %swap3A_365 {add = true, strides = array<i32>} : memref<64x768xf32, #tpu.memory_space<vmem>>, vector<1x16xf32>,
      %get3A_366 = arith.index_cast %scan3A_160 : i32 to index
      %get3A_367 = arith.constant 368 : index
      %get3A_368 = tpu.vector_load %arg9[%get3A_366, %get3A_367] {strides = array<i32>} : memref<64x768xf32, #tpu.memory_space<vmem>>, vector<1x16xf32>,
      %get3A_369 = vector.shape_cast %get3A_368 : vector<1x16xf32> to vector<16xf32>
      %swap3A_370 = arith.index_cast %scan3A_160 : i32 to index
      %swap3A_371 = arith.constant 368 : index
      %swap3A_372 = tpu.vector_load %arg8[%swap3A_370, %swap3A_371] {strides = array<i32>} : memref<64x768xf32, #tpu.memory_space<vmem>>, vector<1x16xf32>,
      %swap3A_373 = vector.shape_cast %swap3A_372 : vector<1x16xf32> to vector<16xf32>
      %swap3A_374 = vector.shape_cast %get3A_369 : vector<16xf32> to vector<1x16xf32>
      tpu.vector_store %arg8[%swap3A_370, %swap3A_371], %swap3A_374 {add = true, strides = array<i32>} : memref<64x768xf32, #tpu.memory_space<vmem>>, vector<1x16xf32>,
      %get3A_375 = arith.index_cast %scan3A_160 : i32 to index
      %get3A_376 = arith.constant 384 : index
      %get3A_377 = tpu.vector_load %arg9[%get3A_375, %get3A_376] {strides = array<i32>} : memref<64x768xf32, #tpu.memory_space<vmem>>, vector<1x16xf32>,
      %get3A_378 = vector.shape_cast %get3A_377 : vector<1x16xf32> to vector<16xf32>
      %swap3A_379 = arith.index_cast %scan3A_160 : i32 to index
      %swap3A_380 = arith.constant 384 : index
      %swap3A_381 = tpu.vector_load %arg8[%swap3A_379, %swap3A_380] {strides = array<i32>} : memref<64x768xf32, #tpu.memory_space<vmem>>, vector<1x16xf32>,
      %swap3A_382 = vector.shape_cast %swap3A_381 : vector<1x16xf32> to vector<16xf32>
      %swap3A_383 = vector.shape_cast %get3A_378 : vector<16xf32> to vector<1x16xf32>
      tpu.vector_store %arg8[%swap3A_379, %swap3A_380], %swap3A_383 {add = true, strides = array<i32>} : memref<64x768xf32, #tpu.memory_space<vmem>>, vector<1x16xf32>,
      %get3A_384 = arith.index_cast %scan3A_160 : i32 to index
      %get3A_385 = arith.constant 400 : index
      %get3A_386 = tpu.vector_load %arg9[%get3A_384, %get3A_385] {strides = array<i32>} : memref<64x768xf32, #tpu.memory_space<vmem>>, vector<1x16xf32>,
      %get3A_387 = vector.shape_cast %get3A_386 : vector<1x16xf32> to vector<16xf32>
      %swap3A_388 = arith.index_cast %scan3A_160 : i32 to index
      %swap3A_389 = arith.constant 400 : index
      %swap3A_390 = tpu.vector_load %arg8[%swap3A_388, %swap3A_389] {strides = array<i32>} : memref<64x768xf32, #tpu.memory_space<vmem>>, vector<1x16xf32>,
      %swap3A_391 = vector.shape_cast %swap3A_390 : vector<1x16xf32> to vector<16xf32>
      %swap3A_392 = vector.shape_cast %get3A_387 : vector<16xf32> to vector<1x16xf32>
      tpu.vector_store %arg8[%swap3A_388, %swap3A_389], %swap3A_392 {add = true, strides = array<i32>} : memref<64x768xf32, #tpu.memory_space<vmem>>, vector<1x16xf32>,
      %get3A_393 = arith.index_cast %scan3A_160 : i32 to index
      %get3A_394 = arith.constant 416 : index
      %get3A_395 = tpu.vector_load %arg9[%get3A_393, %get3A_394] {strides = array<i32>} : memref<64x768xf32, #tpu.memory_space<vmem>>, vector<1x16xf32>,
      %get3A_396 = vector.shape_cast %get3A_395 : vector<1x16xf32> to vector<16xf32>
      %swap3A_397 = arith.index_cast %scan3A_160 : i32 to index
      %swap3A_398 = arith.constant 416 : index
      %swap3A_399 = tpu.vector_load %arg8[%swap3A_397, %swap3A_398] {strides = array<i32>} : memref<64x768xf32, #tpu.memory_space<vmem>>, vector<1x16xf32>,
      %swap3A_400 = vector.shape_cast %swap3A_399 : vector<1x16xf32> to vector<16xf32>
      %swap3A_401 = vector.shape_cast %get3A_396 : vector<16xf32> to vector<1x16xf32>
      tpu.vector_store %arg8[%swap3A_397, %swap3A_398], %swap3A_401 {add = true, strides = array<i32>} : memref<64x768xf32, #tpu.memory_space<vmem>>, vector<1x16xf32>,
      %get3A_402 = arith.index_cast %scan3A_160 : i32 to index
      %get3A_403 = arith.constant 432 : index
      %get3A_404 = tpu.vector_load %arg9[%get3A_402, %get3A_403] {strides = array<i32>} : memref<64x768xf32, #tpu.memory_space<vmem>>, vector<1x16xf32>,
      %get3A_405 = vector.shape_cast %get3A_404 : vector<1x16xf32> to vector<16xf32>
      %swap3A_406 = arith.index_cast %scan3A_160 : i32 to index
      %swap3A_407 = arith.constant 432 : index
      %swap3A_408 = tpu.vector_load %arg8[%swap3A_406, %swap3A_407] {strides = array<i32>} : memref<64x768xf32, #tpu.memory_space<vmem>>, vector<1x16xf32>,
      %swap3A_409 = vector.shape_cast %swap3A_408 : vector<1x16xf32> to vector<16xf32>
      %swap3A_410 = vector.shape_cast %get3A_405 : vector<16xf32> to vector<1x16xf32>
      tpu.vector_store %arg8[%swap3A_406, %swap3A_407], %swap3A_410 {add = true, strides = array<i32>} : memref<64x768xf32, #tpu.memory_space<vmem>>, vector<1x16xf32>,
      %get3A_411 = arith.index_cast %scan3A_160 : i32 to index
      %get3A_412 = arith.constant 448 : index
      %get3A_413 = tpu.vector_load %arg9[%get3A_411, %get3A_412] {strides = array<i32>} : memref<64x768xf32, #tpu.memory_space<vmem>>, vector<1x16xf32>,
      %get3A_414 = vector.shape_cast %get3A_413 : vector<1x16xf32> to vector<16xf32>
      %swap3A_415 = arith.index_cast %scan3A_160 : i32 to index
      %swap3A_416 = arith.constant 448 : index
      %swap3A_417 = tpu.vector_load %arg8[%swap3A_415, %swap3A_416] {strides = array<i32>} : memref<64x768xf32, #tpu.memory_space<vmem>>, vector<1x16xf32>,
      %swap3A_418 = vector.shape_cast %swap3A_417 : vector<1x16xf32> to vector<16xf32>
      %swap3A_419 = vector.shape_cast %get3A_414 : vector<16xf32> to vector<1x16xf32>
      tpu.vector_store %arg8[%swap3A_415, %swap3A_416], %swap3A_419 {add = true, strides = array<i32>} : memref<64x768xf32, #tpu.memory_space<vmem>>, vector<1x16xf32>,
      %get3A_420 = arith.index_cast %scan3A_160 : i32 to index
      %get3A_421 = arith.constant 464 : index
      %get3A_422 = tpu.vector_load %arg9[%get3A_420, %get3A_421] {strides = array<i32>} : memref<64x768xf32, #tpu.memory_space<vmem>>, vector<1x16xf32>,
      %get3A_423 = vector.shape_cast %get3A_422 : vector<1x16xf32> to vector<16xf32>
      %swap3A_424 = arith.index_cast %scan3A_160 : i32 to index
      %swap3A_425 = arith.constant 464 : index
      %swap3A_426 = tpu.vector_load %arg8[%swap3A_424, %swap3A_425] {strides = array<i32>} : memref<64x768xf32, #tpu.memory_space<vmem>>, vector<1x16xf32>,
      %swap3A_427 = vector.shape_cast %swap3A_426 : vector<1x16xf32> to vector<16xf32>
      %swap3A_428 = vector.shape_cast %get3A_423 : vector<16xf32> to vector<1x16xf32>
      tpu.vector_store %arg8[%swap3A_424, %swap3A_425], %swap3A_428 {add = true, strides = array<i32>} : memref<64x768xf32, #tpu.memory_space<vmem>>, vector<1x16xf32>,
      %get3A_429 = arith.index_cast %scan3A_160 : i32 to index
      %get3A_430 = arith.constant 480 : index
      %get3A_431 = tpu.vector_load %arg9[%get3A_429, %get3A_430] {strides = array<i32>} : memref<64x768xf32, #tpu.memory_space<vmem>>, vector<1x16xf32>,
      %get3A_432 = vector.shape_cast %get3A_431 : vector<1x16xf32> to vector<16xf32>
      %swap3A_433 = arith.index_cast %scan3A_160 : i32 to index
      %swap3A_434 = arith.constant 480 : index
      %swap3A_435 = tpu.vector_load %arg8[%swap3A_433, %swap3A_434] {strides = array<i32>} : memref<64x768xf32, #tpu.memory_space<vmem>>, vector<1x16xf32>,
      %swap3A_436 = vector.shape_cast %swap3A_435 : vector<1x16xf32> to vector<16xf32>
      %swap3A_437 = vector.shape_cast %get3A_432 : vector<16xf32> to vector<1x16xf32>
      tpu.vector_store %arg8[%swap3A_433, %swap3A_434], %swap3A_437 {add = true, strides = array<i32>} : memref<64x768xf32, #tpu.memory_space<vmem>>, vector<1x16xf32>,
      %get3A_438 = arith.index_cast %scan3A_160 : i32 to index
      %get3A_439 = arith.constant 496 : index
      %get3A_440 = tpu.vector_load %arg9[%get3A_438, %get3A_439] {strides = array<i32>} : memref<64x768xf32, #tpu.memory_space<vmem>>, vector<1x16xf32>,
      %get3A_441 = vector.shape_cast %get3A_440 : vector<1x16xf32> to vector<16xf32>
      %swap3A_442 = arith.index_cast %scan3A_160 : i32 to index
      %swap3A_443 = arith.constant 496 : index
      %swap3A_444 = tpu.vector_load %arg8[%swap3A_442, %swap3A_443] {strides = array<i32>} : memref<64x768xf32, #tpu.memory_space<vmem>>, vector<1x16xf32>,
      %swap3A_445 = vector.shape_cast %swap3A_444 : vector<1x16xf32> to vector<16xf32>
      %swap3A_446 = vector.shape_cast %get3A_441 : vector<16xf32> to vector<1x16xf32>
      tpu.vector_store %arg8[%swap3A_442, %swap3A_443], %swap3A_446 {add = true, strides = array<i32>} : memref<64x768xf32, #tpu.memory_space<vmem>>, vector<1x16xf32>,
      %get3A_447 = arith.index_cast %scan3A_160 : i32 to index
      %get3A_448 = arith.constant 512 : index
      %get3A_449 = tpu.vector_load %arg9[%get3A_447, %get3A_448] {strides = array<i32>} : memref<64x768xf32, #tpu.memory_space<vmem>>, vector<1x16xf32>,
      %get3A_450 = vector.shape_cast %get3A_449 : vector<1x16xf32> to vector<16xf32>
      %swap3A_451 = arith.index_cast %scan3A_160 : i32 to index
      %swap3A_452 = arith.constant 512 : index
      %swap3A_453 = tpu.vector_load %arg8[%swap3A_451, %swap3A_452] {strides = array<i32>} : memref<64x768xf32, #tpu.memory_space<vmem>>, vector<1x16xf32>,
      %swap3A_454 = vector.shape_cast %swap3A_453 : vector<1x16xf32> to vector<16xf32>
      %swap3A_455 = vector.shape_cast %get3A_450 : vector<16xf32> to vector<1x16xf32>
      tpu.vector_store %arg8[%swap3A_451, %swap3A_452], %swap3A_455 {add = true, strides = array<i32>} : memref<64x768xf32, #tpu.memory_space<vmem>>, vector<1x16xf32>,
      %get3A_456 = arith.index_cast %scan3A_160 : i32 to index
      %get3A_457 = arith.constant 528 : index
      %get3A_458 = tpu.vector_load %arg9[%get3A_456, %get3A_457] {strides = array<i32>} : memref<64x768xf32, #tpu.memory_space<vmem>>, vector<1x16xf32>,
      %get3A_459 = vector.shape_cast %get3A_458 : vector<1x16xf32> to vector<16xf32>
      %swap3A_460 = arith.index_cast %scan3A_160 : i32 to index
      %swap3A_461 = arith.constant 528 : index
      %swap3A_462 = tpu.vector_load %arg8[%swap3A_460, %swap3A_461] {strides = array<i32>} : memref<64x768xf32, #tpu.memory_space<vmem>>, vector<1x16xf32>,
      %swap3A_463 = vector.shape_cast %swap3A_462 : vector<1x16xf32> to vector<16xf32>
      %swap3A_464 = vector.shape_cast %get3A_459 : vector<16xf32> to vector<1x16xf32>
      tpu.vector_store %arg8[%swap3A_460, %swap3A_461], %swap3A_464 {add = true, strides = array<i32>} : memref<64x768xf32, #tpu.memory_space<vmem>>, vector<1x16xf32>,
      %get3A_465 = arith.index_cast %scan3A_160 : i32 to index
      %get3A_466 = arith.constant 544 : index
      %get3A_467 = tpu.vector_load %arg9[%get3A_465, %get3A_466] {strides = array<i32>} : memref<64x768xf32, #tpu.memory_space<vmem>>, vector<1x16xf32>,
      %get3A_468 = vector.shape_cast %get3A_467 : vector<1x16xf32> to vector<16xf32>
      %swap3A_469 = arith.index_cast %scan3A_160 : i32 to index
      %swap3A_470 = arith.constant 544 : index
      %swap3A_471 = tpu.vector_load %arg8[%swap3A_469, %swap3A_470] {strides = array<i32>} : memref<64x768xf32, #tpu.memory_space<vmem>>, vector<1x16xf32>,
      %swap3A_472 = vector.shape_cast %swap3A_471 : vector<1x16xf32> to vector<16xf32>
      %swap3A_473 = vector.shape_cast %get3A_468 : vector<16xf32> to vector<1x16xf32>
      tpu.vector_store %arg8[%swap3A_469, %swap3A_470], %swap3A_473 {add = true, strides = array<i32>} : memref<64x768xf32, #tpu.memory_space<vmem>>, vector<1x16xf32>,
      %get3A_474 = arith.index_cast %scan3A_160 : i32 to index
      %get3A_475 = arith.constant 560 : index
      %get3A_476 = tpu.vector_load %arg9[%get3A_474, %get3A_475] {strides = array<i32>} : memref<64x768xf32, #tpu.memory_space<vmem>>, vector<1x16xf32>,
      %get3A_477 = vector.shape_cast %get3A_476 : vector<1x16xf32> to vector<16xf32>
      %swap3A_478 = arith.index_cast %scan3A_160 : i32 to index
      %swap3A_479 = arith.constant 560 : index
      %swap3A_480 = tpu.vector_load %arg8[%swap3A_478, %swap3A_479] {strides = array<i32>} : memref<64x768xf32, #tpu.memory_space<vmem>>, vector<1x16xf32>,
      %swap3A_481 = vector.shape_cast %swap3A_480 : vector<1x16xf32> to vector<16xf32>
      %swap3A_482 = vector.shape_cast %get3A_477 : vector<16xf32> to vector<1x16xf32>
      tpu.vector_store %arg8[%swap3A_478, %swap3A_479], %swap3A_482 {add = true, strides = array<i32>} : memref<64x768xf32, #tpu.memory_space<vmem>>, vector<1x16xf32>,
      %get3A_483 = arith.index_cast %scan3A_160 : i32 to index
      %get3A_484 = arith.constant 576 : index
      %get3A_485 = tpu.vector_load %arg9[%get3A_483, %get3A_484] {strides = array<i32>} : memref<64x768xf32, #tpu.memory_space<vmem>>, vector<1x16xf32>,
      %get3A_486 = vector.shape_cast %get3A_485 : vector<1x16xf32> to vector<16xf32>
      %swap3A_487 = arith.index_cast %scan3A_160 : i32 to index
      %swap3A_488 = arith.constant 576 : index
      %swap3A_489 = tpu.vector_load %arg8[%swap3A_487, %swap3A_488] {strides = array<i32>} : memref<64x768xf32, #tpu.memory_space<vmem>>, vector<1x16xf32>,
      %swap3A_490 = vector.shape_cast %swap3A_489 : vector<1x16xf32> to vector<16xf32>
      %swap3A_491 = vector.shape_cast %get3A_486 : vector<16xf32> to vector<1x16xf32>
      tpu.vector_store %arg8[%swap3A_487, %swap3A_488], %swap3A_491 {add = true, strides = array<i32>} : memref<64x768xf32, #tpu.memory_space<vmem>>, vector<1x16xf32>,
      %get3A_492 = arith.index_cast %scan3A_160 : i32 to index
      %get3A_493 = arith.constant 592 : index
      %get3A_494 = tpu.vector_load %arg9[%get3A_492, %get3A_493] {strides = array<i32>} : memref<64x768xf32, #tpu.memory_space<vmem>>, vector<1x16xf32>,
      %get3A_495 = vector.shape_cast %get3A_494 : vector<1x16xf32> to vector<16xf32>
      %swap3A_496 = arith.index_cast %scan3A_160 : i32 to index
      %swap3A_497 = arith.constant 592 : index
      %swap3A_498 = tpu.vector_load %arg8[%swap3A_496, %swap3A_497] {strides = array<i32>} : memref<64x768xf32, #tpu.memory_space<vmem>>, vector<1x16xf32>,
      %swap3A_499 = vector.shape_cast %swap3A_498 : vector<1x16xf32> to vector<16xf32>
      %swap3A_500 = vector.shape_cast %get3A_495 : vector<16xf32> to vector<1x16xf32>
      tpu.vector_store %arg8[%swap3A_496, %swap3A_497], %swap3A_500 {add = true, strides = array<i32>} : memref<64x768xf32, #tpu.memory_space<vmem>>, vector<1x16xf32>,
      %get3A_501 = arith.index_cast %scan3A_160 : i32 to index
      %get3A_502 = arith.constant 608 : index
      %get3A_503 = tpu.vector_load %arg9[%get3A_501, %get3A_502] {strides = array<i32>} : memref<64x768xf32, #tpu.memory_space<vmem>>, vector<1x16xf32>,
      %get3A_504 = vector.shape_cast %get3A_503 : vector<1x16xf32> to vector<16xf32>
      %swap3A_505 = arith.index_cast %scan3A_160 : i32 to index
      %swap3A_506 = arith.constant 608 : index
      %swap3A_507 = tpu.vector_load %arg8[%swap3A_505, %swap3A_506] {strides = array<i32>} : memref<64x768xf32, #tpu.memory_space<vmem>>, vector<1x16xf32>,
      %swap3A_508 = vector.shape_cast %swap3A_507 : vector<1x16xf32> to vector<16xf32>
      %swap3A_509 = vector.shape_cast %get3A_504 : vector<16xf32> to vector<1x16xf32>
      tpu.vector_store %arg8[%swap3A_505, %swap3A_506], %swap3A_509 {add = true, strides = array<i32>} : memref<64x768xf32, #tpu.memory_space<vmem>>, vector<1x16xf32>,
      %get3A_510 = arith.index_cast %scan3A_160 : i32 to index
      %get3A_511 = arith.constant 624 : index
      %get3A_512 = tpu.vector_load %arg9[%get3A_510, %get3A_511] {strides = array<i32>} : memref<64x768xf32, #tpu.memory_space<vmem>>, vector<1x16xf32>,
      %get3A_513 = vector.shape_cast %get3A_512 : vector<1x16xf32> to vector<16xf32>
      %swap3A_514 = arith.index_cast %scan3A_160 : i32 to index
      %swap3A_515 = arith.constant 624 : index
      %swap3A_516 = tpu.vector_load %arg8[%swap3A_514, %swap3A_515] {strides = array<i32>} : memref<64x768xf32, #tpu.memory_space<vmem>>, vector<1x16xf32>,
      %swap3A_517 = vector.shape_cast %swap3A_516 : vector<1x16xf32> to vector<16xf32>
      %swap3A_518 = vector.shape_cast %get3A_513 : vector<16xf32> to vector<1x16xf32>
      tpu.vector_store %arg8[%swap3A_514, %swap3A_515], %swap3A_518 {add = true, strides = array<i32>} : memref<64x768xf32, #tpu.memory_space<vmem>>, vector<1x16xf32>,
      %get3A_519 = arith.index_cast %scan3A_160 : i32 to index
      %get3A_520 = arith.constant 640 : index
      %get3A_521 = tpu.vector_load %arg9[%get3A_519, %get3A_520] {strides = array<i32>} : memref<64x768xf32, #tpu.memory_space<vmem>>, vector<1x16xf32>,
      %get3A_522 = vector.shape_cast %get3A_521 : vector<1x16xf32> to vector<16xf32>
      %swap3A_523 = arith.index_cast %scan3A_160 : i32 to index
      %swap3A_524 = arith.constant 640 : index
      %swap3A_525 = tpu.vector_load %arg8[%swap3A_523, %swap3A_524] {strides = array<i32>} : memref<64x768xf32, #tpu.memory_space<vmem>>, vector<1x16xf32>,
      %swap3A_526 = vector.shape_cast %swap3A_525 : vector<1x16xf32> to vector<16xf32>
      %swap3A_527 = vector.shape_cast %get3A_522 : vector<16xf32> to vector<1x16xf32>
      tpu.vector_store %arg8[%swap3A_523, %swap3A_524], %swap3A_527 {add = true, strides = array<i32>} : memref<64x768xf32, #tpu.memory_space<vmem>>, vector<1x16xf32>,
      %get3A_528 = arith.index_cast %scan3A_160 : i32 to index
      %get3A_529 = arith.constant 656 : index
      %get3A_530 = tpu.vector_load %arg9[%get3A_528, %get3A_529] {strides = array<i32>} : memref<64x768xf32, #tpu.memory_space<vmem>>, vector<1x16xf32>,
      %get3A_531 = vector.shape_cast %get3A_530 : vector<1x16xf32> to vector<16xf32>
      %swap3A_532 = arith.index_cast %scan3A_160 : i32 to index
      %swap3A_533 = arith.constant 656 : index
      %swap3A_534 = tpu.vector_load %arg8[%swap3A_532, %swap3A_533] {strides = array<i32>} : memref<64x768xf32, #tpu.memory_space<vmem>>, vector<1x16xf32>,
      %swap3A_535 = vector.shape_cast %swap3A_534 : vector<1x16xf32> to vector<16xf32>
      %swap3A_536 = vector.shape_cast %get3A_531 : vector<16xf32> to vector<1x16xf32>
      tpu.vector_store %arg8[%swap3A_532, %swap3A_533], %swap3A_536 {add = true, strides = array<i32>} : memref<64x768xf32, #tpu.memory_space<vmem>>, vector<1x16xf32>,
      %get3A_537 = arith.index_cast %scan3A_160 : i32 to index
      %get3A_538 = arith.constant 672 : index
      %get3A_539 = tpu.vector_load %arg9[%get3A_537, %get3A_538] {strides = array<i32>} : memref<64x768xf32, #tpu.memory_space<vmem>>, vector<1x16xf32>,
      %get3A_540 = vector.shape_cast %get3A_539 : vector<1x16xf32> to vector<16xf32>
      %swap3A_541 = arith.index_cast %scan3A_160 : i32 to index
      %swap3A_542 = arith.constant 672 : index
      %swap3A_543 = tpu.vector_load %arg8[%swap3A_541, %swap3A_542] {strides = array<i32>} : memref<64x768xf32, #tpu.memory_space<vmem>>, vector<1x16xf32>,
      %swap3A_544 = vector.shape_cast %swap3A_543 : vector<1x16xf32> to vector<16xf32>
      %swap3A_545 = vector.shape_cast %get3A_540 : vector<16xf32> to vector<1x16xf32>
      tpu.vector_store %arg8[%swap3A_541, %swap3A_542], %swap3A_545 {add = true, strides = array<i32>} : memref<64x768xf32, #tpu.memory_space<vmem>>, vector<1x16xf32>,
      %get3A_546 = arith.index_cast %scan3A_160 : i32 to index
      %get3A_547 = arith.constant 688 : index
      %get3A_548 = tpu.vector_load %arg9[%get3A_546, %get3A_547] {strides = array<i32>} : memref<64x768xf32, #tpu.memory_space<vmem>>, vector<1x16xf32>,
      %get3A_549 = vector.shape_cast %get3A_548 : vector<1x16xf32> to vector<16xf32>
      %swap3A_550 = arith.index_cast %scan3A_160 : i32 to index
      %swap3A_551 = arith.constant 688 : index
      %swap3A_552 = tpu.vector_load %arg8[%swap3A_550, %swap3A_551] {strides = array<i32>} : memref<64x768xf32, #tpu.memory_space<vmem>>, vector<1x16xf32>,
      %swap3A_553 = vector.shape_cast %swap3A_552 : vector<1x16xf32> to vector<16xf32>
      %swap3A_554 = vector.shape_cast %get3A_549 : vector<16xf32> to vector<1x16xf32>
      tpu.vector_store %arg8[%swap3A_550, %swap3A_551], %swap3A_554 {add = true, strides = array<i32>} : memref<64x768xf32, #tpu.memory_space<vmem>>, vector<1x16xf32>,
      %get3A_555 = arith.index_cast %scan3A_160 : i32 to index
      %get3A_556 = arith.constant 704 : index
      %get3A_557 = tpu.vector_load %arg9[%get3A_555, %get3A_556] {strides = array<i32>} : memref<64x768xf32, #tpu.memory_space<vmem>>, vector<1x16xf32>,
      %get3A_558 = vector.shape_cast %get3A_557 : vector<1x16xf32> to vector<16xf32>
      %swap3A_559 = arith.index_cast %scan3A_160 : i32 to index
      %swap3A_560 = arith.constant 704 : index
      %swap3A_561 = tpu.vector_load %arg8[%swap3A_559, %swap3A_560] {strides = array<i32>} : memref<64x768xf32, #tpu.memory_space<vmem>>, vector<1x16xf32>,
      %swap3A_562 = vector.shape_cast %swap3A_561 : vector<1x16xf32> to vector<16xf32>
      %swap3A_563 = vector.shape_cast %get3A_558 : vector<16xf32> to vector<1x16xf32>
      tpu.vector_store %arg8[%swap3A_559, %swap3A_560], %swap3A_563 {add = true, strides = array<i32>} : memref<64x768xf32, #tpu.memory_space<vmem>>, vector<1x16xf32>,
      %get3A_564 = arith.index_cast %scan3A_160 : i32 to index
      %get3A_565 = arith.constant 720 : index
      %get3A_566 = tpu.vector_load %arg9[%get3A_564, %get3A_565] {strides = array<i32>} : memref<64x768xf32, #tpu.memory_space<vmem>>, vector<1x16xf32>,
      %get3A_567 = vector.shape_cast %get3A_566 : vector<1x16xf32> to vector<16xf32>
      %swap3A_568 = arith.index_cast %scan3A_160 : i32 to index
      %swap3A_569 = arith.constant 720 : index
      %swap3A_570 = tpu.vector_load %arg8[%swap3A_568, %swap3A_569] {strides = array<i32>} : memref<64x768xf32, #tpu.memory_space<vmem>>, vector<1x16xf32>,
      %swap3A_571 = vector.shape_cast %swap3A_570 : vector<1x16xf32> to vector<16xf32>
      %swap3A_572 = vector.shape_cast %get3A_567 : vector<16xf32> to vector<1x16xf32>
      tpu.vector_store %arg8[%swap3A_568, %swap3A_569], %swap3A_572 {add = true, strides = array<i32>} : memref<64x768xf32, #tpu.memory_space<vmem>>, vector<1x16xf32>,
      %get3A_573 = arith.index_cast %scan3A_160 : i32 to index
      %get3A_574 = arith.constant 736 : index
      %get3A_575 = tpu.vector_load %arg9[%get3A_573, %get3A_574] {strides = array<i32>} : memref<64x768xf32, #tpu.memory_space<vmem>>, vector<1x16xf32>,
      %get3A_576 = vector.shape_cast %get3A_575 : vector<1x16xf32> to vector<16xf32>
      %swap3A_577 = arith.index_cast %scan3A_160 : i32 to index
      %swap3A_578 = arith.constant 736 : index
      %swap3A_579 = tpu.vector_load %arg8[%swap3A_577, %swap3A_578] {strides = array<i32>} : memref<64x768xf32, #tpu.memory_space<vmem>>, vector<1x16xf32>,
      %swap3A_580 = vector.shape_cast %swap3A_579 : vector<1x16xf32> to vector<16xf32>
      %swap3A_581 = vector.shape_cast %get3A_576 : vector<16xf32> to vector<1x16xf32>
      tpu.vector_store %arg8[%swap3A_577, %swap3A_578], %swap3A_581 {add = true, strides = array<i32>} : memref<64x768xf32, #tpu.memory_space<vmem>>, vector<1x16xf32>,
      %get3A_582 = arith.index_cast %scan3A_160 : i32 to index
      %get3A_583 = arith.constant 752 : index
      %get3A_584 = tpu.vector_load %arg9[%get3A_582, %get3A_583] {strides = array<i32>} : memref<64x768xf32, #tpu.memory_space<vmem>>, vector<1x16xf32>,
      %get3A_585 = vector.shape_cast %get3A_584 : vector<1x16xf32> to vector<16xf32>
      %swap3A_586 = arith.index_cast %scan3A_160 : i32 to index
      %swap3A_587 = arith.constant 752 : index
      %swap3A_588 = tpu.vector_load %arg8[%swap3A_586, %swap3A_587] {strides = array<i32>} : memref<64x768xf32, #tpu.memory_space<vmem>>, vector<1x16xf32>,
      %swap3A_589 = vector.shape_cast %swap3A_588 : vector<1x16xf32> to vector<16xf32>
      %swap3A_590 = vector.shape_cast %get3A_585 : vector<16xf32> to vector<1x16xf32>
      tpu.vector_store %arg8[%swap3A_586, %swap3A_587], %swap3A_590 {add = true, strides = array<i32>} : memref<64x768xf32, #tpu.memory_space<vmem>>, vector<1x16xf32>,
    }
    %scan3A_61 = arith.constant 16 : i32
    %dma_start3A_62 = arith.constant 32 : i32
    %dma_start3A_63 = arith.constant 0 : i32
    %dma_start3A_64 = tpu.memref_slice %arg8[%dma_start3A_62, %dma_start3A_63] : memref<64x768xf32, #tpu.memory_space<vmem>> -> memref<16x768xf32, #tpu.memory_space<vmem>>
    %dma_start3A_65 = arith.constant 32 : i32
    %dma_start3A_66 = tpu.memref_slice %arg6[%dma_start3A_65] : memref<64xi32, #tpu.memory_space<vmem>> -> memref<16xi32, #tpu.memory_space<vmem>>
    %dma_start3A_67 = arith.constant 0 : i32
    %dma_start3A_68 = arith.constant 0 : i32
    %dma_start3A_69 = tpu.memref_slice %arg2[%dma_start3A_67, %dma_start3A_68] : memref<5120x768xf32, #tpu.memory_space<hbm>> -> memref<5120x768xf32, #tpu.memory_space<hbm>>
    tpu.enqueue_indirect_dma source(%dma_start3A_69 : memref<5120x768xf32, #tpu.memory_space<hbm>>) target(%dma_start3A_64 : memref<16x768xf32, #tpu.memory_space<vmem>>) offsets(%dma_start3A_66 : memref<16xi32, #tpu.memory_space<vmem>>) semaphore(%arg10 : memref<!tpu.dma_semaphore, #tpu.memory_space<semaphore_mem>>)
    %dma_start3A_70 = arith.constant 32 : i32
    %dma_start3A_71 = arith.constant 0 : i32
    %dma_start3A_72 = tpu.memref_slice %arg9[%dma_start3A_70, %dma_start3A_71] : memref<64x768xf32, #tpu.memory_space<vmem>> -> memref<16x768xf32, #tpu.memory_space<vmem>>
    %dma_start3A_73 = arith.constant 32 : i32
    %dma_start3A_74 = tpu.memref_slice %arg7[%dma_start3A_73] : memref<64xi32, #tpu.memory_space<vmem>> -> memref<16xi32, #tpu.memory_space<vmem>>
    %dma_start3A_75 = arith.constant 0 : i32
    %dma_start3A_76 = arith.constant 0 : i32
    %dma_start3A_77 = tpu.memref_slice %arg2[%dma_start3A_75, %dma_start3A_76] : memref<5120x768xf32, #tpu.memory_space<hbm>> -> memref<5120x768xf32, #tpu.memory_space<hbm>>
    tpu.enqueue_indirect_dma source(%dma_start3A_77 : memref<5120x768xf32, #tpu.memory_space<hbm>>) target(%dma_start3A_72 : memref<16x768xf32, #tpu.memory_space<vmem>>) offsets(%dma_start3A_74 : memref<16xi32, #tpu.memory_space<vmem>>) semaphore(%arg11 : memref<!tpu.dma_semaphore, #tpu.memory_space<semaphore_mem>>)
    %dma_wait3A_78 = arith.constant 16 : i32
    %dma_wait3A_79 = arith.constant 0 : i32
    %dma_wait3A_80 = tpu.memref_slice %arg8[%dma_wait3A_78, %dma_wait3A_79] : memref<64x768xf32, #tpu.memory_space<vmem>> -> memref<16x768xf32, #tpu.memory_space<vmem>>
    %dma_wait3A_81 = arith.constant 16 : i32
    %dma_wait3A_82 = tpu.memref_slice %arg6[%dma_wait3A_81] : memref<64xi32, #tpu.memory_space<vmem>> -> memref<16xi32, #tpu.memory_space<vmem>>
    %dma_wait3A_83 = arith.constant 0 : i32
    %dma_wait3A_84 = arith.constant 0 : i32
    %dma_wait3A_85 = tpu.memref_slice %arg2[%dma_wait3A_83, %dma_wait3A_84] : memref<5120x768xf32, #tpu.memory_space<hbm>> -> memref<5120x768xf32, #tpu.memory_space<hbm>>
    tpu.wait_indirect_dma semaphore(%arg12 : memref<!tpu.dma_semaphore, #tpu.memory_space<semaphore_mem>>) src(%dma_wait3A_85 : memref<5120x768xf32, #tpu.memory_space<hbm>>) dst(%dma_wait3A_80 : memref<16x768xf32, #tpu.memory_space<vmem>>)
    %dma_wait3A_86 = arith.constant 16 : i32
    %dma_wait3A_87 = arith.constant 0 : i32
    %dma_wait3A_88 = tpu.memref_slice %arg9[%dma_wait3A_86, %dma_wait3A_87] : memref<64x768xf32, #tpu.memory_space<vmem>> -> memref<16x768xf32, #tpu.memory_space<vmem>>
    %dma_wait3A_89 = arith.constant 16 : i32
    %dma_wait3A_90 = tpu.memref_slice %arg7[%dma_wait3A_89] : memref<64xi32, #tpu.memory_space<vmem>> -> memref<16xi32, #tpu.memory_space<vmem>>
    %dma_wait3A_91 = arith.constant 0 : i32
    %dma_wait3A_92 = arith.constant 0 : i32
    %dma_wait3A_93 = tpu.memref_slice %arg2[%dma_wait3A_91, %dma_wait3A_92] : memref<5120x768xf32, #tpu.memory_space<hbm>> -> memref<5120x768xf32, #tpu.memory_space<hbm>>
    tpu.wait_indirect_dma semaphore(%arg13 : memref<!tpu.dma_semaphore, #tpu.memory_space<semaphore_mem>>) src(%dma_wait3A_93 : memref<5120x768xf32, #tpu.memory_space<hbm>>) dst(%dma_wait3A_88 : memref<16x768xf32, #tpu.memory_space<vmem>>)
    %scan3A_94 = arith.constant 0 : i32
    %scan3A_95 = arith.constant 16 : i32
    %scan3A_96 = arith.constant 16 : i32
    %scan3A_97 = arith.addi %scan3A_95, %scan3A_96 : i32
    %scan3A_98 = arith.constant 1 : i32
    scf.for %scan3A_160 = %scan3A_95 to %scan3A_97 step %scan3A_98  : i32 {
      %get3A = arith.index_cast %scan3A_160 : i32 to index
      %get3A_161 = arith.constant 0 : index
      %get3A_162 = tpu.vector_load %arg9[%get3A, %get3A_161] {strides = array<i32>} : memref<64x768xf32, #tpu.memory_space<vmem>>, vector<1x16xf32>,
      %get3A_163 = vector.shape_cast %get3A_162 : vector<1x16xf32> to vector<16xf32>
      %swap3A = arith.index_cast %scan3A_160 : i32 to index
      %swap3A_164 = arith.constant 0 : index
      %swap3A_165 = tpu.vector_load %arg8[%swap3A, %swap3A_164] {strides = array<i32>} : memref<64x768xf32, #tpu.memory_space<vmem>>, vector<1x16xf32>,
      %swap3A_166 = vector.shape_cast %swap3A_165 : vector<1x16xf32> to vector<16xf32>
      %swap3A_167 = vector.shape_cast %get3A_163 : vector<16xf32> to vector<1x16xf32>
      tpu.vector_store %arg8[%swap3A, %swap3A_164], %swap3A_167 {add = true, strides = array<i32>} : memref<64x768xf32, #tpu.memory_space<vmem>>, vector<1x16xf32>,
      %get3A_168 = arith.index_cast %scan3A_160 : i32 to index
      %get3A_169 = arith.constant 16 : index
      %get3A_170 = tpu.vector_load %arg9[%get3A_168, %get3A_169] {strides = array<i32>} : memref<64x768xf32, #tpu.memory_space<vmem>>, vector<1x16xf32>,
      %get3A_171 = vector.shape_cast %get3A_170 : vector<1x16xf32> to vector<16xf32>
      %swap3A_172 = arith.index_cast %scan3A_160 : i32 to index
      %swap3A_173 = arith.constant 16 : index
      %swap3A_174 = tpu.vector_load %arg8[%swap3A_172, %swap3A_173] {strides = array<i32>} : memref<64x768xf32, #tpu.memory_space<vmem>>, vector<1x16xf32>,
      %swap3A_175 = vector.shape_cast %swap3A_174 : vector<1x16xf32> to vector<16xf32>
      %swap3A_176 = vector.shape_cast %get3A_171 : vector<16xf32> to vector<1x16xf32>
      tpu.vector_store %arg8[%swap3A_172, %swap3A_173], %swap3A_176 {add = true, strides = array<i32>} : memref<64x768xf32, #tpu.memory_space<vmem>>, vector<1x16xf32>,
      %get3A_177 = arith.index_cast %scan3A_160 : i32 to index
      %get3A_178 = arith.constant 32 : index
      %get3A_179 = tpu.vector_load %arg9[%get3A_177, %get3A_178] {strides = array<i32>} : memref<64x768xf32, #tpu.memory_space<vmem>>, vector<1x16xf32>,
      %get3A_180 = vector.shape_cast %get3A_179 : vector<1x16xf32> to vector<16xf32>
      %swap3A_181 = arith.index_cast %scan3A_160 : i32 to index
      %swap3A_182 = arith.constant 32 : index
      %swap3A_183 = tpu.vector_load %arg8[%swap3A_181, %swap3A_182] {strides = array<i32>} : memref<64x768xf32, #tpu.memory_space<vmem>>, vector<1x16xf32>,
      %swap3A_184 = vector.shape_cast %swap3A_183 : vector<1x16xf32> to vector<16xf32>
      %swap3A_185 = vector.shape_cast %get3A_180 : vector<16xf32> to vector<1x16xf32>
      tpu.vector_store %arg8[%swap3A_181, %swap3A_182], %swap3A_185 {add = true, strides = array<i32>} : memref<64x768xf32, #tpu.memory_space<vmem>>, vector<1x16xf32>,
      %get3A_186 = arith.index_cast %scan3A_160 : i32 to index
      %get3A_187 = arith.constant 48 : index
      %get3A_188 = tpu.vector_load %arg9[%get3A_186, %get3A_187] {strides = array<i32>} : memref<64x768xf32, #tpu.memory_space<vmem>>, vector<1x16xf32>,
      %get3A_189 = vector.shape_cast %get3A_188 : vector<1x16xf32> to vector<16xf32>
      %swap3A_190 = arith.index_cast %scan3A_160 : i32 to index
      %swap3A_191 = arith.constant 48 : index
      %swap3A_192 = tpu.vector_load %arg8[%swap3A_190, %swap3A_191] {strides = array<i32>} : memref<64x768xf32, #tpu.memory_space<vmem>>, vector<1x16xf32>,
      %swap3A_193 = vector.shape_cast %swap3A_192 : vector<1x16xf32> to vector<16xf32>
      %swap3A_194 = vector.shape_cast %get3A_189 : vector<16xf32> to vector<1x16xf32>
      tpu.vector_store %arg8[%swap3A_190, %swap3A_191], %swap3A_194 {add = true, strides = array<i32>} : memref<64x768xf32, #tpu.memory_space<vmem>>, vector<1x16xf32>,
      %get3A_195 = arith.index_cast %scan3A_160 : i32 to index
      %get3A_196 = arith.constant 64 : index
      %get3A_197 = tpu.vector_load %arg9[%get3A_195, %get3A_196] {strides = array<i32>} : memref<64x768xf32, #tpu.memory_space<vmem>>, vector<1x16xf32>,
      %get3A_198 = vector.shape_cast %get3A_197 : vector<1x16xf32> to vector<16xf32>
      %swap3A_199 = arith.index_cast %scan3A_160 : i32 to index
      %swap3A_200 = arith.constant 64 : index
      %swap3A_201 = tpu.vector_load %arg8[%swap3A_199, %swap3A_200] {strides = array<i32>} : memref<64x768xf32, #tpu.memory_space<vmem>>, vector<1x16xf32>,
      %swap3A_202 = vector.shape_cast %swap3A_201 : vector<1x16xf32> to vector<16xf32>
      %swap3A_203 = vector.shape_cast %get3A_198 : vector<16xf32> to vector<1x16xf32>
      tpu.vector_store %arg8[%swap3A_199, %swap3A_200], %swap3A_203 {add = true, strides = array<i32>} : memref<64x768xf32, #tpu.memory_space<vmem>>, vector<1x16xf32>,
      %get3A_204 = arith.index_cast %scan3A_160 : i32 to index
      %get3A_205 = arith.constant 80 : index
      %get3A_206 = tpu.vector_load %arg9[%get3A_204, %get3A_205] {strides = array<i32>} : memref<64x768xf32, #tpu.memory_space<vmem>>, vector<1x16xf32>,
      %get3A_207 = vector.shape_cast %get3A_206 : vector<1x16xf32> to vector<16xf32>
      %swap3A_208 = arith.index_cast %scan3A_160 : i32 to index
      %swap3A_209 = arith.constant 80 : index
      %swap3A_210 = tpu.vector_load %arg8[%swap3A_208, %swap3A_209] {strides = array<i32>} : memref<64x768xf32, #tpu.memory_space<vmem>>, vector<1x16xf32>,
      %swap3A_211 = vector.shape_cast %swap3A_210 : vector<1x16xf32> to vector<16xf32>
      %swap3A_212 = vector.shape_cast %get3A_207 : vector<16xf32> to vector<1x16xf32>
      tpu.vector_store %arg8[%swap3A_208, %swap3A_209], %swap3A_212 {add = true, strides = array<i32>} : memref<64x768xf32, #tpu.memory_space<vmem>>, vector<1x16xf32>,
      %get3A_213 = arith.index_cast %scan3A_160 : i32 to index
      %get3A_214 = arith.constant 96 : index
      %get3A_215 = tpu.vector_load %arg9[%get3A_213, %get3A_214] {strides = array<i32>} : memref<64x768xf32, #tpu.memory_space<vmem>>, vector<1x16xf32>,
      %get3A_216 = vector.shape_cast %get3A_215 : vector<1x16xf32> to vector<16xf32>
      %swap3A_217 = arith.index_cast %scan3A_160 : i32 to index
      %swap3A_218 = arith.constant 96 : index
      %swap3A_219 = tpu.vector_load %arg8[%swap3A_217, %swap3A_218] {strides = array<i32>} : memref<64x768xf32, #tpu.memory_space<vmem>>, vector<1x16xf32>,
      %swap3A_220 = vector.shape_cast %swap3A_219 : vector<1x16xf32> to vector<16xf32>
      %swap3A_221 = vector.shape_cast %get3A_216 : vector<16xf32> to vector<1x16xf32>
      tpu.vector_store %arg8[%swap3A_217, %swap3A_218], %swap3A_221 {add = true, strides = array<i32>} : memref<64x768xf32, #tpu.memory_space<vmem>>, vector<1x16xf32>,
      %get3A_222 = arith.index_cast %scan3A_160 : i32 to index
      %get3A_223 = arith.constant 112 : index
      %get3A_224 = tpu.vector_load %arg9[%get3A_222, %get3A_223] {strides = array<i32>} : memref<64x768xf32, #tpu.memory_space<vmem>>, vector<1x16xf32>,
      %get3A_225 = vector.shape_cast %get3A_224 : vector<1x16xf32> to vector<16xf32>
      %swap3A_226 = arith.index_cast %scan3A_160 : i32 to index
      %swap3A_227 = arith.constant 112 : index
      %swap3A_228 = tpu.vector_load %arg8[%swap3A_226, %swap3A_227] {strides = array<i32>} : memref<64x768xf32, #tpu.memory_space<vmem>>, vector<1x16xf32>,
      %swap3A_229 = vector.shape_cast %swap3A_228 : vector<1x16xf32> to vector<16xf32>
      %swap3A_230 = vector.shape_cast %get3A_225 : vector<16xf32> to vector<1x16xf32>
      tpu.vector_store %arg8[%swap3A_226, %swap3A_227], %swap3A_230 {add = true, strides = array<i32>} : memref<64x768xf32, #tpu.memory_space<vmem>>, vector<1x16xf32>,
      %get3A_231 = arith.index_cast %scan3A_160 : i32 to index
      %get3A_232 = arith.constant 128 : index
      %get3A_233 = tpu.vector_load %arg9[%get3A_231, %get3A_232] {strides = array<i32>} : memref<64x768xf32, #tpu.memory_space<vmem>>, vector<1x16xf32>,
      %get3A_234 = vector.shape_cast %get3A_233 : vector<1x16xf32> to vector<16xf32>
      %swap3A_235 = arith.index_cast %scan3A_160 : i32 to index
      %swap3A_236 = arith.constant 128 : index
      %swap3A_237 = tpu.vector_load %arg8[%swap3A_235, %swap3A_236] {strides = array<i32>} : memref<64x768xf32, #tpu.memory_space<vmem>>, vector<1x16xf32>,
      %swap3A_238 = vector.shape_cast %swap3A_237 : vector<1x16xf32> to vector<16xf32>
      %swap3A_239 = vector.shape_cast %get3A_234 : vector<16xf32> to vector<1x16xf32>
      tpu.vector_store %arg8[%swap3A_235, %swap3A_236], %swap3A_239 {add = true, strides = array<i32>} : memref<64x768xf32, #tpu.memory_space<vmem>>, vector<1x16xf32>,
      %get3A_240 = arith.index_cast %scan3A_160 : i32 to index
      %get3A_241 = arith.constant 144 : index
      %get3A_242 = tpu.vector_load %arg9[%get3A_240, %get3A_241] {strides = array<i32>} : memref<64x768xf32, #tpu.memory_space<vmem>>, vector<1x16xf32>,
      %get3A_243 = vector.shape_cast %get3A_242 : vector<1x16xf32> to vector<16xf32>
      %swap3A_244 = arith.index_cast %scan3A_160 : i32 to index
      %swap3A_245 = arith.constant 144 : index
      %swap3A_246 = tpu.vector_load %arg8[%swap3A_244, %swap3A_245] {strides = array<i32>} : memref<64x768xf32, #tpu.memory_space<vmem>>, vector<1x16xf32>,
      %swap3A_247 = vector.shape_cast %swap3A_246 : vector<1x16xf32> to vector<16xf32>
      %swap3A_248 = vector.shape_cast %get3A_243 : vector<16xf32> to vector<1x16xf32>
      tpu.vector_store %arg8[%swap3A_244, %swap3A_245], %swap3A_248 {add = true, strides = array<i32>} : memref<64x768xf32, #tpu.memory_space<vmem>>, vector<1x16xf32>,
      %get3A_249 = arith.index_cast %scan3A_160 : i32 to index
      %get3A_250 = arith.constant 160 : index
      %get3A_251 = tpu.vector_load %arg9[%get3A_249, %get3A_250] {strides = array<i32>} : memref<64x768xf32, #tpu.memory_space<vmem>>, vector<1x16xf32>,
      %get3A_252 = vector.shape_cast %get3A_251 : vector<1x16xf32> to vector<16xf32>
      %swap3A_253 = arith.index_cast %scan3A_160 : i32 to index
      %swap3A_254 = arith.constant 160 : index
      %swap3A_255 = tpu.vector_load %arg8[%swap3A_253, %swap3A_254] {strides = array<i32>} : memref<64x768xf32, #tpu.memory_space<vmem>>, vector<1x16xf32>,
      %swap3A_256 = vector.shape_cast %swap3A_255 : vector<1x16xf32> to vector<16xf32>
      %swap3A_257 = vector.shape_cast %get3A_252 : vector<16xf32> to vector<1x16xf32>
      tpu.vector_store %arg8[%swap3A_253, %swap3A_254], %swap3A_257 {add = true, strides = array<i32>} : memref<64x768xf32, #tpu.memory_space<vmem>>, vector<1x16xf32>,
      %get3A_258 = arith.index_cast %scan3A_160 : i32 to index
      %get3A_259 = arith.constant 176 : index
      %get3A_260 = tpu.vector_load %arg9[%get3A_258, %get3A_259] {strides = array<i32>} : memref<64x768xf32, #tpu.memory_space<vmem>>, vector<1x16xf32>,
      %get3A_261 = vector.shape_cast %get3A_260 : vector<1x16xf32> to vector<16xf32>
      %swap3A_262 = arith.index_cast %scan3A_160 : i32 to index
      %swap3A_263 = arith.constant 176 : index
      %swap3A_264 = tpu.vector_load %arg8[%swap3A_262, %swap3A_263] {strides = array<i32>} : memref<64x768xf32, #tpu.memory_space<vmem>>, vector<1x16xf32>,
      %swap3A_265 = vector.shape_cast %swap3A_264 : vector<1x16xf32> to vector<16xf32>
      %swap3A_266 = vector.shape_cast %get3A_261 : vector<16xf32> to vector<1x16xf32>
      tpu.vector_store %arg8[%swap3A_262, %swap3A_263], %swap3A_266 {add = true, strides = array<i32>} : memref<64x768xf32, #tpu.memory_space<vmem>>, vector<1x16xf32>,
      %get3A_267 = arith.index_cast %scan3A_160 : i32 to index
      %get3A_268 = arith.constant 192 : index
      %get3A_269 = tpu.vector_load %arg9[%get3A_267, %get3A_268] {strides = array<i32>} : memref<64x768xf32, #tpu.memory_space<vmem>>, vector<1x16xf32>,
      %get3A_270 = vector.shape_cast %get3A_269 : vector<1x16xf32> to vector<16xf32>
      %swap3A_271 = arith.index_cast %scan3A_160 : i32 to index
      %swap3A_272 = arith.constant 192 : index
      %swap3A_273 = tpu.vector_load %arg8[%swap3A_271, %swap3A_272] {strides = array<i32>} : memref<64x768xf32, #tpu.memory_space<vmem>>, vector<1x16xf32>,
      %swap3A_274 = vector.shape_cast %swap3A_273 : vector<1x16xf32> to vector<16xf32>
      %swap3A_275 = vector.shape_cast %get3A_270 : vector<16xf32> to vector<1x16xf32>
      tpu.vector_store %arg8[%swap3A_271, %swap3A_272], %swap3A_275 {add = true, strides = array<i32>} : memref<64x768xf32, #tpu.memory_space<vmem>>, vector<1x16xf32>,
      %get3A_276 = arith.index_cast %scan3A_160 : i32 to index
      %get3A_277 = arith.constant 208 : index
      %get3A_278 = tpu.vector_load %arg9[%get3A_276, %get3A_277] {strides = array<i32>} : memref<64x768xf32, #tpu.memory_space<vmem>>, vector<1x16xf32>,
      %get3A_279 = vector.shape_cast %get3A_278 : vector<1x16xf32> to vector<16xf32>
      %swap3A_280 = arith.index_cast %scan3A_160 : i32 to index
      %swap3A_281 = arith.constant 208 : index
      %swap3A_282 = tpu.vector_load %arg8[%swap3A_280, %swap3A_281] {strides = array<i32>} : memref<64x768xf32, #tpu.memory_space<vmem>>, vector<1x16xf32>,
      %swap3A_283 = vector.shape_cast %swap3A_282 : vector<1x16xf32> to vector<16xf32>
      %swap3A_284 = vector.shape_cast %get3A_279 : vector<16xf32> to vector<1x16xf32>
      tpu.vector_store %arg8[%swap3A_280, %swap3A_281], %swap3A_284 {add = true, strides = array<i32>} : memref<64x768xf32, #tpu.memory_space<vmem>>, vector<1x16xf32>,
      %get3A_285 = arith.index_cast %scan3A_160 : i32 to index
      %get3A_286 = arith.constant 224 : index
      %get3A_287 = tpu.vector_load %arg9[%get3A_285, %get3A_286] {strides = array<i32>} : memref<64x768xf32, #tpu.memory_space<vmem>>, vector<1x16xf32>,
      %get3A_288 = vector.shape_cast %get3A_287 : vector<1x16xf32> to vector<16xf32>
      %swap3A_289 = arith.index_cast %scan3A_160 : i32 to index
      %swap3A_290 = arith.constant 224 : index
      %swap3A_291 = tpu.vector_load %arg8[%swap3A_289, %swap3A_290] {strides = array<i32>} : memref<64x768xf32, #tpu.memory_space<vmem>>, vector<1x16xf32>,
      %swap3A_292 = vector.shape_cast %swap3A_291 : vector<1x16xf32> to vector<16xf32>
      %swap3A_293 = vector.shape_cast %get3A_288 : vector<16xf32> to vector<1x16xf32>
      tpu.vector_store %arg8[%swap3A_289, %swap3A_290], %swap3A_293 {add = true, strides = array<i32>} : memref<64x768xf32, #tpu.memory_space<vmem>>, vector<1x16xf32>,
      %get3A_294 = arith.index_cast %scan3A_160 : i32 to index
      %get3A_295 = arith.constant 240 : index
      %get3A_296 = tpu.vector_load %arg9[%get3A_294, %get3A_295] {strides = array<i32>} : memref<64x768xf32, #tpu.memory_space<vmem>>, vector<1x16xf32>,
      %get3A_297 = vector.shape_cast %get3A_296 : vector<1x16xf32> to vector<16xf32>
      %swap3A_298 = arith.index_cast %scan3A_160 : i32 to index
      %swap3A_299 = arith.constant 240 : index
      %swap3A_300 = tpu.vector_load %arg8[%swap3A_298, %swap3A_299] {strides = array<i32>} : memref<64x768xf32, #tpu.memory_space<vmem>>, vector<1x16xf32>,
      %swap3A_301 = vector.shape_cast %swap3A_300 : vector<1x16xf32> to vector<16xf32>
      %swap3A_302 = vector.shape_cast %get3A_297 : vector<16xf32> to vector<1x16xf32>
      tpu.vector_store %arg8[%swap3A_298, %swap3A_299], %swap3A_302 {add = true, strides = array<i32>} : memref<64x768xf32, #tpu.memory_space<vmem>>, vector<1x16xf32>,
      %get3A_303 = arith.index_cast %scan3A_160 : i32 to index
      %get3A_304 = arith.constant 256 : index
      %get3A_305 = tpu.vector_load %arg9[%get3A_303, %get3A_304] {strides = array<i32>} : memref<64x768xf32, #tpu.memory_space<vmem>>, vector<1x16xf32>,
      %get3A_306 = vector.shape_cast %get3A_305 : vector<1x16xf32> to vector<16xf32>
      %swap3A_307 = arith.index_cast %scan3A_160 : i32 to index
      %swap3A_308 = arith.constant 256 : index
      %swap3A_309 = tpu.vector_load %arg8[%swap3A_307, %swap3A_308] {strides = array<i32>} : memref<64x768xf32, #tpu.memory_space<vmem>>, vector<1x16xf32>,
      %swap3A_310 = vector.shape_cast %swap3A_309 : vector<1x16xf32> to vector<16xf32>
      %swap3A_311 = vector.shape_cast %get3A_306 : vector<16xf32> to vector<1x16xf32>
      tpu.vector_store %arg8[%swap3A_307, %swap3A_308], %swap3A_311 {add = true, strides = array<i32>} : memref<64x768xf32, #tpu.memory_space<vmem>>, vector<1x16xf32>,
      %get3A_312 = arith.index_cast %scan3A_160 : i32 to index
      %get3A_313 = arith.constant 272 : index
      %get3A_314 = tpu.vector_load %arg9[%get3A_312, %get3A_313] {strides = array<i32>} : memref<64x768xf32, #tpu.memory_space<vmem>>, vector<1x16xf32>,
      %get3A_315 = vector.shape_cast %get3A_314 : vector<1x16xf32> to vector<16xf32>
      %swap3A_316 = arith.index_cast %scan3A_160 : i32 to index
      %swap3A_317 = arith.constant 272 : index
      %swap3A_318 = tpu.vector_load %arg8[%swap3A_316, %swap3A_317] {strides = array<i32>} : memref<64x768xf32, #tpu.memory_space<vmem>>, vector<1x16xf32>,
      %swap3A_319 = vector.shape_cast %swap3A_318 : vector<1x16xf32> to vector<16xf32>
      %swap3A_320 = vector.shape_cast %get3A_315 : vector<16xf32> to vector<1x16xf32>
      tpu.vector_store %arg8[%swap3A_316, %swap3A_317], %swap3A_320 {add = true, strides = array<i32>} : memref<64x768xf32, #tpu.memory_space<vmem>>, vector<1x16xf32>,
      %get3A_321 = arith.index_cast %scan3A_160 : i32 to index
      %get3A_322 = arith.constant 288 : index
      %get3A_323 = tpu.vector_load %arg9[%get3A_321, %get3A_322] {strides = array<i32>} : memref<64x768xf32, #tpu.memory_space<vmem>>, vector<1x16xf32>,
      %get3A_324 = vector.shape_cast %get3A_323 : vector<1x16xf32> to vector<16xf32>
      %swap3A_325 = arith.index_cast %scan3A_160 : i32 to index
      %swap3A_326 = arith.constant 288 : index
      %swap3A_327 = tpu.vector_load %arg8[%swap3A_325, %swap3A_326] {strides = array<i32>} : memref<64x768xf32, #tpu.memory_space<vmem>>, vector<1x16xf32>,
      %swap3A_328 = vector.shape_cast %swap3A_327 : vector<1x16xf32> to vector<16xf32>
      %swap3A_329 = vector.shape_cast %get3A_324 : vector<16xf32> to vector<1x16xf32>
      tpu.vector_store %arg8[%swap3A_325, %swap3A_326], %swap3A_329 {add = true, strides = array<i32>} : memref<64x768xf32, #tpu.memory_space<vmem>>, vector<1x16xf32>,
      %get3A_330 = arith.index_cast %scan3A_160 : i32 to index
      %get3A_331 = arith.constant 304 : index
      %get3A_332 = tpu.vector_load %arg9[%get3A_330, %get3A_331] {strides = array<i32>} : memref<64x768xf32, #tpu.memory_space<vmem>>, vector<1x16xf32>,
      %get3A_333 = vector.shape_cast %get3A_332 : vector<1x16xf32> to vector<16xf32>
      %swap3A_334 = arith.index_cast %scan3A_160 : i32 to index
      %swap3A_335 = arith.constant 304 : index
      %swap3A_336 = tpu.vector_load %arg8[%swap3A_334, %swap3A_335] {strides = array<i32>} : memref<64x768xf32, #tpu.memory_space<vmem>>, vector<1x16xf32>,
      %swap3A_337 = vector.shape_cast %swap3A_336 : vector<1x16xf32> to vector<16xf32>
      %swap3A_338 = vector.shape_cast %get3A_333 : vector<16xf32> to vector<1x16xf32>
      tpu.vector_store %arg8[%swap3A_334, %swap3A_335], %swap3A_338 {add = true, strides = array<i32>} : memref<64x768xf32, #tpu.memory_space<vmem>>, vector<1x16xf32>,
      %get3A_339 = arith.index_cast %scan3A_160 : i32 to index
      %get3A_340 = arith.constant 320 : index
      %get3A_341 = tpu.vector_load %arg9[%get3A_339, %get3A_340] {strides = array<i32>} : memref<64x768xf32, #tpu.memory_space<vmem>>, vector<1x16xf32>,
      %get3A_342 = vector.shape_cast %get3A_341 : vector<1x16xf32> to vector<16xf32>
      %swap3A_343 = arith.index_cast %scan3A_160 : i32 to index
      %swap3A_344 = arith.constant 320 : index
      %swap3A_345 = tpu.vector_load %arg8[%swap3A_343, %swap3A_344] {strides = array<i32>} : memref<64x768xf32, #tpu.memory_space<vmem>>, vector<1x16xf32>,
      %swap3A_346 = vector.shape_cast %swap3A_345 : vector<1x16xf32> to vector<16xf32>
      %swap3A_347 = vector.shape_cast %get3A_342 : vector<16xf32> to vector<1x16xf32>
      tpu.vector_store %arg8[%swap3A_343, %swap3A_344], %swap3A_347 {add = true, strides = array<i32>} : memref<64x768xf32, #tpu.memory_space<vmem>>, vector<1x16xf32>,
      %get3A_348 = arith.index_cast %scan3A_160 : i32 to index
      %get3A_349 = arith.constant 336 : index
      %get3A_350 = tpu.vector_load %arg9[%get3A_348, %get3A_349] {strides = array<i32>} : memref<64x768xf32, #tpu.memory_space<vmem>>, vector<1x16xf32>,
      %get3A_351 = vector.shape_cast %get3A_350 : vector<1x16xf32> to vector<16xf32>
      %swap3A_352 = arith.index_cast %scan3A_160 : i32 to index
      %swap3A_353 = arith.constant 336 : index
      %swap3A_354 = tpu.vector_load %arg8[%swap3A_352, %swap3A_353] {strides = array<i32>} : memref<64x768xf32, #tpu.memory_space<vmem>>, vector<1x16xf32>,
      %swap3A_355 = vector.shape_cast %swap3A_354 : vector<1x16xf32> to vector<16xf32>
      %swap3A_356 = vector.shape_cast %get3A_351 : vector<16xf32> to vector<1x16xf32>
      tpu.vector_store %arg8[%swap3A_352, %swap3A_353], %swap3A_356 {add = true, strides = array<i32>} : memref<64x768xf32, #tpu.memory_space<vmem>>, vector<1x16xf32>,
      %get3A_357 = arith.index_cast %scan3A_160 : i32 to index
      %get3A_358 = arith.constant 352 : index
      %get3A_359 = tpu.vector_load %arg9[%get3A_357, %get3A_358] {strides = array<i32>} : memref<64x768xf32, #tpu.memory_space<vmem>>, vector<1x16xf32>,
      %get3A_360 = vector.shape_cast %get3A_359 : vector<1x16xf32> to vector<16xf32>
      %swap3A_361 = arith.index_cast %scan3A_160 : i32 to index
      %swap3A_362 = arith.constant 352 : index
      %swap3A_363 = tpu.vector_load %arg8[%swap3A_361, %swap3A_362] {strides = array<i32>} : memref<64x768xf32, #tpu.memory_space<vmem>>, vector<1x16xf32>,
      %swap3A_364 = vector.shape_cast %swap3A_363 : vector<1x16xf32> to vector<16xf32>
      %swap3A_365 = vector.shape_cast %get3A_360 : vector<16xf32> to vector<1x16xf32>
      tpu.vector_store %arg8[%swap3A_361, %swap3A_362], %swap3A_365 {add = true, strides = array<i32>} : memref<64x768xf32, #tpu.memory_space<vmem>>, vector<1x16xf32>,
      %get3A_366 = arith.index_cast %scan3A_160 : i32 to index
      %get3A_367 = arith.constant 368 : index
      %get3A_368 = tpu.vector_load %arg9[%get3A_366, %get3A_367] {strides = array<i32>} : memref<64x768xf32, #tpu.memory_space<vmem>>, vector<1x16xf32>,
      %get3A_369 = vector.shape_cast %get3A_368 : vector<1x16xf32> to vector<16xf32>
      %swap3A_370 = arith.index_cast %scan3A_160 : i32 to index
      %swap3A_371 = arith.constant 368 : index
      %swap3A_372 = tpu.vector_load %arg8[%swap3A_370, %swap3A_371] {strides = array<i32>} : memref<64x768xf32, #tpu.memory_space<vmem>>, vector<1x16xf32>,
      %swap3A_373 = vector.shape_cast %swap3A_372 : vector<1x16xf32> to vector<16xf32>
      %swap3A_374 = vector.shape_cast %get3A_369 : vector<16xf32> to vector<1x16xf32>
      tpu.vector_store %arg8[%swap3A_370, %swap3A_371], %swap3A_374 {add = true, strides = array<i32>} : memref<64x768xf32, #tpu.memory_space<vmem>>, vector<1x16xf32>,
      %get3A_375 = arith.index_cast %scan3A_160 : i32 to index
      %get3A_376 = arith.constant 384 : index
      %get3A_377 = tpu.vector_load %arg9[%get3A_375, %get3A_376] {strides = array<i32>} : memref<64x768xf32, #tpu.memory_space<vmem>>, vector<1x16xf32>,
      %get3A_378 = vector.shape_cast %get3A_377 : vector<1x16xf32> to vector<16xf32>
      %swap3A_379 = arith.index_cast %scan3A_160 : i32 to index
      %swap3A_380 = arith.constant 384 : index
      %swap3A_381 = tpu.vector_load %arg8[%swap3A_379, %swap3A_380] {strides = array<i32>} : memref<64x768xf32, #tpu.memory_space<vmem>>, vector<1x16xf32>,
      %swap3A_382 = vector.shape_cast %swap3A_381 : vector<1x16xf32> to vector<16xf32>
      %swap3A_383 = vector.shape_cast %get3A_378 : vector<16xf32> to vector<1x16xf32>
      tpu.vector_store %arg8[%swap3A_379, %swap3A_380], %swap3A_383 {add = true, strides = array<i32>} : memref<64x768xf32, #tpu.memory_space<vmem>>, vector<1x16xf32>,
      %get3A_384 = arith.index_cast %scan3A_160 : i32 to index
      %get3A_385 = arith.constant 400 : index
      %get3A_386 = tpu.vector_load %arg9[%get3A_384, %get3A_385] {strides = array<i32>} : memref<64x768xf32, #tpu.memory_space<vmem>>, vector<1x16xf32>,
      %get3A_387 = vector.shape_cast %get3A_386 : vector<1x16xf32> to vector<16xf32>
      %swap3A_388 = arith.index_cast %scan3A_160 : i32 to index
      %swap3A_389 = arith.constant 400 : index
      %swap3A_390 = tpu.vector_load %arg8[%swap3A_388, %swap3A_389] {strides = array<i32>} : memref<64x768xf32, #tpu.memory_space<vmem>>, vector<1x16xf32>,
      %swap3A_391 = vector.shape_cast %swap3A_390 : vector<1x16xf32> to vector<16xf32>
      %swap3A_392 = vector.shape_cast %get3A_387 : vector<16xf32> to vector<1x16xf32>
      tpu.vector_store %arg8[%swap3A_388, %swap3A_389], %swap3A_392 {add = true, strides = array<i32>} : memref<64x768xf32, #tpu.memory_space<vmem>>, vector<1x16xf32>,
      %get3A_393 = arith.index_cast %scan3A_160 : i32 to index
      %get3A_394 = arith.constant 416 : index
      %get3A_395 = tpu.vector_load %arg9[%get3A_393, %get3A_394] {strides = array<i32>} : memref<64x768xf32, #tpu.memory_space<vmem>>, vector<1x16xf32>,
      %get3A_396 = vector.shape_cast %get3A_395 : vector<1x16xf32> to vector<16xf32>
      %swap3A_397 = arith.index_cast %scan3A_160 : i32 to index
      %swap3A_398 = arith.constant 416 : index
      %swap3A_399 = tpu.vector_load %arg8[%swap3A_397, %swap3A_398] {strides = array<i32>} : memref<64x768xf32, #tpu.memory_space<vmem>>, vector<1x16xf32>,
      %swap3A_400 = vector.shape_cast %swap3A_399 : vector<1x16xf32> to vector<16xf32>
      %swap3A_401 = vector.shape_cast %get3A_396 : vector<16xf32> to vector<1x16xf32>
      tpu.vector_store %arg8[%swap3A_397, %swap3A_398], %swap3A_401 {add = true, strides = array<i32>} : memref<64x768xf32, #tpu.memory_space<vmem>>, vector<1x16xf32>,
      %get3A_402 = arith.index_cast %scan3A_160 : i32 to index
      %get3A_403 = arith.constant 432 : index
      %get3A_404 = tpu.vector_load %arg9[%get3A_402, %get3A_403] {strides = array<i32>} : memref<64x768xf32, #tpu.memory_space<vmem>>, vector<1x16xf32>,
      %get3A_405 = vector.shape_cast %get3A_404 : vector<1x16xf32> to vector<16xf32>
      %swap3A_406 = arith.index_cast %scan3A_160 : i32 to index
      %swap3A_407 = arith.constant 432 : index
      %swap3A_408 = tpu.vector_load %arg8[%swap3A_406, %swap3A_407] {strides = array<i32>} : memref<64x768xf32, #tpu.memory_space<vmem>>, vector<1x16xf32>,
      %swap3A_409 = vector.shape_cast %swap3A_408 : vector<1x16xf32> to vector<16xf32>
      %swap3A_410 = vector.shape_cast %get3A_405 : vector<16xf32> to vector<1x16xf32>
      tpu.vector_store %arg8[%swap3A_406, %swap3A_407], %swap3A_410 {add = true, strides = array<i32>} : memref<64x768xf32, #tpu.memory_space<vmem>>, vector<1x16xf32>,
      %get3A_411 = arith.index_cast %scan3A_160 : i32 to index
      %get3A_412 = arith.constant 448 : index
      %get3A_413 = tpu.vector_load %arg9[%get3A_411, %get3A_412] {strides = array<i32>} : memref<64x768xf32, #tpu.memory_space<vmem>>, vector<1x16xf32>,
      %get3A_414 = vector.shape_cast %get3A_413 : vector<1x16xf32> to vector<16xf32>
      %swap3A_415 = arith.index_cast %scan3A_160 : i32 to index
      %swap3A_416 = arith.constant 448 : index
      %swap3A_417 = tpu.vector_load %arg8[%swap3A_415, %swap3A_416] {strides = array<i32>} : memref<64x768xf32, #tpu.memory_space<vmem>>, vector<1x16xf32>,
      %swap3A_418 = vector.shape_cast %swap3A_417 : vector<1x16xf32> to vector<16xf32>
      %swap3A_419 = vector.shape_cast %get3A_414 : vector<16xf32> to vector<1x16xf32>
      tpu.vector_store %arg8[%swap3A_415, %swap3A_416], %swap3A_419 {add = true, strides = array<i32>} : memref<64x768xf32, #tpu.memory_space<vmem>>, vector<1x16xf32>,
      %get3A_420 = arith.index_cast %scan3A_160 : i32 to index
      %get3A_421 = arith.constant 464 : index
      %get3A_422 = tpu.vector_load %arg9[%get3A_420, %get3A_421] {strides = array<i32>} : memref<64x768xf32, #tpu.memory_space<vmem>>, vector<1x16xf32>,
      %get3A_423 = vector.shape_cast %get3A_422 : vector<1x16xf32> to vector<16xf32>
      %swap3A_424 = arith.index_cast %scan3A_160 : i32 to index
      %swap3A_425 = arith.constant 464 : index
      %swap3A_426 = tpu.vector_load %arg8[%swap3A_424, %swap3A_425] {strides = array<i32>} : memref<64x768xf32, #tpu.memory_space<vmem>>, vector<1x16xf32>,
      %swap3A_427 = vector.shape_cast %swap3A_426 : vector<1x16xf32> to vector<16xf32>
      %swap3A_428 = vector.shape_cast %get3A_423 : vector<16xf32> to vector<1x16xf32>
      tpu.vector_store %arg8[%swap3A_424, %swap3A_425], %swap3A_428 {add = true, strides = array<i32>} : memref<64x768xf32, #tpu.memory_space<vmem>>, vector<1x16xf32>,
      %get3A_429 = arith.index_cast %scan3A_160 : i32 to index
      %get3A_430 = arith.constant 480 : index
      %get3A_431 = tpu.vector_load %arg9[%get3A_429, %get3A_430] {strides = array<i32>} : memref<64x768xf32, #tpu.memory_space<vmem>>, vector<1x16xf32>,
      %get3A_432 = vector.shape_cast %get3A_431 : vector<1x16xf32> to vector<16xf32>
      %swap3A_433 = arith.index_cast %scan3A_160 : i32 to index
      %swap3A_434 = arith.constant 480 : index
      %swap3A_435 = tpu.vector_load %arg8[%swap3A_433, %swap3A_434] {strides = array<i32>} : memref<64x768xf32, #tpu.memory_space<vmem>>, vector<1x16xf32>,
      %swap3A_436 = vector.shape_cast %swap3A_435 : vector<1x16xf32> to vector<16xf32>
      %swap3A_437 = vector.shape_cast %get3A_432 : vector<16xf32> to vector<1x16xf32>
      tpu.vector_store %arg8[%swap3A_433, %swap3A_434], %swap3A_437 {add = true, strides = array<i32>} : memref<64x768xf32, #tpu.memory_space<vmem>>, vector<1x16xf32>,
      %get3A_438 = arith.index_cast %scan3A_160 : i32 to index
      %get3A_439 = arith.constant 496 : index
      %get3A_440 = tpu.vector_load %arg9[%get3A_438, %get3A_439] {strides = array<i32>} : memref<64x768xf32, #tpu.memory_space<vmem>>, vector<1x16xf32>,
      %get3A_441 = vector.shape_cast %get3A_440 : vector<1x16xf32> to vector<16xf32>
      %swap3A_442 = arith.index_cast %scan3A_160 : i32 to index
      %swap3A_443 = arith.constant 496 : index
      %swap3A_444 = tpu.vector_load %arg8[%swap3A_442, %swap3A_443] {strides = array<i32>} : memref<64x768xf32, #tpu.memory_space<vmem>>, vector<1x16xf32>,
      %swap3A_445 = vector.shape_cast %swap3A_444 : vector<1x16xf32> to vector<16xf32>
      %swap3A_446 = vector.shape_cast %get3A_441 : vector<16xf32> to vector<1x16xf32>
      tpu.vector_store %arg8[%swap3A_442, %swap3A_443], %swap3A_446 {add = true, strides = array<i32>} : memref<64x768xf32, #tpu.memory_space<vmem>>, vector<1x16xf32>,
      %get3A_447 = arith.index_cast %scan3A_160 : i32 to index
      %get3A_448 = arith.constant 512 : index
      %get3A_449 = tpu.vector_load %arg9[%get3A_447, %get3A_448] {strides = array<i32>} : memref<64x768xf32, #tpu.memory_space<vmem>>, vector<1x16xf32>,
      %get3A_450 = vector.shape_cast %get3A_449 : vector<1x16xf32> to vector<16xf32>
      %swap3A_451 = arith.index_cast %scan3A_160 : i32 to index
      %swap3A_452 = arith.constant 512 : index
      %swap3A_453 = tpu.vector_load %arg8[%swap3A_451, %swap3A_452] {strides = array<i32>} : memref<64x768xf32, #tpu.memory_space<vmem>>, vector<1x16xf32>,
      %swap3A_454 = vector.shape_cast %swap3A_453 : vector<1x16xf32> to vector<16xf32>
      %swap3A_455 = vector.shape_cast %get3A_450 : vector<16xf32> to vector<1x16xf32>
      tpu.vector_store %arg8[%swap3A_451, %swap3A_452], %swap3A_455 {add = true, strides = array<i32>} : memref<64x768xf32, #tpu.memory_space<vmem>>, vector<1x16xf32>,
      %get3A_456 = arith.index_cast %scan3A_160 : i32 to index
      %get3A_457 = arith.constant 528 : index
      %get3A_458 = tpu.vector_load %arg9[%get3A_456, %get3A_457] {strides = array<i32>} : memref<64x768xf32, #tpu.memory_space<vmem>>, vector<1x16xf32>,
      %get3A_459 = vector.shape_cast %get3A_458 : vector<1x16xf32> to vector<16xf32>
      %swap3A_460 = arith.index_cast %scan3A_160 : i32 to index
      %swap3A_461 = arith.constant 528 : index
      %swap3A_462 = tpu.vector_load %arg8[%swap3A_460, %swap3A_461] {strides = array<i32>} : memref<64x768xf32, #tpu.memory_space<vmem>>, vector<1x16xf32>,
      %swap3A_463 = vector.shape_cast %swap3A_462 : vector<1x16xf32> to vector<16xf32>
      %swap3A_464 = vector.shape_cast %get3A_459 : vector<16xf32> to vector<1x16xf32>
      tpu.vector_store %arg8[%swap3A_460, %swap3A_461], %swap3A_464 {add = true, strides = array<i32>} : memref<64x768xf32, #tpu.memory_space<vmem>>, vector<1x16xf32>,
      %get3A_465 = arith.index_cast %scan3A_160 : i32 to index
      %get3A_466 = arith.constant 544 : index
      %get3A_467 = tpu.vector_load %arg9[%get3A_465, %get3A_466] {strides = array<i32>} : memref<64x768xf32, #tpu.memory_space<vmem>>, vector<1x16xf32>,
      %get3A_468 = vector.shape_cast %get3A_467 : vector<1x16xf32> to vector<16xf32>
      %swap3A_469 = arith.index_cast %scan3A_160 : i32 to index
      %swap3A_470 = arith.constant 544 : index
      %swap3A_471 = tpu.vector_load %arg8[%swap3A_469, %swap3A_470] {strides = array<i32>} : memref<64x768xf32, #tpu.memory_space<vmem>>, vector<1x16xf32>,
      %swap3A_472 = vector.shape_cast %swap3A_471 : vector<1x16xf32> to vector<16xf32>
      %swap3A_473 = vector.shape_cast %get3A_468 : vector<16xf32> to vector<1x16xf32>
      tpu.vector_store %arg8[%swap3A_469, %swap3A_470], %swap3A_473 {add = true, strides = array<i32>} : memref<64x768xf32, #tpu.memory_space<vmem>>, vector<1x16xf32>,
      %get3A_474 = arith.index_cast %scan3A_160 : i32 to index
      %get3A_475 = arith.constant 560 : index
      %get3A_476 = tpu.vector_load %arg9[%get3A_474, %get3A_475] {strides = array<i32>} : memref<64x768xf32, #tpu.memory_space<vmem>>, vector<1x16xf32>,
      %get3A_477 = vector.shape_cast %get3A_476 : vector<1x16xf32> to vector<16xf32>
      %swap3A_478 = arith.index_cast %scan3A_160 : i32 to index
      %swap3A_479 = arith.constant 560 : index
      %swap3A_480 = tpu.vector_load %arg8[%swap3A_478, %swap3A_479] {strides = array<i32>} : memref<64x768xf32, #tpu.memory_space<vmem>>, vector<1x16xf32>,
      %swap3A_481 = vector.shape_cast %swap3A_480 : vector<1x16xf32> to vector<16xf32>
      %swap3A_482 = vector.shape_cast %get3A_477 : vector<16xf32> to vector<1x16xf32>
      tpu.vector_store %arg8[%swap3A_478, %swap3A_479], %swap3A_482 {add = true, strides = array<i32>} : memref<64x768xf32, #tpu.memory_space<vmem>>, vector<1x16xf32>,
      %get3A_483 = arith.index_cast %scan3A_160 : i32 to index
      %get3A_484 = arith.constant 576 : index
      %get3A_485 = tpu.vector_load %arg9[%get3A_483, %get3A_484] {strides = array<i32>} : memref<64x768xf32, #tpu.memory_space<vmem>>, vector<1x16xf32>,
      %get3A_486 = vector.shape_cast %get3A_485 : vector<1x16xf32> to vector<16xf32>
      %swap3A_487 = arith.index_cast %scan3A_160 : i32 to index
      %swap3A_488 = arith.constant 576 : index
      %swap3A_489 = tpu.vector_load %arg8[%swap3A_487, %swap3A_488] {strides = array<i32>} : memref<64x768xf32, #tpu.memory_space<vmem>>, vector<1x16xf32>,
      %swap3A_490 = vector.shape_cast %swap3A_489 : vector<1x16xf32> to vector<16xf32>
      %swap3A_491 = vector.shape_cast %get3A_486 : vector<16xf32> to vector<1x16xf32>
      tpu.vector_store %arg8[%swap3A_487, %swap3A_488], %swap3A_491 {add = true, strides = array<i32>} : memref<64x768xf32, #tpu.memory_space<vmem>>, vector<1x16xf32>,
      %get3A_492 = arith.index_cast %scan3A_160 : i32 to index
      %get3A_493 = arith.constant 592 : index
      %get3A_494 = tpu.vector_load %arg9[%get3A_492, %get3A_493] {strides = array<i32>} : memref<64x768xf32, #tpu.memory_space<vmem>>, vector<1x16xf32>,
      %get3A_495 = vector.shape_cast %get3A_494 : vector<1x16xf32> to vector<16xf32>
      %swap3A_496 = arith.index_cast %scan3A_160 : i32 to index
      %swap3A_497 = arith.constant 592 : index
      %swap3A_498 = tpu.vector_load %arg8[%swap3A_496, %swap3A_497] {strides = array<i32>} : memref<64x768xf32, #tpu.memory_space<vmem>>, vector<1x16xf32>,
      %swap3A_499 = vector.shape_cast %swap3A_498 : vector<1x16xf32> to vector<16xf32>
      %swap3A_500 = vector.shape_cast %get3A_495 : vector<16xf32> to vector<1x16xf32>
      tpu.vector_store %arg8[%swap3A_496, %swap3A_497], %swap3A_500 {add = true, strides = array<i32>} : memref<64x768xf32, #tpu.memory_space<vmem>>, vector<1x16xf32>,
      %get3A_501 = arith.index_cast %scan3A_160 : i32 to index
      %get3A_502 = arith.constant 608 : index
      %get3A_503 = tpu.vector_load %arg9[%get3A_501, %get3A_502] {strides = array<i32>} : memref<64x768xf32, #tpu.memory_space<vmem>>, vector<1x16xf32>,
      %get3A_504 = vector.shape_cast %get3A_503 : vector<1x16xf32> to vector<16xf32>
      %swap3A_505 = arith.index_cast %scan3A_160 : i32 to index
      %swap3A_506 = arith.constant 608 : index
      %swap3A_507 = tpu.vector_load %arg8[%swap3A_505, %swap3A_506] {strides = array<i32>} : memref<64x768xf32, #tpu.memory_space<vmem>>, vector<1x16xf32>,
      %swap3A_508 = vector.shape_cast %swap3A_507 : vector<1x16xf32> to vector<16xf32>
      %swap3A_509 = vector.shape_cast %get3A_504 : vector<16xf32> to vector<1x16xf32>
      tpu.vector_store %arg8[%swap3A_505, %swap3A_506], %swap3A_509 {add = true, strides = array<i32>} : memref<64x768xf32, #tpu.memory_space<vmem>>, vector<1x16xf32>,
      %get3A_510 = arith.index_cast %scan3A_160 : i32 to index
      %get3A_511 = arith.constant 624 : index
      %get3A_512 = tpu.vector_load %arg9[%get3A_510, %get3A_511] {strides = array<i32>} : memref<64x768xf32, #tpu.memory_space<vmem>>, vector<1x16xf32>,
      %get3A_513 = vector.shape_cast %get3A_512 : vector<1x16xf32> to vector<16xf32>
      %swap3A_514 = arith.index_cast %scan3A_160 : i32 to index
      %swap3A_515 = arith.constant 624 : index
      %swap3A_516 = tpu.vector_load %arg8[%swap3A_514, %swap3A_515] {strides = array<i32>} : memref<64x768xf32, #tpu.memory_space<vmem>>, vector<1x16xf32>,
      %swap3A_517 = vector.shape_cast %swap3A_516 : vector<1x16xf32> to vector<16xf32>
      %swap3A_518 = vector.shape_cast %get3A_513 : vector<16xf32> to vector<1x16xf32>
      tpu.vector_store %arg8[%swap3A_514, %swap3A_515], %swap3A_518 {add = true, strides = array<i32>} : memref<64x768xf32, #tpu.memory_space<vmem>>, vector<1x16xf32>,
      %get3A_519 = arith.index_cast %scan3A_160 : i32 to index
      %get3A_520 = arith.constant 640 : index
      %get3A_521 = tpu.vector_load %arg9[%get3A_519, %get3A_520] {strides = array<i32>} : memref<64x768xf32, #tpu.memory_space<vmem>>, vector<1x16xf32>,
      %get3A_522 = vector.shape_cast %get3A_521 : vector<1x16xf32> to vector<16xf32>
      %swap3A_523 = arith.index_cast %scan3A_160 : i32 to index
      %swap3A_524 = arith.constant 640 : index
      %swap3A_525 = tpu.vector_load %arg8[%swap3A_523, %swap3A_524] {strides = array<i32>} : memref<64x768xf32, #tpu.memory_space<vmem>>, vector<1x16xf32>,
      %swap3A_526 = vector.shape_cast %swap3A_525 : vector<1x16xf32> to vector<16xf32>
      %swap3A_527 = vector.shape_cast %get3A_522 : vector<16xf32> to vector<1x16xf32>
      tpu.vector_store %arg8[%swap3A_523, %swap3A_524], %swap3A_527 {add = true, strides = array<i32>} : memref<64x768xf32, #tpu.memory_space<vmem>>, vector<1x16xf32>,
      %get3A_528 = arith.index_cast %scan3A_160 : i32 to index
      %get3A_529 = arith.constant 656 : index
      %get3A_530 = tpu.vector_load %arg9[%get3A_528, %get3A_529] {strides = array<i32>} : memref<64x768xf32, #tpu.memory_space<vmem>>, vector<1x16xf32>,
      %get3A_531 = vector.shape_cast %get3A_530 : vector<1x16xf32> to vector<16xf32>
      %swap3A_532 = arith.index_cast %scan3A_160 : i32 to index
      %swap3A_533 = arith.constant 656 : index
      %swap3A_534 = tpu.vector_load %arg8[%swap3A_532, %swap3A_533] {strides = array<i32>} : memref<64x768xf32, #tpu.memory_space<vmem>>, vector<1x16xf32>,
      %swap3A_535 = vector.shape_cast %swap3A_534 : vector<1x16xf32> to vector<16xf32>
      %swap3A_536 = vector.shape_cast %get3A_531 : vector<16xf32> to vector<1x16xf32>
      tpu.vector_store %arg8[%swap3A_532, %swap3A_533], %swap3A_536 {add = true, strides = array<i32>} : memref<64x768xf32, #tpu.memory_space<vmem>>, vector<1x16xf32>,
      %get3A_537 = arith.index_cast %scan3A_160 : i32 to index
      %get3A_538 = arith.constant 672 : index
      %get3A_539 = tpu.vector_load %arg9[%get3A_537, %get3A_538] {strides = array<i32>} : memref<64x768xf32, #tpu.memory_space<vmem>>, vector<1x16xf32>,
      %get3A_540 = vector.shape_cast %get3A_539 : vector<1x16xf32> to vector<16xf32>
      %swap3A_541 = arith.index_cast %scan3A_160 : i32 to index
      %swap3A_542 = arith.constant 672 : index
      %swap3A_543 = tpu.vector_load %arg8[%swap3A_541, %swap3A_542] {strides = array<i32>} : memref<64x768xf32, #tpu.memory_space<vmem>>, vector<1x16xf32>,
      %swap3A_544 = vector.shape_cast %swap3A_543 : vector<1x16xf32> to vector<16xf32>
      %swap3A_545 = vector.shape_cast %get3A_540 : vector<16xf32> to vector<1x16xf32>
      tpu.vector_store %arg8[%swap3A_541, %swap3A_542], %swap3A_545 {add = true, strides = array<i32>} : memref<64x768xf32, #tpu.memory_space<vmem>>, vector<1x16xf32>,
      %get3A_546 = arith.index_cast %scan3A_160 : i32 to index
      %get3A_547 = arith.constant 688 : index
      %get3A_548 = tpu.vector_load %arg9[%get3A_546, %get3A_547] {strides = array<i32>} : memref<64x768xf32, #tpu.memory_space<vmem>>, vector<1x16xf32>,
      %get3A_549 = vector.shape_cast %get3A_548 : vector<1x16xf32> to vector<16xf32>
      %swap3A_550 = arith.index_cast %scan3A_160 : i32 to index
      %swap3A_551 = arith.constant 688 : index
      %swap3A_552 = tpu.vector_load %arg8[%swap3A_550, %swap3A_551] {strides = array<i32>} : memref<64x768xf32, #tpu.memory_space<vmem>>, vector<1x16xf32>,
      %swap3A_553 = vector.shape_cast %swap3A_552 : vector<1x16xf32> to vector<16xf32>
      %swap3A_554 = vector.shape_cast %get3A_549 : vector<16xf32> to vector<1x16xf32>
      tpu.vector_store %arg8[%swap3A_550, %swap3A_551], %swap3A_554 {add = true, strides = array<i32>} : memref<64x768xf32, #tpu.memory_space<vmem>>, vector<1x16xf32>,
      %get3A_555 = arith.index_cast %scan3A_160 : i32 to index
      %get3A_556 = arith.constant 704 : index
      %get3A_557 = tpu.vector_load %arg9[%get3A_555, %get3A_556] {strides = array<i32>} : memref<64x768xf32, #tpu.memory_space<vmem>>, vector<1x16xf32>,
      %get3A_558 = vector.shape_cast %get3A_557 : vector<1x16xf32> to vector<16xf32>
      %swap3A_559 = arith.index_cast %scan3A_160 : i32 to index
      %swap3A_560 = arith.constant 704 : index
      %swap3A_561 = tpu.vector_load %arg8[%swap3A_559, %swap3A_560] {strides = array<i32>} : memref<64x768xf32, #tpu.memory_space<vmem>>, vector<1x16xf32>,
      %swap3A_562 = vector.shape_cast %swap3A_561 : vector<1x16xf32> to vector<16xf32>
      %swap3A_563 = vector.shape_cast %get3A_558 : vector<16xf32> to vector<1x16xf32>
      tpu.vector_store %arg8[%swap3A_559, %swap3A_560], %swap3A_563 {add = true, strides = array<i32>} : memref<64x768xf32, #tpu.memory_space<vmem>>, vector<1x16xf32>,
      %get3A_564 = arith.index_cast %scan3A_160 : i32 to index
      %get3A_565 = arith.constant 720 : index
      %get3A_566 = tpu.vector_load %arg9[%get3A_564, %get3A_565] {strides = array<i32>} : memref<64x768xf32, #tpu.memory_space<vmem>>, vector<1x16xf32>,
      %get3A_567 = vector.shape_cast %get3A_566 : vector<1x16xf32> to vector<16xf32>
      %swap3A_568 = arith.index_cast %scan3A_160 : i32 to index
      %swap3A_569 = arith.constant 720 : index
      %swap3A_570 = tpu.vector_load %arg8[%swap3A_568, %swap3A_569] {strides = array<i32>} : memref<64x768xf32, #tpu.memory_space<vmem>>, vector<1x16xf32>,
      %swap3A_571 = vector.shape_cast %swap3A_570 : vector<1x16xf32> to vector<16xf32>
      %swap3A_572 = vector.shape_cast %get3A_567 : vector<16xf32> to vector<1x16xf32>
      tpu.vector_store %arg8[%swap3A_568, %swap3A_569], %swap3A_572 {add = true, strides = array<i32>} : memref<64x768xf32, #tpu.memory_space<vmem>>, vector<1x16xf32>,
      %get3A_573 = arith.index_cast %scan3A_160 : i32 to index
      %get3A_574 = arith.constant 736 : index
      %get3A_575 = tpu.vector_load %arg9[%get3A_573, %get3A_574] {strides = array<i32>} : memref<64x768xf32, #tpu.memory_space<vmem>>, vector<1x16xf32>,
      %get3A_576 = vector.shape_cast %get3A_575 : vector<1x16xf32> to vector<16xf32>
      %swap3A_577 = arith.index_cast %scan3A_160 : i32 to index
      %swap3A_578 = arith.constant 736 : index
      %swap3A_579 = tpu.vector_load %arg8[%swap3A_577, %swap3A_578] {strides = array<i32>} : memref<64x768xf32, #tpu.memory_space<vmem>>, vector<1x16xf32>,
      %swap3A_580 = vector.shape_cast %swap3A_579 : vector<1x16xf32> to vector<16xf32>
      %swap3A_581 = vector.shape_cast %get3A_576 : vector<16xf32> to vector<1x16xf32>
      tpu.vector_store %arg8[%swap3A_577, %swap3A_578], %swap3A_581 {add = true, strides = array<i32>} : memref<64x768xf32, #tpu.memory_space<vmem>>, vector<1x16xf32>,
      %get3A_582 = arith.index_cast %scan3A_160 : i32 to index
      %get3A_583 = arith.constant 752 : index
      %get3A_584 = tpu.vector_load %arg9[%get3A_582, %get3A_583] {strides = array<i32>} : memref<64x768xf32, #tpu.memory_space<vmem>>, vector<1x16xf32>,
      %get3A_585 = vector.shape_cast %get3A_584 : vector<1x16xf32> to vector<16xf32>
      %swap3A_586 = arith.index_cast %scan3A_160 : i32 to index
      %swap3A_587 = arith.constant 752 : index
      %swap3A_588 = tpu.vector_load %arg8[%swap3A_586, %swap3A_587] {strides = array<i32>} : memref<64x768xf32, #tpu.memory_space<vmem>>, vector<1x16xf32>,
      %swap3A_589 = vector.shape_cast %swap3A_588 : vector<1x16xf32> to vector<16xf32>
      %swap3A_590 = vector.shape_cast %get3A_585 : vector<16xf32> to vector<1x16xf32>
      tpu.vector_store %arg8[%swap3A_586, %swap3A_587], %swap3A_590 {add = true, strides = array<i32>} : memref<64x768xf32, #tpu.memory_space<vmem>>, vector<1x16xf32>,
    }
    %scan3A_99 = arith.constant 16 : i32
    %dma_start3A_100 = arith.constant 48 : i32
    %dma_start3A_101 = arith.constant 0 : i32
    %dma_start3A_102 = tpu.memref_slice %arg8[%dma_start3A_100, %dma_start3A_101] : memref<64x768xf32, #tpu.memory_space<vmem>> -> memref<16x768xf32, #tpu.memory_space<vmem>>
    %dma_start3A_103 = arith.constant 48 : i32
    %dma_start3A_104 = tpu.memref_slice %arg6[%dma_start3A_103] : memref<64xi32, #tpu.memory_space<vmem>> -> memref<16xi32, #tpu.memory_space<vmem>>
    %dma_start3A_105 = arith.constant 0 : i32
    %dma_start3A_106 = arith.constant 0 : i32
    %dma_start3A_107 = tpu.memref_slice %arg2[%dma_start3A_105, %dma_start3A_106] : memref<5120x768xf32, #tpu.memory_space<hbm>> -> memref<5120x768xf32, #tpu.memory_space<hbm>>
    tpu.enqueue_indirect_dma source(%dma_start3A_107 : memref<5120x768xf32, #tpu.memory_space<hbm>>) target(%dma_start3A_102 : memref<16x768xf32, #tpu.memory_space<vmem>>) offsets(%dma_start3A_104 : memref<16xi32, #tpu.memory_space<vmem>>) semaphore(%arg12 : memref<!tpu.dma_semaphore, #tpu.memory_space<semaphore_mem>>)
    %dma_start3A_108 = arith.constant 48 : i32
    %dma_start3A_109 = arith.constant 0 : i32
    %dma_start3A_110 = tpu.memref_slice %arg9[%dma_start3A_108, %dma_start3A_109] : memref<64x768xf32, #tpu.memory_space<vmem>> -> memref<16x768xf32, #tpu.memory_space<vmem>>
    %dma_start3A_111 = arith.constant 48 : i32
    %dma_start3A_112 = tpu.memref_slice %arg7[%dma_start3A_111] : memref<64xi32, #tpu.memory_space<vmem>> -> memref<16xi32, #tpu.memory_space<vmem>>
    %dma_start3A_113 = arith.constant 0 : i32
    %dma_start3A_114 = arith.constant 0 : i32
    %dma_start3A_115 = tpu.memref_slice %arg2[%dma_start3A_113, %dma_start3A_114] : memref<5120x768xf32, #tpu.memory_space<hbm>> -> memref<5120x768xf32, #tpu.memory_space<hbm>>
    tpu.enqueue_indirect_dma source(%dma_start3A_115 : memref<5120x768xf32, #tpu.memory_space<hbm>>) target(%dma_start3A_110 : memref<16x768xf32, #tpu.memory_space<vmem>>) offsets(%dma_start3A_112 : memref<16xi32, #tpu.memory_space<vmem>>) semaphore(%arg13 : memref<!tpu.dma_semaphore, #tpu.memory_space<semaphore_mem>>)
    %dma_wait3A_116 = arith.constant 32 : i32
    %dma_wait3A_117 = arith.constant 0 : i32
    %dma_wait3A_118 = tpu.memref_slice %arg8[%dma_wait3A_116, %dma_wait3A_117] : memref<64x768xf32, #tpu.memory_space<vmem>> -> memref<16x768xf32, #tpu.memory_space<vmem>>
    %dma_wait3A_119 = arith.constant 32 : i32
    %dma_wait3A_120 = tpu.memref_slice %arg6[%dma_wait3A_119] : memref<64xi32, #tpu.memory_space<vmem>> -> memref<16xi32, #tpu.memory_space<vmem>>
    %dma_wait3A_121 = arith.constant 0 : i32
    %dma_wait3A_122 = arith.constant 0 : i32
    %dma_wait3A_123 = tpu.memref_slice %arg2[%dma_wait3A_121, %dma_wait3A_122] : memref<5120x768xf32, #tpu.memory_space<hbm>> -> memref<5120x768xf32, #tpu.memory_space<hbm>>
    tpu.wait_indirect_dma semaphore(%arg10 : memref<!tpu.dma_semaphore, #tpu.memory_space<semaphore_mem>>) src(%dma_wait3A_123 : memref<5120x768xf32, #tpu.memory_space<hbm>>) dst(%dma_wait3A_118 : memref<16x768xf32, #tpu.memory_space<vmem>>)
    %dma_wait3A_124 = arith.constant 32 : i32
    %dma_wait3A_125 = arith.constant 0 : i32
    %dma_wait3A_126 = tpu.memref_slice %arg9[%dma_wait3A_124, %dma_wait3A_125] : memref<64x768xf32, #tpu.memory_space<vmem>> -> memref<16x768xf32, #tpu.memory_space<vmem>>
    %dma_wait3A_127 = arith.constant 32 : i32
    %dma_wait3A_128 = tpu.memref_slice %arg7[%dma_wait3A_127] : memref<64xi32, #tpu.memory_space<vmem>> -> memref<16xi32, #tpu.memory_space<vmem>>
    %dma_wait3A_129 = arith.constant 0 : i32
    %dma_wait3A_130 = arith.constant 0 : i32
    %dma_wait3A_131 = tpu.memref_slice %arg2[%dma_wait3A_129, %dma_wait3A_130] : memref<5120x768xf32, #tpu.memory_space<hbm>> -> memref<5120x768xf32, #tpu.memory_space<hbm>>
    tpu.wait_indirect_dma semaphore(%arg11 : memref<!tpu.dma_semaphore, #tpu.memory_space<semaphore_mem>>) src(%dma_wait3A_131 : memref<5120x768xf32, #tpu.memory_space<hbm>>) dst(%dma_wait3A_126 : memref<16x768xf32, #tpu.memory_space<vmem>>)
    %scan3A_132 = arith.constant 0 : i32
    %scan3A_133 = arith.constant 32 : i32
    %scan3A_134 = arith.constant 16 : i32
    %scan3A_135 = arith.addi %scan3A_133, %scan3A_134 : i32
    %scan3A_136 = arith.constant 1 : i32
    scf.for %scan3A_160 = %scan3A_133 to %scan3A_135 step %scan3A_136  : i32 {
      %get3A = arith.index_cast %scan3A_160 : i32 to index
      %get3A_161 = arith.constant 0 : index
      %get3A_162 = tpu.vector_load %arg9[%get3A, %get3A_161] {strides = array<i32>} : memref<64x768xf32, #tpu.memory_space<vmem>>, vector<1x16xf32>,
      %get3A_163 = vector.shape_cast %get3A_162 : vector<1x16xf32> to vector<16xf32>
      %swap3A = arith.index_cast %scan3A_160 : i32 to index
      %swap3A_164 = arith.constant 0 : index
      %swap3A_165 = tpu.vector_load %arg8[%swap3A, %swap3A_164] {strides = array<i32>} : memref<64x768xf32, #tpu.memory_space<vmem>>, vector<1x16xf32>,
      %swap3A_166 = vector.shape_cast %swap3A_165 : vector<1x16xf32> to vector<16xf32>
      %swap3A_167 = vector.shape_cast %get3A_163 : vector<16xf32> to vector<1x16xf32>
      tpu.vector_store %arg8[%swap3A, %swap3A_164], %swap3A_167 {add = true, strides = array<i32>} : memref<64x768xf32, #tpu.memory_space<vmem>>, vector<1x16xf32>,
      %get3A_168 = arith.index_cast %scan3A_160 : i32 to index
      %get3A_169 = arith.constant 16 : index
      %get3A_170 = tpu.vector_load %arg9[%get3A_168, %get3A_169] {strides = array<i32>} : memref<64x768xf32, #tpu.memory_space<vmem>>, vector<1x16xf32>,
      %get3A_171 = vector.shape_cast %get3A_170 : vector<1x16xf32> to vector<16xf32>
      %swap3A_172 = arith.index_cast %scan3A_160 : i32 to index
      %swap3A_173 = arith.constant 16 : index
      %swap3A_174 = tpu.vector_load %arg8[%swap3A_172, %swap3A_173] {strides = array<i32>} : memref<64x768xf32, #tpu.memory_space<vmem>>, vector<1x16xf32>,
      %swap3A_175 = vector.shape_cast %swap3A_174 : vector<1x16xf32> to vector<16xf32>
      %swap3A_176 = vector.shape_cast %get3A_171 : vector<16xf32> to vector<1x16xf32>
      tpu.vector_store %arg8[%swap3A_172, %swap3A_173], %swap3A_176 {add = true, strides = array<i32>} : memref<64x768xf32, #tpu.memory_space<vmem>>, vector<1x16xf32>,
      %get3A_177 = arith.index_cast %scan3A_160 : i32 to index
      %get3A_178 = arith.constant 32 : index
      %get3A_179 = tpu.vector_load %arg9[%get3A_177, %get3A_178] {strides = array<i32>} : memref<64x768xf32, #tpu.memory_space<vmem>>, vector<1x16xf32>,
      %get3A_180 = vector.shape_cast %get3A_179 : vector<1x16xf32> to vector<16xf32>
      %swap3A_181 = arith.index_cast %scan3A_160 : i32 to index
      %swap3A_182 = arith.constant 32 : index
      %swap3A_183 = tpu.vector_load %arg8[%swap3A_181, %swap3A_182] {strides = array<i32>} : memref<64x768xf32, #tpu.memory_space<vmem>>, vector<1x16xf32>,
      %swap3A_184 = vector.shape_cast %swap3A_183 : vector<1x16xf32> to vector<16xf32>
      %swap3A_185 = vector.shape_cast %get3A_180 : vector<16xf32> to vector<1x16xf32>
      tpu.vector_store %arg8[%swap3A_181, %swap3A_182], %swap3A_185 {add = true, strides = array<i32>} : memref<64x768xf32, #tpu.memory_space<vmem>>, vector<1x16xf32>,
      %get3A_186 = arith.index_cast %scan3A_160 : i32 to index
      %get3A_187 = arith.constant 48 : index
      %get3A_188 = tpu.vector_load %arg9[%get3A_186, %get3A_187] {strides = array<i32>} : memref<64x768xf32, #tpu.memory_space<vmem>>, vector<1x16xf32>,
      %get3A_189 = vector.shape_cast %get3A_188 : vector<1x16xf32> to vector<16xf32>
      %swap3A_190 = arith.index_cast %scan3A_160 : i32 to index
      %swap3A_191 = arith.constant 48 : index
      %swap3A_192 = tpu.vector_load %arg8[%swap3A_190, %swap3A_191] {strides = array<i32>} : memref<64x768xf32, #tpu.memory_space<vmem>>, vector<1x16xf32>,
      %swap3A_193 = vector.shape_cast %swap3A_192 : vector<1x16xf32> to vector<16xf32>
      %swap3A_194 = vector.shape_cast %get3A_189 : vector<16xf32> to vector<1x16xf32>
      tpu.vector_store %arg8[%swap3A_190, %swap3A_191], %swap3A_194 {add = true, strides = array<i32>} : memref<64x768xf32, #tpu.memory_space<vmem>>, vector<1x16xf32>,
      %get3A_195 = arith.index_cast %scan3A_160 : i32 to index
      %get3A_196 = arith.constant 64 : index
      %get3A_197 = tpu.vector_load %arg9[%get3A_195, %get3A_196] {strides = array<i32>} : memref<64x768xf32, #tpu.memory_space<vmem>>, vector<1x16xf32>,
      %get3A_198 = vector.shape_cast %get3A_197 : vector<1x16xf32> to vector<16xf32>
      %swap3A_199 = arith.index_cast %scan3A_160 : i32 to index
      %swap3A_200 = arith.constant 64 : index
      %swap3A_201 = tpu.vector_load %arg8[%swap3A_199, %swap3A_200] {strides = array<i32>} : memref<64x768xf32, #tpu.memory_space<vmem>>, vector<1x16xf32>,
      %swap3A_202 = vector.shape_cast %swap3A_201 : vector<1x16xf32> to vector<16xf32>
      %swap3A_203 = vector.shape_cast %get3A_198 : vector<16xf32> to vector<1x16xf32>
      tpu.vector_store %arg8[%swap3A_199, %swap3A_200], %swap3A_203 {add = true, strides = array<i32>} : memref<64x768xf32, #tpu.memory_space<vmem>>, vector<1x16xf32>,
      %get3A_204 = arith.index_cast %scan3A_160 : i32 to index
      %get3A_205 = arith.constant 80 : index
      %get3A_206 = tpu.vector_load %arg9[%get3A_204, %get3A_205] {strides = array<i32>} : memref<64x768xf32, #tpu.memory_space<vmem>>, vector<1x16xf32>,
      %get3A_207 = vector.shape_cast %get3A_206 : vector<1x16xf32> to vector<16xf32>
      %swap3A_208 = arith.index_cast %scan3A_160 : i32 to index
      %swap3A_209 = arith.constant 80 : index
      %swap3A_210 = tpu.vector_load %arg8[%swap3A_208, %swap3A_209] {strides = array<i32>} : memref<64x768xf32, #tpu.memory_space<vmem>>, vector<1x16xf32>,
      %swap3A_211 = vector.shape_cast %swap3A_210 : vector<1x16xf32> to vector<16xf32>
      %swap3A_212 = vector.shape_cast %get3A_207 : vector<16xf32> to vector<1x16xf32>
      tpu.vector_store %arg8[%swap3A_208, %swap3A_209], %swap3A_212 {add = true, strides = array<i32>} : memref<64x768xf32, #tpu.memory_space<vmem>>, vector<1x16xf32>,
      %get3A_213 = arith.index_cast %scan3A_160 : i32 to index
      %get3A_214 = arith.constant 96 : index
      %get3A_215 = tpu.vector_load %arg9[%get3A_213, %get3A_214] {strides = array<i32>} : memref<64x768xf32, #tpu.memory_space<vmem>>, vector<1x16xf32>,
      %get3A_216 = vector.shape_cast %get3A_215 : vector<1x16xf32> to vector<16xf32>
      %swap3A_217 = arith.index_cast %scan3A_160 : i32 to index
      %swap3A_218 = arith.constant 96 : index
      %swap3A_219 = tpu.vector_load %arg8[%swap3A_217, %swap3A_218] {strides = array<i32>} : memref<64x768xf32, #tpu.memory_space<vmem>>, vector<1x16xf32>,
      %swap3A_220 = vector.shape_cast %swap3A_219 : vector<1x16xf32> to vector<16xf32>
      %swap3A_221 = vector.shape_cast %get3A_216 : vector<16xf32> to vector<1x16xf32>
      tpu.vector_store %arg8[%swap3A_217, %swap3A_218], %swap3A_221 {add = true, strides = array<i32>} : memref<64x768xf32, #tpu.memory_space<vmem>>, vector<1x16xf32>,
      %get3A_222 = arith.index_cast %scan3A_160 : i32 to index
      %get3A_223 = arith.constant 112 : index
      %get3A_224 = tpu.vector_load %arg9[%get3A_222, %get3A_223] {strides = array<i32>} : memref<64x768xf32, #tpu.memory_space<vmem>>, vector<1x16xf32>,
      %get3A_225 = vector.shape_cast %get3A_224 : vector<1x16xf32> to vector<16xf32>
      %swap3A_226 = arith.index_cast %scan3A_160 : i32 to index
      %swap3A_227 = arith.constant 112 : index
      %swap3A_228 = tpu.vector_load %arg8[%swap3A_226, %swap3A_227] {strides = array<i32>} : memref<64x768xf32, #tpu.memory_space<vmem>>, vector<1x16xf32>,
      %swap3A_229 = vector.shape_cast %swap3A_228 : vector<1x16xf32> to vector<16xf32>
      %swap3A_230 = vector.shape_cast %get3A_225 : vector<16xf32> to vector<1x16xf32>
      tpu.vector_store %arg8[%swap3A_226, %swap3A_227], %swap3A_230 {add = true, strides = array<i32>} : memref<64x768xf32, #tpu.memory_space<vmem>>, vector<1x16xf32>,
      %get3A_231 = arith.index_cast %scan3A_160 : i32 to index
      %get3A_232 = arith.constant 128 : index
      %get3A_233 = tpu.vector_load %arg9[%get3A_231, %get3A_232] {strides = array<i32>} : memref<64x768xf32, #tpu.memory_space<vmem>>, vector<1x16xf32>,
      %get3A_234 = vector.shape_cast %get3A_233 : vector<1x16xf32> to vector<16xf32>
      %swap3A_235 = arith.index_cast %scan3A_160 : i32 to index
      %swap3A_236 = arith.constant 128 : index
      %swap3A_237 = tpu.vector_load %arg8[%swap3A_235, %swap3A_236] {strides = array<i32>} : memref<64x768xf32, #tpu.memory_space<vmem>>, vector<1x16xf32>,
      %swap3A_238 = vector.shape_cast %swap3A_237 : vector<1x16xf32> to vector<16xf32>
      %swap3A_239 = vector.shape_cast %get3A_234 : vector<16xf32> to vector<1x16xf32>
      tpu.vector_store %arg8[%swap3A_235, %swap3A_236], %swap3A_239 {add = true, strides = array<i32>} : memref<64x768xf32, #tpu.memory_space<vmem>>, vector<1x16xf32>,
      %get3A_240 = arith.index_cast %scan3A_160 : i32 to index
      %get3A_241 = arith.constant 144 : index
      %get3A_242 = tpu.vector_load %arg9[%get3A_240, %get3A_241] {strides = array<i32>} : memref<64x768xf32, #tpu.memory_space<vmem>>, vector<1x16xf32>,
      %get3A_243 = vector.shape_cast %get3A_242 : vector<1x16xf32> to vector<16xf32>
      %swap3A_244 = arith.index_cast %scan3A_160 : i32 to index
      %swap3A_245 = arith.constant 144 : index
      %swap3A_246 = tpu.vector_load %arg8[%swap3A_244, %swap3A_245] {strides = array<i32>} : memref<64x768xf32, #tpu.memory_space<vmem>>, vector<1x16xf32>,
      %swap3A_247 = vector.shape_cast %swap3A_246 : vector<1x16xf32> to vector<16xf32>
      %swap3A_248 = vector.shape_cast %get3A_243 : vector<16xf32> to vector<1x16xf32>
      tpu.vector_store %arg8[%swap3A_244, %swap3A_245], %swap3A_248 {add = true, strides = array<i32>} : memref<64x768xf32, #tpu.memory_space<vmem>>, vector<1x16xf32>,
      %get3A_249 = arith.index_cast %scan3A_160 : i32 to index
      %get3A_250 = arith.constant 160 : index
      %get3A_251 = tpu.vector_load %arg9[%get3A_249, %get3A_250] {strides = array<i32>} : memref<64x768xf32, #tpu.memory_space<vmem>>, vector<1x16xf32>,
      %get3A_252 = vector.shape_cast %get3A_251 : vector<1x16xf32> to vector<16xf32>
      %swap3A_253 = arith.index_cast %scan3A_160 : i32 to index
      %swap3A_254 = arith.constant 160 : index
      %swap3A_255 = tpu.vector_load %arg8[%swap3A_253, %swap3A_254] {strides = array<i32>} : memref<64x768xf32, #tpu.memory_space<vmem>>, vector<1x16xf32>,
      %swap3A_256 = vector.shape_cast %swap3A_255 : vector<1x16xf32> to vector<16xf32>
      %swap3A_257 = vector.shape_cast %get3A_252 : vector<16xf32> to vector<1x16xf32>
      tpu.vector_store %arg8[%swap3A_253, %swap3A_254], %swap3A_257 {add = true, strides = array<i32>} : memref<64x768xf32, #tpu.memory_space<vmem>>, vector<1x16xf32>,
      %get3A_258 = arith.index_cast %scan3A_160 : i32 to index
      %get3A_259 = arith.constant 176 : index
      %get3A_260 = tpu.vector_load %arg9[%get3A_258, %get3A_259] {strides = array<i32>} : memref<64x768xf32, #tpu.memory_space<vmem>>, vector<1x16xf32>,
      %get3A_261 = vector.shape_cast %get3A_260 : vector<1x16xf32> to vector<16xf32>
      %swap3A_262 = arith.index_cast %scan3A_160 : i32 to index
      %swap3A_263 = arith.constant 176 : index
      %swap3A_264 = tpu.vector_load %arg8[%swap3A_262, %swap3A_263] {strides = array<i32>} : memref<64x768xf32, #tpu.memory_space<vmem>>, vector<1x16xf32>,
      %swap3A_265 = vector.shape_cast %swap3A_264 : vector<1x16xf32> to vector<16xf32>
      %swap3A_266 = vector.shape_cast %get3A_261 : vector<16xf32> to vector<1x16xf32>
      tpu.vector_store %arg8[%swap3A_262, %swap3A_263], %swap3A_266 {add = true, strides = array<i32>} : memref<64x768xf32, #tpu.memory_space<vmem>>, vector<1x16xf32>,
      %get3A_267 = arith.index_cast %scan3A_160 : i32 to index
      %get3A_268 = arith.constant 192 : index
      %get3A_269 = tpu.vector_load %arg9[%get3A_267, %get3A_268] {strides = array<i32>} : memref<64x768xf32, #tpu.memory_space<vmem>>, vector<1x16xf32>,
      %get3A_270 = vector.shape_cast %get3A_269 : vector<1x16xf32> to vector<16xf32>
      %swap3A_271 = arith.index_cast %scan3A_160 : i32 to index
      %swap3A_272 = arith.constant 192 : index
      %swap3A_273 = tpu.vector_load %arg8[%swap3A_271, %swap3A_272] {strides = array<i32>} : memref<64x768xf32, #tpu.memory_space<vmem>>, vector<1x16xf32>,
      %swap3A_274 = vector.shape_cast %swap3A_273 : vector<1x16xf32> to vector<16xf32>
      %swap3A_275 = vector.shape_cast %get3A_270 : vector<16xf32> to vector<1x16xf32>
      tpu.vector_store %arg8[%swap3A_271, %swap3A_272], %swap3A_275 {add = true, strides = array<i32>} : memref<64x768xf32, #tpu.memory_space<vmem>>, vector<1x16xf32>,
      %get3A_276 = arith.index_cast %scan3A_160 : i32 to index
      %get3A_277 = arith.constant 208 : index
      %get3A_278 = tpu.vector_load %arg9[%get3A_276, %get3A_277] {strides = array<i32>} : memref<64x768xf32, #tpu.memory_space<vmem>>, vector<1x16xf32>,
      %get3A_279 = vector.shape_cast %get3A_278 : vector<1x16xf32> to vector<16xf32>
      %swap3A_280 = arith.index_cast %scan3A_160 : i32 to index
      %swap3A_281 = arith.constant 208 : index
      %swap3A_282 = tpu.vector_load %arg8[%swap3A_280, %swap3A_281] {strides = array<i32>} : memref<64x768xf32, #tpu.memory_space<vmem>>, vector<1x16xf32>,
      %swap3A_283 = vector.shape_cast %swap3A_282 : vector<1x16xf32> to vector<16xf32>
      %swap3A_284 = vector.shape_cast %get3A_279 : vector<16xf32> to vector<1x16xf32>
      tpu.vector_store %arg8[%swap3A_280, %swap3A_281], %swap3A_284 {add = true, strides = array<i32>} : memref<64x768xf32, #tpu.memory_space<vmem>>, vector<1x16xf32>,
      %get3A_285 = arith.index_cast %scan3A_160 : i32 to index
      %get3A_286 = arith.constant 224 : index
      %get3A_287 = tpu.vector_load %arg9[%get3A_285, %get3A_286] {strides = array<i32>} : memref<64x768xf32, #tpu.memory_space<vmem>>, vector<1x16xf32>,
      %get3A_288 = vector.shape_cast %get3A_287 : vector<1x16xf32> to vector<16xf32>
      %swap3A_289 = arith.index_cast %scan3A_160 : i32 to index
      %swap3A_290 = arith.constant 224 : index
      %swap3A_291 = tpu.vector_load %arg8[%swap3A_289, %swap3A_290] {strides = array<i32>} : memref<64x768xf32, #tpu.memory_space<vmem>>, vector<1x16xf32>,
      %swap3A_292 = vector.shape_cast %swap3A_291 : vector<1x16xf32> to vector<16xf32>
      %swap3A_293 = vector.shape_cast %get3A_288 : vector<16xf32> to vector<1x16xf32>
      tpu.vector_store %arg8[%swap3A_289, %swap3A_290], %swap3A_293 {add = true, strides = array<i32>} : memref<64x768xf32, #tpu.memory_space<vmem>>, vector<1x16xf32>,
      %get3A_294 = arith.index_cast %scan3A_160 : i32 to index
      %get3A_295 = arith.constant 240 : index
      %get3A_296 = tpu.vector_load %arg9[%get3A_294, %get3A_295] {strides = array<i32>} : memref<64x768xf32, #tpu.memory_space<vmem>>, vector<1x16xf32>,
      %get3A_297 = vector.shape_cast %get3A_296 : vector<1x16xf32> to vector<16xf32>
      %swap3A_298 = arith.index_cast %scan3A_160 : i32 to index
      %swap3A_299 = arith.constant 240 : index
      %swap3A_300 = tpu.vector_load %arg8[%swap3A_298, %swap3A_299] {strides = array<i32>} : memref<64x768xf32, #tpu.memory_space<vmem>>, vector<1x16xf32>,
      %swap3A_301 = vector.shape_cast %swap3A_300 : vector<1x16xf32> to vector<16xf32>
      %swap3A_302 = vector.shape_cast %get3A_297 : vector<16xf32> to vector<1x16xf32>
      tpu.vector_store %arg8[%swap3A_298, %swap3A_299], %swap3A_302 {add = true, strides = array<i32>} : memref<64x768xf32, #tpu.memory_space<vmem>>, vector<1x16xf32>,
      %get3A_303 = arith.index_cast %scan3A_160 : i32 to index
      %get3A_304 = arith.constant 256 : index
      %get3A_305 = tpu.vector_load %arg9[%get3A_303, %get3A_304] {strides = array<i32>} : memref<64x768xf32, #tpu.memory_space<vmem>>, vector<1x16xf32>,
      %get3A_306 = vector.shape_cast %get3A_305 : vector<1x16xf32> to vector<16xf32>
      %swap3A_307 = arith.index_cast %scan3A_160 : i32 to index
      %swap3A_308 = arith.constant 256 : index
      %swap3A_309 = tpu.vector_load %arg8[%swap3A_307, %swap3A_308] {strides = array<i32>} : memref<64x768xf32, #tpu.memory_space<vmem>>, vector<1x16xf32>,
      %swap3A_310 = vector.shape_cast %swap3A_309 : vector<1x16xf32> to vector<16xf32>
      %swap3A_311 = vector.shape_cast %get3A_306 : vector<16xf32> to vector<1x16xf32>
      tpu.vector_store %arg8[%swap3A_307, %swap3A_308], %swap3A_311 {add = true, strides = array<i32>} : memref<64x768xf32, #tpu.memory_space<vmem>>, vector<1x16xf32>,
      %get3A_312 = arith.index_cast %scan3A_160 : i32 to index
      %get3A_313 = arith.constant 272 : index
      %get3A_314 = tpu.vector_load %arg9[%get3A_312, %get3A_313] {strides = array<i32>} : memref<64x768xf32, #tpu.memory_space<vmem>>, vector<1x16xf32>,
      %get3A_315 = vector.shape_cast %get3A_314 : vector<1x16xf32> to vector<16xf32>
      %swap3A_316 = arith.index_cast %scan3A_160 : i32 to index
      %swap3A_317 = arith.constant 272 : index
      %swap3A_318 = tpu.vector_load %arg8[%swap3A_316, %swap3A_317] {strides = array<i32>} : memref<64x768xf32, #tpu.memory_space<vmem>>, vector<1x16xf32>,
      %swap3A_319 = vector.shape_cast %swap3A_318 : vector<1x16xf32> to vector<16xf32>
      %swap3A_320 = vector.shape_cast %get3A_315 : vector<16xf32> to vector<1x16xf32>
      tpu.vector_store %arg8[%swap3A_316, %swap3A_317], %swap3A_320 {add = true, strides = array<i32>} : memref<64x768xf32, #tpu.memory_space<vmem>>, vector<1x16xf32>,
      %get3A_321 = arith.index_cast %scan3A_160 : i32 to index
      %get3A_322 = arith.constant 288 : index
      %get3A_323 = tpu.vector_load %arg9[%get3A_321, %get3A_322] {strides = array<i32>} : memref<64x768xf32, #tpu.memory_space<vmem>>, vector<1x16xf32>,
      %get3A_324 = vector.shape_cast %get3A_323 : vector<1x16xf32> to vector<16xf32>
      %swap3A_325 = arith.index_cast %scan3A_160 : i32 to index
      %swap3A_326 = arith.constant 288 : index
      %swap3A_327 = tpu.vector_load %arg8[%swap3A_325, %swap3A_326] {strides = array<i32>} : memref<64x768xf32, #tpu.memory_space<vmem>>, vector<1x16xf32>,
      %swap3A_328 = vector.shape_cast %swap3A_327 : vector<1x16xf32> to vector<16xf32>
      %swap3A_329 = vector.shape_cast %get3A_324 : vector<16xf32> to vector<1x16xf32>
      tpu.vector_store %arg8[%swap3A_325, %swap3A_326], %swap3A_329 {add = true, strides = array<i32>} : memref<64x768xf32, #tpu.memory_space<vmem>>, vector<1x16xf32>,
      %get3A_330 = arith.index_cast %scan3A_160 : i32 to index
      %get3A_331 = arith.constant 304 : index
      %get3A_332 = tpu.vector_load %arg9[%get3A_330, %get3A_331] {strides = array<i32>} : memref<64x768xf32, #tpu.memory_space<vmem>>, vector<1x16xf32>,
      %get3A_333 = vector.shape_cast %get3A_332 : vector<1x16xf32> to vector<16xf32>
      %swap3A_334 = arith.index_cast %scan3A_160 : i32 to index
      %swap3A_335 = arith.constant 304 : index
      %swap3A_336 = tpu.vector_load %arg8[%swap3A_334, %swap3A_335] {strides = array<i32>} : memref<64x768xf32, #tpu.memory_space<vmem>>, vector<1x16xf32>,
      %swap3A_337 = vector.shape_cast %swap3A_336 : vector<1x16xf32> to vector<16xf32>
      %swap3A_338 = vector.shape_cast %get3A_333 : vector<16xf32> to vector<1x16xf32>
      tpu.vector_store %arg8[%swap3A_334, %swap3A_335], %swap3A_338 {add = true, strides = array<i32>} : memref<64x768xf32, #tpu.memory_space<vmem>>, vector<1x16xf32>,
      %get3A_339 = arith.index_cast %scan3A_160 : i32 to index
      %get3A_340 = arith.constant 320 : index
      %get3A_341 = tpu.vector_load %arg9[%get3A_339, %get3A_340] {strides = array<i32>} : memref<64x768xf32, #tpu.memory_space<vmem>>, vector<1x16xf32>,
      %get3A_342 = vector.shape_cast %get3A_341 : vector<1x16xf32> to vector<16xf32>
      %swap3A_343 = arith.index_cast %scan3A_160 : i32 to index
      %swap3A_344 = arith.constant 320 : index
      %swap3A_345 = tpu.vector_load %arg8[%swap3A_343, %swap3A_344] {strides = array<i32>} : memref<64x768xf32, #tpu.memory_space<vmem>>, vector<1x16xf32>,
      %swap3A_346 = vector.shape_cast %swap3A_345 : vector<1x16xf32> to vector<16xf32>
      %swap3A_347 = vector.shape_cast %get3A_342 : vector<16xf32> to vector<1x16xf32>
      tpu.vector_store %arg8[%swap3A_343, %swap3A_344], %swap3A_347 {add = true, strides = array<i32>} : memref<64x768xf32, #tpu.memory_space<vmem>>, vector<1x16xf32>,
      %get3A_348 = arith.index_cast %scan3A_160 : i32 to index
      %get3A_349 = arith.constant 336 : index
      %get3A_350 = tpu.vector_load %arg9[%get3A_348, %get3A_349] {strides = array<i32>} : memref<64x768xf32, #tpu.memory_space<vmem>>, vector<1x16xf32>,
      %get3A_351 = vector.shape_cast %get3A_350 : vector<1x16xf32> to vector<16xf32>
      %swap3A_352 = arith.index_cast %scan3A_160 : i32 to index
      %swap3A_353 = arith.constant 336 : index
      %swap3A_354 = tpu.vector_load %arg8[%swap3A_352, %swap3A_353] {strides = array<i32>} : memref<64x768xf32, #tpu.memory_space<vmem>>, vector<1x16xf32>,
      %swap3A_355 = vector.shape_cast %swap3A_354 : vector<1x16xf32> to vector<16xf32>
      %swap3A_356 = vector.shape_cast %get3A_351 : vector<16xf32> to vector<1x16xf32>
      tpu.vector_store %arg8[%swap3A_352, %swap3A_353], %swap3A_356 {add = true, strides = array<i32>} : memref<64x768xf32, #tpu.memory_space<vmem>>, vector<1x16xf32>,
      %get3A_357 = arith.index_cast %scan3A_160 : i32 to index
      %get3A_358 = arith.constant 352 : index
      %get3A_359 = tpu.vector_load %arg9[%get3A_357, %get3A_358] {strides = array<i32>} : memref<64x768xf32, #tpu.memory_space<vmem>>, vector<1x16xf32>,
      %get3A_360 = vector.shape_cast %get3A_359 : vector<1x16xf32> to vector<16xf32>
      %swap3A_361 = arith.index_cast %scan3A_160 : i32 to index
      %swap3A_362 = arith.constant 352 : index
      %swap3A_363 = tpu.vector_load %arg8[%swap3A_361, %swap3A_362] {strides = array<i32>} : memref<64x768xf32, #tpu.memory_space<vmem>>, vector<1x16xf32>,
      %swap3A_364 = vector.shape_cast %swap3A_363 : vector<1x16xf32> to vector<16xf32>
      %swap3A_365 = vector.shape_cast %get3A_360 : vector<16xf32> to vector<1x16xf32>
      tpu.vector_store %arg8[%swap3A_361, %swap3A_362], %swap3A_365 {add = true, strides = array<i32>} : memref<64x768xf32, #tpu.memory_space<vmem>>, vector<1x16xf32>,
      %get3A_366 = arith.index_cast %scan3A_160 : i32 to index
      %get3A_367 = arith.constant 368 : index
      %get3A_368 = tpu.vector_load %arg9[%get3A_366, %get3A_367] {strides = array<i32>} : memref<64x768xf32, #tpu.memory_space<vmem>>, vector<1x16xf32>,
      %get3A_369 = vector.shape_cast %get3A_368 : vector<1x16xf32> to vector<16xf32>
      %swap3A_370 = arith.index_cast %scan3A_160 : i32 to index
      %swap3A_371 = arith.constant 368 : index
      %swap3A_372 = tpu.vector_load %arg8[%swap3A_370, %swap3A_371] {strides = array<i32>} : memref<64x768xf32, #tpu.memory_space<vmem>>, vector<1x16xf32>,
      %swap3A_373 = vector.shape_cast %swap3A_372 : vector<1x16xf32> to vector<16xf32>
      %swap3A_374 = vector.shape_cast %get3A_369 : vector<16xf32> to vector<1x16xf32>
      tpu.vector_store %arg8[%swap3A_370, %swap3A_371], %swap3A_374 {add = true, strides = array<i32>} : memref<64x768xf32, #tpu.memory_space<vmem>>, vector<1x16xf32>,
      %get3A_375 = arith.index_cast %scan3A_160 : i32 to index
      %get3A_376 = arith.constant 384 : index
      %get3A_377 = tpu.vector_load %arg9[%get3A_375, %get3A_376] {strides = array<i32>} : memref<64x768xf32, #tpu.memory_space<vmem>>, vector<1x16xf32>,
      %get3A_378 = vector.shape_cast %get3A_377 : vector<1x16xf32> to vector<16xf32>
      %swap3A_379 = arith.index_cast %scan3A_160 : i32 to index
      %swap3A_380 = arith.constant 384 : index
      %swap3A_381 = tpu.vector_load %arg8[%swap3A_379, %swap3A_380] {strides = array<i32>} : memref<64x768xf32, #tpu.memory_space<vmem>>, vector<1x16xf32>,
      %swap3A_382 = vector.shape_cast %swap3A_381 : vector<1x16xf32> to vector<16xf32>
      %swap3A_383 = vector.shape_cast %get3A_378 : vector<16xf32> to vector<1x16xf32>
      tpu.vector_store %arg8[%swap3A_379, %swap3A_380], %swap3A_383 {add = true, strides = array<i32>} : memref<64x768xf32, #tpu.memory_space<vmem>>, vector<1x16xf32>,
      %get3A_384 = arith.index_cast %scan3A_160 : i32 to index
      %get3A_385 = arith.constant 400 : index
      %get3A_386 = tpu.vector_load %arg9[%get3A_384, %get3A_385] {strides = array<i32>} : memref<64x768xf32, #tpu.memory_space<vmem>>, vector<1x16xf32>,
      %get3A_387 = vector.shape_cast %get3A_386 : vector<1x16xf32> to vector<16xf32>
      %swap3A_388 = arith.index_cast %scan3A_160 : i32 to index
      %swap3A_389 = arith.constant 400 : index
      %swap3A_390 = tpu.vector_load %arg8[%swap3A_388, %swap3A_389] {strides = array<i32>} : memref<64x768xf32, #tpu.memory_space<vmem>>, vector<1x16xf32>,
      %swap3A_391 = vector.shape_cast %swap3A_390 : vector<1x16xf32> to vector<16xf32>
      %swap3A_392 = vector.shape_cast %get3A_387 : vector<16xf32> to vector<1x16xf32>
      tpu.vector_store %arg8[%swap3A_388, %swap3A_389], %swap3A_392 {add = true, strides = array<i32>} : memref<64x768xf32, #tpu.memory_space<vmem>>, vector<1x16xf32>,
      %get3A_393 = arith.index_cast %scan3A_160 : i32 to index
      %get3A_394 = arith.constant 416 : index
      %get3A_395 = tpu.vector_load %arg9[%get3A_393, %get3A_394] {strides = array<i32>} : memref<64x768xf32, #tpu.memory_space<vmem>>, vector<1x16xf32>,
      %get3A_396 = vector.shape_cast %get3A_395 : vector<1x16xf32> to vector<16xf32>
      %swap3A_397 = arith.index_cast %scan3A_160 : i32 to index
      %swap3A_398 = arith.constant 416 : index
      %swap3A_399 = tpu.vector_load %arg8[%swap3A_397, %swap3A_398] {strides = array<i32>} : memref<64x768xf32, #tpu.memory_space<vmem>>, vector<1x16xf32>,
      %swap3A_400 = vector.shape_cast %swap3A_399 : vector<1x16xf32> to vector<16xf32>
      %swap3A_401 = vector.shape_cast %get3A_396 : vector<16xf32> to vector<1x16xf32>
      tpu.vector_store %arg8[%swap3A_397, %swap3A_398], %swap3A_401 {add = true, strides = array<i32>} : memref<64x768xf32, #tpu.memory_space<vmem>>, vector<1x16xf32>,
      %get3A_402 = arith.index_cast %scan3A_160 : i32 to index
      %get3A_403 = arith.constant 432 : index
      %get3A_404 = tpu.vector_load %arg9[%get3A_402, %get3A_403] {strides = array<i32>} : memref<64x768xf32, #tpu.memory_space<vmem>>, vector<1x16xf32>,
      %get3A_405 = vector.shape_cast %get3A_404 : vector<1x16xf32> to vector<16xf32>
      %swap3A_406 = arith.index_cast %scan3A_160 : i32 to index
      %swap3A_407 = arith.constant 432 : index
      %swap3A_408 = tpu.vector_load %arg8[%swap3A_406, %swap3A_407] {strides = array<i32>} : memref<64x768xf32, #tpu.memory_space<vmem>>, vector<1x16xf32>,
      %swap3A_409 = vector.shape_cast %swap3A_408 : vector<1x16xf32> to vector<16xf32>
      %swap3A_410 = vector.shape_cast %get3A_405 : vector<16xf32> to vector<1x16xf32>
      tpu.vector_store %arg8[%swap3A_406, %swap3A_407], %swap3A_410 {add = true, strides = array<i32>} : memref<64x768xf32, #tpu.memory_space<vmem>>, vector<1x16xf32>,
      %get3A_411 = arith.index_cast %scan3A_160 : i32 to index
      %get3A_412 = arith.constant 448 : index
      %get3A_413 = tpu.vector_load %arg9[%get3A_411, %get3A_412] {strides = array<i32>} : memref<64x768xf32, #tpu.memory_space<vmem>>, vector<1x16xf32>,
      %get3A_414 = vector.shape_cast %get3A_413 : vector<1x16xf32> to vector<16xf32>
      %swap3A_415 = arith.index_cast %scan3A_160 : i32 to index
      %swap3A_416 = arith.constant 448 : index
      %swap3A_417 = tpu.vector_load %arg8[%swap3A_415, %swap3A_416] {strides = array<i32>} : memref<64x768xf32, #tpu.memory_space<vmem>>, vector<1x16xf32>,
      %swap3A_418 = vector.shape_cast %swap3A_417 : vector<1x16xf32> to vector<16xf32>
      %swap3A_419 = vector.shape_cast %get3A_414 : vector<16xf32> to vector<1x16xf32>
      tpu.vector_store %arg8[%swap3A_415, %swap3A_416], %swap3A_419 {add = true, strides = array<i32>} : memref<64x768xf32, #tpu.memory_space<vmem>>, vector<1x16xf32>,
      %get3A_420 = arith.index_cast %scan3A_160 : i32 to index
      %get3A_421 = arith.constant 464 : index
      %get3A_422 = tpu.vector_load %arg9[%get3A_420, %get3A_421] {strides = array<i32>} : memref<64x768xf32, #tpu.memory_space<vmem>>, vector<1x16xf32>,
      %get3A_423 = vector.shape_cast %get3A_422 : vector<1x16xf32> to vector<16xf32>
      %swap3A_424 = arith.index_cast %scan3A_160 : i32 to index
      %swap3A_425 = arith.constant 464 : index
      %swap3A_426 = tpu.vector_load %arg8[%swap3A_424, %swap3A_425] {strides = array<i32>} : memref<64x768xf32, #tpu.memory_space<vmem>>, vector<1x16xf32>,
      %swap3A_427 = vector.shape_cast %swap3A_426 : vector<1x16xf32> to vector<16xf32>
      %swap3A_428 = vector.shape_cast %get3A_423 : vector<16xf32> to vector<1x16xf32>
      tpu.vector_store %arg8[%swap3A_424, %swap3A_425], %swap3A_428 {add = true, strides = array<i32>} : memref<64x768xf32, #tpu.memory_space<vmem>>, vector<1x16xf32>,
      %get3A_429 = arith.index_cast %scan3A_160 : i32 to index
      %get3A_430 = arith.constant 480 : index
      %get3A_431 = tpu.vector_load %arg9[%get3A_429, %get3A_430] {strides = array<i32>} : memref<64x768xf32, #tpu.memory_space<vmem>>, vector<1x16xf32>,
      %get3A_432 = vector.shape_cast %get3A_431 : vector<1x16xf32> to vector<16xf32>
      %swap3A_433 = arith.index_cast %scan3A_160 : i32 to index
      %swap3A_434 = arith.constant 480 : index
      %swap3A_435 = tpu.vector_load %arg8[%swap3A_433, %swap3A_434] {strides = array<i32>} : memref<64x768xf32, #tpu.memory_space<vmem>>, vector<1x16xf32>,
      %swap3A_436 = vector.shape_cast %swap3A_435 : vector<1x16xf32> to vector<16xf32>
      %swap3A_437 = vector.shape_cast %get3A_432 : vector<16xf32> to vector<1x16xf32>
      tpu.vector_store %arg8[%swap3A_433, %swap3A_434], %swap3A_437 {add = true, strides = array<i32>} : memref<64x768xf32, #tpu.memory_space<vmem>>, vector<1x16xf32>,
      %get3A_438 = arith.index_cast %scan3A_160 : i32 to index
      %get3A_439 = arith.constant 496 : index
      %get3A_440 = tpu.vector_load %arg9[%get3A_438, %get3A_439] {strides = array<i32>} : memref<64x768xf32, #tpu.memory_space<vmem>>, vector<1x16xf32>,
      %get3A_441 = vector.shape_cast %get3A_440 : vector<1x16xf32> to vector<16xf32>
      %swap3A_442 = arith.index_cast %scan3A_160 : i32 to index
      %swap3A_443 = arith.constant 496 : index
      %swap3A_444 = tpu.vector_load %arg8[%swap3A_442, %swap3A_443] {strides = array<i32>} : memref<64x768xf32, #tpu.memory_space<vmem>>, vector<1x16xf32>,
      %swap3A_445 = vector.shape_cast %swap3A_444 : vector<1x16xf32> to vector<16xf32>
      %swap3A_446 = vector.shape_cast %get3A_441 : vector<16xf32> to vector<1x16xf32>
      tpu.vector_store %arg8[%swap3A_442, %swap3A_443], %swap3A_446 {add = true, strides = array<i32>} : memref<64x768xf32, #tpu.memory_space<vmem>>, vector<1x16xf32>,
      %get3A_447 = arith.index_cast %scan3A_160 : i32 to index
      %get3A_448 = arith.constant 512 : index
      %get3A_449 = tpu.vector_load %arg9[%get3A_447, %get3A_448] {strides = array<i32>} : memref<64x768xf32, #tpu.memory_space<vmem>>, vector<1x16xf32>,
      %get3A_450 = vector.shape_cast %get3A_449 : vector<1x16xf32> to vector<16xf32>
      %swap3A_451 = arith.index_cast %scan3A_160 : i32 to index
      %swap3A_452 = arith.constant 512 : index
      %swap3A_453 = tpu.vector_load %arg8[%swap3A_451, %swap3A_452] {strides = array<i32>} : memref<64x768xf32, #tpu.memory_space<vmem>>, vector<1x16xf32>,
      %swap3A_454 = vector.shape_cast %swap3A_453 : vector<1x16xf32> to vector<16xf32>
      %swap3A_455 = vector.shape_cast %get3A_450 : vector<16xf32> to vector<1x16xf32>
      tpu.vector_store %arg8[%swap3A_451, %swap3A_452], %swap3A_455 {add = true, strides = array<i32>} : memref<64x768xf32, #tpu.memory_space<vmem>>, vector<1x16xf32>,
      %get3A_456 = arith.index_cast %scan3A_160 : i32 to index
      %get3A_457 = arith.constant 528 : index
      %get3A_458 = tpu.vector_load %arg9[%get3A_456, %get3A_457] {strides = array<i32>} : memref<64x768xf32, #tpu.memory_space<vmem>>, vector<1x16xf32>,
      %get3A_459 = vector.shape_cast %get3A_458 : vector<1x16xf32> to vector<16xf32>
      %swap3A_460 = arith.index_cast %scan3A_160 : i32 to index
      %swap3A_461 = arith.constant 528 : index
      %swap3A_462 = tpu.vector_load %arg8[%swap3A_460, %swap3A_461] {strides = array<i32>} : memref<64x768xf32, #tpu.memory_space<vmem>>, vector<1x16xf32>,
      %swap3A_463 = vector.shape_cast %swap3A_462 : vector<1x16xf32> to vector<16xf32>
      %swap3A_464 = vector.shape_cast %get3A_459 : vector<16xf32> to vector<1x16xf32>
      tpu.vector_store %arg8[%swap3A_460, %swap3A_461], %swap3A_464 {add = true, strides = array<i32>} : memref<64x768xf32, #tpu.memory_space<vmem>>, vector<1x16xf32>,
      %get3A_465 = arith.index_cast %scan3A_160 : i32 to index
      %get3A_466 = arith.constant 544 : index
      %get3A_467 = tpu.vector_load %arg9[%get3A_465, %get3A_466] {strides = array<i32>} : memref<64x768xf32, #tpu.memory_space<vmem>>, vector<1x16xf32>,
      %get3A_468 = vector.shape_cast %get3A_467 : vector<1x16xf32> to vector<16xf32>
      %swap3A_469 = arith.index_cast %scan3A_160 : i32 to index
      %swap3A_470 = arith.constant 544 : index
      %swap3A_471 = tpu.vector_load %arg8[%swap3A_469, %swap3A_470] {strides = array<i32>} : memref<64x768xf32, #tpu.memory_space<vmem>>, vector<1x16xf32>,
      %swap3A_472 = vector.shape_cast %swap3A_471 : vector<1x16xf32> to vector<16xf32>
      %swap3A_473 = vector.shape_cast %get3A_468 : vector<16xf32> to vector<1x16xf32>
      tpu.vector_store %arg8[%swap3A_469, %swap3A_470], %swap3A_473 {add = true, strides = array<i32>} : memref<64x768xf32, #tpu.memory_space<vmem>>, vector<1x16xf32>,
      %get3A_474 = arith.index_cast %scan3A_160 : i32 to index
      %get3A_475 = arith.constant 560 : index
      %get3A_476 = tpu.vector_load %arg9[%get3A_474, %get3A_475] {strides = array<i32>} : memref<64x768xf32, #tpu.memory_space<vmem>>, vector<1x16xf32>,
      %get3A_477 = vector.shape_cast %get3A_476 : vector<1x16xf32> to vector<16xf32>
      %swap3A_478 = arith.index_cast %scan3A_160 : i32 to index
      %swap3A_479 = arith.constant 560 : index
      %swap3A_480 = tpu.vector_load %arg8[%swap3A_478, %swap3A_479] {strides = array<i32>} : memref<64x768xf32, #tpu.memory_space<vmem>>, vector<1x16xf32>,
      %swap3A_481 = vector.shape_cast %swap3A_480 : vector<1x16xf32> to vector<16xf32>
      %swap3A_482 = vector.shape_cast %get3A_477 : vector<16xf32> to vector<1x16xf32>
      tpu.vector_store %arg8[%swap3A_478, %swap3A_479], %swap3A_482 {add = true, strides = array<i32>} : memref<64x768xf32, #tpu.memory_space<vmem>>, vector<1x16xf32>,
      %get3A_483 = arith.index_cast %scan3A_160 : i32 to index
      %get3A_484 = arith.constant 576 : index
      %get3A_485 = tpu.vector_load %arg9[%get3A_483, %get3A_484] {strides = array<i32>} : memref<64x768xf32, #tpu.memory_space<vmem>>, vector<1x16xf32>,
      %get3A_486 = vector.shape_cast %get3A_485 : vector<1x16xf32> to vector<16xf32>
      %swap3A_487 = arith.index_cast %scan3A_160 : i32 to index
      %swap3A_488 = arith.constant 576 : index
      %swap3A_489 = tpu.vector_load %arg8[%swap3A_487, %swap3A_488] {strides = array<i32>} : memref<64x768xf32, #tpu.memory_space<vmem>>, vector<1x16xf32>,
      %swap3A_490 = vector.shape_cast %swap3A_489 : vector<1x16xf32> to vector<16xf32>
      %swap3A_491 = vector.shape_cast %get3A_486 : vector<16xf32> to vector<1x16xf32>
      tpu.vector_store %arg8[%swap3A_487, %swap3A_488], %swap3A_491 {add = true, strides = array<i32>} : memref<64x768xf32, #tpu.memory_space<vmem>>, vector<1x16xf32>,
      %get3A_492 = arith.index_cast %scan3A_160 : i32 to index
      %get3A_493 = arith.constant 592 : index
      %get3A_494 = tpu.vector_load %arg9[%get3A_492, %get3A_493] {strides = array<i32>} : memref<64x768xf32, #tpu.memory_space<vmem>>, vector<1x16xf32>,
      %get3A_495 = vector.shape_cast %get3A_494 : vector<1x16xf32> to vector<16xf32>
      %swap3A_496 = arith.index_cast %scan3A_160 : i32 to index
      %swap3A_497 = arith.constant 592 : index
      %swap3A_498 = tpu.vector_load %arg8[%swap3A_496, %swap3A_497] {strides = array<i32>} : memref<64x768xf32, #tpu.memory_space<vmem>>, vector<1x16xf32>,
      %swap3A_499 = vector.shape_cast %swap3A_498 : vector<1x16xf32> to vector<16xf32>
      %swap3A_500 = vector.shape_cast %get3A_495 : vector<16xf32> to vector<1x16xf32>
      tpu.vector_store %arg8[%swap3A_496, %swap3A_497], %swap3A_500 {add = true, strides = array<i32>} : memref<64x768xf32, #tpu.memory_space<vmem>>, vector<1x16xf32>,
      %get3A_501 = arith.index_cast %scan3A_160 : i32 to index
      %get3A_502 = arith.constant 608 : index
      %get3A_503 = tpu.vector_load %arg9[%get3A_501, %get3A_502] {strides = array<i32>} : memref<64x768xf32, #tpu.memory_space<vmem>>, vector<1x16xf32>,
      %get3A_504 = vector.shape_cast %get3A_503 : vector<1x16xf32> to vector<16xf32>
      %swap3A_505 = arith.index_cast %scan3A_160 : i32 to index
      %swap3A_506 = arith.constant 608 : index
      %swap3A_507 = tpu.vector_load %arg8[%swap3A_505, %swap3A_506] {strides = array<i32>} : memref<64x768xf32, #tpu.memory_space<vmem>>, vector<1x16xf32>,
      %swap3A_508 = vector.shape_cast %swap3A_507 : vector<1x16xf32> to vector<16xf32>
      %swap3A_509 = vector.shape_cast %get3A_504 : vector<16xf32> to vector<1x16xf32>
      tpu.vector_store %arg8[%swap3A_505, %swap3A_506], %swap3A_509 {add = true, strides = array<i32>} : memref<64x768xf32, #tpu.memory_space<vmem>>, vector<1x16xf32>,
      %get3A_510 = arith.index_cast %scan3A_160 : i32 to index
      %get3A_511 = arith.constant 624 : index
      %get3A_512 = tpu.vector_load %arg9[%get3A_510, %get3A_511] {strides = array<i32>} : memref<64x768xf32, #tpu.memory_space<vmem>>, vector<1x16xf32>,
      %get3A_513 = vector.shape_cast %get3A_512 : vector<1x16xf32> to vector<16xf32>
      %swap3A_514 = arith.index_cast %scan3A_160 : i32 to index
      %swap3A_515 = arith.constant 624 : index
      %swap3A_516 = tpu.vector_load %arg8[%swap3A_514, %swap3A_515] {strides = array<i32>} : memref<64x768xf32, #tpu.memory_space<vmem>>, vector<1x16xf32>,
      %swap3A_517 = vector.shape_cast %swap3A_516 : vector<1x16xf32> to vector<16xf32>
      %swap3A_518 = vector.shape_cast %get3A_513 : vector<16xf32> to vector<1x16xf32>
      tpu.vector_store %arg8[%swap3A_514, %swap3A_515], %swap3A_518 {add = true, strides = array<i32>} : memref<64x768xf32, #tpu.memory_space<vmem>>, vector<1x16xf32>,
      %get3A_519 = arith.index_cast %scan3A_160 : i32 to index
      %get3A_520 = arith.constant 640 : index
      %get3A_521 = tpu.vector_load %arg9[%get3A_519, %get3A_520] {strides = array<i32>} : memref<64x768xf32, #tpu.memory_space<vmem>>, vector<1x16xf32>,
      %get3A_522 = vector.shape_cast %get3A_521 : vector<1x16xf32> to vector<16xf32>
      %swap3A_523 = arith.index_cast %scan3A_160 : i32 to index
      %swap3A_524 = arith.constant 640 : index
      %swap3A_525 = tpu.vector_load %arg8[%swap3A_523, %swap3A_524] {strides = array<i32>} : memref<64x768xf32, #tpu.memory_space<vmem>>, vector<1x16xf32>,
      %swap3A_526 = vector.shape_cast %swap3A_525 : vector<1x16xf32> to vector<16xf32>
      %swap3A_527 = vector.shape_cast %get3A_522 : vector<16xf32> to vector<1x16xf32>
      tpu.vector_store %arg8[%swap3A_523, %swap3A_524], %swap3A_527 {add = true, strides = array<i32>} : memref<64x768xf32, #tpu.memory_space<vmem>>, vector<1x16xf32>,
      %get3A_528 = arith.index_cast %scan3A_160 : i32 to index
      %get3A_529 = arith.constant 656 : index
      %get3A_530 = tpu.vector_load %arg9[%get3A_528, %get3A_529] {strides = array<i32>} : memref<64x768xf32, #tpu.memory_space<vmem>>, vector<1x16xf32>,
      %get3A_531 = vector.shape_cast %get3A_530 : vector<1x16xf32> to vector<16xf32>
      %swap3A_532 = arith.index_cast %scan3A_160 : i32 to index
      %swap3A_533 = arith.constant 656 : index
      %swap3A_534 = tpu.vector_load %arg8[%swap3A_532, %swap3A_533] {strides = array<i32>} : memref<64x768xf32, #tpu.memory_space<vmem>>, vector<1x16xf32>,
      %swap3A_535 = vector.shape_cast %swap3A_534 : vector<1x16xf32> to vector<16xf32>
      %swap3A_536 = vector.shape_cast %get3A_531 : vector<16xf32> to vector<1x16xf32>
      tpu.vector_store %arg8[%swap3A_532, %swap3A_533], %swap3A_536 {add = true, strides = array<i32>} : memref<64x768xf32, #tpu.memory_space<vmem>>, vector<1x16xf32>,
      %get3A_537 = arith.index_cast %scan3A_160 : i32 to index
      %get3A_538 = arith.constant 672 : index
      %get3A_539 = tpu.vector_load %arg9[%get3A_537, %get3A_538] {strides = array<i32>} : memref<64x768xf32, #tpu.memory_space<vmem>>, vector<1x16xf32>,
      %get3A_540 = vector.shape_cast %get3A_539 : vector<1x16xf32> to vector<16xf32>
      %swap3A_541 = arith.index_cast %scan3A_160 : i32 to index
      %swap3A_542 = arith.constant 672 : index
      %swap3A_543 = tpu.vector_load %arg8[%swap3A_541, %swap3A_542] {strides = array<i32>} : memref<64x768xf32, #tpu.memory_space<vmem>>, vector<1x16xf32>,
      %swap3A_544 = vector.shape_cast %swap3A_543 : vector<1x16xf32> to vector<16xf32>
      %swap3A_545 = vector.shape_cast %get3A_540 : vector<16xf32> to vector<1x16xf32>
      tpu.vector_store %arg8[%swap3A_541, %swap3A_542], %swap3A_545 {add = true, strides = array<i32>} : memref<64x768xf32, #tpu.memory_space<vmem>>, vector<1x16xf32>,
      %get3A_546 = arith.index_cast %scan3A_160 : i32 to index
      %get3A_547 = arith.constant 688 : index
      %get3A_548 = tpu.vector_load %arg9[%get3A_546, %get3A_547] {strides = array<i32>} : memref<64x768xf32, #tpu.memory_space<vmem>>, vector<1x16xf32>,
      %get3A_549 = vector.shape_cast %get3A_548 : vector<1x16xf32> to vector<16xf32>
      %swap3A_550 = arith.index_cast %scan3A_160 : i32 to index
      %swap3A_551 = arith.constant 688 : index
      %swap3A_552 = tpu.vector_load %arg8[%swap3A_550, %swap3A_551] {strides = array<i32>} : memref<64x768xf32, #tpu.memory_space<vmem>>, vector<1x16xf32>,
      %swap3A_553 = vector.shape_cast %swap3A_552 : vector<1x16xf32> to vector<16xf32>
      %swap3A_554 = vector.shape_cast %get3A_549 : vector<16xf32> to vector<1x16xf32>
      tpu.vector_store %arg8[%swap3A_550, %swap3A_551], %swap3A_554 {add = true, strides = array<i32>} : memref<64x768xf32, #tpu.memory_space<vmem>>, vector<1x16xf32>,
      %get3A_555 = arith.index_cast %scan3A_160 : i32 to index
      %get3A_556 = arith.constant 704 : index
      %get3A_557 = tpu.vector_load %arg9[%get3A_555, %get3A_556] {strides = array<i32>} : memref<64x768xf32, #tpu.memory_space<vmem>>, vector<1x16xf32>,
      %get3A_558 = vector.shape_cast %get3A_557 : vector<1x16xf32> to vector<16xf32>
      %swap3A_559 = arith.index_cast %scan3A_160 : i32 to index
      %swap3A_560 = arith.constant 704 : index
      %swap3A_561 = tpu.vector_load %arg8[%swap3A_559, %swap3A_560] {strides = array<i32>} : memref<64x768xf32, #tpu.memory_space<vmem>>, vector<1x16xf32>,
      %swap3A_562 = vector.shape_cast %swap3A_561 : vector<1x16xf32> to vector<16xf32>
      %swap3A_563 = vector.shape_cast %get3A_558 : vector<16xf32> to vector<1x16xf32>
      tpu.vector_store %arg8[%swap3A_559, %swap3A_560], %swap3A_563 {add = true, strides = array<i32>} : memref<64x768xf32, #tpu.memory_space<vmem>>, vector<1x16xf32>,
      %get3A_564 = arith.index_cast %scan3A_160 : i32 to index
      %get3A_565 = arith.constant 720 : index
      %get3A_566 = tpu.vector_load %arg9[%get3A_564, %get3A_565] {strides = array<i32>} : memref<64x768xf32, #tpu.memory_space<vmem>>, vector<1x16xf32>,
      %get3A_567 = vector.shape_cast %get3A_566 : vector<1x16xf32> to vector<16xf32>
      %swap3A_568 = arith.index_cast %scan3A_160 : i32 to index
      %swap3A_569 = arith.constant 720 : index
      %swap3A_570 = tpu.vector_load %arg8[%swap3A_568, %swap3A_569] {strides = array<i32>} : memref<64x768xf32, #tpu.memory_space<vmem>>, vector<1x16xf32>,
      %swap3A_571 = vector.shape_cast %swap3A_570 : vector<1x16xf32> to vector<16xf32>
      %swap3A_572 = vector.shape_cast %get3A_567 : vector<16xf32> to vector<1x16xf32>
      tpu.vector_store %arg8[%swap3A_568, %swap3A_569], %swap3A_572 {add = true, strides = array<i32>} : memref<64x768xf32, #tpu.memory_space<vmem>>, vector<1x16xf32>,
      %get3A_573 = arith.index_cast %scan3A_160 : i32 to index
      %get3A_574 = arith.constant 736 : index
      %get3A_575 = tpu.vector_load %arg9[%get3A_573, %get3A_574] {strides = array<i32>} : memref<64x768xf32, #tpu.memory_space<vmem>>, vector<1x16xf32>,
      %get3A_576 = vector.shape_cast %get3A_575 : vector<1x16xf32> to vector<16xf32>
      %swap3A_577 = arith.index_cast %scan3A_160 : i32 to index
      %swap3A_578 = arith.constant 736 : index
      %swap3A_579 = tpu.vector_load %arg8[%swap3A_577, %swap3A_578] {strides = array<i32>} : memref<64x768xf32, #tpu.memory_space<vmem>>, vector<1x16xf32>,
      %swap3A_580 = vector.shape_cast %swap3A_579 : vector<1x16xf32> to vector<16xf32>
      %swap3A_581 = vector.shape_cast %get3A_576 : vector<16xf32> to vector<1x16xf32>
      tpu.vector_store %arg8[%swap3A_577, %swap3A_578], %swap3A_581 {add = true, strides = array<i32>} : memref<64x768xf32, #tpu.memory_space<vmem>>, vector<1x16xf32>,
      %get3A_582 = arith.index_cast %scan3A_160 : i32 to index
      %get3A_583 = arith.constant 752 : index
      %get3A_584 = tpu.vector_load %arg9[%get3A_582, %get3A_583] {strides = array<i32>} : memref<64x768xf32, #tpu.memory_space<vmem>>, vector<1x16xf32>,
      %get3A_585 = vector.shape_cast %get3A_584 : vector<1x16xf32> to vector<16xf32>
      %swap3A_586 = arith.index_cast %scan3A_160 : i32 to index
      %swap3A_587 = arith.constant 752 : index
      %swap3A_588 = tpu.vector_load %arg8[%swap3A_586, %swap3A_587] {strides = array<i32>} : memref<64x768xf32, #tpu.memory_space<vmem>>, vector<1x16xf32>,
      %swap3A_589 = vector.shape_cast %swap3A_588 : vector<1x16xf32> to vector<16xf32>
      %swap3A_590 = vector.shape_cast %get3A_585 : vector<16xf32> to vector<1x16xf32>
      tpu.vector_store %arg8[%swap3A_586, %swap3A_587], %swap3A_590 {add = true, strides = array<i32>} : memref<64x768xf32, #tpu.memory_space<vmem>>, vector<1x16xf32>,
    }
    %scan3A_137 = arith.constant 16 : i32
    %dma_wait3A_138 = arith.constant 48 : i32
    %dma_wait3A_139 = arith.constant 0 : i32
    %dma_wait3A_140 = tpu.memref_slice %arg8[%dma_wait3A_138, %dma_wait3A_139] : memref<64x768xf32, #tpu.memory_space<vmem>> -> memref<16x768xf32, #tpu.memory_space<vmem>>
    %dma_wait3A_141 = arith.constant 48 : i32
    %dma_wait3A_142 = tpu.memref_slice %arg6[%dma_wait3A_141] : memref<64xi32, #tpu.memory_space<vmem>> -> memref<16xi32, #tpu.memory_space<vmem>>
    %dma_wait3A_143 = arith.constant 0 : i32
    %dma_wait3A_144 = arith.constant 0 : i32
    %dma_wait3A_145 = tpu.memref_slice %arg2[%dma_wait3A_143, %dma_wait3A_144] : memref<5120x768xf32, #tpu.memory_space<hbm>> -> memref<5120x768xf32, #tpu.memory_space<hbm>>
    tpu.wait_indirect_dma semaphore(%arg12 : memref<!tpu.dma_semaphore, #tpu.memory_space<semaphore_mem>>) src(%dma_wait3A_145 : memref<5120x768xf32, #tpu.memory_space<hbm>>) dst(%dma_wait3A_140 : memref<16x768xf32, #tpu.memory_space<vmem>>)
    %dma_wait3A_146 = arith.constant 48 : i32
    %dma_wait3A_147 = arith.constant 0 : i32
    %dma_wait3A_148 = tpu.memref_slice %arg9[%dma_wait3A_146, %dma_wait3A_147] : memref<64x768xf32, #tpu.memory_space<vmem>> -> memref<16x768xf32, #tpu.memory_space<vmem>>
    %dma_wait3A_149 = arith.constant 48 : i32
    %dma_wait3A_150 = tpu.memref_slice %arg7[%dma_wait3A_149] : memref<64xi32, #tpu.memory_space<vmem>> -> memref<16xi32, #tpu.memory_space<vmem>>
    %dma_wait3A_151 = arith.constant 0 : i32
    %dma_wait3A_152 = arith.constant 0 : i32
    %dma_wait3A_153 = tpu.memref_slice %arg2[%dma_wait3A_151, %dma_wait3A_152] : memref<5120x768xf32, #tpu.memory_space<hbm>> -> memref<5120x768xf32, #tpu.memory_space<hbm>>
    tpu.wait_indirect_dma semaphore(%arg13 : memref<!tpu.dma_semaphore, #tpu.memory_space<semaphore_mem>>) src(%dma_wait3A_153 : memref<5120x768xf32, #tpu.memory_space<hbm>>) dst(%dma_wait3A_148 : memref<16x768xf32, #tpu.memory_space<vmem>>)
    %scan3A_154 = arith.constant 0 : i32
    %scan3A_155 = arith.constant 48 : i32
    %scan3A_156 = arith.constant 16 : i32
    %scan3A_157 = arith.addi %scan3A_155, %scan3A_156 : i32
    %scan3A_158 = arith.constant 1 : i32
    scf.for %scan3A_160 = %scan3A_155 to %scan3A_157 step %scan3A_158  : i32 {
      %get3A = arith.index_cast %scan3A_160 : i32 to index
      %get3A_161 = arith.constant 0 : index
      %get3A_162 = tpu.vector_load %arg9[%get3A, %get3A_161] {strides = array<i32>} : memref<64x768xf32, #tpu.memory_space<vmem>>, vector<1x16xf32>,
      %get3A_163 = vector.shape_cast %get3A_162 : vector<1x16xf32> to vector<16xf32>
      %swap3A = arith.index_cast %scan3A_160 : i32 to index
      %swap3A_164 = arith.constant 0 : index
      %swap3A_165 = tpu.vector_load %arg8[%swap3A, %swap3A_164] {strides = array<i32>} : memref<64x768xf32, #tpu.memory_space<vmem>>, vector<1x16xf32>,
      %swap3A_166 = vector.shape_cast %swap3A_165 : vector<1x16xf32> to vector<16xf32>
      %swap3A_167 = vector.shape_cast %get3A_163 : vector<16xf32> to vector<1x16xf32>
      tpu.vector_store %arg8[%swap3A, %swap3A_164], %swap3A_167 {add = true, strides = array<i32>} : memref<64x768xf32, #tpu.memory_space<vmem>>, vector<1x16xf32>,
      %get3A_168 = arith.index_cast %scan3A_160 : i32 to index
      %get3A_169 = arith.constant 16 : index
      %get3A_170 = tpu.vector_load %arg9[%get3A_168, %get3A_169] {strides = array<i32>} : memref<64x768xf32, #tpu.memory_space<vmem>>, vector<1x16xf32>,
      %get3A_171 = vector.shape_cast %get3A_170 : vector<1x16xf32> to vector<16xf32>
      %swap3A_172 = arith.index_cast %scan3A_160 : i32 to index
      %swap3A_173 = arith.constant 16 : index
      %swap3A_174 = tpu.vector_load %arg8[%swap3A_172, %swap3A_173] {strides = array<i32>} : memref<64x768xf32, #tpu.memory_space<vmem>>, vector<1x16xf32>,
      %swap3A_175 = vector.shape_cast %swap3A_174 : vector<1x16xf32> to vector<16xf32>
      %swap3A_176 = vector.shape_cast %get3A_171 : vector<16xf32> to vector<1x16xf32>
      tpu.vector_store %arg8[%swap3A_172, %swap3A_173], %swap3A_176 {add = true, strides = array<i32>} : memref<64x768xf32, #tpu.memory_space<vmem>>, vector<1x16xf32>,
      %get3A_177 = arith.index_cast %scan3A_160 : i32 to index
      %get3A_178 = arith.constant 32 : index
      %get3A_179 = tpu.vector_load %arg9[%get3A_177, %get3A_178] {strides = array<i32>} : memref<64x768xf32, #tpu.memory_space<vmem>>, vector<1x16xf32>,
      %get3A_180 = vector.shape_cast %get3A_179 : vector<1x16xf32> to vector<16xf32>
      %swap3A_181 = arith.index_cast %scan3A_160 : i32 to index
      %swap3A_182 = arith.constant 32 : index
      %swap3A_183 = tpu.vector_load %arg8[%swap3A_181, %swap3A_182] {strides = array<i32>} : memref<64x768xf32, #tpu.memory_space<vmem>>, vector<1x16xf32>,
      %swap3A_184 = vector.shape_cast %swap3A_183 : vector<1x16xf32> to vector<16xf32>
      %swap3A_185 = vector.shape_cast %get3A_180 : vector<16xf32> to vector<1x16xf32>
      tpu.vector_store %arg8[%swap3A_181, %swap3A_182], %swap3A_185 {add = true, strides = array<i32>} : memref<64x768xf32, #tpu.memory_space<vmem>>, vector<1x16xf32>,
      %get3A_186 = arith.index_cast %scan3A_160 : i32 to index
      %get3A_187 = arith.constant 48 : index
      %get3A_188 = tpu.vector_load %arg9[%get3A_186, %get3A_187] {strides = array<i32>} : memref<64x768xf32, #tpu.memory_space<vmem>>, vector<1x16xf32>,
      %get3A_189 = vector.shape_cast %get3A_188 : vector<1x16xf32> to vector<16xf32>
      %swap3A_190 = arith.index_cast %scan3A_160 : i32 to index
      %swap3A_191 = arith.constant 48 : index
      %swap3A_192 = tpu.vector_load %arg8[%swap3A_190, %swap3A_191] {strides = array<i32>} : memref<64x768xf32, #tpu.memory_space<vmem>>, vector<1x16xf32>,
      %swap3A_193 = vector.shape_cast %swap3A_192 : vector<1x16xf32> to vector<16xf32>
      %swap3A_194 = vector.shape_cast %get3A_189 : vector<16xf32> to vector<1x16xf32>
      tpu.vector_store %arg8[%swap3A_190, %swap3A_191], %swap3A_194 {add = true, strides = array<i32>} : memref<64x768xf32, #tpu.memory_space<vmem>>, vector<1x16xf32>,
      %get3A_195 = arith.index_cast %scan3A_160 : i32 to index
      %get3A_196 = arith.constant 64 : index
      %get3A_197 = tpu.vector_load %arg9[%get3A_195, %get3A_196] {strides = array<i32>} : memref<64x768xf32, #tpu.memory_space<vmem>>, vector<1x16xf32>,
      %get3A_198 = vector.shape_cast %get3A_197 : vector<1x16xf32> to vector<16xf32>
      %swap3A_199 = arith.index_cast %scan3A_160 : i32 to index
      %swap3A_200 = arith.constant 64 : index
      %swap3A_201 = tpu.vector_load %arg8[%swap3A_199, %swap3A_200] {strides = array<i32>} : memref<64x768xf32, #tpu.memory_space<vmem>>, vector<1x16xf32>,
      %swap3A_202 = vector.shape_cast %swap3A_201 : vector<1x16xf32> to vector<16xf32>
      %swap3A_203 = vector.shape_cast %get3A_198 : vector<16xf32> to vector<1x16xf32>
      tpu.vector_store %arg8[%swap3A_199, %swap3A_200], %swap3A_203 {add = true, strides = array<i32>} : memref<64x768xf32, #tpu.memory_space<vmem>>, vector<1x16xf32>,
      %get3A_204 = arith.index_cast %scan3A_160 : i32 to index
      %get3A_205 = arith.constant 80 : index
      %get3A_206 = tpu.vector_load %arg9[%get3A_204, %get3A_205] {strides = array<i32>} : memref<64x768xf32, #tpu.memory_space<vmem>>, vector<1x16xf32>,
      %get3A_207 = vector.shape_cast %get3A_206 : vector<1x16xf32> to vector<16xf32>
      %swap3A_208 = arith.index_cast %scan3A_160 : i32 to index
      %swap3A_209 = arith.constant 80 : index
      %swap3A_210 = tpu.vector_load %arg8[%swap3A_208, %swap3A_209] {strides = array<i32>} : memref<64x768xf32, #tpu.memory_space<vmem>>, vector<1x16xf32>,
      %swap3A_211 = vector.shape_cast %swap3A_210 : vector<1x16xf32> to vector<16xf32>
      %swap3A_212 = vector.shape_cast %get3A_207 : vector<16xf32> to vector<1x16xf32>
      tpu.vector_store %arg8[%swap3A_208, %swap3A_209], %swap3A_212 {add = true, strides = array<i32>} : memref<64x768xf32, #tpu.memory_space<vmem>>, vector<1x16xf32>,
      %get3A_213 = arith.index_cast %scan3A_160 : i32 to index
      %get3A_214 = arith.constant 96 : index
      %get3A_215 = tpu.vector_load %arg9[%get3A_213, %get3A_214] {strides = array<i32>} : memref<64x768xf32, #tpu.memory_space<vmem>>, vector<1x16xf32>,
      %get3A_216 = vector.shape_cast %get3A_215 : vector<1x16xf32> to vector<16xf32>
      %swap3A_217 = arith.index_cast %scan3A_160 : i32 to index
      %swap3A_218 = arith.constant 96 : index
      %swap3A_219 = tpu.vector_load %arg8[%swap3A_217, %swap3A_218] {strides = array<i32>} : memref<64x768xf32, #tpu.memory_space<vmem>>, vector<1x16xf32>,
      %swap3A_220 = vector.shape_cast %swap3A_219 : vector<1x16xf32> to vector<16xf32>
      %swap3A_221 = vector.shape_cast %get3A_216 : vector<16xf32> to vector<1x16xf32>
      tpu.vector_store %arg8[%swap3A_217, %swap3A_218], %swap3A_221 {add = true, strides = array<i32>} : memref<64x768xf32, #tpu.memory_space<vmem>>, vector<1x16xf32>,
      %get3A_222 = arith.index_cast %scan3A_160 : i32 to index
      %get3A_223 = arith.constant 112 : index
      %get3A_224 = tpu.vector_load %arg9[%get3A_222, %get3A_223] {strides = array<i32>} : memref<64x768xf32, #tpu.memory_space<vmem>>, vector<1x16xf32>,
      %get3A_225 = vector.shape_cast %get3A_224 : vector<1x16xf32> to vector<16xf32>
      %swap3A_226 = arith.index_cast %scan3A_160 : i32 to index
      %swap3A_227 = arith.constant 112 : index
      %swap3A_228 = tpu.vector_load %arg8[%swap3A_226, %swap3A_227] {strides = array<i32>} : memref<64x768xf32, #tpu.memory_space<vmem>>, vector<1x16xf32>,
      %swap3A_229 = vector.shape_cast %swap3A_228 : vector<1x16xf32> to vector<16xf32>
      %swap3A_230 = vector.shape_cast %get3A_225 : vector<16xf32> to vector<1x16xf32>
      tpu.vector_store %arg8[%swap3A_226, %swap3A_227], %swap3A_230 {add = true, strides = array<i32>} : memref<64x768xf32, #tpu.memory_space<vmem>>, vector<1x16xf32>,
      %get3A_231 = arith.index_cast %scan3A_160 : i32 to index
      %get3A_232 = arith.constant 128 : index
      %get3A_233 = tpu.vector_load %arg9[%get3A_231, %get3A_232] {strides = array<i32>} : memref<64x768xf32, #tpu.memory_space<vmem>>, vector<1x16xf32>,
      %get3A_234 = vector.shape_cast %get3A_233 : vector<1x16xf32> to vector<16xf32>
      %swap3A_235 = arith.index_cast %scan3A_160 : i32 to index
      %swap3A_236 = arith.constant 128 : index
      %swap3A_237 = tpu.vector_load %arg8[%swap3A_235, %swap3A_236] {strides = array<i32>} : memref<64x768xf32, #tpu.memory_space<vmem>>, vector<1x16xf32>,
      %swap3A_238 = vector.shape_cast %swap3A_237 : vector<1x16xf32> to vector<16xf32>
      %swap3A_239 = vector.shape_cast %get3A_234 : vector<16xf32> to vector<1x16xf32>
      tpu.vector_store %arg8[%swap3A_235, %swap3A_236], %swap3A_239 {add = true, strides = array<i32>} : memref<64x768xf32, #tpu.memory_space<vmem>>, vector<1x16xf32>,
      %get3A_240 = arith.index_cast %scan3A_160 : i32 to index
      %get3A_241 = arith.constant 144 : index
      %get3A_242 = tpu.vector_load %arg9[%get3A_240, %get3A_241] {strides = array<i32>} : memref<64x768xf32, #tpu.memory_space<vmem>>, vector<1x16xf32>,
      %get3A_243 = vector.shape_cast %get3A_242 : vector<1x16xf32> to vector<16xf32>
      %swap3A_244 = arith.index_cast %scan3A_160 : i32 to index
      %swap3A_245 = arith.constant 144 : index
      %swap3A_246 = tpu.vector_load %arg8[%swap3A_244, %swap3A_245] {strides = array<i32>} : memref<64x768xf32, #tpu.memory_space<vmem>>, vector<1x16xf32>,
      %swap3A_247 = vector.shape_cast %swap3A_246 : vector<1x16xf32> to vector<16xf32>
      %swap3A_248 = vector.shape_cast %get3A_243 : vector<16xf32> to vector<1x16xf32>
      tpu.vector_store %arg8[%swap3A_244, %swap3A_245], %swap3A_248 {add = true, strides = array<i32>} : memref<64x768xf32, #tpu.memory_space<vmem>>, vector<1x16xf32>,
      %get3A_249 = arith.index_cast %scan3A_160 : i32 to index
      %get3A_250 = arith.constant 160 : index
      %get3A_251 = tpu.vector_load %arg9[%get3A_249, %get3A_250] {strides = array<i32>} : memref<64x768xf32, #tpu.memory_space<vmem>>, vector<1x16xf32>,
      %get3A_252 = vector.shape_cast %get3A_251 : vector<1x16xf32> to vector<16xf32>
      %swap3A_253 = arith.index_cast %scan3A_160 : i32 to index
      %swap3A_254 = arith.constant 160 : index
      %swap3A_255 = tpu.vector_load %arg8[%swap3A_253, %swap3A_254] {strides = array<i32>} : memref<64x768xf32, #tpu.memory_space<vmem>>, vector<1x16xf32>,
      %swap3A_256 = vector.shape_cast %swap3A_255 : vector<1x16xf32> to vector<16xf32>
      %swap3A_257 = vector.shape_cast %get3A_252 : vector<16xf32> to vector<1x16xf32>
      tpu.vector_store %arg8[%swap3A_253, %swap3A_254], %swap3A_257 {add = true, strides = array<i32>} : memref<64x768xf32, #tpu.memory_space<vmem>>, vector<1x16xf32>,
      %get3A_258 = arith.index_cast %scan3A_160 : i32 to index
      %get3A_259 = arith.constant 176 : index
      %get3A_260 = tpu.vector_load %arg9[%get3A_258, %get3A_259] {strides = array<i32>} : memref<64x768xf32, #tpu.memory_space<vmem>>, vector<1x16xf32>,
      %get3A_261 = vector.shape_cast %get3A_260 : vector<1x16xf32> to vector<16xf32>
      %swap3A_262 = arith.index_cast %scan3A_160 : i32 to index
      %swap3A_263 = arith.constant 176 : index
      %swap3A_264 = tpu.vector_load %arg8[%swap3A_262, %swap3A_263] {strides = array<i32>} : memref<64x768xf32, #tpu.memory_space<vmem>>, vector<1x16xf32>,
      %swap3A_265 = vector.shape_cast %swap3A_264 : vector<1x16xf32> to vector<16xf32>
      %swap3A_266 = vector.shape_cast %get3A_261 : vector<16xf32> to vector<1x16xf32>
      tpu.vector_store %arg8[%swap3A_262, %swap3A_263], %swap3A_266 {add = true, strides = array<i32>} : memref<64x768xf32, #tpu.memory_space<vmem>>, vector<1x16xf32>,
      %get3A_267 = arith.index_cast %scan3A_160 : i32 to index
      %get3A_268 = arith.constant 192 : index
      %get3A_269 = tpu.vector_load %arg9[%get3A_267, %get3A_268] {strides = array<i32>} : memref<64x768xf32, #tpu.memory_space<vmem>>, vector<1x16xf32>,
      %get3A_270 = vector.shape_cast %get3A_269 : vector<1x16xf32> to vector<16xf32>
      %swap3A_271 = arith.index_cast %scan3A_160 : i32 to index
      %swap3A_272 = arith.constant 192 : index
      %swap3A_273 = tpu.vector_load %arg8[%swap3A_271, %swap3A_272] {strides = array<i32>} : memref<64x768xf32, #tpu.memory_space<vmem>>, vector<1x16xf32>,
      %swap3A_274 = vector.shape_cast %swap3A_273 : vector<1x16xf32> to vector<16xf32>
      %swap3A_275 = vector.shape_cast %get3A_270 : vector<16xf32> to vector<1x16xf32>
      tpu.vector_store %arg8[%swap3A_271, %swap3A_272], %swap3A_275 {add = true, strides = array<i32>} : memref<64x768xf32, #tpu.memory_space<vmem>>, vector<1x16xf32>,
      %get3A_276 = arith.index_cast %scan3A_160 : i32 to index
      %get3A_277 = arith.constant 208 : index
      %get3A_278 = tpu.vector_load %arg9[%get3A_276, %get3A_277] {strides = array<i32>} : memref<64x768xf32, #tpu.memory_space<vmem>>, vector<1x16xf32>,
      %get3A_279 = vector.shape_cast %get3A_278 : vector<1x16xf32> to vector<16xf32>
      %swap3A_280 = arith.index_cast %scan3A_160 : i32 to index
      %swap3A_281 = arith.constant 208 : index
      %swap3A_282 = tpu.vector_load %arg8[%swap3A_280, %swap3A_281] {strides = array<i32>} : memref<64x768xf32, #tpu.memory_space<vmem>>, vector<1x16xf32>,
      %swap3A_283 = vector.shape_cast %swap3A_282 : vector<1x16xf32> to vector<16xf32>
      %swap3A_284 = vector.shape_cast %get3A_279 : vector<16xf32> to vector<1x16xf32>
      tpu.vector_store %arg8[%swap3A_280, %swap3A_281], %swap3A_284 {add = true, strides = array<i32>} : memref<64x768xf32, #tpu.memory_space<vmem>>, vector<1x16xf32>,
      %get3A_285 = arith.index_cast %scan3A_160 : i32 to index
      %get3A_286 = arith.constant 224 : index
      %get3A_287 = tpu.vector_load %arg9[%get3A_285, %get3A_286] {strides = array<i32>} : memref<64x768xf32, #tpu.memory_space<vmem>>, vector<1x16xf32>,
      %get3A_288 = vector.shape_cast %get3A_287 : vector<1x16xf32> to vector<16xf32>
      %swap3A_289 = arith.index_cast %scan3A_160 : i32 to index
      %swap3A_290 = arith.constant 224 : index
      %swap3A_291 = tpu.vector_load %arg8[%swap3A_289, %swap3A_290] {strides = array<i32>} : memref<64x768xf32, #tpu.memory_space<vmem>>, vector<1x16xf32>,
      %swap3A_292 = vector.shape_cast %swap3A_291 : vector<1x16xf32> to vector<16xf32>
      %swap3A_293 = vector.shape_cast %get3A_288 : vector<16xf32> to vector<1x16xf32>
      tpu.vector_store %arg8[%swap3A_289, %swap3A_290], %swap3A_293 {add = true, strides = array<i32>} : memref<64x768xf32, #tpu.memory_space<vmem>>, vector<1x16xf32>,
      %get3A_294 = arith.index_cast %scan3A_160 : i32 to index
      %get3A_295 = arith.constant 240 : index
      %get3A_296 = tpu.vector_load %arg9[%get3A_294, %get3A_295] {strides = array<i32>} : memref<64x768xf32, #tpu.memory_space<vmem>>, vector<1x16xf32>,
      %get3A_297 = vector.shape_cast %get3A_296 : vector<1x16xf32> to vector<16xf32>
      %swap3A_298 = arith.index_cast %scan3A_160 : i32 to index
      %swap3A_299 = arith.constant 240 : index
      %swap3A_300 = tpu.vector_load %arg8[%swap3A_298, %swap3A_299] {strides = array<i32>} : memref<64x768xf32, #tpu.memory_space<vmem>>, vector<1x16xf32>,
      %swap3A_301 = vector.shape_cast %swap3A_300 : vector<1x16xf32> to vector<16xf32>
      %swap3A_302 = vector.shape_cast %get3A_297 : vector<16xf32> to vector<1x16xf32>
      tpu.vector_store %arg8[%swap3A_298, %swap3A_299], %swap3A_302 {add = true, strides = array<i32>} : memref<64x768xf32, #tpu.memory_space<vmem>>, vector<1x16xf32>,
      %get3A_303 = arith.index_cast %scan3A_160 : i32 to index
      %get3A_304 = arith.constant 256 : index
      %get3A_305 = tpu.vector_load %arg9[%get3A_303, %get3A_304] {strides = array<i32>} : memref<64x768xf32, #tpu.memory_space<vmem>>, vector<1x16xf32>,
      %get3A_306 = vector.shape_cast %get3A_305 : vector<1x16xf32> to vector<16xf32>
      %swap3A_307 = arith.index_cast %scan3A_160 : i32 to index
      %swap3A_308 = arith.constant 256 : index
      %swap3A_309 = tpu.vector_load %arg8[%swap3A_307, %swap3A_308] {strides = array<i32>} : memref<64x768xf32, #tpu.memory_space<vmem>>, vector<1x16xf32>,
      %swap3A_310 = vector.shape_cast %swap3A_309 : vector<1x16xf32> to vector<16xf32>
      %swap3A_311 = vector.shape_cast %get3A_306 : vector<16xf32> to vector<1x16xf32>
      tpu.vector_store %arg8[%swap3A_307, %swap3A_308], %swap3A_311 {add = true, strides = array<i32>} : memref<64x768xf32, #tpu.memory_space<vmem>>, vector<1x16xf32>,
      %get3A_312 = arith.index_cast %scan3A_160 : i32 to index
      %get3A_313 = arith.constant 272 : index
      %get3A_314 = tpu.vector_load %arg9[%get3A_312, %get3A_313] {strides = array<i32>} : memref<64x768xf32, #tpu.memory_space<vmem>>, vector<1x16xf32>,
      %get3A_315 = vector.shape_cast %get3A_314 : vector<1x16xf32> to vector<16xf32>
      %swap3A_316 = arith.index_cast %scan3A_160 : i32 to index
      %swap3A_317 = arith.constant 272 : index
      %swap3A_318 = tpu.vector_load %arg8[%swap3A_316, %swap3A_317] {strides = array<i32>} : memref<64x768xf32, #tpu.memory_space<vmem>>, vector<1x16xf32>,
      %swap3A_319 = vector.shape_cast %swap3A_318 : vector<1x16xf32> to vector<16xf32>
      %swap3A_320 = vector.shape_cast %get3A_315 : vector<16xf32> to vector<1x16xf32>
      tpu.vector_store %arg8[%swap3A_316, %swap3A_317], %swap3A_320 {add = true, strides = array<i32>} : memref<64x768xf32, #tpu.memory_space<vmem>>, vector<1x16xf32>,
      %get3A_321 = arith.index_cast %scan3A_160 : i32 to index
      %get3A_322 = arith.constant 288 : index
      %get3A_323 = tpu.vector_load %arg9[%get3A_321, %get3A_322] {strides = array<i32>} : memref<64x768xf32, #tpu.memory_space<vmem>>, vector<1x16xf32>,
      %get3A_324 = vector.shape_cast %get3A_323 : vector<1x16xf32> to vector<16xf32>
      %swap3A_325 = arith.index_cast %scan3A_160 : i32 to index
      %swap3A_326 = arith.constant 288 : index
      %swap3A_327 = tpu.vector_load %arg8[%swap3A_325, %swap3A_326] {strides = array<i32>} : memref<64x768xf32, #tpu.memory_space<vmem>>, vector<1x16xf32>,
      %swap3A_328 = vector.shape_cast %swap3A_327 : vector<1x16xf32> to vector<16xf32>
      %swap3A_329 = vector.shape_cast %get3A_324 : vector<16xf32> to vector<1x16xf32>
      tpu.vector_store %arg8[%swap3A_325, %swap3A_326], %swap3A_329 {add = true, strides = array<i32>} : memref<64x768xf32, #tpu.memory_space<vmem>>, vector<1x16xf32>,
      %get3A_330 = arith.index_cast %scan3A_160 : i32 to index
      %get3A_331 = arith.constant 304 : index
      %get3A_332 = tpu.vector_load %arg9[%get3A_330, %get3A_331] {strides = array<i32>} : memref<64x768xf32, #tpu.memory_space<vmem>>, vector<1x16xf32>,
      %get3A_333 = vector.shape_cast %get3A_332 : vector<1x16xf32> to vector<16xf32>
      %swap3A_334 = arith.index_cast %scan3A_160 : i32 to index
      %swap3A_335 = arith.constant 304 : index
      %swap3A_336 = tpu.vector_load %arg8[%swap3A_334, %swap3A_335] {strides = array<i32>} : memref<64x768xf32, #tpu.memory_space<vmem>>, vector<1x16xf32>,
      %swap3A_337 = vector.shape_cast %swap3A_336 : vector<1x16xf32> to vector<16xf32>
      %swap3A_338 = vector.shape_cast %get3A_333 : vector<16xf32> to vector<1x16xf32>
      tpu.vector_store %arg8[%swap3A_334, %swap3A_335], %swap3A_338 {add = true, strides = array<i32>} : memref<64x768xf32, #tpu.memory_space<vmem>>, vector<1x16xf32>,
      %get3A_339 = arith.index_cast %scan3A_160 : i32 to index
      %get3A_340 = arith.constant 320 : index
      %get3A_341 = tpu.vector_load %arg9[%get3A_339, %get3A_340] {strides = array<i32>} : memref<64x768xf32, #tpu.memory_space<vmem>>, vector<1x16xf32>,
      %get3A_342 = vector.shape_cast %get3A_341 : vector<1x16xf32> to vector<16xf32>
      %swap3A_343 = arith.index_cast %scan3A_160 : i32 to index
      %swap3A_344 = arith.constant 320 : index
      %swap3A_345 = tpu.vector_load %arg8[%swap3A_343, %swap3A_344] {strides = array<i32>} : memref<64x768xf32, #tpu.memory_space<vmem>>, vector<1x16xf32>,
      %swap3A_346 = vector.shape_cast %swap3A_345 : vector<1x16xf32> to vector<16xf32>
      %swap3A_347 = vector.shape_cast %get3A_342 : vector<16xf32> to vector<1x16xf32>
      tpu.vector_store %arg8[%swap3A_343, %swap3A_344], %swap3A_347 {add = true, strides = array<i32>} : memref<64x768xf32, #tpu.memory_space<vmem>>, vector<1x16xf32>,
      %get3A_348 = arith.index_cast %scan3A_160 : i32 to index
      %get3A_349 = arith.constant 336 : index
      %get3A_350 = tpu.vector_load %arg9[%get3A_348, %get3A_349] {strides = array<i32>} : memref<64x768xf32, #tpu.memory_space<vmem>>, vector<1x16xf32>,
      %get3A_351 = vector.shape_cast %get3A_350 : vector<1x16xf32> to vector<16xf32>
      %swap3A_352 = arith.index_cast %scan3A_160 : i32 to index
      %swap3A_353 = arith.constant 336 : index
      %swap3A_354 = tpu.vector_load %arg8[%swap3A_352, %swap3A_353] {strides = array<i32>} : memref<64x768xf32, #tpu.memory_space<vmem>>, vector<1x16xf32>,
      %swap3A_355 = vector.shape_cast %swap3A_354 : vector<1x16xf32> to vector<16xf32>
      %swap3A_356 = vector.shape_cast %get3A_351 : vector<16xf32> to vector<1x16xf32>
      tpu.vector_store %arg8[%swap3A_352, %swap3A_353], %swap3A_356 {add = true, strides = array<i32>} : memref<64x768xf32, #tpu.memory_space<vmem>>, vector<1x16xf32>,
      %get3A_357 = arith.index_cast %scan3A_160 : i32 to index
      %get3A_358 = arith.constant 352 : index
      %get3A_359 = tpu.vector_load %arg9[%get3A_357, %get3A_358] {strides = array<i32>} : memref<64x768xf32, #tpu.memory_space<vmem>>, vector<1x16xf32>,
      %get3A_360 = vector.shape_cast %get3A_359 : vector<1x16xf32> to vector<16xf32>
      %swap3A_361 = arith.index_cast %scan3A_160 : i32 to index
      %swap3A_362 = arith.constant 352 : index
      %swap3A_363 = tpu.vector_load %arg8[%swap3A_361, %swap3A_362] {strides = array<i32>} : memref<64x768xf32, #tpu.memory_space<vmem>>, vector<1x16xf32>,
      %swap3A_364 = vector.shape_cast %swap3A_363 : vector<1x16xf32> to vector<16xf32>
      %swap3A_365 = vector.shape_cast %get3A_360 : vector<16xf32> to vector<1x16xf32>
      tpu.vector_store %arg8[%swap3A_361, %swap3A_362], %swap3A_365 {add = true, strides = array<i32>} : memref<64x768xf32, #tpu.memory_space<vmem>>, vector<1x16xf32>,
      %get3A_366 = arith.index_cast %scan3A_160 : i32 to index
      %get3A_367 = arith.constant 368 : index
      %get3A_368 = tpu.vector_load %arg9[%get3A_366, %get3A_367] {strides = array<i32>} : memref<64x768xf32, #tpu.memory_space<vmem>>, vector<1x16xf32>,
      %get3A_369 = vector.shape_cast %get3A_368 : vector<1x16xf32> to vector<16xf32>
      %swap3A_370 = arith.index_cast %scan3A_160 : i32 to index
      %swap3A_371 = arith.constant 368 : index
      %swap3A_372 = tpu.vector_load %arg8[%swap3A_370, %swap3A_371] {strides = array<i32>} : memref<64x768xf32, #tpu.memory_space<vmem>>, vector<1x16xf32>,
      %swap3A_373 = vector.shape_cast %swap3A_372 : vector<1x16xf32> to vector<16xf32>
      %swap3A_374 = vector.shape_cast %get3A_369 : vector<16xf32> to vector<1x16xf32>
      tpu.vector_store %arg8[%swap3A_370, %swap3A_371], %swap3A_374 {add = true, strides = array<i32>} : memref<64x768xf32, #tpu.memory_space<vmem>>, vector<1x16xf32>,
      %get3A_375 = arith.index_cast %scan3A_160 : i32 to index
      %get3A_376 = arith.constant 384 : index
      %get3A_377 = tpu.vector_load %arg9[%get3A_375, %get3A_376] {strides = array<i32>} : memref<64x768xf32, #tpu.memory_space<vmem>>, vector<1x16xf32>,
      %get3A_378 = vector.shape_cast %get3A_377 : vector<1x16xf32> to vector<16xf32>
      %swap3A_379 = arith.index_cast %scan3A_160 : i32 to index
      %swap3A_380 = arith.constant 384 : index
      %swap3A_381 = tpu.vector_load %arg8[%swap3A_379, %swap3A_380] {strides = array<i32>} : memref<64x768xf32, #tpu.memory_space<vmem>>, vector<1x16xf32>,
      %swap3A_382 = vector.shape_cast %swap3A_381 : vector<1x16xf32> to vector<16xf32>
      %swap3A_383 = vector.shape_cast %get3A_378 : vector<16xf32> to vector<1x16xf32>
      tpu.vector_store %arg8[%swap3A_379, %swap3A_380], %swap3A_383 {add = true, strides = array<i32>} : memref<64x768xf32, #tpu.memory_space<vmem>>, vector<1x16xf32>,
      %get3A_384 = arith.index_cast %scan3A_160 : i32 to index
      %get3A_385 = arith.constant 400 : index
      %get3A_386 = tpu.vector_load %arg9[%get3A_384, %get3A_385] {strides = array<i32>} : memref<64x768xf32, #tpu.memory_space<vmem>>, vector<1x16xf32>,
      %get3A_387 = vector.shape_cast %get3A_386 : vector<1x16xf32> to vector<16xf32>
      %swap3A_388 = arith.index_cast %scan3A_160 : i32 to index
      %swap3A_389 = arith.constant 400 : index
      %swap3A_390 = tpu.vector_load %arg8[%swap3A_388, %swap3A_389] {strides = array<i32>} : memref<64x768xf32, #tpu.memory_space<vmem>>, vector<1x16xf32>,
      %swap3A_391 = vector.shape_cast %swap3A_390 : vector<1x16xf32> to vector<16xf32>
      %swap3A_392 = vector.shape_cast %get3A_387 : vector<16xf32> to vector<1x16xf32>
      tpu.vector_store %arg8[%swap3A_388, %swap3A_389], %swap3A_392 {add = true, strides = array<i32>} : memref<64x768xf32, #tpu.memory_space<vmem>>, vector<1x16xf32>,
      %get3A_393 = arith.index_cast %scan3A_160 : i32 to index
      %get3A_394 = arith.constant 416 : index
      %get3A_395 = tpu.vector_load %arg9[%get3A_393, %get3A_394] {strides = array<i32>} : memref<64x768xf32, #tpu.memory_space<vmem>>, vector<1x16xf32>,
      %get3A_396 = vector.shape_cast %get3A_395 : vector<1x16xf32> to vector<16xf32>
      %swap3A_397 = arith.index_cast %scan3A_160 : i32 to index
      %swap3A_398 = arith.constant 416 : index
      %swap3A_399 = tpu.vector_load %arg8[%swap3A_397, %swap3A_398] {strides = array<i32>} : memref<64x768xf32, #tpu.memory_space<vmem>>, vector<1x16xf32>,
      %swap3A_400 = vector.shape_cast %swap3A_399 : vector<1x16xf32> to vector<16xf32>
      %swap3A_401 = vector.shape_cast %get3A_396 : vector<16xf32> to vector<1x16xf32>
      tpu.vector_store %arg8[%swap3A_397, %swap3A_398], %swap3A_401 {add = true, strides = array<i32>} : memref<64x768xf32, #tpu.memory_space<vmem>>, vector<1x16xf32>,
      %get3A_402 = arith.index_cast %scan3A_160 : i32 to index
      %get3A_403 = arith.constant 432 : index
      %get3A_404 = tpu.vector_load %arg9[%get3A_402, %get3A_403] {strides = array<i32>} : memref<64x768xf32, #tpu.memory_space<vmem>>, vector<1x16xf32>,
      %get3A_405 = vector.shape_cast %get3A_404 : vector<1x16xf32> to vector<16xf32>
      %swap3A_406 = arith.index_cast %scan3A_160 : i32 to index
      %swap3A_407 = arith.constant 432 : index
      %swap3A_408 = tpu.vector_load %arg8[%swap3A_406, %swap3A_407] {strides = array<i32>} : memref<64x768xf32, #tpu.memory_space<vmem>>, vector<1x16xf32>,
      %swap3A_409 = vector.shape_cast %swap3A_408 : vector<1x16xf32> to vector<16xf32>
      %swap3A_410 = vector.shape_cast %get3A_405 : vector<16xf32> to vector<1x16xf32>
      tpu.vector_store %arg8[%swap3A_406, %swap3A_407], %swap3A_410 {add = true, strides = array<i32>} : memref<64x768xf32, #tpu.memory_space<vmem>>, vector<1x16xf32>,
      %get3A_411 = arith.index_cast %scan3A_160 : i32 to index
      %get3A_412 = arith.constant 448 : index
      %get3A_413 = tpu.vector_load %arg9[%get3A_411, %get3A_412] {strides = array<i32>} : memref<64x768xf32, #tpu.memory_space<vmem>>, vector<1x16xf32>,
      %get3A_414 = vector.shape_cast %get3A_413 : vector<1x16xf32> to vector<16xf32>
      %swap3A_415 = arith.index_cast %scan3A_160 : i32 to index
      %swap3A_416 = arith.constant 448 : index
      %swap3A_417 = tpu.vector_load %arg8[%swap3A_415, %swap3A_416] {strides = array<i32>} : memref<64x768xf32, #tpu.memory_space<vmem>>, vector<1x16xf32>,
      %swap3A_418 = vector.shape_cast %swap3A_417 : vector<1x16xf32> to vector<16xf32>
      %swap3A_419 = vector.shape_cast %get3A_414 : vector<16xf32> to vector<1x16xf32>
      tpu.vector_store %arg8[%swap3A_415, %swap3A_416], %swap3A_419 {add = true, strides = array<i32>} : memref<64x768xf32, #tpu.memory_space<vmem>>, vector<1x16xf32>,
      %get3A_420 = arith.index_cast %scan3A_160 : i32 to index
      %get3A_421 = arith.constant 464 : index
      %get3A_422 = tpu.vector_load %arg9[%get3A_420, %get3A_421] {strides = array<i32>} : memref<64x768xf32, #tpu.memory_space<vmem>>, vector<1x16xf32>,
      %get3A_423 = vector.shape_cast %get3A_422 : vector<1x16xf32> to vector<16xf32>
      %swap3A_424 = arith.index_cast %scan3A_160 : i32 to index
      %swap3A_425 = arith.constant 464 : index
      %swap3A_426 = tpu.vector_load %arg8[%swap3A_424, %swap3A_425] {strides = array<i32>} : memref<64x768xf32, #tpu.memory_space<vmem>>, vector<1x16xf32>,
      %swap3A_427 = vector.shape_cast %swap3A_426 : vector<1x16xf32> to vector<16xf32>
      %swap3A_428 = vector.shape_cast %get3A_423 : vector<16xf32> to vector<1x16xf32>
      tpu.vector_store %arg8[%swap3A_424, %swap3A_425], %swap3A_428 {add = true, strides = array<i32>} : memref<64x768xf32, #tpu.memory_space<vmem>>, vector<1x16xf32>,
      %get3A_429 = arith.index_cast %scan3A_160 : i32 to index
      %get3A_430 = arith.constant 480 : index
      %get3A_431 = tpu.vector_load %arg9[%get3A_429, %get3A_430] {strides = array<i32>} : memref<64x768xf32, #tpu.memory_space<vmem>>, vector<1x16xf32>,
      %get3A_432 = vector.shape_cast %get3A_431 : vector<1x16xf32> to vector<16xf32>
      %swap3A_433 = arith.index_cast %scan3A_160 : i32 to index
      %swap3A_434 = arith.constant 480 : index
      %swap3A_435 = tpu.vector_load %arg8[%swap3A_433, %swap3A_434] {strides = array<i32>} : memref<64x768xf32, #tpu.memory_space<vmem>>, vector<1x16xf32>,
      %swap3A_436 = vector.shape_cast %swap3A_435 : vector<1x16xf32> to vector<16xf32>
      %swap3A_437 = vector.shape_cast %get3A_432 : vector<16xf32> to vector<1x16xf32>
      tpu.vector_store %arg8[%swap3A_433, %swap3A_434], %swap3A_437 {add = true, strides = array<i32>} : memref<64x768xf32, #tpu.memory_space<vmem>>, vector<1x16xf32>,
      %get3A_438 = arith.index_cast %scan3A_160 : i32 to index
      %get3A_439 = arith.constant 496 : index
      %get3A_440 = tpu.vector_load %arg9[%get3A_438, %get3A_439] {strides = array<i32>} : memref<64x768xf32, #tpu.memory_space<vmem>>, vector<1x16xf32>,
      %get3A_441 = vector.shape_cast %get3A_440 : vector<1x16xf32> to vector<16xf32>
      %swap3A_442 = arith.index_cast %scan3A_160 : i32 to index
      %swap3A_443 = arith.constant 496 : index
      %swap3A_444 = tpu.vector_load %arg8[%swap3A_442, %swap3A_443] {strides = array<i32>} : memref<64x768xf32, #tpu.memory_space<vmem>>, vector<1x16xf32>,
      %swap3A_445 = vector.shape_cast %swap3A_444 : vector<1x16xf32> to vector<16xf32>
      %swap3A_446 = vector.shape_cast %get3A_441 : vector<16xf32> to vector<1x16xf32>
      tpu.vector_store %arg8[%swap3A_442, %swap3A_443], %swap3A_446 {add = true, strides = array<i32>} : memref<64x768xf32, #tpu.memory_space<vmem>>, vector<1x16xf32>,
      %get3A_447 = arith.index_cast %scan3A_160 : i32 to index
      %get3A_448 = arith.constant 512 : index
      %get3A_449 = tpu.vector_load %arg9[%get3A_447, %get3A_448] {strides = array<i32>} : memref<64x768xf32, #tpu.memory_space<vmem>>, vector<1x16xf32>,
      %get3A_450 = vector.shape_cast %get3A_449 : vector<1x16xf32> to vector<16xf32>
      %swap3A_451 = arith.index_cast %scan3A_160 : i32 to index
      %swap3A_452 = arith.constant 512 : index
      %swap3A_453 = tpu.vector_load %arg8[%swap3A_451, %swap3A_452] {strides = array<i32>} : memref<64x768xf32, #tpu.memory_space<vmem>>, vector<1x16xf32>,
      %swap3A_454 = vector.shape_cast %swap3A_453 : vector<1x16xf32> to vector<16xf32>
      %swap3A_455 = vector.shape_cast %get3A_450 : vector<16xf32> to vector<1x16xf32>
      tpu.vector_store %arg8[%swap3A_451, %swap3A_452], %swap3A_455 {add = true, strides = array<i32>} : memref<64x768xf32, #tpu.memory_space<vmem>>, vector<1x16xf32>,
      %get3A_456 = arith.index_cast %scan3A_160 : i32 to index
      %get3A_457 = arith.constant 528 : index
      %get3A_458 = tpu.vector_load %arg9[%get3A_456, %get3A_457] {strides = array<i32>} : memref<64x768xf32, #tpu.memory_space<vmem>>, vector<1x16xf32>,
      %get3A_459 = vector.shape_cast %get3A_458 : vector<1x16xf32> to vector<16xf32>
      %swap3A_460 = arith.index_cast %scan3A_160 : i32 to index
      %swap3A_461 = arith.constant 528 : index
      %swap3A_462 = tpu.vector_load %arg8[%swap3A_460, %swap3A_461] {strides = array<i32>} : memref<64x768xf32, #tpu.memory_space<vmem>>, vector<1x16xf32>,
      %swap3A_463 = vector.shape_cast %swap3A_462 : vector<1x16xf32> to vector<16xf32>
      %swap3A_464 = vector.shape_cast %get3A_459 : vector<16xf32> to vector<1x16xf32>
      tpu.vector_store %arg8[%swap3A_460, %swap3A_461], %swap3A_464 {add = true, strides = array<i32>} : memref<64x768xf32, #tpu.memory_space<vmem>>, vector<1x16xf32>,
      %get3A_465 = arith.index_cast %scan3A_160 : i32 to index
      %get3A_466 = arith.constant 544 : index
      %get3A_467 = tpu.vector_load %arg9[%get3A_465, %get3A_466] {strides = array<i32>} : memref<64x768xf32, #tpu.memory_space<vmem>>, vector<1x16xf32>,
      %get3A_468 = vector.shape_cast %get3A_467 : vector<1x16xf32> to vector<16xf32>
      %swap3A_469 = arith.index_cast %scan3A_160 : i32 to index
      %swap3A_470 = arith.constant 544 : index
      %swap3A_471 = tpu.vector_load %arg8[%swap3A_469, %swap3A_470] {strides = array<i32>} : memref<64x768xf32, #tpu.memory_space<vmem>>, vector<1x16xf32>,
      %swap3A_472 = vector.shape_cast %swap3A_471 : vector<1x16xf32> to vector<16xf32>
      %swap3A_473 = vector.shape_cast %get3A_468 : vector<16xf32> to vector<1x16xf32>
      tpu.vector_store %arg8[%swap3A_469, %swap3A_470], %swap3A_473 {add = true, strides = array<i32>} : memref<64x768xf32, #tpu.memory_space<vmem>>, vector<1x16xf32>,
      %get3A_474 = arith.index_cast %scan3A_160 : i32 to index
      %get3A_475 = arith.constant 560 : index
      %get3A_476 = tpu.vector_load %arg9[%get3A_474, %get3A_475] {strides = array<i32>} : memref<64x768xf32, #tpu.memory_space<vmem>>, vector<1x16xf32>,
      %get3A_477 = vector.shape_cast %get3A_476 : vector<1x16xf32> to vector<16xf32>
      %swap3A_478 = arith.index_cast %scan3A_160 : i32 to index
      %swap3A_479 = arith.constant 560 : index
      %swap3A_480 = tpu.vector_load %arg8[%swap3A_478, %swap3A_479] {strides = array<i32>} : memref<64x768xf32, #tpu.memory_space<vmem>>, vector<1x16xf32>,
      %swap3A_481 = vector.shape_cast %swap3A_480 : vector<1x16xf32> to vector<16xf32>
      %swap3A_482 = vector.shape_cast %get3A_477 : vector<16xf32> to vector<1x16xf32>
      tpu.vector_store %arg8[%swap3A_478, %swap3A_479], %swap3A_482 {add = true, strides = array<i32>} : memref<64x768xf32, #tpu.memory_space<vmem>>, vector<1x16xf32>,
      %get3A_483 = arith.index_cast %scan3A_160 : i32 to index
      %get3A_484 = arith.constant 576 : index
      %get3A_485 = tpu.vector_load %arg9[%get3A_483, %get3A_484] {strides = array<i32>} : memref<64x768xf32, #tpu.memory_space<vmem>>, vector<1x16xf32>,
      %get3A_486 = vector.shape_cast %get3A_485 : vector<1x16xf32> to vector<16xf32>
      %swap3A_487 = arith.index_cast %scan3A_160 : i32 to index
      %swap3A_488 = arith.constant 576 : index
      %swap3A_489 = tpu.vector_load %arg8[%swap3A_487, %swap3A_488] {strides = array<i32>} : memref<64x768xf32, #tpu.memory_space<vmem>>, vector<1x16xf32>,
      %swap3A_490 = vector.shape_cast %swap3A_489 : vector<1x16xf32> to vector<16xf32>
      %swap3A_491 = vector.shape_cast %get3A_486 : vector<16xf32> to vector<1x16xf32>
      tpu.vector_store %arg8[%swap3A_487, %swap3A_488], %swap3A_491 {add = true, strides = array<i32>} : memref<64x768xf32, #tpu.memory_space<vmem>>, vector<1x16xf32>,
      %get3A_492 = arith.index_cast %scan3A_160 : i32 to index
      %get3A_493 = arith.constant 592 : index
      %get3A_494 = tpu.vector_load %arg9[%get3A_492, %get3A_493] {strides = array<i32>} : memref<64x768xf32, #tpu.memory_space<vmem>>, vector<1x16xf32>,
      %get3A_495 = vector.shape_cast %get3A_494 : vector<1x16xf32> to vector<16xf32>
      %swap3A_496 = arith.index_cast %scan3A_160 : i32 to index
      %swap3A_497 = arith.constant 592 : index
      %swap3A_498 = tpu.vector_load %arg8[%swap3A_496, %swap3A_497] {strides = array<i32>} : memref<64x768xf32, #tpu.memory_space<vmem>>, vector<1x16xf32>,
      %swap3A_499 = vector.shape_cast %swap3A_498 : vector<1x16xf32> to vector<16xf32>
      %swap3A_500 = vector.shape_cast %get3A_495 : vector<16xf32> to vector<1x16xf32>
      tpu.vector_store %arg8[%swap3A_496, %swap3A_497], %swap3A_500 {add = true, strides = array<i32>} : memref<64x768xf32, #tpu.memory_space<vmem>>, vector<1x16xf32>,
      %get3A_501 = arith.index_cast %scan3A_160 : i32 to index
      %get3A_502 = arith.constant 608 : index
      %get3A_503 = tpu.vector_load %arg9[%get3A_501, %get3A_502] {strides = array<i32>} : memref<64x768xf32, #tpu.memory_space<vmem>>, vector<1x16xf32>,
      %get3A_504 = vector.shape_cast %get3A_503 : vector<1x16xf32> to vector<16xf32>
      %swap3A_505 = arith.index_cast %scan3A_160 : i32 to index
      %swap3A_506 = arith.constant 608 : index
      %swap3A_507 = tpu.vector_load %arg8[%swap3A_505, %swap3A_506] {strides = array<i32>} : memref<64x768xf32, #tpu.memory_space<vmem>>, vector<1x16xf32>,
      %swap3A_508 = vector.shape_cast %swap3A_507 : vector<1x16xf32> to vector<16xf32>
      %swap3A_509 = vector.shape_cast %get3A_504 : vector<16xf32> to vector<1x16xf32>
      tpu.vector_store %arg8[%swap3A_505, %swap3A_506], %swap3A_509 {add = true, strides = array<i32>} : memref<64x768xf32, #tpu.memory_space<vmem>>, vector<1x16xf32>,
      %get3A_510 = arith.index_cast %scan3A_160 : i32 to index
      %get3A_511 = arith.constant 624 : index
      %get3A_512 = tpu.vector_load %arg9[%get3A_510, %get3A_511] {strides = array<i32>} : memref<64x768xf32, #tpu.memory_space<vmem>>, vector<1x16xf32>,
      %get3A_513 = vector.shape_cast %get3A_512 : vector<1x16xf32> to vector<16xf32>
      %swap3A_514 = arith.index_cast %scan3A_160 : i32 to index
      %swap3A_515 = arith.constant 624 : index
      %swap3A_516 = tpu.vector_load %arg8[%swap3A_514, %swap3A_515] {strides = array<i32>} : memref<64x768xf32, #tpu.memory_space<vmem>>, vector<1x16xf32>,
      %swap3A_517 = vector.shape_cast %swap3A_516 : vector<1x16xf32> to vector<16xf32>
      %swap3A_518 = vector.shape_cast %get3A_513 : vector<16xf32> to vector<1x16xf32>
      tpu.vector_store %arg8[%swap3A_514, %swap3A_515], %swap3A_518 {add = true, strides = array<i32>} : memref<64x768xf32, #tpu.memory_space<vmem>>, vector<1x16xf32>,
      %get3A_519 = arith.index_cast %scan3A_160 : i32 to index
      %get3A_520 = arith.constant 640 : index
      %get3A_521 = tpu.vector_load %arg9[%get3A_519, %get3A_520] {strides = array<i32>} : memref<64x768xf32, #tpu.memory_space<vmem>>, vector<1x16xf32>,
      %get3A_522 = vector.shape_cast %get3A_521 : vector<1x16xf32> to vector<16xf32>
      %swap3A_523 = arith.index_cast %scan3A_160 : i32 to index
      %swap3A_524 = arith.constant 640 : index
      %swap3A_525 = tpu.vector_load %arg8[%swap3A_523, %swap3A_524] {strides = array<i32>} : memref<64x768xf32, #tpu.memory_space<vmem>>, vector<1x16xf32>,
      %swap3A_526 = vector.shape_cast %swap3A_525 : vector<1x16xf32> to vector<16xf32>
      %swap3A_527 = vector.shape_cast %get3A_522 : vector<16xf32> to vector<1x16xf32>
      tpu.vector_store %arg8[%swap3A_523, %swap3A_524], %swap3A_527 {add = true, strides = array<i32>} : memref<64x768xf32, #tpu.memory_space<vmem>>, vector<1x16xf32>,
      %get3A_528 = arith.index_cast %scan3A_160 : i32 to index
      %get3A_529 = arith.constant 656 : index
      %get3A_530 = tpu.vector_load %arg9[%get3A_528, %get3A_529] {strides = array<i32>} : memref<64x768xf32, #tpu.memory_space<vmem>>, vector<1x16xf32>,
      %get3A_531 = vector.shape_cast %get3A_530 : vector<1x16xf32> to vector<16xf32>
      %swap3A_532 = arith.index_cast %scan3A_160 : i32 to index
      %swap3A_533 = arith.constant 656 : index
      %swap3A_534 = tpu.vector_load %arg8[%swap3A_532, %swap3A_533] {strides = array<i32>} : memref<64x768xf32, #tpu.memory_space<vmem>>, vector<1x16xf32>,
      %swap3A_535 = vector.shape_cast %swap3A_534 : vector<1x16xf32> to vector<16xf32>
      %swap3A_536 = vector.shape_cast %get3A_531 : vector<16xf32> to vector<1x16xf32>
      tpu.vector_store %arg8[%swap3A_532, %swap3A_533], %swap3A_536 {add = true, strides = array<i32>} : memref<64x768xf32, #tpu.memory_space<vmem>>, vector<1x16xf32>,
      %get3A_537 = arith.index_cast %scan3A_160 : i32 to index
      %get3A_538 = arith.constant 672 : index
      %get3A_539 = tpu.vector_load %arg9[%get3A_537, %get3A_538] {strides = array<i32>} : memref<64x768xf32, #tpu.memory_space<vmem>>, vector<1x16xf32>,
      %get3A_540 = vector.shape_cast %get3A_539 : vector<1x16xf32> to vector<16xf32>
      %swap3A_541 = arith.index_cast %scan3A_160 : i32 to index
      %swap3A_542 = arith.constant 672 : index
      %swap3A_543 = tpu.vector_load %arg8[%swap3A_541, %swap3A_542] {strides = array<i32>} : memref<64x768xf32, #tpu.memory_space<vmem>>, vector<1x16xf32>,
      %swap3A_544 = vector.shape_cast %swap3A_543 : vector<1x16xf32> to vector<16xf32>
      %swap3A_545 = vector.shape_cast %get3A_540 : vector<16xf32> to vector<1x16xf32>
      tpu.vector_store %arg8[%swap3A_541, %swap3A_542], %swap3A_545 {add = true, strides = array<i32>} : memref<64x768xf32, #tpu.memory_space<vmem>>, vector<1x16xf32>,
      %get3A_546 = arith.index_cast %scan3A_160 : i32 to index
      %get3A_547 = arith.constant 688 : index
      %get3A_548 = tpu.vector_load %arg9[%get3A_546, %get3A_547] {strides = array<i32>} : memref<64x768xf32, #tpu.memory_space<vmem>>, vector<1x16xf32>,
      %get3A_549 = vector.shape_cast %get3A_548 : vector<1x16xf32> to vector<16xf32>
      %swap3A_550 = arith.index_cast %scan3A_160 : i32 to index
      %swap3A_551 = arith.constant 688 : index
      %swap3A_552 = tpu.vector_load %arg8[%swap3A_550, %swap3A_551] {strides = array<i32>} : memref<64x768xf32, #tpu.memory_space<vmem>>, vector<1x16xf32>,
      %swap3A_553 = vector.shape_cast %swap3A_552 : vector<1x16xf32> to vector<16xf32>
      %swap3A_554 = vector.shape_cast %get3A_549 : vector<16xf32> to vector<1x16xf32>
      tpu.vector_store %arg8[%swap3A_550, %swap3A_551], %swap3A_554 {add = true, strides = array<i32>} : memref<64x768xf32, #tpu.memory_space<vmem>>, vector<1x16xf32>,
      %get3A_555 = arith.index_cast %scan3A_160 : i32 to index
      %get3A_556 = arith.constant 704 : index
      %get3A_557 = tpu.vector_load %arg9[%get3A_555, %get3A_556] {strides = array<i32>} : memref<64x768xf32, #tpu.memory_space<vmem>>, vector<1x16xf32>,
      %get3A_558 = vector.shape_cast %get3A_557 : vector<1x16xf32> to vector<16xf32>
      %swap3A_559 = arith.index_cast %scan3A_160 : i32 to index
      %swap3A_560 = arith.constant 704 : index
      %swap3A_561 = tpu.vector_load %arg8[%swap3A_559, %swap3A_560] {strides = array<i32>} : memref<64x768xf32, #tpu.memory_space<vmem>>, vector<1x16xf32>,
      %swap3A_562 = vector.shape_cast %swap3A_561 : vector<1x16xf32> to vector<16xf32>
      %swap3A_563 = vector.shape_cast %get3A_558 : vector<16xf32> to vector<1x16xf32>
      tpu.vector_store %arg8[%swap3A_559, %swap3A_560], %swap3A_563 {add = true, strides = array<i32>} : memref<64x768xf32, #tpu.memory_space<vmem>>, vector<1x16xf32>,
      %get3A_564 = arith.index_cast %scan3A_160 : i32 to index
      %get3A_565 = arith.constant 720 : index
      %get3A_566 = tpu.vector_load %arg9[%get3A_564, %get3A_565] {strides = array<i32>} : memref<64x768xf32, #tpu.memory_space<vmem>>, vector<1x16xf32>,
      %get3A_567 = vector.shape_cast %get3A_566 : vector<1x16xf32> to vector<16xf32>
      %swap3A_568 = arith.index_cast %scan3A_160 : i32 to index
      %swap3A_569 = arith.constant 720 : index
      %swap3A_570 = tpu.vector_load %arg8[%swap3A_568, %swap3A_569] {strides = array<i32>} : memref<64x768xf32, #tpu.memory_space<vmem>>, vector<1x16xf32>,
      %swap3A_571 = vector.shape_cast %swap3A_570 : vector<1x16xf32> to vector<16xf32>
      %swap3A_572 = vector.shape_cast %get3A_567 : vector<16xf32> to vector<1x16xf32>
      tpu.vector_store %arg8[%swap3A_568, %swap3A_569], %swap3A_572 {add = true, strides = array<i32>} : memref<64x768xf32, #tpu.memory_space<vmem>>, vector<1x16xf32>,
      %get3A_573 = arith.index_cast %scan3A_160 : i32 to index
      %get3A_574 = arith.constant 736 : index
      %get3A_575 = tpu.vector_load %arg9[%get3A_573, %get3A_574] {strides = array<i32>} : memref<64x768xf32, #tpu.memory_space<vmem>>, vector<1x16xf32>,
      %get3A_576 = vector.shape_cast %get3A_575 : vector<1x16xf32> to vector<16xf32>
      %swap3A_577 = arith.index_cast %scan3A_160 : i32 to index
      %swap3A_578 = arith.constant 736 : index
      %swap3A_579 = tpu.vector_load %arg8[%swap3A_577, %swap3A_578] {strides = array<i32>} : memref<64x768xf32, #tpu.memory_space<vmem>>, vector<1x16xf32>,
      %swap3A_580 = vector.shape_cast %swap3A_579 : vector<1x16xf32> to vector<16xf32>
      %swap3A_581 = vector.shape_cast %get3A_576 : vector<16xf32> to vector<1x16xf32>
      tpu.vector_store %arg8[%swap3A_577, %swap3A_578], %swap3A_581 {add = true, strides = array<i32>} : memref<64x768xf32, #tpu.memory_space<vmem>>, vector<1x16xf32>,
      %get3A_582 = arith.index_cast %scan3A_160 : i32 to index
      %get3A_583 = arith.constant 752 : index
      %get3A_584 = tpu.vector_load %arg9[%get3A_582, %get3A_583] {strides = array<i32>} : memref<64x768xf32, #tpu.memory_space<vmem>>, vector<1x16xf32>,
      %get3A_585 = vector.shape_cast %get3A_584 : vector<1x16xf32> to vector<16xf32>
      %swap3A_586 = arith.index_cast %scan3A_160 : i32 to index
      %swap3A_587 = arith.constant 752 : index
      %swap3A_588 = tpu.vector_load %arg8[%swap3A_586, %swap3A_587] {strides = array<i32>} : memref<64x768xf32, #tpu.memory_space<vmem>>, vector<1x16xf32>,
      %swap3A_589 = vector.shape_cast %swap3A_588 : vector<1x16xf32> to vector<16xf32>
      %swap3A_590 = vector.shape_cast %get3A_585 : vector<16xf32> to vector<1x16xf32>
      tpu.vector_store %arg8[%swap3A_586, %swap3A_587], %swap3A_590 {add = true, strides = array<i32>} : memref<64x768xf32, #tpu.memory_space<vmem>>, vector<1x16xf32>,
    }
    %scan3A_159 = arith.constant 16 : i32
    "tpu.region"() ({
      %run_scoped3A = tpu.sem_alloc : memref<!tpu.dma_semaphore, #tpu.memory_space<semaphore_mem>>
      %dma_start3A_160 = arith.constant 0 : i32
      %dma_start3A_161 = tpu.memref_slice %arg5[%mul3A_2, %dma_start3A_160] : memref<2048x768xf32, #tpu.memory_space<hbm>> -> memref<64x768xf32, #tpu.memory_space<hbm>>
      %dma_start3A_162 = arith.constant 0 : i32
      %dma_start3A_163 = tpu.memref_slice %arg5[%mul3A_2, %dma_start3A_162] : memref<2048x768xf32, #tpu.memory_space<hbm>> -> memref<64x768xf32, #tpu.memory_space<hbm>>
      tpu.enqueue_dma source(%arg8 : memref<64x768xf32, #tpu.memory_space<vmem>>) target(%dma_start3A_163 : memref<64x768xf32, #tpu.memory_space<hbm>>) target_semaphore(%run_scoped3A : memref<!tpu.dma_semaphore, #tpu.memory_space<semaphore_mem>>)
      %dma_wait3A_164 = arith.constant 0 : i32
      %dma_wait3A_165 = tpu.memref_slice %arg5[%mul3A_2, %dma_wait3A_164] : memref<2048x768xf32, #tpu.memory_space<hbm>> -> memref<64x768xf32, #tpu.memory_space<hbm>>
      %dma_wait3A_166 = arith.constant 0 : i32
      %dma_wait3A_167 = tpu.memref_slice %arg5[%mul3A_2, %dma_wait3A_166] : memref<2048x768xf32, #tpu.memory_space<hbm>> -> memref<64x768xf32, #tpu.memory_space<hbm>>
      tpu.wait_dma2 semaphore(%run_scoped3A : memref<!tpu.dma_semaphore, #tpu.memory_space<semaphore_mem>>) src(%arg8 : memref<64x768xf32, #tpu.memory_space<vmem>>) dst(%dma_wait3A_167 : memref<64x768xf32, #tpu.memory_space<hbm>>)
      tpu.yield
    }) : () -> ()
    return
  }
}

#map = affine_map<(d0, d1) -> (0, 0)>
#map1 = affine_map<(d0, d1) -> (0)>
module attributes {stable_mosaic.version = 14 : i64} {
  func.func @_dispatch(%arg0: i32, %arg1: i32, %arg2: memref<2048x768xf32, #tpu.memory_space<hbm>>, %arg3: memref<2048xi32, #tpu.memory_space<hbm>>, %arg4: memref<2048xi32, #tpu.memory_space<hbm>>, %arg5: memref<2048x128xf32, #tpu.memory_space<hbm>>, %arg6: memref<2048x128xf32, #tpu.memory_space<hbm>>, %arg7: memref<5120x768xf32, #tpu.memory_space<hbm>>, %arg8: memref<5120x128xf32, #tpu.memory_space<hbm>>, %arg9: memref<64xi32, #tpu.memory_space<vmem>>, %arg10: memref<64xi32, #tpu.memory_space<vmem>>, %arg11: memref<64x768xf32, #tpu.memory_space<vmem>>, %arg12: memref<64x128xf32, #tpu.memory_space<vmem>>, %arg13: memref<64x128xf32, #tpu.memory_space<vmem>>, %arg14: memref<!tpu.dma_semaphore, #tpu.memory_space<semaphore_mem>>, %arg15: memref<!tpu.dma_semaphore, #tpu.memory_space<semaphore_mem>>, %arg16: memref<!tpu.dma_semaphore, #tpu.memory_space<semaphore_mem>>, %arg17: memref<!tpu.dma_semaphore, #tpu.memory_space<semaphore_mem>>, %arg18: memref<!tpu.dma_semaphore, #tpu.memory_space<semaphore_mem>>) attributes {dimension_semantics = [#tpu.dimension_semantics<core_parallel>, #tpu.dimension_semantics<subcore_parallel>], iteration_bounds = array<i64: 2, 16>, scalar_prefetch = 0 : i64, scratch_operands = 10 : i64, tpu.core_type = #tpu.core_type<sc_vector_subcore>, window_params = [{transform_indices = #map}, {transform_indices = #map1}, {transform_indices = #map1}, {transform_indices = #map}, {transform_indices = #map}, {transform_indices = #map}, {transform_indices = #map}]} {
    %mul3A = arith.constant 2 : i32
    %mul3A_0 = arith.muli %arg1, %mul3A : i32
    %add3A = arith.addi %mul3A_0, %arg0 : i32
    %mul3A_1 = arith.constant 64 : i32
    %mul3A_2 = arith.muli %add3A, %mul3A_1 : i32
    %dma_start3A = tpu.memref_slice %arg3[%mul3A_2] : memref<2048xi32, #tpu.memory_space<hbm>> -> memref<64xi32, #tpu.memory_space<hbm>>
    %dma_start3A_3 = tpu.memref_slice %arg3[%mul3A_2] : memref<2048xi32, #tpu.memory_space<hbm>> -> memref<64xi32, #tpu.memory_space<hbm>>
    tpu.enqueue_dma source(%dma_start3A_3 : memref<64xi32, #tpu.memory_space<hbm>>) target(%arg9 : memref<64xi32, #tpu.memory_space<vmem>>) target_semaphore(%arg14 : memref<!tpu.dma_semaphore, #tpu.memory_space<semaphore_mem>>)
    %dma_start3A_4 = tpu.memref_slice %arg4[%mul3A_2] : memref<2048xi32, #tpu.memory_space<hbm>> -> memref<64xi32, #tpu.memory_space<hbm>>
    %dma_start3A_5 = tpu.memref_slice %arg4[%mul3A_2] : memref<2048xi32, #tpu.memory_space<hbm>> -> memref<64xi32, #tpu.memory_space<hbm>>
    tpu.enqueue_dma source(%dma_start3A_5 : memref<64xi32, #tpu.memory_space<hbm>>) target(%arg10 : memref<64xi32, #tpu.memory_space<vmem>>) target_semaphore(%arg15 : memref<!tpu.dma_semaphore, #tpu.memory_space<semaphore_mem>>)
    %dma_start3A_6 = arith.constant 0 : i32
    %dma_start3A_7 = tpu.memref_slice %arg2[%mul3A_2, %dma_start3A_6] : memref<2048x768xf32, #tpu.memory_space<hbm>> -> memref<64x768xf32, #tpu.memory_space<hbm>>
    %dma_start3A_8 = arith.constant 0 : i32
    %dma_start3A_9 = tpu.memref_slice %arg2[%mul3A_2, %dma_start3A_8] : memref<2048x768xf32, #tpu.memory_space<hbm>> -> memref<64x768xf32, #tpu.memory_space<hbm>>
    tpu.enqueue_dma source(%dma_start3A_9 : memref<64x768xf32, #tpu.memory_space<hbm>>) target(%arg11 : memref<64x768xf32, #tpu.memory_space<vmem>>) target_semaphore(%arg16 : memref<!tpu.dma_semaphore, #tpu.memory_space<semaphore_mem>>)
    %dma_start3A_10 = arith.constant 0 : i32
    %dma_start3A_11 = tpu.memref_slice %arg5[%mul3A_2, %dma_start3A_10] : memref<2048x128xf32, #tpu.memory_space<hbm>> -> memref<64x128xf32, #tpu.memory_space<hbm>>
    %dma_start3A_12 = arith.constant 0 : i32
    %dma_start3A_13 = tpu.memref_slice %arg5[%mul3A_2, %dma_start3A_12] : memref<2048x128xf32, #tpu.memory_space<hbm>> -> memref<64x128xf32, #tpu.memory_space<hbm>>
    tpu.enqueue_dma source(%dma_start3A_13 : memref<64x128xf32, #tpu.memory_space<hbm>>) target(%arg12 : memref<64x128xf32, #tpu.memory_space<vmem>>) target_semaphore(%arg17 : memref<!tpu.dma_semaphore, #tpu.memory_space<semaphore_mem>>)
    %dma_start3A_14 = arith.constant 0 : i32
    %dma_start3A_15 = tpu.memref_slice %arg6[%mul3A_2, %dma_start3A_14] : memref<2048x128xf32, #tpu.memory_space<hbm>> -> memref<64x128xf32, #tpu.memory_space<hbm>>
    %dma_start3A_16 = arith.constant 0 : i32
    %dma_start3A_17 = tpu.memref_slice %arg6[%mul3A_2, %dma_start3A_16] : memref<2048x128xf32, #tpu.memory_space<hbm>> -> memref<64x128xf32, #tpu.memory_space<hbm>>
    tpu.enqueue_dma source(%dma_start3A_17 : memref<64x128xf32, #tpu.memory_space<hbm>>) target(%arg13 : memref<64x128xf32, #tpu.memory_space<vmem>>) target_semaphore(%arg18 : memref<!tpu.dma_semaphore, #tpu.memory_space<semaphore_mem>>)
    %dma_wait3A = tpu.memref_slice %arg3[%mul3A_2] : memref<2048xi32, #tpu.memory_space<hbm>> -> memref<64xi32, #tpu.memory_space<hbm>>
    %dma_wait3A_18 = tpu.memref_slice %arg3[%mul3A_2] : memref<2048xi32, #tpu.memory_space<hbm>> -> memref<64xi32, #tpu.memory_space<hbm>>
    tpu.wait_dma2 semaphore(%arg14 : memref<!tpu.dma_semaphore, #tpu.memory_space<semaphore_mem>>) src(%dma_wait3A_18 : memref<64xi32, #tpu.memory_space<hbm>>) dst(%arg9 : memref<64xi32, #tpu.memory_space<vmem>>)
    %dma_wait3A_19 = arith.constant 0 : i32
    %dma_wait3A_20 = tpu.memref_slice %arg2[%mul3A_2, %dma_wait3A_19] : memref<2048x768xf32, #tpu.memory_space<hbm>> -> memref<64x768xf32, #tpu.memory_space<hbm>>
    %dma_wait3A_21 = arith.constant 0 : i32
    %dma_wait3A_22 = tpu.memref_slice %arg2[%mul3A_2, %dma_wait3A_21] : memref<2048x768xf32, #tpu.memory_space<hbm>> -> memref<64x768xf32, #tpu.memory_space<hbm>>
    tpu.wait_dma2 semaphore(%arg16 : memref<!tpu.dma_semaphore, #tpu.memory_space<semaphore_mem>>) src(%dma_wait3A_22 : memref<64x768xf32, #tpu.memory_space<hbm>>) dst(%arg11 : memref<64x768xf32, #tpu.memory_space<vmem>>)
    %dma_start3A_23 = arith.constant 0 : i32
    %dma_start3A_24 = arith.constant 0 : i32
    %dma_start3A_25 = tpu.memref_slice %arg7[%dma_start3A_23, %dma_start3A_24] : memref<5120x768xf32, #tpu.memory_space<hbm>> -> memref<5120x768xf32, #tpu.memory_space<hbm>>
    tpu.enqueue_indirect_dma source(%arg11 : memref<64x768xf32, #tpu.memory_space<vmem>>) target(%dma_start3A_25 : memref<5120x768xf32, #tpu.memory_space<hbm>>) offsets(%arg9 : memref<64xi32, #tpu.memory_space<vmem>>) semaphore(%arg14 : memref<!tpu.dma_semaphore, #tpu.memory_space<semaphore_mem>>)
    %dma_wait3A_26 = tpu.memref_slice %arg4[%mul3A_2] : memref<2048xi32, #tpu.memory_space<hbm>> -> memref<64xi32, #tpu.memory_space<hbm>>
    %dma_wait3A_27 = tpu.memref_slice %arg4[%mul3A_2] : memref<2048xi32, #tpu.memory_space<hbm>> -> memref<64xi32, #tpu.memory_space<hbm>>
    tpu.wait_dma2 semaphore(%arg15 : memref<!tpu.dma_semaphore, #tpu.memory_space<semaphore_mem>>) src(%dma_wait3A_27 : memref<64xi32, #tpu.memory_space<hbm>>) dst(%arg10 : memref<64xi32, #tpu.memory_space<vmem>>)
    %dma_start3A_28 = arith.constant 0 : i32
    %dma_start3A_29 = arith.constant 0 : i32
    %dma_start3A_30 = tpu.memref_slice %arg7[%dma_start3A_28, %dma_start3A_29] : memref<5120x768xf32, #tpu.memory_space<hbm>> -> memref<5120x768xf32, #tpu.memory_space<hbm>>
    tpu.enqueue_indirect_dma source(%arg11 : memref<64x768xf32, #tpu.memory_space<vmem>>) target(%dma_start3A_30 : memref<5120x768xf32, #tpu.memory_space<hbm>>) offsets(%arg10 : memref<64xi32, #tpu.memory_space<vmem>>) semaphore(%arg15 : memref<!tpu.dma_semaphore, #tpu.memory_space<semaphore_mem>>)
    %dma_wait3A_31 = arith.constant 0 : i32
    %dma_wait3A_32 = tpu.memref_slice %arg5[%mul3A_2, %dma_wait3A_31] : memref<2048x128xf32, #tpu.memory_space<hbm>> -> memref<64x128xf32, #tpu.memory_space<hbm>>
    %dma_wait3A_33 = arith.constant 0 : i32
    %dma_wait3A_34 = tpu.memref_slice %arg5[%mul3A_2, %dma_wait3A_33] : memref<2048x128xf32, #tpu.memory_space<hbm>> -> memref<64x128xf32, #tpu.memory_space<hbm>>
    tpu.wait_dma2 semaphore(%arg17 : memref<!tpu.dma_semaphore, #tpu.memory_space<semaphore_mem>>) src(%dma_wait3A_34 : memref<64x128xf32, #tpu.memory_space<hbm>>) dst(%arg12 : memref<64x128xf32, #tpu.memory_space<vmem>>)
    %dma_wait3A_35 = arith.constant 0 : i32
    %dma_wait3A_36 = tpu.memref_slice %arg6[%mul3A_2, %dma_wait3A_35] : memref<2048x128xf32, #tpu.memory_space<hbm>> -> memref<64x128xf32, #tpu.memory_space<hbm>>
    %dma_wait3A_37 = arith.constant 0 : i32
    %dma_wait3A_38 = tpu.memref_slice %arg6[%mul3A_2, %dma_wait3A_37] : memref<2048x128xf32, #tpu.memory_space<hbm>> -> memref<64x128xf32, #tpu.memory_space<hbm>>
    tpu.wait_dma2 semaphore(%arg18 : memref<!tpu.dma_semaphore, #tpu.memory_space<semaphore_mem>>) src(%dma_wait3A_38 : memref<64x128xf32, #tpu.memory_space<hbm>>) dst(%arg13 : memref<64x128xf32, #tpu.memory_space<vmem>>)
    %dma_start3A_39 = arith.constant 0 : i32
    %dma_start3A_40 = arith.constant 0 : i32
    %dma_start3A_41 = tpu.memref_slice %arg8[%dma_start3A_39, %dma_start3A_40] : memref<5120x128xf32, #tpu.memory_space<hbm>> -> memref<5120x128xf32, #tpu.memory_space<hbm>>
    tpu.enqueue_indirect_dma source(%arg12 : memref<64x128xf32, #tpu.memory_space<vmem>>) target(%dma_start3A_41 : memref<5120x128xf32, #tpu.memory_space<hbm>>) offsets(%arg9 : memref<64xi32, #tpu.memory_space<vmem>>) semaphore(%arg16 : memref<!tpu.dma_semaphore, #tpu.memory_space<semaphore_mem>>)
    %dma_start3A_42 = arith.constant 0 : i32
    %dma_start3A_43 = arith.constant 0 : i32
    %dma_start3A_44 = tpu.memref_slice %arg8[%dma_start3A_42, %dma_start3A_43] : memref<5120x128xf32, #tpu.memory_space<hbm>> -> memref<5120x128xf32, #tpu.memory_space<hbm>>
    tpu.enqueue_indirect_dma source(%arg13 : memref<64x128xf32, #tpu.memory_space<vmem>>) target(%dma_start3A_44 : memref<5120x128xf32, #tpu.memory_space<hbm>>) offsets(%arg10 : memref<64xi32, #tpu.memory_space<vmem>>) semaphore(%arg17 : memref<!tpu.dma_semaphore, #tpu.memory_space<semaphore_mem>>)
    %dma_wait3A_45 = arith.constant 0 : i32
    %dma_wait3A_46 = arith.constant 0 : i32
    %dma_wait3A_47 = tpu.memref_slice %arg7[%dma_wait3A_45, %dma_wait3A_46] : memref<5120x768xf32, #tpu.memory_space<hbm>> -> memref<5120x768xf32, #tpu.memory_space<hbm>>
    tpu.wait_indirect_dma semaphore(%arg14 : memref<!tpu.dma_semaphore, #tpu.memory_space<semaphore_mem>>) src(%arg11 : memref<64x768xf32, #tpu.memory_space<vmem>>) dst(%dma_wait3A_47 : memref<5120x768xf32, #tpu.memory_space<hbm>>)
    %dma_wait3A_48 = arith.constant 0 : i32
    %dma_wait3A_49 = arith.constant 0 : i32
    %dma_wait3A_50 = tpu.memref_slice %arg7[%dma_wait3A_48, %dma_wait3A_49] : memref<5120x768xf32, #tpu.memory_space<hbm>> -> memref<5120x768xf32, #tpu.memory_space<hbm>>
    tpu.wait_indirect_dma semaphore(%arg15 : memref<!tpu.dma_semaphore, #tpu.memory_space<semaphore_mem>>) src(%arg11 : memref<64x768xf32, #tpu.memory_space<vmem>>) dst(%dma_wait3A_50 : memref<5120x768xf32, #tpu.memory_space<hbm>>)
    %dma_wait3A_51 = arith.constant 0 : i32
    %dma_wait3A_52 = arith.constant 0 : i32
    %dma_wait3A_53 = tpu.memref_slice %arg8[%dma_wait3A_51, %dma_wait3A_52] : memref<5120x128xf32, #tpu.memory_space<hbm>> -> memref<5120x128xf32, #tpu.memory_space<hbm>>
    tpu.wait_indirect_dma semaphore(%arg16 : memref<!tpu.dma_semaphore, #tpu.memory_space<semaphore_mem>>) src(%arg12 : memref<64x128xf32, #tpu.memory_space<vmem>>) dst(%dma_wait3A_53 : memref<5120x128xf32, #tpu.memory_space<hbm>>)
    %dma_wait3A_54 = arith.constant 0 : i32
    %dma_wait3A_55 = arith.constant 0 : i32
    %dma_wait3A_56 = tpu.memref_slice %arg8[%dma_wait3A_54, %dma_wait3A_55] : memref<5120x128xf32, #tpu.memory_space<hbm>> -> memref<5120x128xf32, #tpu.memory_space<hbm>>
    tpu.wait_indirect_dma semaphore(%arg17 : memref<!tpu.dma_semaphore, #tpu.memory_space<semaphore_mem>>) src(%arg13 : memref<64x128xf32, #tpu.memory_space<vmem>>) dst(%dma_wait3A_56 : memref<5120x128xf32, #tpu.memory_space<hbm>>)
    return
  }
}

module attributes {stable_mosaic.version = 14 : i64} {
  func.func @_ffn_body(%arg0: i32, %arg1: memref<40xi32, #tpu.memory_space<smem>>, %arg2: memref<40xi32, #tpu.memory_space<smem>>, %arg3: memref<40xi32, #tpu.memory_space<smem>>, %arg4: memref<40xi32, #tpu.memory_space<smem>>, %arg5: memref<40xi32, #tpu.memory_space<smem>>, %arg6: memref<40xi32, #tpu.memory_space<smem>>, %arg7: memref<128x768xf32, #tpu.memory_space<vmem>>, %arg8: memref<8x768x1024xf32, #tpu.memory_space<hbm>>, %arg9: memref<1x1x1024xf32, #tpu.memory_space<vmem>>, %arg10: memref<8x768x1024xf32, #tpu.memory_space<hbm>>, %arg11: memref<1x1x1024xf32, #tpu.memory_space<vmem>>, %arg12: memref<8x1024x768xf32, #tpu.memory_space<hbm>>, %arg13: memref<1x1x768xf32, #tpu.memory_space<vmem>>, %arg14: memref<128x128xf32, #tpu.memory_space<vmem>>, %arg15: memref<128x768xf32, #tpu.memory_space<vmem>>, %arg16: memref<2x768x1024xf32, #tpu.memory_space<vmem>>, %arg17: memref<2x768x1024xf32, #tpu.memory_space<vmem>>, %arg18: memref<2x1024x768xf32, #tpu.memory_space<vmem>>, %arg19: memref<!tpu.dma_semaphore, #tpu.memory_space<semaphore_mem>>, %arg20: memref<!tpu.dma_semaphore, #tpu.memory_space<semaphore_mem>>) attributes {dimension_semantics = [#tpu.dimension_semantics<arbitrary>], iteration_bounds = array<i64: 40>, scalar_prefetch = 6 : i64, scratch_operands = 5 : i64, tpu.core_type = #tpu.core_type<tc>, window_params = [{transform_indices = @transform_0, window_bounds = array<i64: 128, 768>}, {}, {transform_indices = @transform_2, window_bounds = array<i64: 1, 1, 1024>}, {}, {transform_indices = @transform_4, window_bounds = array<i64: 1, 1, 1024>}, {}, {transform_indices = @transform_6, window_bounds = array<i64: 1, 1, 768>}, {transform_indices = @transform_7, window_bounds = array<i64: 128, 128>}, {transform_indices = @transform_8, window_bounds = array<i64: 128, 768>}]} {
    %get3A = arith.index_cast %arg0 : i32 to index
    %get3A_0 = memref.load %arg1[%get3A] : memref<40xi32, #tpu.memory_space<smem>>
    %get3A_1 = arith.index_cast %arg0 : i32 to index
    %get3A_2 = memref.load %arg3[%get3A_1] : memref<40xi32, #tpu.memory_space<smem>>
    %eq3A = arith.constant 0 : i32
    %eq3A_3 = arith.cmpi eq, %arg0, %eq3A : i32
    %convert_element_type3A = arith.extui %eq3A_3 : i1 to i32
    %cond3A = arith.constant 0 : i32
    %cond3A_4 = arith.cmpi ne, %convert_element_type3A, %cond3A : i32
    scf.if %cond3A_4 {
      %dma_start3A = arith.constant 0 : i32
      %dma_start3A_17 = arith.constant 0 : i32
      %dma_start3A_18 = arith.constant 0 : i32
      %dma_start3A_19 = tpu.memref_slice %arg16[%dma_start3A, %dma_start3A_17, %dma_start3A_18] : memref<2x768x1024xf32, #tpu.memory_space<vmem>> -> memref<1x768x1024xf32, #tpu.memory_space<vmem>>
      %dma_start3A_20 = tpu.memref_squeeze %dma_start3A_19 : memref<1x768x1024xf32, #tpu.memory_space<vmem>> -> memref<768x1024xf32, #tpu.memory_space<vmem>>
      %dma_start3A_21 = arith.constant 0 : i32
      %dma_start3A_22 = arith.constant 0 : i32
      %dma_start3A_23 = tpu.memref_slice %arg8[%get3A_0, %dma_start3A_21, %dma_start3A_22] : memref<8x768x1024xf32, #tpu.memory_space<hbm>> -> memref<1x768x1024xf32, #tpu.memory_space<hbm>>
      %dma_start3A_24 = tpu.memref_squeeze %dma_start3A_23 : memref<1x768x1024xf32, #tpu.memory_space<hbm>> -> memref<768x1024xf32, #tpu.memory_space<hbm>>
      tpu.enqueue_dma source(%dma_start3A_24 : memref<768x1024xf32, #tpu.memory_space<hbm>>) target(%dma_start3A_20 : memref<768x1024xf32, #tpu.memory_space<vmem>>) target_semaphore(%arg19 : memref<!tpu.dma_semaphore, #tpu.memory_space<semaphore_mem>>)
      %dma_start3A_25 = arith.constant 0 : i32
      %dma_start3A_26 = arith.constant 0 : i32
      %dma_start3A_27 = arith.constant 0 : i32
      %dma_start3A_28 = tpu.memref_slice %arg17[%dma_start3A_25, %dma_start3A_26, %dma_start3A_27] : memref<2x768x1024xf32, #tpu.memory_space<vmem>> -> memref<1x768x1024xf32, #tpu.memory_space<vmem>>
      %dma_start3A_29 = tpu.memref_squeeze %dma_start3A_28 : memref<1x768x1024xf32, #tpu.memory_space<vmem>> -> memref<768x1024xf32, #tpu.memory_space<vmem>>
      %dma_start3A_30 = arith.constant 0 : i32
      %dma_start3A_31 = arith.constant 0 : i32
      %dma_start3A_32 = tpu.memref_slice %arg10[%get3A_0, %dma_start3A_30, %dma_start3A_31] : memref<8x768x1024xf32, #tpu.memory_space<hbm>> -> memref<1x768x1024xf32, #tpu.memory_space<hbm>>
      %dma_start3A_33 = tpu.memref_squeeze %dma_start3A_32 : memref<1x768x1024xf32, #tpu.memory_space<hbm>> -> memref<768x1024xf32, #tpu.memory_space<hbm>>
      tpu.enqueue_dma source(%dma_start3A_33 : memref<768x1024xf32, #tpu.memory_space<hbm>>) target(%dma_start3A_29 : memref<768x1024xf32, #tpu.memory_space<vmem>>) target_semaphore(%arg19 : memref<!tpu.dma_semaphore, #tpu.memory_space<semaphore_mem>>)
      %dma_start3A_34 = arith.constant 0 : i32
      %dma_start3A_35 = arith.constant 0 : i32
      %dma_start3A_36 = arith.constant 0 : i32
      %dma_start3A_37 = tpu.memref_slice %arg18[%dma_start3A_34, %dma_start3A_35, %dma_start3A_36] : memref<2x1024x768xf32, #tpu.memory_space<vmem>> -> memref<1x1024x768xf32, #tpu.memory_space<vmem>>
      %dma_start3A_38 = tpu.memref_squeeze %dma_start3A_37 : memref<1x1024x768xf32, #tpu.memory_space<vmem>> -> memref<1024x768xf32, #tpu.memory_space<vmem>>
      %dma_start3A_39 = arith.constant 0 : i32
      %dma_start3A_40 = arith.constant 0 : i32
      %dma_start3A_41 = tpu.memref_slice %arg12[%get3A_0, %dma_start3A_39, %dma_start3A_40] : memref<8x1024x768xf32, #tpu.memory_space<hbm>> -> memref<1x1024x768xf32, #tpu.memory_space<hbm>>
      %dma_start3A_42 = tpu.memref_squeeze %dma_start3A_41 : memref<1x1024x768xf32, #tpu.memory_space<hbm>> -> memref<1024x768xf32, #tpu.memory_space<hbm>>
      tpu.enqueue_dma source(%dma_start3A_42 : memref<1024x768xf32, #tpu.memory_space<hbm>>) target(%dma_start3A_38 : memref<1024x768xf32, #tpu.memory_space<vmem>>) target_semaphore(%arg19 : memref<!tpu.dma_semaphore, #tpu.memory_space<semaphore_mem>>)
    } else {
    }
    %get3A_5 = arith.index_cast %arg0 : i32 to index
    %get3A_6 = memref.load %arg2[%get3A_5] : memref<40xi32, #tpu.memory_space<smem>>
    %eq3A_7 = arith.constant 1 : i32
    %eq3A_8 = arith.cmpi eq, %get3A_6, %eq3A_7 : i32
    %convert_element_type3A_9 = arith.extui %eq3A_8 : i1 to i32
    %cond3A_10 = arith.constant 0 : i32
    %cond3A_11 = arith.cmpi ne, %convert_element_type3A_9, %cond3A_10 : i32
    scf.if %cond3A_11 {
      %get3A_17 = arith.index_cast %arg0 : i32 to index
      %get3A_18 = memref.load %arg5[%get3A_17] : memref<40xi32, #tpu.memory_space<smem>>
      %eq3A_19 = arith.constant 1 : i32
      %eq3A_20 = arith.cmpi eq, %get3A_18, %eq3A_19 : i32
      %convert_element_type3A_21 = arith.extui %eq3A_20 : i1 to i32
      %cond3A_22 = arith.constant 0 : i32
      %cond3A_23 = arith.cmpi ne, %convert_element_type3A_21, %cond3A_22 : i32
      scf.if %cond3A_23 {
        %eq3A_34 = arith.constant 0 : i32
        %eq3A_35 = arith.cmpi eq, %get3A_2, %eq3A_34 : i32
        %convert_element_type3A_36 = arith.extui %eq3A_35 : i1 to i32
        %cond3A_37 = arith.constant 0 : i32
        %cond3A_38 = arith.cmpi ne, %convert_element_type3A_36, %cond3A_37 : i32
        scf.if %cond3A_38 {
          %get3A_44 = arith.index_cast %arg0 : i32 to index
          %get3A_45 = memref.load %arg4[%get3A_44] : memref<40xi32, #tpu.memory_space<smem>>
          %dma_start3A = arith.constant 1 : i32
          %dma_start3A_46 = arith.constant 0 : i32
          %dma_start3A_47 = arith.constant 0 : i32
          %dma_start3A_48 = tpu.memref_slice %arg16[%dma_start3A, %dma_start3A_46, %dma_start3A_47] : memref<2x768x1024xf32, #tpu.memory_space<vmem>> -> memref<1x768x1024xf32, #tpu.memory_space<vmem>>
          %dma_start3A_49 = tpu.memref_squeeze %dma_start3A_48 : memref<1x768x1024xf32, #tpu.memory_space<vmem>> -> memref<768x1024xf32, #tpu.memory_space<vmem>>
          %dma_start3A_50 = arith.constant 0 : i32
          %dma_start3A_51 = arith.constant 0 : i32
          %dma_start3A_52 = tpu.memref_slice %arg8[%get3A_45, %dma_start3A_50, %dma_start3A_51] : memref<8x768x1024xf32, #tpu.memory_space<hbm>> -> memref<1x768x1024xf32, #tpu.memory_space<hbm>>
          %dma_start3A_53 = tpu.memref_squeeze %dma_start3A_52 : memref<1x768x1024xf32, #tpu.memory_space<hbm>> -> memref<768x1024xf32, #tpu.memory_space<hbm>>
          tpu.enqueue_dma source(%dma_start3A_53 : memref<768x1024xf32, #tpu.memory_space<hbm>>) target(%dma_start3A_49 : memref<768x1024xf32, #tpu.memory_space<vmem>>) target_semaphore(%arg20 : memref<!tpu.dma_semaphore, #tpu.memory_space<semaphore_mem>>)
          %dma_start3A_54 = arith.constant 1 : i32
          %dma_start3A_55 = arith.constant 0 : i32
          %dma_start3A_56 = arith.constant 0 : i32
          %dma_start3A_57 = tpu.memref_slice %arg17[%dma_start3A_54, %dma_start3A_55, %dma_start3A_56] : memref<2x768x1024xf32, #tpu.memory_space<vmem>> -> memref<1x768x1024xf32, #tpu.memory_space<vmem>>
          %dma_start3A_58 = tpu.memref_squeeze %dma_start3A_57 : memref<1x768x1024xf32, #tpu.memory_space<vmem>> -> memref<768x1024xf32, #tpu.memory_space<vmem>>
          %dma_start3A_59 = arith.constant 0 : i32
          %dma_start3A_60 = arith.constant 0 : i32
          %dma_start3A_61 = tpu.memref_slice %arg10[%get3A_45, %dma_start3A_59, %dma_start3A_60] : memref<8x768x1024xf32, #tpu.memory_space<hbm>> -> memref<1x768x1024xf32, #tpu.memory_space<hbm>>
          %dma_start3A_62 = tpu.memref_squeeze %dma_start3A_61 : memref<1x768x1024xf32, #tpu.memory_space<hbm>> -> memref<768x1024xf32, #tpu.memory_space<hbm>>
          tpu.enqueue_dma source(%dma_start3A_62 : memref<768x1024xf32, #tpu.memory_space<hbm>>) target(%dma_start3A_58 : memref<768x1024xf32, #tpu.memory_space<vmem>>) target_semaphore(%arg20 : memref<!tpu.dma_semaphore, #tpu.memory_space<semaphore_mem>>)
          %dma_start3A_63 = arith.constant 1 : i32
          %dma_start3A_64 = arith.constant 0 : i32
          %dma_start3A_65 = arith.constant 0 : i32
          %dma_start3A_66 = tpu.memref_slice %arg18[%dma_start3A_63, %dma_start3A_64, %dma_start3A_65] : memref<2x1024x768xf32, #tpu.memory_space<vmem>> -> memref<1x1024x768xf32, #tpu.memory_space<vmem>>
          %dma_start3A_67 = tpu.memref_squeeze %dma_start3A_66 : memref<1x1024x768xf32, #tpu.memory_space<vmem>> -> memref<1024x768xf32, #tpu.memory_space<vmem>>
          %dma_start3A_68 = arith.constant 0 : i32
          %dma_start3A_69 = arith.constant 0 : i32
          %dma_start3A_70 = tpu.memref_slice %arg12[%get3A_45, %dma_start3A_68, %dma_start3A_69] : memref<8x1024x768xf32, #tpu.memory_space<hbm>> -> memref<1x1024x768xf32, #tpu.memory_space<hbm>>
          %dma_start3A_71 = tpu.memref_squeeze %dma_start3A_70 : memref<1x1024x768xf32, #tpu.memory_space<hbm>> -> memref<1024x768xf32, #tpu.memory_space<hbm>>
          tpu.enqueue_dma source(%dma_start3A_71 : memref<1024x768xf32, #tpu.memory_space<hbm>>) target(%dma_start3A_67 : memref<1024x768xf32, #tpu.memory_space<vmem>>) target_semaphore(%arg20 : memref<!tpu.dma_semaphore, #tpu.memory_space<semaphore_mem>>)
        } else {
        }
        %eq3A_39 = arith.constant 1 : i32
        %eq3A_40 = arith.cmpi eq, %get3A_2, %eq3A_39 : i32
        %convert_element_type3A_41 = arith.extui %eq3A_40 : i1 to i32
        %cond3A_42 = arith.constant 0 : i32
        %cond3A_43 = arith.cmpi ne, %convert_element_type3A_41, %cond3A_42 : i32
        scf.if %cond3A_43 {
          %get3A_44 = arith.index_cast %arg0 : i32 to index
          %get3A_45 = memref.load %arg4[%get3A_44] : memref<40xi32, #tpu.memory_space<smem>>
          %dma_start3A = arith.constant 0 : i32
          %dma_start3A_46 = arith.constant 0 : i32
          %dma_start3A_47 = arith.constant 0 : i32
          %dma_start3A_48 = tpu.memref_slice %arg16[%dma_start3A, %dma_start3A_46, %dma_start3A_47] : memref<2x768x1024xf32, #tpu.memory_space<vmem>> -> memref<1x768x1024xf32, #tpu.memory_space<vmem>>
          %dma_start3A_49 = tpu.memref_squeeze %dma_start3A_48 : memref<1x768x1024xf32, #tpu.memory_space<vmem>> -> memref<768x1024xf32, #tpu.memory_space<vmem>>
          %dma_start3A_50 = arith.constant 0 : i32
          %dma_start3A_51 = arith.constant 0 : i32
          %dma_start3A_52 = tpu.memref_slice %arg8[%get3A_45, %dma_start3A_50, %dma_start3A_51] : memref<8x768x1024xf32, #tpu.memory_space<hbm>> -> memref<1x768x1024xf32, #tpu.memory_space<hbm>>
          %dma_start3A_53 = tpu.memref_squeeze %dma_start3A_52 : memref<1x768x1024xf32, #tpu.memory_space<hbm>> -> memref<768x1024xf32, #tpu.memory_space<hbm>>
          tpu.enqueue_dma source(%dma_start3A_53 : memref<768x1024xf32, #tpu.memory_space<hbm>>) target(%dma_start3A_49 : memref<768x1024xf32, #tpu.memory_space<vmem>>) target_semaphore(%arg19 : memref<!tpu.dma_semaphore, #tpu.memory_space<semaphore_mem>>)
          %dma_start3A_54 = arith.constant 0 : i32
          %dma_start3A_55 = arith.constant 0 : i32
          %dma_start3A_56 = arith.constant 0 : i32
          %dma_start3A_57 = tpu.memref_slice %arg17[%dma_start3A_54, %dma_start3A_55, %dma_start3A_56] : memref<2x768x1024xf32, #tpu.memory_space<vmem>> -> memref<1x768x1024xf32, #tpu.memory_space<vmem>>
          %dma_start3A_58 = tpu.memref_squeeze %dma_start3A_57 : memref<1x768x1024xf32, #tpu.memory_space<vmem>> -> memref<768x1024xf32, #tpu.memory_space<vmem>>
          %dma_start3A_59 = arith.constant 0 : i32
          %dma_start3A_60 = arith.constant 0 : i32
          %dma_start3A_61 = tpu.memref_slice %arg10[%get3A_45, %dma_start3A_59, %dma_start3A_60] : memref<8x768x1024xf32, #tpu.memory_space<hbm>> -> memref<1x768x1024xf32, #tpu.memory_space<hbm>>
          %dma_start3A_62 = tpu.memref_squeeze %dma_start3A_61 : memref<1x768x1024xf32, #tpu.memory_space<hbm>> -> memref<768x1024xf32, #tpu.memory_space<hbm>>
          tpu.enqueue_dma source(%dma_start3A_62 : memref<768x1024xf32, #tpu.memory_space<hbm>>) target(%dma_start3A_58 : memref<768x1024xf32, #tpu.memory_space<vmem>>) target_semaphore(%arg19 : memref<!tpu.dma_semaphore, #tpu.memory_space<semaphore_mem>>)
          %dma_start3A_63 = arith.constant 0 : i32
          %dma_start3A_64 = arith.constant 0 : i32
          %dma_start3A_65 = arith.constant 0 : i32
          %dma_start3A_66 = tpu.memref_slice %arg18[%dma_start3A_63, %dma_start3A_64, %dma_start3A_65] : memref<2x1024x768xf32, #tpu.memory_space<vmem>> -> memref<1x1024x768xf32, #tpu.memory_space<vmem>>
          %dma_start3A_67 = tpu.memref_squeeze %dma_start3A_66 : memref<1x1024x768xf32, #tpu.memory_space<vmem>> -> memref<1024x768xf32, #tpu.memory_space<vmem>>
          %dma_start3A_68 = arith.constant 0 : i32
          %dma_start3A_69 = arith.constant 0 : i32
          %dma_start3A_70 = tpu.memref_slice %arg12[%get3A_45, %dma_start3A_68, %dma_start3A_69] : memref<8x1024x768xf32, #tpu.memory_space<hbm>> -> memref<1x1024x768xf32, #tpu.memory_space<hbm>>
          %dma_start3A_71 = tpu.memref_squeeze %dma_start3A_70 : memref<1x1024x768xf32, #tpu.memory_space<hbm>> -> memref<1024x768xf32, #tpu.memory_space<hbm>>
          tpu.enqueue_dma source(%dma_start3A_71 : memref<1024x768xf32, #tpu.memory_space<hbm>>) target(%dma_start3A_67 : memref<1024x768xf32, #tpu.memory_space<vmem>>) target_semaphore(%arg19 : memref<!tpu.dma_semaphore, #tpu.memory_space<semaphore_mem>>)
        } else {
        }
      } else {
      }
      %eq3A_24 = arith.constant 0 : i32
      %eq3A_25 = arith.cmpi eq, %get3A_2, %eq3A_24 : i32
      %convert_element_type3A_26 = arith.extui %eq3A_25 : i1 to i32
      %cond3A_27 = arith.constant 0 : i32
      %cond3A_28 = arith.cmpi ne, %convert_element_type3A_26, %cond3A_27 : i32
      scf.if %cond3A_28 {
        %dma_wait3A = arith.constant 0 : i32
        %dma_wait3A_34 = arith.constant 0 : i32
        %dma_wait3A_35 = arith.constant 0 : i32
        %dma_wait3A_36 = tpu.memref_slice %arg16[%dma_wait3A, %dma_wait3A_34, %dma_wait3A_35] : memref<2x768x1024xf32, #tpu.memory_space<vmem>> -> memref<1x768x1024xf32, #tpu.memory_space<vmem>>
        %dma_wait3A_37 = tpu.memref_squeeze %dma_wait3A_36 : memref<1x768x1024xf32, #tpu.memory_space<vmem>> -> memref<768x1024xf32, #tpu.memory_space<vmem>>
        %dma_wait3A_38 = arith.constant 0 : i32
        %dma_wait3A_39 = arith.constant 0 : i32
        %dma_wait3A_40 = tpu.memref_slice %arg8[%get3A_0, %dma_wait3A_38, %dma_wait3A_39] : memref<8x768x1024xf32, #tpu.memory_space<hbm>> -> memref<1x768x1024xf32, #tpu.memory_space<hbm>>
        %dma_wait3A_41 = tpu.memref_squeeze %dma_wait3A_40 : memref<1x768x1024xf32, #tpu.memory_space<hbm>> -> memref<768x1024xf32, #tpu.memory_space<hbm>>
        tpu.wait_dma2 semaphore(%arg19 : memref<!tpu.dma_semaphore, #tpu.memory_space<semaphore_mem>>) src(%dma_wait3A_41 : memref<768x1024xf32, #tpu.memory_space<hbm>>) dst(%dma_wait3A_37 : memref<768x1024xf32, #tpu.memory_space<vmem>>)
        %dma_wait3A_42 = arith.constant 0 : i32
        %dma_wait3A_43 = arith.constant 0 : i32
        %dma_wait3A_44 = arith.constant 0 : i32
        %dma_wait3A_45 = tpu.memref_slice %arg17[%dma_wait3A_42, %dma_wait3A_43, %dma_wait3A_44] : memref<2x768x1024xf32, #tpu.memory_space<vmem>> -> memref<1x768x1024xf32, #tpu.memory_space<vmem>>
        %dma_wait3A_46 = tpu.memref_squeeze %dma_wait3A_45 : memref<1x768x1024xf32, #tpu.memory_space<vmem>> -> memref<768x1024xf32, #tpu.memory_space<vmem>>
        %dma_wait3A_47 = arith.constant 0 : i32
        %dma_wait3A_48 = arith.constant 0 : i32
        %dma_wait3A_49 = tpu.memref_slice %arg10[%get3A_0, %dma_wait3A_47, %dma_wait3A_48] : memref<8x768x1024xf32, #tpu.memory_space<hbm>> -> memref<1x768x1024xf32, #tpu.memory_space<hbm>>
        %dma_wait3A_50 = tpu.memref_squeeze %dma_wait3A_49 : memref<1x768x1024xf32, #tpu.memory_space<hbm>> -> memref<768x1024xf32, #tpu.memory_space<hbm>>
        tpu.wait_dma2 semaphore(%arg19 : memref<!tpu.dma_semaphore, #tpu.memory_space<semaphore_mem>>) src(%dma_wait3A_50 : memref<768x1024xf32, #tpu.memory_space<hbm>>) dst(%dma_wait3A_46 : memref<768x1024xf32, #tpu.memory_space<vmem>>)
        %dma_wait3A_51 = arith.constant 0 : i32
        %dma_wait3A_52 = arith.constant 0 : i32
        %dma_wait3A_53 = arith.constant 0 : i32
        %dma_wait3A_54 = tpu.memref_slice %arg18[%dma_wait3A_51, %dma_wait3A_52, %dma_wait3A_53] : memref<2x1024x768xf32, #tpu.memory_space<vmem>> -> memref<1x1024x768xf32, #tpu.memory_space<vmem>>
        %dma_wait3A_55 = tpu.memref_squeeze %dma_wait3A_54 : memref<1x1024x768xf32, #tpu.memory_space<vmem>> -> memref<1024x768xf32, #tpu.memory_space<vmem>>
        %dma_wait3A_56 = arith.constant 0 : i32
        %dma_wait3A_57 = arith.constant 0 : i32
        %dma_wait3A_58 = tpu.memref_slice %arg12[%get3A_0, %dma_wait3A_56, %dma_wait3A_57] : memref<8x1024x768xf32, #tpu.memory_space<hbm>> -> memref<1x1024x768xf32, #tpu.memory_space<hbm>>
        %dma_wait3A_59 = tpu.memref_squeeze %dma_wait3A_58 : memref<1x1024x768xf32, #tpu.memory_space<hbm>> -> memref<1024x768xf32, #tpu.memory_space<hbm>>
        tpu.wait_dma2 semaphore(%arg19 : memref<!tpu.dma_semaphore, #tpu.memory_space<semaphore_mem>>) src(%dma_wait3A_59 : memref<1024x768xf32, #tpu.memory_space<hbm>>) dst(%dma_wait3A_55 : memref<1024x768xf32, #tpu.memory_space<vmem>>)
      } else {
      }
      %eq3A_29 = arith.constant 1 : i32
      %eq3A_30 = arith.cmpi eq, %get3A_2, %eq3A_29 : i32
      %convert_element_type3A_31 = arith.extui %eq3A_30 : i1 to i32
      %cond3A_32 = arith.constant 0 : i32
      %cond3A_33 = arith.cmpi ne, %convert_element_type3A_31, %cond3A_32 : i32
      scf.if %cond3A_33 {
        %dma_wait3A = arith.constant 1 : i32
        %dma_wait3A_34 = arith.constant 0 : i32
        %dma_wait3A_35 = arith.constant 0 : i32
        %dma_wait3A_36 = tpu.memref_slice %arg16[%dma_wait3A, %dma_wait3A_34, %dma_wait3A_35] : memref<2x768x1024xf32, #tpu.memory_space<vmem>> -> memref<1x768x1024xf32, #tpu.memory_space<vmem>>
        %dma_wait3A_37 = tpu.memref_squeeze %dma_wait3A_36 : memref<1x768x1024xf32, #tpu.memory_space<vmem>> -> memref<768x1024xf32, #tpu.memory_space<vmem>>
        %dma_wait3A_38 = arith.constant 0 : i32
        %dma_wait3A_39 = arith.constant 0 : i32
        %dma_wait3A_40 = tpu.memref_slice %arg8[%get3A_0, %dma_wait3A_38, %dma_wait3A_39] : memref<8x768x1024xf32, #tpu.memory_space<hbm>> -> memref<1x768x1024xf32, #tpu.memory_space<hbm>>
        %dma_wait3A_41 = tpu.memref_squeeze %dma_wait3A_40 : memref<1x768x1024xf32, #tpu.memory_space<hbm>> -> memref<768x1024xf32, #tpu.memory_space<hbm>>
        tpu.wait_dma2 semaphore(%arg20 : memref<!tpu.dma_semaphore, #tpu.memory_space<semaphore_mem>>) src(%dma_wait3A_41 : memref<768x1024xf32, #tpu.memory_space<hbm>>) dst(%dma_wait3A_37 : memref<768x1024xf32, #tpu.memory_space<vmem>>)
        %dma_wait3A_42 = arith.constant 1 : i32
        %dma_wait3A_43 = arith.constant 0 : i32
        %dma_wait3A_44 = arith.constant 0 : i32
        %dma_wait3A_45 = tpu.memref_slice %arg17[%dma_wait3A_42, %dma_wait3A_43, %dma_wait3A_44] : memref<2x768x1024xf32, #tpu.memory_space<vmem>> -> memref<1x768x1024xf32, #tpu.memory_space<vmem>>
        %dma_wait3A_46 = tpu.memref_squeeze %dma_wait3A_45 : memref<1x768x1024xf32, #tpu.memory_space<vmem>> -> memref<768x1024xf32, #tpu.memory_space<vmem>>
        %dma_wait3A_47 = arith.constant 0 : i32
        %dma_wait3A_48 = arith.constant 0 : i32
        %dma_wait3A_49 = tpu.memref_slice %arg10[%get3A_0, %dma_wait3A_47, %dma_wait3A_48] : memref<8x768x1024xf32, #tpu.memory_space<hbm>> -> memref<1x768x1024xf32, #tpu.memory_space<hbm>>
        %dma_wait3A_50 = tpu.memref_squeeze %dma_wait3A_49 : memref<1x768x1024xf32, #tpu.memory_space<hbm>> -> memref<768x1024xf32, #tpu.memory_space<hbm>>
        tpu.wait_dma2 semaphore(%arg20 : memref<!tpu.dma_semaphore, #tpu.memory_space<semaphore_mem>>) src(%dma_wait3A_50 : memref<768x1024xf32, #tpu.memory_space<hbm>>) dst(%dma_wait3A_46 : memref<768x1024xf32, #tpu.memory_space<vmem>>)
        %dma_wait3A_51 = arith.constant 1 : i32
        %dma_wait3A_52 = arith.constant 0 : i32
        %dma_wait3A_53 = arith.constant 0 : i32
        %dma_wait3A_54 = tpu.memref_slice %arg18[%dma_wait3A_51, %dma_wait3A_52, %dma_wait3A_53] : memref<2x1024x768xf32, #tpu.memory_space<vmem>> -> memref<1x1024x768xf32, #tpu.memory_space<vmem>>
        %dma_wait3A_55 = tpu.memref_squeeze %dma_wait3A_54 : memref<1x1024x768xf32, #tpu.memory_space<vmem>> -> memref<1024x768xf32, #tpu.memory_space<vmem>>
        %dma_wait3A_56 = arith.constant 0 : i32
        %dma_wait3A_57 = arith.constant 0 : i32
        %dma_wait3A_58 = tpu.memref_slice %arg12[%get3A_0, %dma_wait3A_56, %dma_wait3A_57] : memref<8x1024x768xf32, #tpu.memory_space<hbm>> -> memref<1x1024x768xf32, #tpu.memory_space<hbm>>
        %dma_wait3A_59 = tpu.memref_squeeze %dma_wait3A_58 : memref<1x1024x768xf32, #tpu.memory_space<hbm>> -> memref<1024x768xf32, #tpu.memory_space<hbm>>
        tpu.wait_dma2 semaphore(%arg20 : memref<!tpu.dma_semaphore, #tpu.memory_space<semaphore_mem>>) src(%dma_wait3A_59 : memref<1024x768xf32, #tpu.memory_space<hbm>>) dst(%dma_wait3A_55 : memref<1024x768xf32, #tpu.memory_space<vmem>>)
      } else {
      }
    } else {
    }
    %get3A_12 = arith.constant 0 : index
    %get3A_13 = memref.load %arg6[%get3A_12] : memref<40xi32, #tpu.memory_space<smem>>
    %lt3A = arith.cmpi slt, %arg0, %get3A_13 : i32
    %convert_element_type3A_14 = arith.extui %lt3A : i1 to i32
    %cond3A_15 = arith.constant 0 : i32
    %cond3A_16 = arith.cmpi ne, %convert_element_type3A_14, %cond3A_15 : i32
    scf.if %cond3A_16 {
      %get3A_17 = arith.constant 0 : index
      %get3A_18 = arith.constant 0 : index
      %get3A_19 = vector.load %arg7[%get3A_17, %get3A_18] : memref<128x768xf32, #tpu.memory_space<vmem>>, vector<128x768xf32>
      %convert_element_type3A_20 = arith.truncf %get3A_19 : vector<128x768xf32> to vector<128x768xbf16>
      %get3A_21 = arith.index_cast %get3A_2 : i32 to index
      %get3A_22 = arith.constant 0 : index
      %get3A_23 = arith.constant 0 : index
      %get3A_24 = vector.load %arg16[%get3A_21, %get3A_22, %get3A_23] : memref<2x768x1024xf32, #tpu.memory_space<vmem>>, vector<1x768x1024xf32>
      %get3A_25 = vector.shape_cast %get3A_24 : vector<1x768x1024xf32> to vector<768x1024xf32>
      %convert_element_type3A_26 = arith.truncf %get3A_25 : vector<768x1024xf32> to vector<768x1024xbf16>
      %get3A_27 = arith.index_cast %get3A_2 : i32 to index
      %get3A_28 = arith.constant 0 : index
      %get3A_29 = arith.constant 0 : index
      %get3A_30 = vector.load %arg17[%get3A_27, %get3A_28, %get3A_29] : memref<2x768x1024xf32, #tpu.memory_space<vmem>>, vector<1x768x1024xf32>
      %get3A_31 = vector.shape_cast %get3A_30 : vector<1x768x1024xf32> to vector<768x1024xf32>
      %convert_element_type3A_32 = arith.truncf %get3A_31 : vector<768x1024xf32> to vector<768x1024xbf16>
      %dot_general3A = arith.constant dense<0.000000e+00> : vector<128x1024xf32>
      %dot_general3A_33 = tpu.matmul %convert_element_type3A_20, %convert_element_type3A_26, %dot_general3A {dimension_numbers = #tpu.dot_dimension_numbers<[1], [0], [0], [1], [0, 0, 1, 1], [], []>, transpose_lhs_hint = false} : vector<128x768xbf16>, vector<768x1024xbf16>, vector<128x1024xf32> -> vector<128x1024xf32>
      %get3A_34 = arith.constant 0 : index
      %get3A_35 = arith.constant 0 : index
      %get3A_36 = arith.constant 0 : index
      %get3A_37 = vector.load %arg9[%get3A_34, %get3A_35, %get3A_36] : memref<1x1x1024xf32, #tpu.memory_space<vmem>>, vector<1x1x1024xf32>
      %get3A_38 = vector.shape_cast %get3A_37 : vector<1x1x1024xf32> to vector<1x1024xf32>
      %add3A = vector.broadcast %get3A_38 : vector<1x1024xf32> to vector<128x1024xf32>
      %add3A_39 = arith.addf %dot_general3A_33, %add3A : vector<128x1024xf32>
      %dot_general3A_40 = arith.constant dense<0.000000e+00> : vector<128x1024xf32>
      %dot_general3A_41 = tpu.matmul %convert_element_type3A_20, %convert_element_type3A_32, %dot_general3A_40 {dimension_numbers = #tpu.dot_dimension_numbers<[1], [0], [0], [1], [0, 0, 1, 1], [], []>, transpose_lhs_hint = false} : vector<128x768xbf16>, vector<768x1024xbf16>, vector<128x1024xf32> -> vector<128x1024xf32>
      %get3A_42 = arith.constant 0 : index
      %get3A_43 = arith.constant 0 : index
      %get3A_44 = arith.constant 0 : index
      %get3A_45 = vector.load %arg11[%get3A_42, %get3A_43, %get3A_44] : memref<1x1x1024xf32, #tpu.memory_space<vmem>>, vector<1x1x1024xf32>
      %get3A_46 = vector.shape_cast %get3A_45 : vector<1x1x1024xf32> to vector<1x1024xf32>
      %add3A_47 = vector.broadcast %get3A_46 : vector<1x1024xf32> to vector<128x1024xf32>
      %add3A_48 = arith.addf %dot_general3A_41, %add3A_47 : vector<128x1024xf32>
      %neg3A = arith.constant 0.000000e+00 : f32
      %neg3A_49 = vector.broadcast %neg3A : f32 to vector<128x1024xf32>
      %neg3A_50 = arith.subf %neg3A_49, %add3A_39 : vector<128x1024xf32>
      %exp3A = math.exp %neg3A_50 : vector<128x1024xf32>
      %add3A_51 = arith.constant 1.000000e+00 : f32
      %add3A_52 = vector.broadcast %add3A_51 : f32 to vector<128x1024xf32>
      %add3A_53 = arith.addf %add3A_52, %exp3A : vector<128x1024xf32>
      %div3A = arith.constant 1.000000e+00 : f32
      %div3A_54 = vector.broadcast %div3A : f32 to vector<128x1024xf32>
      %div3A_55 = arith.divf %div3A_54, %add3A_53 : vector<128x1024xf32>
      %mul3A = arith.mulf %add3A_39, %div3A_55 : vector<128x1024xf32>
      %mul3A_56 = arith.mulf %mul3A, %add3A_48 : vector<128x1024xf32>
      %convert_element_type3A_57 = arith.truncf %mul3A_56 : vector<128x1024xf32> to vector<128x1024xbf16>
      %get3A_58 = arith.index_cast %get3A_2 : i32 to index
      %get3A_59 = arith.constant 0 : index
      %get3A_60 = arith.constant 0 : index
      %get3A_61 = vector.load %arg18[%get3A_58, %get3A_59, %get3A_60] : memref<2x1024x768xf32, #tpu.memory_space<vmem>>, vector<1x1024x768xf32>
      %get3A_62 = vector.shape_cast %get3A_61 : vector<1x1024x768xf32> to vector<1024x768xf32>
      %convert_element_type3A_63 = arith.truncf %get3A_62 : vector<1024x768xf32> to vector<1024x768xbf16>
      %dot_general3A_64 = arith.constant dense<0.000000e+00> : vector<128x768xf32>
      %dot_general3A_65 = tpu.matmul %convert_element_type3A_57, %convert_element_type3A_63, %dot_general3A_64 {dimension_numbers = #tpu.dot_dimension_numbers<[1], [0], [0], [1], [0, 0, 1, 1], [], []>, transpose_lhs_hint = false} : vector<128x1024xbf16>, vector<1024x768xbf16>, vector<128x768xf32> -> vector<128x768xf32>
      %get3A_66 = arith.constant 0 : index
      %get3A_67 = arith.constant 0 : index
      %get3A_68 = arith.constant 0 : index
      %get3A_69 = vector.load %arg13[%get3A_66, %get3A_67, %get3A_68] : memref<1x1x768xf32, #tpu.memory_space<vmem>>, vector<1x1x768xf32>
      %get3A_70 = vector.shape_cast %get3A_69 : vector<1x1x768xf32> to vector<1x768xf32>
      %add3A_71 = vector.broadcast %get3A_70 : vector<1x768xf32> to vector<128x768xf32>
      %add3A_72 = arith.addf %dot_general3A_65, %add3A_71 : vector<128x768xf32>
      %get3A_73 = arith.constant 0 : index
      %get3A_74 = arith.constant 0 : index
      %get3A_75 = vector.load %arg14[%get3A_73, %get3A_74] : memref<128x128xf32, #tpu.memory_space<vmem>>, vector<128x1xf32>
      %mul3A_76 = vector.broadcast %get3A_75 : vector<128x1xf32> to vector<128x768xf32>
      %mul3A_77 = arith.mulf %add3A_72, %mul3A_76 : vector<128x768xf32>
      %swap3A = arith.constant 0 : index
      %swap3A_78 = arith.constant 0 : index
      %swap3A_79 = vector.load %arg15[%swap3A, %swap3A_78] : memref<128x768xf32, #tpu.memory_space<vmem>>, vector<128x768xf32>
      tpu.vector_store %arg15[%swap3A, %swap3A_78], %mul3A_77 {strides = array<i32>} : memref<128x768xf32, #tpu.memory_space<vmem>>, vector<128x768xf32>,
    } else {
    }
    return
  }
  func.func @transform_0(%arg0: i32, %arg1: memref<40xi32, #tpu.memory_space<smem>>, %arg2: memref<40xi32, #tpu.memory_space<smem>>, %arg3: memref<40xi32, #tpu.memory_space<smem>>, %arg4: memref<40xi32, #tpu.memory_space<smem>>, %arg5: memref<40xi32, #tpu.memory_space<smem>>, %arg6: memref<40xi32, #tpu.memory_space<smem>>) -> (i32, i32) {
    %c0_i32 = arith.constant 0 : i32
    %c0_i32_0 = arith.constant 0 : i32
    return %arg0, %c0_i32 : i32, i32
  }
  func.func @transform_2(%arg0: i32, %arg1: memref<40xi32, #tpu.memory_space<smem>>, %arg2: memref<40xi32, #tpu.memory_space<smem>>, %arg3: memref<40xi32, #tpu.memory_space<smem>>, %arg4: memref<40xi32, #tpu.memory_space<smem>>, %arg5: memref<40xi32, #tpu.memory_space<smem>>, %arg6: memref<40xi32, #tpu.memory_space<smem>>) -> (i32, i32, i32) {
    %get3A = arith.index_cast %arg0 : i32 to index
    %get3A_0 = memref.load %arg1[%get3A] : memref<40xi32, #tpu.memory_space<smem>>
    %c0_i32 = arith.constant 0 : i32
    %c0_i32_1 = arith.constant 0 : i32
    %c0_i32_2 = arith.constant 0 : i32
    return %get3A_0, %c0_i32, %c0_i32_1 : i32, i32, i32
  }
  func.func @transform_4(%arg0: i32, %arg1: memref<40xi32, #tpu.memory_space<smem>>, %arg2: memref<40xi32, #tpu.memory_space<smem>>, %arg3: memref<40xi32, #tpu.memory_space<smem>>, %arg4: memref<40xi32, #tpu.memory_space<smem>>, %arg5: memref<40xi32, #tpu.memory_space<smem>>, %arg6: memref<40xi32, #tpu.memory_space<smem>>) -> (i32, i32, i32) {
    %get3A = arith.index_cast %arg0 : i32 to index
    %get3A_0 = memref.load %arg1[%get3A] : memref<40xi32, #tpu.memory_space<smem>>
    %c0_i32 = arith.constant 0 : i32
    %c0_i32_1 = arith.constant 0 : i32
    %c0_i32_2 = arith.constant 0 : i32
    return %get3A_0, %c0_i32, %c0_i32_1 : i32, i32, i32
  }
  func.func @transform_6(%arg0: i32, %arg1: memref<40xi32, #tpu.memory_space<smem>>, %arg2: memref<40xi32, #tpu.memory_space<smem>>, %arg3: memref<40xi32, #tpu.memory_space<smem>>, %arg4: memref<40xi32, #tpu.memory_space<smem>>, %arg5: memref<40xi32, #tpu.memory_space<smem>>, %arg6: memref<40xi32, #tpu.memory_space<smem>>) -> (i32, i32, i32) {
    %get3A = arith.index_cast %arg0 : i32 to index
    %get3A_0 = memref.load %arg1[%get3A] : memref<40xi32, #tpu.memory_space<smem>>
    %c0_i32 = arith.constant 0 : i32
    %c0_i32_1 = arith.constant 0 : i32
    %c0_i32_2 = arith.constant 0 : i32
    return %get3A_0, %c0_i32, %c0_i32_1 : i32, i32, i32
  }
  func.func @transform_7(%arg0: i32, %arg1: memref<40xi32, #tpu.memory_space<smem>>, %arg2: memref<40xi32, #tpu.memory_space<smem>>, %arg3: memref<40xi32, #tpu.memory_space<smem>>, %arg4: memref<40xi32, #tpu.memory_space<smem>>, %arg5: memref<40xi32, #tpu.memory_space<smem>>, %arg6: memref<40xi32, #tpu.memory_space<smem>>) -> (i32, i32) {
    %c0_i32 = arith.constant 0 : i32
    %c0_i32_0 = arith.constant 0 : i32
    return %arg0, %c0_i32 : i32, i32
  }
  func.func @transform_8(%arg0: i32, %arg1: memref<40xi32, #tpu.memory_space<smem>>, %arg2: memref<40xi32, #tpu.memory_space<smem>>, %arg3: memref<40xi32, #tpu.memory_space<smem>>, %arg4: memref<40xi32, #tpu.memory_space<smem>>, %arg5: memref<40xi32, #tpu.memory_space<smem>>, %arg6: memref<40xi32, #tpu.memory_space<smem>>) -> (i32, i32) {
    %c0_i32 = arith.constant 0 : i32
    %c0_i32_0 = arith.constant 0 : i32
    return %arg0, %c0_i32 : i32, i32
  }
}

module attributes {stable_mosaic.version = 14 : i64} {
  func.func @_route_body(%arg0: memref<2048x768xf32, #tpu.memory_space<vmem>>, %arg1: memref<8x768xf32, #tpu.memory_space<vmem>>, %arg2: memref<1x8xf32, #tpu.memory_space<vmem>>, %arg3: memref<1x2048xi32, #tpu.memory_space<vmem>>, %arg4: memref<1x2048xi32, #tpu.memory_space<vmem>>, %arg5: memref<2048x128xf32, #tpu.memory_space<vmem>>, %arg6: memref<2048x128xf32, #tpu.memory_space<vmem>>, %arg7: memref<1x40xi32, #tpu.memory_space<vmem>>, %arg8: memref<1x40xi32, #tpu.memory_space<vmem>>, %arg9: memref<1x40xi32, #tpu.memory_space<vmem>>, %arg10: memref<1x40xi32, #tpu.memory_space<vmem>>, %arg11: memref<1x40xi32, #tpu.memory_space<vmem>>, %arg12: memref<1x40xi32, #tpu.memory_space<vmem>>) attributes {dimension_semantics = [], scalar_prefetch = 0 : i64, scratch_operands = 0 : i64, tpu.core_type = #tpu.core_type<tc>} {
    %get3A = arith.constant 0 : index
    %get3A_0 = arith.constant 0 : index
    %get3A_1 = vector.load %arg0[%get3A, %get3A_0] : memref<2048x768xf32, #tpu.memory_space<vmem>>, vector<2048x768xf32>
    %get3A_2 = arith.constant 0 : index
    %get3A_3 = arith.constant 0 : index
    %get3A_4 = vector.load %arg1[%get3A_2, %get3A_3] : memref<8x768xf32, #tpu.memory_space<vmem>>, vector<8x768xf32>
    %dot_general3A = arith.constant dense<0.000000e+00> : vector<2048x8xf32>
    %dot_general3A_5 = tpu.matmul %get3A_1, %get3A_4, %dot_general3A {dimension_numbers = #tpu.dot_dimension_numbers<[1], [1], [0], [0], [0, 0, 1, 0], [], []>, transpose_lhs_hint = false} : vector<2048x768xf32>, vector<8x768xf32>, vector<2048x8xf32> -> vector<2048x8xf32>
    %get3A_6 = arith.constant 0 : index
    %get3A_7 = arith.constant 0 : index
    %get3A_8 = vector.load %arg2[%get3A_6, %get3A_7] : memref<1x8xf32, #tpu.memory_space<vmem>>, vector<1x8xf32>
    %add3A = vector.broadcast %get3A_8 : vector<1x8xf32> to vector<2048x8xf32>
    %add3A_9 = arith.addf %dot_general3A_5, %add3A : vector<2048x8xf32>
    %reduce_max3A = arith.constant dense<0xFF800000> : vector<2048xf32>
    %reduce_max3A_10 = vector.multi_reduction <maximumf>, %add3A_9, %reduce_max3A [1] : vector<2048x8xf32> to vector<2048xf32>
    %broadcast_in_dim3A = vector.shape_cast %reduce_max3A_10 : vector<2048xf32> to vector<2048x1xf32>
    %sub3A = vector.broadcast %broadcast_in_dim3A : vector<2048x1xf32> to vector<2048x8xf32>
    %sub3A_11 = arith.subf %add3A_9, %sub3A : vector<2048x8xf32>
    %exp3A = math.exp %sub3A_11 : vector<2048x8xf32>
    %reduce_sum3A = arith.constant dense<0.000000e+00> : vector<2048xf32>
    %reduce_sum3A_12 = vector.multi_reduction <add>, %exp3A, %reduce_sum3A [1] : vector<2048x8xf32> to vector<2048xf32>
    %broadcast_in_dim3A_13 = vector.shape_cast %reduce_sum3A_12 : vector<2048xf32> to vector<2048x1xf32>
    %div3A = vector.broadcast %broadcast_in_dim3A_13 : vector<2048x1xf32> to vector<2048x8xf32>
    %div3A_14 = arith.divf %exp3A, %div3A : vector<2048x8xf32>
    %iota3A = tpu.iota {dimensions = array<i32: 1>} : vector<2048x8xi32>
    %convert_element_type3A = arith.sitofp %iota3A : vector<2048x8xi32> to vector<2048x8xf32>
    %reduce_max3A_15 = arith.constant dense<0xFF800000> : vector<2048xf32>
    %reduce_max3A_16 = vector.multi_reduction <maximumf>, %div3A_14, %reduce_max3A_15 [1] : vector<2048x8xf32> to vector<2048xf32>
    %broadcast_in_dim3A_17 = vector.shape_cast %reduce_max3A_16 : vector<2048xf32> to vector<2048x1xf32>
    %ge3A = vector.broadcast %broadcast_in_dim3A_17 : vector<2048x1xf32> to vector<2048x8xf32>
    %ge3A_18 = arith.cmpf oge, %div3A_14, %ge3A : vector<2048x8xf32>
    %jit3A = arith.constant 8.000000e+00 : f32
    %broadcast_in_dim3A_19 = vector.broadcast %jit3A : f32 to vector<2048x8xf32>
    %select_n3A = arith.select %ge3A_18, %convert_element_type3A, %broadcast_in_dim3A_19 : vector<2048x8xi1>, vector<2048x8xf32>
    %reduce_min3A = arith.constant dense<0x7F800000> : vector<2048xf32>
    %reduce_min3A_20 = vector.multi_reduction <minimumf>, %select_n3A, %reduce_min3A [1] : vector<2048x8xf32> to vector<2048xf32>
    %broadcast_in_dim3A_21 = vector.shape_cast %reduce_min3A_20 : vector<2048xf32> to vector<2048x1xf32>
    %eq3A = vector.broadcast %broadcast_in_dim3A_21 : vector<2048x1xf32> to vector<2048x8xf32>
    %eq3A_22 = arith.cmpf oeq, %convert_element_type3A, %eq3A : vector<2048x8xf32>
    %jit3A_23 = arith.constant -1.000000e+30 : f32
    %broadcast_in_dim3A_24 = vector.broadcast %jit3A_23 : f32 to vector<2048x8xf32>
    %select_n3A_25 = arith.select %eq3A_22, %broadcast_in_dim3A_24, %div3A_14 : vector<2048x8xi1>, vector<2048x8xf32>
    %reduce_max3A_26 = arith.constant dense<0xFF800000> : vector<2048xf32>
    %reduce_max3A_27 = vector.multi_reduction <maximumf>, %select_n3A_25, %reduce_max3A_26 [1] : vector<2048x8xf32> to vector<2048xf32>
    %broadcast_in_dim3A_28 = vector.shape_cast %reduce_max3A_27 : vector<2048xf32> to vector<2048x1xf32>
    %ge3A_29 = vector.broadcast %broadcast_in_dim3A_28 : vector<2048x1xf32> to vector<2048x8xf32>
    %ge3A_30 = arith.cmpf oge, %select_n3A_25, %ge3A_29 : vector<2048x8xf32>
    %jit3A_31 = arith.constant 8.000000e+00 : f32
    %broadcast_in_dim3A_32 = vector.broadcast %jit3A_31 : f32 to vector<2048x8xf32>
    %select_n3A_33 = arith.select %ge3A_30, %convert_element_type3A, %broadcast_in_dim3A_32 : vector<2048x8xi1>, vector<2048x8xf32>
    %reduce_min3A_34 = arith.constant dense<0x7F800000> : vector<2048xf32>
    %reduce_min3A_35 = vector.multi_reduction <minimumf>, %select_n3A_33, %reduce_min3A_34 [1] : vector<2048x8xf32> to vector<2048xf32>
    %broadcast_in_dim3A_36 = vector.shape_cast %reduce_min3A_35 : vector<2048xf32> to vector<2048x1xf32>
    %broadcast_in_dim3A_37 = vector.shape_cast %broadcast_in_dim3A_17 : vector<2048x1xf32> to vector<2048x1xf32>
    %broadcast_in_dim3A_38 = vector.broadcast %broadcast_in_dim3A_37 : vector<2048x1xf32> to vector<2048x128xf32>
    %swap3A = arith.constant 0 : index
    %swap3A_39 = arith.constant 0 : index
    %swap3A_40 = vector.load %arg5[%swap3A, %swap3A_39] : memref<2048x128xf32, #tpu.memory_space<vmem>>, vector<2048x128xf32>
    tpu.vector_store %arg5[%swap3A, %swap3A_39], %broadcast_in_dim3A_38 {strides = array<i32>} : memref<2048x128xf32, #tpu.memory_space<vmem>>, vector<2048x128xf32>,
    %broadcast_in_dim3A_41 = vector.shape_cast %broadcast_in_dim3A_28 : vector<2048x1xf32> to vector<2048x1xf32>
    %broadcast_in_dim3A_42 = vector.broadcast %broadcast_in_dim3A_41 : vector<2048x1xf32> to vector<2048x128xf32>
    %swap3A_43 = arith.constant 0 : index
    %swap3A_44 = arith.constant 0 : index
    %swap3A_45 = vector.load %arg6[%swap3A_43, %swap3A_44] : memref<2048x128xf32, #tpu.memory_space<vmem>>, vector<2048x128xf32>
    tpu.vector_store %arg6[%swap3A_43, %swap3A_44], %broadcast_in_dim3A_42 {strides = array<i32>} : memref<2048x128xf32, #tpu.memory_space<vmem>>, vector<2048x128xf32>,
    %eq3A_46 = vector.broadcast %broadcast_in_dim3A_21 : vector<2048x1xf32> to vector<2048x8xf32>
    %eq3A_47 = arith.cmpf oeq, %convert_element_type3A, %eq3A_46 : vector<2048x8xf32>
    %convert_element_type3A_48 = arith.extui %eq3A_47 : vector<2048x8xi1> to vector<2048x8xi32>
    %convert_element_type3A_49 = arith.sitofp %convert_element_type3A_48 : vector<2048x8xi32> to vector<2048x8xf32>
    %eq3A_50 = vector.broadcast %broadcast_in_dim3A_36 : vector<2048x1xf32> to vector<2048x8xf32>
    %eq3A_51 = arith.cmpf oeq, %convert_element_type3A, %eq3A_50 : vector<2048x8xf32>
    %convert_element_type3A_52 = arith.extui %eq3A_51 : vector<2048x8xi1> to vector<2048x8xi32>
    %convert_element_type3A_53 = arith.sitofp %convert_element_type3A_52 : vector<2048x8xi32> to vector<2048x8xf32>
    %iota3A_54 = tpu.iota {dimensions = array<i32: 0>} : vector<2048x2048xi32>
    %convert_element_type3A_55 = arith.sitofp %iota3A_54 : vector<2048x2048xi32> to vector<2048x2048xf32>
    %iota3A_56 = tpu.iota {dimensions = array<i32: 1>} : vector<2048x2048xi32>
    %convert_element_type3A_57 = arith.sitofp %iota3A_56 : vector<2048x2048xi32> to vector<2048x2048xf32>
    %le3A = arith.cmpf ole, %convert_element_type3A_57, %convert_element_type3A_55 : vector<2048x2048xf32>
    %convert_element_type3A_58 = arith.extui %le3A : vector<2048x2048xi1> to vector<2048x2048xi32>
    %convert_element_type3A_59 = arith.sitofp %convert_element_type3A_58 : vector<2048x2048xi32> to vector<2048x2048xf32>
    %convert_element_type3A_60 = arith.truncf %convert_element_type3A_59 : vector<2048x2048xf32> to vector<2048x2048xbf16>
    %concatenate3A = tpu.concatenate %convert_element_type3A_49, %convert_element_type3A_53 in 1 : vector<2048x8xf32>, vector<2048x8xf32> -> vector<2048x16xf32>
    %convert_element_type3A_61 = arith.truncf %concatenate3A : vector<2048x16xf32> to vector<2048x16xbf16>
    %dot_general3A_62 = arith.constant dense<0.000000e+00> : vector<2048x16xf32>
    %dot_general3A_63 = tpu.matmul %convert_element_type3A_60, %convert_element_type3A_61, %dot_general3A_62 {dimension_numbers = #tpu.dot_dimension_numbers<[1], [0], [0], [1], [0, 0, 1, 1], [], []>, transpose_lhs_hint = false} : vector<2048x2048xbf16>, vector<2048x16xbf16>, vector<2048x16xf32> -> vector<2048x16xf32>
    %slice3A = vector.extract_strided_slice %dot_general3A_63 {offsets = [0, 0], sizes = [2048, 8], strides = [1, 1]} : vector<2048x16xf32> to vector<2048x8xf32>
    %slice3A_64 = vector.extract_strided_slice %dot_general3A_63 {offsets = [0, 8], sizes = [2048, 8], strides = [1, 1]} : vector<2048x16xf32> to vector<2048x8xf32>
    %slice3A_65 = vector.extract_strided_slice %slice3A {offsets = [2047, 0], sizes = [1, 8], strides = [1, 1]} : vector<2048x8xf32> to vector<1x8xf32>
    %slice3A_66 = vector.extract_strided_slice %slice3A_64 {offsets = [2047, 0], sizes = [1, 8], strides = [1, 1]} : vector<2048x8xf32> to vector<1x8xf32>
    %add3A_67 = arith.addf %slice3A_65, %slice3A_66 : vector<1x8xf32>
    %add3A_68 = arith.constant 1.270000e+02 : f32
    %add3A_69 = vector.broadcast %add3A_68 : f32 to vector<1x8xf32>
    %add3A_70 = arith.addf %add3A_67, %add3A_69 : vector<1x8xf32>
    %mul3A = arith.constant 7.812500e-03 : f32
    %mul3A_71 = vector.broadcast %mul3A : f32 to vector<1x8xf32>
    %mul3A_72 = arith.mulf %add3A_70, %mul3A_71 : vector<1x8xf32>
    %floor3A = math.floor %mul3A_72 : vector<1x8xf32>
    %iota3A_73 = tpu.iota {dimensions = array<i32: 0>} : vector<8x8xi32>
    %convert_element_type3A_74 = arith.sitofp %iota3A_73 : vector<8x8xi32> to vector<8x8xf32>
    %iota3A_75 = tpu.iota {dimensions = array<i32: 1>} : vector<8x8xi32>
    %convert_element_type3A_76 = arith.sitofp %iota3A_75 : vector<8x8xi32> to vector<8x8xf32>
    %lt3A = arith.cmpf olt, %convert_element_type3A_74, %convert_element_type3A_76 : vector<8x8xf32>
    %convert_element_type3A_77 = arith.extui %lt3A : vector<8x8xi1> to vector<8x8xi32>
    %convert_element_type3A_78 = arith.sitofp %convert_element_type3A_77 : vector<8x8xi32> to vector<8x8xf32>
    %dot_general3A_79 = arith.constant dense<0.000000e+00> : vector<1x8xf32>
    %dot_general3A_80 = tpu.matmul %floor3A, %convert_element_type3A_78, %dot_general3A_79 {dimension_numbers = #tpu.dot_dimension_numbers<[1], [0], [0], [1], [0, 0, 1, 1], [], []>, transpose_lhs_hint = false} : vector<1x8xf32>, vector<8x8xf32>, vector<1x8xf32> -> vector<1x8xf32>
    %mul3A_81 = arith.constant 1.280000e+02 : f32
    %mul3A_82 = vector.broadcast %mul3A_81 : f32 to vector<1x8xf32>
    %mul3A_83 = arith.mulf %dot_general3A_80, %mul3A_82 : vector<1x8xf32>
    %broadcast_in_dim3A_84 = arith.constant 1.000000e+00 : f32
    %broadcast_in_dim3A_85 = vector.broadcast %broadcast_in_dim3A_84 : f32 to vector<1x8xf32>
    %add3A_86 = vector.broadcast %mul3A_83 : vector<1x8xf32> to vector<2048x8xf32>
    %add3A_87 = arith.addf %add3A_86, %slice3A : vector<2048x8xf32>
    %sub3A_88 = arith.subf %add3A_87, %convert_element_type3A_49 : vector<2048x8xf32>
    %mul3A_89 = arith.constant 7.812500e-03 : f32
    %mul3A_90 = vector.broadcast %mul3A_89 : f32 to vector<2048x8xf32>
    %mul3A_91 = arith.mulf %sub3A_88, %mul3A_90 : vector<2048x8xf32>
    %floor3A_92 = math.floor %mul3A_91 : vector<2048x8xf32>
    %mul3A_93 = arith.constant 1.280000e+02 : f32
    %mul3A_94 = vector.broadcast %mul3A_93 : f32 to vector<2048x8xf32>
    %mul3A_95 = arith.mulf %mul3A_94, %floor3A_92 : vector<2048x8xf32>
    %sub3A_96 = arith.subf %sub3A_88, %mul3A_95 : vector<2048x8xf32>
    %mul3A_97 = arith.mulf %convert_element_type3A_49, %floor3A_92 : vector<2048x8xf32>
    %dot_general3A_98 = arith.constant dense<0.000000e+00> : vector<1x2048xf32>
    %dot_general3A_99 = tpu.matmul %broadcast_in_dim3A_85, %mul3A_97, %dot_general3A_98 {dimension_numbers = #tpu.dot_dimension_numbers<[1], [1], [0], [0], [0, 0, 1, 0], [], []>, transpose_lhs_hint = false} : vector<1x8xf32>, vector<2048x8xf32>, vector<1x2048xf32> -> vector<1x2048xf32>
    %mul3A_100 = arith.constant 1.280000e+02 : f32
    %mul3A_101 = vector.broadcast %mul3A_100 : f32 to vector<1x2048xf32>
    %mul3A_102 = arith.mulf %mul3A_101, %dot_general3A_99 : vector<1x2048xf32>
    %mul3A_103 = arith.mulf %convert_element_type3A_49, %sub3A_96 : vector<2048x8xf32>
    %dot_general3A_104 = arith.constant dense<0.000000e+00> : vector<1x2048xf32>
    %dot_general3A_105 = tpu.matmul %broadcast_in_dim3A_85, %mul3A_103, %dot_general3A_104 {dimension_numbers = #tpu.dot_dimension_numbers<[1], [1], [0], [0], [0, 0, 1, 0], [], []>, transpose_lhs_hint = false} : vector<1x8xf32>, vector<2048x8xf32>, vector<1x2048xf32> -> vector<1x2048xf32>
    %add3A_106 = arith.addf %mul3A_102, %dot_general3A_105 : vector<1x2048xf32>
    %add3A_107 = arith.addf %mul3A_83, %slice3A_65 : vector<1x8xf32>
    %add3A_108 = vector.broadcast %add3A_107 : vector<1x8xf32> to vector<2048x8xf32>
    %add3A_109 = arith.addf %add3A_108, %slice3A_64 : vector<2048x8xf32>
    %sub3A_110 = arith.subf %add3A_109, %convert_element_type3A_53 : vector<2048x8xf32>
    %mul3A_111 = arith.constant 7.812500e-03 : f32
    %mul3A_112 = vector.broadcast %mul3A_111 : f32 to vector<2048x8xf32>
    %mul3A_113 = arith.mulf %sub3A_110, %mul3A_112 : vector<2048x8xf32>
    %floor3A_114 = math.floor %mul3A_113 : vector<2048x8xf32>
    %mul3A_115 = arith.constant 1.280000e+02 : f32
    %mul3A_116 = vector.broadcast %mul3A_115 : f32 to vector<2048x8xf32>
    %mul3A_117 = arith.mulf %mul3A_116, %floor3A_114 : vector<2048x8xf32>
    %sub3A_118 = arith.subf %sub3A_110, %mul3A_117 : vector<2048x8xf32>
    %mul3A_119 = arith.mulf %convert_element_type3A_53, %floor3A_114 : vector<2048x8xf32>
    %dot_general3A_120 = arith.constant dense<0.000000e+00> : vector<1x2048xf32>
    %dot_general3A_121 = tpu.matmul %broadcast_in_dim3A_85, %mul3A_119, %dot_general3A_120 {dimension_numbers = #tpu.dot_dimension_numbers<[1], [1], [0], [0], [0, 0, 1, 0], [], []>, transpose_lhs_hint = false} : vector<1x8xf32>, vector<2048x8xf32>, vector<1x2048xf32> -> vector<1x2048xf32>
    %mul3A_122 = arith.constant 1.280000e+02 : f32
    %mul3A_123 = vector.broadcast %mul3A_122 : f32 to vector<1x2048xf32>
    %mul3A_124 = arith.mulf %mul3A_123, %dot_general3A_121 : vector<1x2048xf32>
    %mul3A_125 = arith.mulf %convert_element_type3A_53, %sub3A_118 : vector<2048x8xf32>
    %dot_general3A_126 = arith.constant dense<0.000000e+00> : vector<1x2048xf32>
    %dot_general3A_127 = tpu.matmul %broadcast_in_dim3A_85, %mul3A_125, %dot_general3A_126 {dimension_numbers = #tpu.dot_dimension_numbers<[1], [1], [0], [0], [0, 0, 1, 0], [], []>, transpose_lhs_hint = false} : vector<1x8xf32>, vector<2048x8xf32>, vector<1x2048xf32> -> vector<1x2048xf32>
    %add3A_128 = arith.addf %mul3A_124, %dot_general3A_127 : vector<1x2048xf32>
    %convert_element_type3A_129 = arith.fptosi %add3A_106 : vector<1x2048xf32> to vector<1x2048xi32>
    %swap3A_130 = arith.constant 0 : index
    %swap3A_131 = arith.constant 0 : index
    %swap3A_132 = vector.load %arg3[%swap3A_130, %swap3A_131] : memref<1x2048xi32, #tpu.memory_space<vmem>>, vector<1x2048xi32>
    tpu.vector_store %arg3[%swap3A_130, %swap3A_131], %convert_element_type3A_129 {strides = array<i32>} : memref<1x2048xi32, #tpu.memory_space<vmem>>, vector<1x2048xi32>,
    %convert_element_type3A_133 = arith.fptosi %add3A_128 : vector<1x2048xf32> to vector<1x2048xi32>
    %swap3A_134 = arith.constant 0 : index
    %swap3A_135 = arith.constant 0 : index
    %swap3A_136 = vector.load %arg4[%swap3A_134, %swap3A_135] : memref<1x2048xi32, #tpu.memory_space<vmem>>, vector<1x2048xi32>
    tpu.vector_store %arg4[%swap3A_134, %swap3A_135], %convert_element_type3A_133 {strides = array<i32>} : memref<1x2048xi32, #tpu.memory_space<vmem>>, vector<1x2048xi32>,
    %iota3A_137 = tpu.iota {dimensions = array<i32: 1>} : vector<8x40xi32>
    %convert_element_type3A_138 = arith.sitofp %iota3A_137 : vector<8x40xi32> to vector<8x40xf32>
    %iota3A_139 = tpu.iota {dimensions = array<i32: 0>} : vector<8x40xi32>
    %convert_element_type3A_140 = arith.sitofp %iota3A_139 : vector<8x40xi32> to vector<8x40xf32>
    %reshape3A = vector.shape_cast %dot_general3A_80 : vector<1x8xf32> to vector<8x1xf32>
    %reshape3A_141 = vector.shape_cast %floor3A : vector<1x8xf32> to vector<8x1xf32>
    %ge3A_142 = vector.broadcast %reshape3A : vector<8x1xf32> to vector<8x40xf32>
    %ge3A_143 = arith.cmpf oge, %convert_element_type3A_138, %ge3A_142 : vector<8x40xf32>
    %add3A_144 = arith.addf %reshape3A, %reshape3A_141 : vector<8x1xf32>
    %lt3A_145 = vector.broadcast %add3A_144 : vector<8x1xf32> to vector<8x40xf32>
    %lt3A_146 = arith.cmpf olt, %convert_element_type3A_138, %lt3A_145 : vector<8x40xf32>
    %and3A = arith.andi %ge3A_143, %lt3A_146 : vector<8x40xi1>
    %convert_element_type3A_147 = arith.extui %and3A : vector<8x40xi1> to vector<8x40xi32>
    %convert_element_type3A_148 = arith.sitofp %convert_element_type3A_147 : vector<8x40xi32> to vector<8x40xf32>
    %eq3A_149 = arith.constant 7.000000e+00 : f32
    %eq3A_150 = vector.broadcast %eq3A_149 : f32 to vector<8x40xf32>
    %eq3A_151 = arith.cmpf oeq, %convert_element_type3A_140, %eq3A_150 : vector<8x40xf32>
    %reduce_sum3A_152 = arith.constant dense<0.000000e+00> : vector<40xf32>
    %reduce_sum3A_153 = vector.multi_reduction <add>, %convert_element_type3A_148, %reduce_sum3A_152 [0] : vector<8x40xf32> to vector<40xf32>
    %broadcast_in_dim3A_154 = vector.shape_cast %reduce_sum3A_153 : vector<40xf32> to vector<1x40xf32>
    %eq3A_155 = arith.constant 0.000000e+00 : f32
    %eq3A_156 = vector.broadcast %eq3A_155 : f32 to vector<1x40xf32>
    %eq3A_157 = arith.cmpf oeq, %broadcast_in_dim3A_154, %eq3A_156 : vector<1x40xf32>
    %and3A_158 = vector.broadcast %eq3A_157 : vector<1x40xi1> to vector<8x40xi1>
    %and3A_159 = arith.andi %eq3A_151, %and3A_158 : vector<8x40xi1>
    %convert_element_type3A_160 = arith.extui %and3A_159 : vector<8x40xi1> to vector<8x40xi32>
    %convert_element_type3A_161 = arith.sitofp %convert_element_type3A_160 : vector<8x40xi32> to vector<8x40xf32>
    %add3A_162 = arith.addf %convert_element_type3A_148, %convert_element_type3A_161 : vector<8x40xf32>
    %min3A = arith.constant 1.000000e+00 : f32
    %min3A_163 = vector.broadcast %min3A : f32 to vector<8x40xf32>
    %min3A_164 = arith.minimumf %add3A_162, %min3A_163 : vector<8x40xf32>
    %mul3A_165 = arith.mulf %convert_element_type3A_140, %min3A_164 : vector<8x40xf32>
    %reduce_sum3A_166 = arith.constant dense<0.000000e+00> : vector<40xf32>
    %reduce_sum3A_167 = vector.multi_reduction <add>, %mul3A_165, %reduce_sum3A_166 [0] : vector<8x40xf32> to vector<40xf32>
    %broadcast_in_dim3A_168 = vector.shape_cast %reduce_sum3A_167 : vector<40xf32> to vector<1x40xf32>
    %convert_element_type3A_169 = arith.fptosi %broadcast_in_dim3A_168 : vector<1x40xf32> to vector<1x40xi32>
    %swap3A_170 = arith.constant 0 : index
    %swap3A_171 = arith.constant 0 : index
    %swap3A_172 = vector.load %arg7[%swap3A_170, %swap3A_171] : memref<1x40xi32, #tpu.memory_space<vmem>>, vector<1x40xi32>
    tpu.vector_store %arg7[%swap3A_170, %swap3A_171], %convert_element_type3A_169 {strides = array<i32>} : memref<1x40xi32, #tpu.memory_space<vmem>>, vector<1x40xi32>,
    %reduce_sum3A_173 = arith.constant dense<0.000000e+00> : vector<8xf32>
    %reduce_sum3A_174 = vector.multi_reduction <add>, %convert_element_type3A_148, %reduce_sum3A_173 [1] : vector<8x40xf32> to vector<8xf32>
    %broadcast_in_dim3A_175 = vector.shape_cast %reduce_sum3A_174 : vector<8xf32> to vector<8x1xf32>
    %convert_element_type3A_176 = arith.constant 0.000000e+00 : f32
    %convert_element_type3A_177 = vector.broadcast %convert_element_type3A_176 : f32 to vector<8x1xf32>
    %convert_element_type3A_178 = arith.cmpf one, %broadcast_in_dim3A_175, %convert_element_type3A_177 : vector<8x1xf32>
    %convert_element_type3A_179 = arith.extui %convert_element_type3A_178 : vector<8x1xi1> to vector<8x1xi32>
    %convert_element_type3A_180 = arith.sitofp %convert_element_type3A_179 : vector<8x1xi32> to vector<8x1xf32>
    %iota3A_181 = tpu.iota {dimensions = array<i32: 0>} : vector<8x1xi32>
    %convert_element_type3A_182 = arith.sitofp %iota3A_181 : vector<8x1xi32> to vector<8x1xf32>
    %eq3A_183 = arith.constant 7.000000e+00 : f32
    %eq3A_184 = vector.broadcast %eq3A_183 : f32 to vector<8x1xf32>
    %eq3A_185 = arith.cmpf oeq, %convert_element_type3A_182, %eq3A_184 : vector<8x1xf32>
    %convert_element_type3A_186 = arith.extui %eq3A_185 : vector<8x1xi1> to vector<8x1xi32>
    %convert_element_type3A_187 = arith.sitofp %convert_element_type3A_186 : vector<8x1xi32> to vector<8x1xf32>
    %add3A_188 = arith.addf %convert_element_type3A_180, %convert_element_type3A_187 : vector<8x1xf32>
    %min3A_189 = arith.constant 1.000000e+00 : f32
    %min3A_190 = vector.broadcast %min3A_189 : f32 to vector<8x1xf32>
    %min3A_191 = arith.minimumf %add3A_188, %min3A_190 : vector<8x1xf32>
    %lt3A_192 = arith.cmpf olt, %convert_element_type3A_76, %convert_element_type3A_74 : vector<8x8xf32>
    %convert_element_type3A_193 = arith.extui %lt3A_192 : vector<8x8xi1> to vector<8x8xi32>
    %convert_element_type3A_194 = arith.sitofp %convert_element_type3A_193 : vector<8x8xi32> to vector<8x8xf32>
    %dot_general3A_195 = arith.constant dense<0.000000e+00> : vector<8x1xf32>
    %dot_general3A_196 = tpu.matmul %convert_element_type3A_194, %min3A_191, %dot_general3A_195 {dimension_numbers = #tpu.dot_dimension_numbers<[1], [0], [0], [1], [0, 0, 1, 1], [], []>, transpose_lhs_hint = false} : vector<8x8xf32>, vector<8x1xf32>, vector<8x1xf32> -> vector<8x1xf32>
    %mul3A_197 = arith.constant 5.000000e-01 : f32
    %mul3A_198 = vector.broadcast %mul3A_197 : f32 to vector<8x1xf32>
    %mul3A_199 = arith.mulf %dot_general3A_196, %mul3A_198 : vector<8x1xf32>
    %floor3A_200 = math.floor %mul3A_199 : vector<8x1xf32>
    %mul3A_201 = arith.constant 2.000000e+00 : f32
    %mul3A_202 = vector.broadcast %mul3A_201 : f32 to vector<8x1xf32>
    %mul3A_203 = arith.mulf %mul3A_202, %floor3A_200 : vector<8x1xf32>
    %sub3A_204 = arith.subf %dot_general3A_196, %mul3A_203 : vector<8x1xf32>
    %gt3A = arith.cmpf ogt, %convert_element_type3A_76, %convert_element_type3A_74 : vector<8x8xf32>
    %convert_element_type3A_205 = arith.extui %gt3A : vector<8x8xi1> to vector<8x8xi32>
    %convert_element_type3A_206 = arith.sitofp %convert_element_type3A_205 : vector<8x8xi32> to vector<8x8xf32>
    %eq3A_207 = arith.cmpf oeq, %convert_element_type3A_74, %convert_element_type3A_76 : vector<8x8xf32>
    %convert_element_type3A_208 = arith.extui %eq3A_207 : vector<8x8xi1> to vector<8x8xi32>
    %convert_element_type3A_209 = arith.sitofp %convert_element_type3A_208 : vector<8x8xi32> to vector<8x8xf32>
    %mul3A_210 = vector.broadcast %min3A_191 : vector<8x1xf32> to vector<8x8xf32>
    %mul3A_211 = arith.mulf %convert_element_type3A_209, %mul3A_210 : vector<8x8xf32>
    %reduce_sum3A_212 = arith.constant dense<0.000000e+00> : vector<8xf32>
    %reduce_sum3A_213 = vector.multi_reduction <add>, %mul3A_211, %reduce_sum3A_212 [0] : vector<8x8xf32> to vector<8xf32>
    %broadcast_in_dim3A_214 = vector.shape_cast %reduce_sum3A_213 : vector<8xf32> to vector<1x8xf32>
    %mul3A_215 = vector.broadcast %broadcast_in_dim3A_214 : vector<1x8xf32> to vector<8x8xf32>
    %mul3A_216 = arith.mulf %convert_element_type3A_206, %mul3A_215 : vector<8x8xf32>
    %mul3A_217 = arith.mulf %mul3A_216, %convert_element_type3A_76 : vector<8x8xf32>
    %mul3A_218 = vector.broadcast %broadcast_in_dim3A_214 : vector<1x8xf32> to vector<8x8xf32>
    %mul3A_219 = arith.mulf %convert_element_type3A_206, %mul3A_218 : vector<8x8xf32>
    %sub3A_220 = arith.constant 1.000000e+00 : f32
    %sub3A_221 = vector.broadcast %sub3A_220 : f32 to vector<8x8xf32>
    %sub3A_222 = arith.subf %sub3A_221, %mul3A_219 : vector<8x8xf32>
    %mul3A_223 = arith.constant 1.000000e+09 : f32
    %mul3A_224 = vector.broadcast %mul3A_223 : f32 to vector<8x8xf32>
    %mul3A_225 = arith.mulf %sub3A_222, %mul3A_224 : vector<8x8xf32>
    %add3A_226 = arith.addf %mul3A_217, %mul3A_225 : vector<8x8xf32>
    %reduce_min3A_227 = arith.constant dense<0x7F800000> : vector<8xf32>
    %reduce_min3A_228 = vector.multi_reduction <minimumf>, %add3A_226, %reduce_min3A_227 [1] : vector<8x8xf32> to vector<8xf32>
    %broadcast_in_dim3A_229 = vector.shape_cast %reduce_min3A_228 : vector<8xf32> to vector<8x1xf32>
    %gt3A_230 = arith.constant 8.000000e+00 : f32
    %gt3A_231 = vector.broadcast %gt3A_230 : f32 to vector<8x1xf32>
    %gt3A_232 = arith.cmpf ogt, %broadcast_in_dim3A_229, %gt3A_231 : vector<8x1xf32>
    %iota3A_233 = tpu.iota {dimensions = array<i32: 0>} : vector<8x1xi32>
    %convert_element_type3A_234 = arith.sitofp %iota3A_233 : vector<8x1xi32> to vector<8x1xf32>
    %select_n3A_235 = arith.select %gt3A_232, %convert_element_type3A_234, %broadcast_in_dim3A_229 : vector<8x1xi1>, vector<8x1xf32>
    %mul3A_236 = vector.broadcast %sub3A_204 : vector<8x1xf32> to vector<8x40xf32>
    %mul3A_237 = arith.mulf %mul3A_236, %min3A_164 : vector<8x40xf32>
    %reduce_sum3A_238 = arith.constant dense<0.000000e+00> : vector<40xf32>
    %reduce_sum3A_239 = vector.multi_reduction <add>, %mul3A_237, %reduce_sum3A_238 [0] : vector<8x40xf32> to vector<40xf32>
    %broadcast_in_dim3A_240 = vector.shape_cast %reduce_sum3A_239 : vector<40xf32> to vector<1x40xf32>
    %mul3A_241 = vector.broadcast %select_n3A_235 : vector<8x1xf32> to vector<8x40xf32>
    %mul3A_242 = arith.mulf %mul3A_241, %min3A_164 : vector<8x40xf32>
    %reduce_sum3A_243 = arith.constant dense<0.000000e+00> : vector<40xf32>
    %reduce_sum3A_244 = vector.multi_reduction <add>, %mul3A_242, %reduce_sum3A_243 [0] : vector<8x40xf32> to vector<40xf32>
    %broadcast_in_dim3A_245 = vector.shape_cast %reduce_sum3A_244 : vector<40xf32> to vector<1x40xf32>
    %slice3A_246 = vector.extract_strided_slice %broadcast_in_dim3A_168 {offsets = [0, 0], sizes = [1, 1], strides = [1, 1]} : vector<1x40xf32> to vector<1x1xf32>
    %sub3A_247 = arith.constant 1.000000e+00 : f32
    %sub3A_248 = vector.broadcast %sub3A_247 : f32 to vector<1x1xf32>
    %sub3A_249 = arith.subf %slice3A_246, %sub3A_248 : vector<1x1xf32>
    %slice3A_250 = vector.extract_strided_slice %broadcast_in_dim3A_168 {offsets = [0, 0], sizes = [1, 39], strides = [1, 1]} : vector<1x40xf32> to vector<1x39xf32>
    %concatenate3A_251 = tpu.concatenate %sub3A_249, %slice3A_250 in 1 : vector<1x1xf32>, vector<1x39xf32> -> vector<1x40xf32>
    %ne3A = arith.cmpf one, %broadcast_in_dim3A_168, %concatenate3A_251 : vector<1x40xf32>
    %convert_element_type3A_252 = arith.extui %ne3A : vector<1x40xi1> to vector<1x40xi32>
    %convert_element_type3A_253 = arith.sitofp %convert_element_type3A_252 : vector<1x40xi32> to vector<1x40xf32>
    %ne3A_254 = arith.cmpf one, %broadcast_in_dim3A_245, %broadcast_in_dim3A_168 : vector<1x40xf32>
    %convert_element_type3A_255 = arith.extui %ne3A_254 : vector<1x40xi1> to vector<1x40xi32>
    %convert_element_type3A_256 = arith.sitofp %convert_element_type3A_255 : vector<1x40xi32> to vector<1x40xf32>
    %convert_element_type3A_257 = arith.fptosi %broadcast_in_dim3A_240 : vector<1x40xf32> to vector<1x40xi32>
    %swap3A_258 = arith.constant 0 : index
    %swap3A_259 = arith.constant 0 : index
    %swap3A_260 = vector.load %arg9[%swap3A_258, %swap3A_259] : memref<1x40xi32, #tpu.memory_space<vmem>>, vector<1x40xi32>
    tpu.vector_store %arg9[%swap3A_258, %swap3A_259], %convert_element_type3A_257 {strides = array<i32>} : memref<1x40xi32, #tpu.memory_space<vmem>>, vector<1x40xi32>,
    %convert_element_type3A_261 = arith.fptosi %broadcast_in_dim3A_245 : vector<1x40xf32> to vector<1x40xi32>
    %swap3A_262 = arith.constant 0 : index
    %swap3A_263 = arith.constant 0 : index
    %swap3A_264 = vector.load %arg10[%swap3A_262, %swap3A_263] : memref<1x40xi32, #tpu.memory_space<vmem>>, vector<1x40xi32>
    tpu.vector_store %arg10[%swap3A_262, %swap3A_263], %convert_element_type3A_261 {strides = array<i32>} : memref<1x40xi32, #tpu.memory_space<vmem>>, vector<1x40xi32>,
    %convert_element_type3A_265 = arith.fptosi %convert_element_type3A_253 : vector<1x40xf32> to vector<1x40xi32>
    %swap3A_266 = arith.constant 0 : index
    %swap3A_267 = arith.constant 0 : index
    %swap3A_268 = vector.load %arg8[%swap3A_266, %swap3A_267] : memref<1x40xi32, #tpu.memory_space<vmem>>, vector<1x40xi32>
    tpu.vector_store %arg8[%swap3A_266, %swap3A_267], %convert_element_type3A_265 {strides = array<i32>} : memref<1x40xi32, #tpu.memory_space<vmem>>, vector<1x40xi32>,
    %convert_element_type3A_269 = arith.fptosi %convert_element_type3A_256 : vector<1x40xf32> to vector<1x40xi32>
    %swap3A_270 = arith.constant 0 : index
    %swap3A_271 = arith.constant 0 : index
    %swap3A_272 = vector.load %arg11[%swap3A_270, %swap3A_271] : memref<1x40xi32, #tpu.memory_space<vmem>>, vector<1x40xi32>
    tpu.vector_store %arg11[%swap3A_270, %swap3A_271], %convert_element_type3A_269 {strides = array<i32>} : memref<1x40xi32, #tpu.memory_space<vmem>>, vector<1x40xi32>,
    %reduce_sum3A_273 = arith.constant dense<0.000000e+00> : vector<1xf32>
    %reduce_sum3A_274 = vector.multi_reduction <add>, %floor3A, %reduce_sum3A_273 [1] : vector<1x8xf32> to vector<1xf32>
    %broadcast_in_dim3A_275 = vector.shape_cast %reduce_sum3A_274 : vector<1xf32> to vector<1x1xf32>
    %broadcast_in_dim3A_276 = vector.shape_cast %broadcast_in_dim3A_275 : vector<1x1xf32> to vector<1x1xf32>
    %broadcast_in_dim3A_277 = vector.broadcast %broadcast_in_dim3A_276 : vector<1x1xf32> to vector<1x40xf32>
    %convert_element_type3A_278 = arith.fptosi %broadcast_in_dim3A_277 : vector<1x40xf32> to vector<1x40xi32>
    %swap3A_279 = arith.constant 0 : index
    %swap3A_280 = arith.constant 0 : index
    %swap3A_281 = vector.load %arg12[%swap3A_279, %swap3A_280] : memref<1x40xi32, #tpu.memory_space<vmem>>, vector<1x40xi32>
    tpu.vector_store %arg12[%swap3A_279, %swap3A_280], %convert_element_type3A_278 {strides = array<i32>} : memref<1x40xi32, #tpu.memory_space<vmem>>, vector<1x40xi32>,
    return
  }
}

</mosaic_0001>

<sc_bundles>
// kernel: kernel.6.cloned.1.call-start
scs
__scs_entry_jumppad:
0x0: {  	(pc) =	sbr.rel $0x88, $3  }
0x1: {  	(tag) =	ssettag $0x0;
	lr =	simm.s32 $0x1  }
0x2: {  	[smem:$0x3F98] =	sst lr;
	_ =	strace $0xD0000000  }
0x3: {  	_ = 	snop  }
0x4: {  	_ = 	snop  }
0x5: {  	_ = 	snop  }
0x6: {  	_ = 	snop  }
0x7: {  	_ = 	snop  }
__scs_overlays_trampoline_lowered:
0x8: {  	[smem:$0x3FA7] =	sst s0  }
0x9: {  	[smem:$0x3FA8] =	sst s1  }
0xa: {  	[smem:$0x3FA9] =	sst s2  }
0xb: {  	[smem:$0x3FAA] =	sst s3  }
0xc: {  	[smem:$0x3FAB] =	sst s4  }
0xd: {  	[smem:$0x3FAC] =	sst s5  }
0xe: {  	[smem:$0x3FAD] =	sst s6  }
0xf: {  	[smem:$0x3FAE] =	sst s7  }
0x10: {  	[smem:$0x3FAF] =	sst s8  }
0x11: {  	[smem:$0x3FB0] =	sst s9;
	s0 =	simm.s32 @!p0 $0x0  }
0x12: {  	s1 =	sld [smem:$0x3F96];
	s0 =	simm.s32 @p0 $0x1  }
0x13: {  	[smem:$0x3FB1] =	sst s0;
	s0 =	simm.s32 @!p1 $0x0  }
0x14: {  	s2 =	sld [smem:$0x3F95];
	s0 =	simm.s32 @p1 $0x1  }
0x15: {  	[smem:$0x3FB2] =	sst s0;
	s0 =	simm.s32 @!p2 $0x0  }
0x16: {  	s3 =	sld [smem:$0x3FDB];
	s0 =	simm.s32 @p2 $0x1  }
0x17: {  	s4 =	simm.s32 $0x1BF5;
	[smem:$0x3FB4] =	sst s0  }
0x18: {  	s0 =	sld [smem:$0x3F97];
	_ =	swait.ge [sflag:s4], $0x0  }
0x19: {  	s7 =	sld [smem:$0x3F98]  }
0x1a: {  	s8 =	sadd.s32 $0xFFFFE003, lr  }
0x1b: {  	s9 =	sadd.s32 $0xFFFFFEF7, lr;
	s5 =	simm.s32 $0xFFFFFFFF;
	p2 =	slt.u32 s8, $0xFFFFF086  }
0x1c: {  	p1 =	slt.u32 s9, $0xF7A;
	s5 =	simm.s32 @!p2 $0x0  }
0x1d: {  	s5 =	simm.s32 @p1 $0x1;
	p0 =	seq.s32 s7, s2  }
0x1e: {  	s7 =	smul.u32 @!p0 $0xF7A, s2;
	p2 =	seq.s32 @!p0 s5, $0x0  }
0x1f: {  	s9 =	smul.u32 $0xF7A, s1;
	s8 =	simm.s32 @!p0 $0x1BF5;
	p2 =	por !p2, p0  }
0x20: {  	[sflag:s8] =	ssyncset.s32 @!p0 $0xFFFFF086;
	s6 =	sadd.s32 @!p0 s3, s7;
	s7 =	simm.s32 @!p0 $0x108  }
0x21: {  	s3 =	sadd.s32 s3, s9;
	s6 =	sadd.s32 @!p0 $0x88, s6;
	s7 =	simm.s32 @p2 $0x1082  }
0x22: {  	[simem:s7], [sflag:s8] =	dma.local @!p0 [hbm:s6], $0xF7A  }
0x23: {  	s9 =	sor.u32 $0xD0000000, s2;
	s6 =	simm.s32 $0x108;
	_ =	swait.ge @!p0 [sflag:s8], $0x0  }
0x24: {  	s3 =	sadd.s32 $0x88, s3;
	s6 =	simm.s32 @!p1 $0x1082;
	[sflag:s4] =	ssyncset.s32 $0xFFFFF086  }
0x25: {  	[simem:s6], [sflag:s4] =	dma.local [hbm:s3], $0xF7A  }
0x26: {  	[smem:$0x3F98] =	sst s1;
	(tag) =	ssettag s2;
	_ =	strace s9  }
0x27: {  	s1 =	sld [smem:$0x3FA8]  }
0x28: {  	s2 =	sld [smem:$0x3FA9]  }
0x29: {  	s4 =	sld [smem:$0x3FAB]  }
0x2a: {  	p0 =	seq.s32 s5, $0x0;
	s5 =	sld [smem:$0x3FAC]  }
0x2b: {  	s6 =	sld [smem:$0x3FAD]  }
0x2c: {  	s7 =	sld [smem:$0x3FAE]  }
0x2d: {  	s3 =	simm.s32 $0x108;
	s8 =	sld [smem:$0x3FAF]  }
0x2e: {  	s3 =	simm.s32 @!p0 $0x1082;
	s9 =	sld [smem:$0x3FB0]  }
0x2f: {  	lr =	sadd.s32 s0, s3;
	s0 =	sld [smem:$0x3FA7]  }
0x30: {  	s3 =	sld [smem:$0x3FAA]  }
0x31: {  	[smem:$0x3FB3] =	sst s10  }
0x32: {  	s10 =	sld [smem:$0x3FB1];
	_ =	sdelay $0x3  }
0x33: {  	p0 =	seq.s32 s10, $0x1;
	s10 =	sld [smem:$0x3FB3];
	_ =	sdelay $0x3  }
0x34: {  	[smem:$0x3FB3] =	sst s10  }
0x35: {  	s10 =	sld [smem:$0x3FB2];
	_ =	sdelay $0x3  }
0x36: {  	p1 =	seq.s32 s10, $0x1;
	s10 =	sld [smem:$0x3FB3];
	_ =	sdelay $0x3  }
0x37: {  	[smem:$0x3FB3] =	sst s10  }
0x38: {  	s10 =	sld [smem:$0x3FB4]  }
0x39: {  	_ = 	snop;
	(pc) =	sbr.ind lr, $3  }
0x3a: {  	_ = 	snop  }
0x3b: {  	_ = 	snop  }
0x3c: {  	p2 =	seq.s32 s10, $0x1;
	s10 =	sld [smem:$0x3FB3]  }
0x3d: {  	_ =	shalt  }
0x3e: {  	_ =	shalt  }
0x3f: {  	_ =	shalt  }
0x40: {  	_ =	shalt  }
0x41: {  	_ =	shalt  }
0x42: {  	_ =	shalt  }
0x43: {  	_ =	shalt  }
0x44: {  	_ =	shalt  }
0x45: {  	_ =	shalt  }
0x46: {  	_ =	shalt  }
0x47: {  	_ =	shalt  }
0x48: {  	_ =	shalt  }
0x49: {  	_ =	shalt  }
0x4a: {  	_ =	shalt  }
0x4b: {  	_ =	shalt  }
0x4c: {  	_ =	shalt  }
0x4d: {  	_ =	shalt  }
0x4e: {  	_ =	shalt  }
0x4f: {  	_ =	shalt  }
0x50: {  	_ =	shalt  }
0x51: {  	_ =	shalt  }
0x52: {  	_ =	shalt  }
0x53: {  	_ =	shalt  }
0x54: {  	_ =	shalt  }
0x55: {  	_ =	shalt  }
0x56: {  	_ =	shalt  }
0x57: {  	_ =	shalt  }
0x58: {  	_ =	shalt  }
0x59: {  	_ =	shalt  }
0x5a: {  	_ =	shalt  }
0x5b: {  	_ =	shalt  }
0x5c: {  	_ =	shalt  }
0x5d: {  	_ =	shalt  }
0x5e: {  	_ =	shalt  }
0x5f: {  	_ =	shalt  }
0x60: {  	_ =	shalt  }
0x61: {  	_ =	shalt  }
0x62: {  	_ =	shalt  }
0x63: {  	_ =	shalt  }
0x64: {  	_ =	shalt  }
0x65: {  	_ =	shalt  }
0x66: {  	_ =	shalt  }
0x67: {  	_ =	shalt  }
0x68: {  	_ =	shalt  }
0x69: {  	_ =	shalt  }
0x6a: {  	_ =	shalt  }
0x6b: {  	_ =	shalt  }
0x6c: {  	_ =	shalt  }
0x6d: {  	_ =	shalt  }
0x6e: {  	_ =	shalt  }
0x6f: {  	_ =	shalt  }
0x70: {  	_ =	shalt  }
0x71: {  	_ =	shalt  }
0x72: {  	_ =	shalt  }
0x73: {  	_ =	shalt  }
0x74: {  	_ =	shalt  }
0x75: {  	_ =	shalt  }
0x76: {  	_ =	shalt  }
0x77: {  	_ =	shalt  }
0x78: {  	_ =	shalt  }
0x79: {  	_ =	shalt  }
0x7a: {  	_ =	shalt  }
0x7b: {  	_ =	shalt  }
0x7c: {  	_ =	shalt  }
0x7d: {  	_ =	shalt  }
0x7e: {  	_ =	shalt  }
0x7f: {  	_ =	shalt  }
0x80: {  	_ =	shalt  }
0x81: {  	_ =	shalt  }
0x82: {  	_ =	shalt  }
0x83: {  	_ =	shalt  }
0x84: {  	_ =	shalt  }
0x85: {  	_ =	shalt  }
0x86: {  	_ =	shalt  }
0x87: {  	_ =	shalt  }
.Lfunc_end0:
.L_simem_size_0:
called_computation_lowered:
.L_overlay_start_0:
0x88: {  	s2 =	sld [smem:$0x3FD9]  }
0x89: {  	s3 =	sld [smem:$0x3FFE];
	_ =	sdelay $0x1  }
0x8a: {  	s1 =	srdreg.scid  }
0x8b: {  	s0 =	sand.u32 $0x1, s1  }
0x8c: {  	s17 =	sshll.u32 s0, $0xA;
	s2 =	sadd.s32 s3, s2  }
0x8d: {  	s2 =	sadd.s32 s2, s17  }
0x8e: {  	[smem:$0x3FBF] =	sst s2  }
0x8f: {  	_ = 	snop  }
0x90: {  	s2 =	sld [smem:$0x3FC9]  }
0x91: {  	s18 =	sld [smem:$0x3FD0];
	(tm) =	ssettm $0x1  }
0x92: {  	s4 =	sld [smem:$0x3FFB];
	_ =	sdelay $0x3  }
0x93: {  	_ =	strace s4  }
0x94: {  	s4 =	sld [smem:$0x3FFC];
	_ =	sdelay $0x3  }
0x95: {  	_ =	strace s4  }
0x96: {  	s4 =	sld [smem:$0x3FFD];
	_ =	sdelay $0x3  }
0x97: {  	_ =	strace s4  }
0x98: {  	_ =	strace $0x8FFFFFFF  }
0x99: {  	s19 =	sld [smem:$0x3FDB];
	_ =	sdelay $0x1  }
0x9a: {  	s5 =	simm.s32 $_scs_section_size  }
0x9b: {  	s6 =	simm.s32 $_size__tile_overlayer_lowered;
	s7 =	simm.s32 $_tile_overlayer_lowered  }
0x9c: {  	s22 =	simm.s32 $0x1BFF;
	s21 =	sshll.u32 s7, $0x1;
	s4 =	sadd.s32 s5, s19  }
0x9d: {  	s8 =	simm.s32 $0x0;
	s20 =	sshll.u32 s6, $0x1;
	s6 =	sadd.s32 s21, s4  }
0x9e: {  	[timem:s8], [sflag:s22] =	dma.local [hbm:s6], s20  }
0x9f: {  	_ =	swait.ge [sflag:s22], s20  }
0xa0: {  	s5 =	ssub.s32 $0x0, s20;
	[sflag:s22] =	ssyncset.done $0x0  }
0xa1: {  	[sflag:s22] =	ssyncadd.s32 s5;
	_ =	sdelay $0x1  }
0xa2: {  	s23 =	simm.s32 $0x1B8B  }
0xa3: {  	_ =	swait.ge [sflag:s23], $0x1  }
0xa4: {  	[sflag:s23] =	ssyncset.done $0x0  }
0xa5: {  	s25 =	simm.s32 $0x1B8E;
	s24 =	sld [smem:$0x3FFE];
	[sflag:s23] =	ssyncadd.s32 $0xFFFFFFFF  }
0xa6: {  	s26 =	simm.s32 $execute0_lowered;
	[smem:$0x3FD2] =	sst s25  }
0xa7: {  	s6 =	sshll.u32 s26, $0x1;
	_ =	strace $0x80000046;
	[dreg:$0x1] =	wrdreg $0xFFFFFFFF  }
0xa8: {  	s28 =	simm.s32 $_size_execute0_lowered;
	s4 =	sadd.s32 s4, s6;
	[dreg:$0x0] =	wrdreg $0x0  }
0xa9: {  	s6 =	sshll.u32 s28, $0x1;
	[dreg:$0x2] =	wrdreg s4  }
0xaa: {  	[dreg:$0x3] =	wrdreg s6  }
0xab: {  	[dreg:$0x4] =	wrdreg $0xC0  }
0xac: {  	_ =	task [dreg:s8], $0x5FFFF  }
0xad: {  	[dreg:$0x1] =	wrdreg $0xFFFFFFFF  }
0xae: {  	[dreg:$0x0] =	wrdreg $0x60  }
0xaf: {  	[dreg:$0x2] =	wrdreg s2  }
0xb0: {  	[dreg:$0x3] =	wrdreg s24  }
0xb1: {  	[dreg:$0x4] =	wrdreg s18  }
0xb2: {  	[dreg:$0x5] =	wrdreg $0x9  }
0xb3: {  	_ =	task.clear_ibuf [dreg:s8], $0x6FFFF;
	_ =	strace $0x90000046  }
0xb4: {  	s29 =	simm.s32 $0x9;
	_ =	strace $0x80000048  }
0xb5: {  	_ =	swait.ge [sflag:s29], $0x1  }
0xb6: {  	[sflag:s29] =	ssyncadd.s32 $0xFFFFFFFF  }
0xb7: {  	_ =	strace $0x90000048  }
0xb8: {  	_ =	sfence  }
0xb9: {  	s30 =	sld [smem:$0x0];
	_ =	sdelay $0x2  }
0xba: {  	s31 =	sshll.u32 s1, $0xD;
	s1 =	sshrl.u32 s1, $0x2  }
0xbb: {  	s3 =	sand.u32 $0x4000, s31;
	s1 =	sadd.s32 s1, s30  }
0xbc: {  	s0 =	sor.u32 s3, s0;
	s1 =	sshll.u32 s1, $0x11  }
0xbd: {  	s0 =	sor.u32 s1, s0  }
0xbe: {  	s0 =	sadd.s32 $0x8F2B, s0  }
0xbf: {  	[sflag:s0] =	ssyncadd.remote.s32 $0x1  }
0xc0: {  	_ =	sfence.sel $0xFFFF  }
0xc1: {  	[dreg:$0x0] =	wrdreg $0xFFFFFFFF;
	(pc) =	sbr.abs _section_cstart, $3  }
0xc2: {  	[dreg:$0x1] =	wrdreg $0xFFFFFFFF  }
0xc3: {  	_ =	task.clear_ibuf [dreg:s8], $0x2FFFF;
	_ =	strace $0x9FFFFFFF  }
0xc4: {  	(tm) =	ssettm $0x7FFFFFFF  }
0xc5: {  	_ =	shalt  }
tec
execute0_lowered:
.L_overlay_start_1:
0x0: {  	(tag) =	ssettag $0x1  }
0x1: {  	s0 =	srdreg.scid;
	s1 =	rddreg [dreg:$0x0]  }
0x2: {  	s3 =	stileid.u32;
	s2 =	rddreg [dreg:$0x1]  }
0x3: {  	s16 =	simm.s32 $0x100;
	s13 =	simm.s32 $0x1;
	s14 =	simm.s32 $0x3  }
0x4: {  	s22 =	simm.s32 $0x1100;
	s23 =	simm.s32 $0x1900;
	s28 =	simm.s32 $0x3900  }
0x5: {  	s29 =	simm.s32 $0x4100;
	s30 =	simm.s32 $0x4900;
	s31 =	simm.s32 $0x5100  }
0x6: {  	s10 =	simm.s32 $0x7900;
	s11 =	simm.s32 $0x8100;
	s17 =	simm.s32 $0x8900  }
0x7: {  	s12 =	simm.s32 $0x9900;
	s20 =	simm.s32 $0xA100;
	s0 =	sand.u32 $0x1, s0  }
0x8: {  	s21 =	simm.s32 $0xA900;
	s3 =	sshll.u32 s3, $0x7;
	s4 =	sshll.u32 s0, $0x6  }
0x9: {  	s15 =	simm.s32 $0xB100;
	s0 =	ssub.s32 $0x2, s0;
	s4 =	sor.u32 s4, s3  }
0xa: {  	s3 =	simm.s32 $0x0;
	s25 =	sshrl.u32 s0, $0x1;
	s5 =	sshrl.u32 s4, $0x3  }
0xb: {  	[smem:$0x7FF] =	sst s3;
	s4 =	sshll.u32 s4, $0x4;
	s6 =	sadd.s32 s5, s2  }
0xc: {  	s0 =	ssub.s32 s0, s25;
	_ =	strace $0x80000047;
	s7 =	sadd.s32 $0x12800, s6  }
0xd: {  	s4 =	sadd.s32 s4, s2;
	s6 =	sadd.s32 $0x12600, s6;
	[dreg:$0x4] =	wrdreg s7  }
0xe: {  	s5 =	smul.u32 $0x300, s5;
	s24 =	sadd.s32 $0x2600, s4;
	[dreg:$0x5] =	wrdreg s6  }
0xf: {  	s25 =	simm.s32 $0x2900;
	s26 =	sadd.s32 $0xA600, s4;
	[dreg:$0x7] =	wrdreg s24  }
0x10: {  	v2 =	vlaneseq.u32;
	s4 =	sadd.s32 $0x12A00, s2;
	s1 =	sadd.s32 s1, s5;
	[dreg:$0x8] =	wrdreg s26  }
0x11: {  	vm0 =	vmmov $0xffff;
	v1 =	vshrl.u32 v2, $0x3;
	s5 =	sadd.s32 $0x12B00, s2;
	s6 =	sadd.s32 $0x12C00, s2;
	s7 =	smax.u32 s0, $0x1  }
0x12: {  	v0 =	vand.u32 $0x7, v2;
	v2 =	vor.u32 $0x8, v2;
	v1 =	vmul.u32 $0x8, v1;
	s24 =	simm.s32 $0x2100;
	s26 =	simm.s32 $0x3100;
	[dreg:$0x6] =	wrdreg s1  }
.LBB2_1:
0x13: {  	s18 =	rddreg [dreg:$0x4]  }
0x14: {  	[tilespmem:s3], [sflag:$0x1] =	stream.linear.gather [hbm4b:s18+s3], $0x40, $0x38;
	[tilespmem:$0x10100] =	vst v63  }
0x15: {  	s19 =	rddreg [dreg:$0x5];
	s0 =	simm.s32 $0x80  }
0x16: {  	[tilespmem:s0], [sflag:$0x2] =	stream.linear.gather [hbm4b:s19+s3], $0x40, $0x38;
	[tilespmem:$0x10100] =	vst v63  }
0x17: {  	s9 =	rddreg [dreg:$0x6]  }
0x18: {  	[tilespmem:s16], [sflag:$0x3] =	stream.linear.gather [hbm4b:s9+s3], $0xC000, $0x38;
	[tilespmem:$0x10100] =	vst v63  }
0x19: {  	s2 =	simm.s32 $0xC100;
	s0 =	rddreg [dreg:$0x7]  }
0x1a: {  	[tilespmem:s2], [sflag:$0x4] =	stream.linear.gather [hbm4b:s0+s3], $0x2000, $0x38;
	[tilespmem:$0x10100] =	vst v63  }
0x1b: {  	s1 =	rddreg [dreg:$0x8];
	s8 =	simm.s32 $0xE100  }
0x1c: {  	[tilespmem:s8], [sflag:$0x5] =	stream.linear.gather [hbm4b:s1+s3], $0x2000, $0x38;
	[tilespmem:$0x10100] =	vst v63  }
0x1d: {  	_ =	swait.ge [sflag:s13], $0x40  }
0x1e: {  	[sflag:s13] =	ssyncset.done $0x0  }
0x1f: {  	[sflag:s13] =	ssyncadd.s32 $0xFFFFFFC0  }
0x20: {  	_ =	swait.ge [sflag:s14], $0xC000  }
0x21: {  	[sflag:s14] =	ssyncset.done $0x0  }
0x22: {  	[sflag:s14] =	ssyncadd.s32 $0xFFFF4000  }
0x23: {  	v3 =	vld [tilespmem:$0x0];
	_ =	sdelay $0x4  }
0x24: {  	v4 =	vshrl.u32 v3, $0x3  }
0x25: {  	v4 =	vmul.u32 $0x30, v4  }
0x26: {  	v3 =	vand.u32 $0x7, v3  }
0x27: {  	v3 =	vor.u32 v3, v4  }
0x28: {  	v4 =	vperm.xlane v3, v0;
	_ =	sdelay $0x1  }
0x29: {  	v4 =	vadd.s32 v1, v4;
	_ =	sdelay $0x3  }
0x2a: {  	v3 =	vperm.xlane v3, v2  }
0x2b: {  	[hbm4b:s4+s3] =	stream.indirect_vreg.scatter [tilespmem:s16], [sflag:$0x1], $0x80, v4, vm0, $0xb8;
	[tilespmem:$0x10100] =	vst v63  }
0x2c: {  	s18 =	simm.s32 $0x900;
	v3 =	vadd.s32 v1, v3  }
0x2d: {  	[hbm4b:s5+s3] =	stream.indirect_vreg.scatter [tilespmem:s18], [sflag:$0x1], $0x80, v4, vm0, $0xb8;
	[tilespmem:$0x10100] =	vst v63  }
0x2e: {  	_ = 	snop  }
0x2f: {  	[hbm4b:s6+s3] =	stream.indirect_vreg.scatter [tilespmem:s22], [sflag:$0x1], $0x80, v4, vm0, $0xb8;
	[tilespmem:$0x10100] =	vst v63  }
0x30: {  	_ = 	snop  }
0x31: {  	[hbm4b:s4+s3] =	stream.indirect_vreg.scatter [tilespmem:s23], [sflag:$0x1], $0x80, v3, vm0, $0xb8;
	[tilespmem:$0x10100] =	vst v63  }
0x32: {  	_ = 	snop  }
0x33: {  	[hbm4b:s5+s3] =	stream.indirect_vreg.scatter [tilespmem:s24], [sflag:$0x1], $0x80, v3, vm0, $0xb8;
	[tilespmem:$0x10100] =	vst v63  }
0x34: {  	_ = 	snop  }
0x35: {  	[hbm4b:s6+s3] =	stream.indirect_vreg.scatter [tilespmem:s25], [sflag:$0x1], $0x80, v3, vm0, $0xb8;
	[tilespmem:$0x10100] =	vst v63  }
0x36: {  	v3 =	vld [tilespmem:$0x10];
	_ =	sdelay $0x4  }
0x37: {  	v57 =	vshrl.u32 v3, $0x3  }
0x38: {  	v4 =	vmul.u32 $0x30, v57  }
0x39: {  	v3 =	vand.u32 $0x7, v3  }
0x3a: {  	v3 =	vor.u32 v3, v4  }
0x3b: {  	v4 =	vperm.xlane v3, v0;
	_ =	sdelay $0x1  }
0x3c: {  	v4 =	vadd.s32 v1, v4;
	_ =	sdelay $0x3  }
0x3d: {  	v3 =	vperm.xlane v3, v2  }
0x3e: {  	[hbm4b:s4+s3] =	stream.indirect_vreg.scatter [tilespmem:s26], [sflag:$0x1], $0x80, v4, vm0, $0xb8;
	[tilespmem:$0x10100] =	vst v63  }
0x3f: {  	v3 =	vadd.s32 v1, v3  }
0x40: {  	[hbm4b:s5+s3] =	stream.indirect_vreg.scatter [tilespmem:s28], [sflag:$0x1], $0x80, v4, vm0, $0xb8;
	[tilespmem:$0x10100] =	vst v63  }
0x41: {  	_ = 	snop  }
0x42: {  	[hbm4b:s6+s3] =	stream.indirect_vreg.scatter [tilespmem:s29], [sflag:$0x1], $0x80, v4, vm0, $0xb8;
	[tilespmem:$0x10100] =	vst v63  }
0x43: {  	_ = 	snop  }
0x44: {  	[hbm4b:s4+s3] =	stream.indirect_vreg.scatter [tilespmem:s30], [sflag:$0x1], $0x80, v3, vm0, $0xb8;
	[tilespmem:$0x10100] =	vst v63  }
0x45: {  	_ = 	snop  }
0x46: {  	[hbm4b:s5+s3] =	stream.indirect_vreg.scatter [tilespmem:s31], [sflag:$0x1], $0x80, v3, vm0, $0xb8;
	[tilespmem:$0x10100] =	vst v63  }
0x47: {  	s1 =	simm.s32 $0x5900  }
0x48: {  	[hbm4b:s6+s3] =	stream.indirect_vreg.scatter [tilespmem:s1], [sflag:$0x1], $0x80, v3, vm0, $0xb8;
	[tilespmem:$0x10100] =	vst v63  }
0x49: {  	v3 =	vld [tilespmem:$0x20];
	_ =	sdelay $0x4  }
0x4a: {  	v58 =	vshrl.u32 v3, $0x3  }
0x4b: {  	v4 =	vmul.u32 $0x30, v58  }
0x4c: {  	v3 =	vand.u32 $0x7, v3  }
0x4d: {  	v3 =	vor.u32 v3, v4  }
0x4e: {  	v4 =	vperm.xlane v3, v0;
	_ =	sdelay $0x1  }
0x4f: {  	v4 =	vadd.s32 v1, v4;
	_ =	sdelay $0x3  }
0x50: {  	s9 =	simm.s32 $0x6100;
	v3 =	vperm.xlane v3, v2  }
0x51: {  	[hbm4b:s4+s3] =	stream.indirect_vreg.scatter [tilespmem:s9], [sflag:$0x1], $0x80, v4, vm0, $0xb8;
	[tilespmem:$0x10100] =	vst v63  }
0x52: {  	s2 =	simm.s32 $0x6900;
	v3 =	vadd.s32 v1, v3  }
0x53: {  	[hbm4b:s5+s3] =	stream.indirect_vreg.scatter [tilespmem:s2], [sflag:$0x1], $0x80, v4, vm0, $0xb8;
	[tilespmem:$0x10100] =	vst v63  }
0x54: {  	s8 =	simm.s32 $0x7100  }
0x55: {  	[hbm4b:s6+s3] =	stream.indirect_vreg.scatter [tilespmem:s8], [sflag:$0x1], $0x80, v4, vm0, $0xb8;
	[tilespmem:$0x10100] =	vst v63  }
0x56: {  	_ = 	snop  }
0x57: {  	[hbm4b:s4+s3] =	stream.indirect_vreg.scatter [tilespmem:s10], [sflag:$0x1], $0x80, v3, vm0, $0xb8;
	[tilespmem:$0x10100] =	vst v63  }
0x58: {  	_ = 	snop  }
0x59: {  	[hbm4b:s5+s3] =	stream.indirect_vreg.scatter [tilespmem:s11], [sflag:$0x1], $0x80, v3, vm0, $0xb8;
	[tilespmem:$0x10100] =	vst v63  }
0x5a: {  	_ = 	snop  }
0x5b: {  	[hbm4b:s6+s3] =	stream.indirect_vreg.scatter [tilespmem:s17], [sflag:$0x1], $0x80, v3, vm0, $0xb8;
	[tilespmem:$0x10100] =	vst v63  }
0x5c: {  	v3 =	vld [tilespmem:$0x30];
	_ =	sdelay $0x4  }
0x5d: {  	v59 =	vshrl.u32 v3, $0x3  }
0x5e: {  	v4 =	vmul.u32 $0x30, v59  }
0x5f: {  	v3 =	vand.u32 $0x7, v3  }
0x60: {  	v3 =	vor.u32 v3, v4  }
0x61: {  	v4 =	vperm.xlane v3, v0;
	_ =	sdelay $0x1  }
0x62: {  	v4 =	vadd.s32 v1, v4;
	_ =	sdelay $0x3  }
0x63: {  	s9 =	simm.s32 $0x9100;
	v3 =	vperm.xlane v3, v2  }
0x64: {  	[hbm4b:s4+s3] =	stream.indirect_vreg.scatter [tilespmem:s9], [sflag:$0x1], $0x80, v4, vm0, $0xb8;
	[tilespmem:$0x10100] =	vst v63  }
0x65: {  	v3 =	vadd.s32 v1, v3  }
0x66: {  	[hbm4b:s5+s3] =	stream.indirect_vreg.scatter [tilespmem:s12], [sflag:$0x1], $0x80, v4, vm0, $0xb8;
	[tilespmem:$0x10100] =	vst v63  }
0x67: {  	_ = 	snop  }
0x68: {  	[hbm4b:s6+s3] =	stream.indirect_vreg.scatter [tilespmem:s20], [sflag:$0x1], $0x80, v4, vm0, $0xb8;
	[tilespmem:$0x10100] =	vst v63  }
0x69: {  	_ = 	snop  }
0x6a: {  	[hbm4b:s4+s3] =	stream.indirect_vreg.scatter [tilespmem:s21], [sflag:$0x1], $0x80, v3, vm0, $0xb8;
	[tilespmem:$0x10100] =	vst v63  }
0x6b: {  	_ = 	snop  }
0x6c: {  	[hbm4b:s5+s3] =	stream.indirect_vreg.scatter [tilespmem:s15], [sflag:$0x1], $0x80, v3, vm0, $0xb8;
	[tilespmem:$0x10100] =	vst v63  }
0x6d: {  	s19 =	simm.s32 $0xB900;
	s0 =	simm.s32 $0x2  }
0x6e: {  	[hbm4b:s6+s3] =	stream.indirect_vreg.scatter [tilespmem:s19], [sflag:$0x1], $0x80, v3, vm0, $0xb8;
	[tilespmem:$0x10100] =	vst v63  }
0x6f: {  	_ =	swait.ge [sflag:s0], $0x40  }
0x70: {  	[sflag:s0] =	ssyncset.done $0x0  }
0x71: {  	[sflag:s0] =	ssyncadd.s32 $0xFFFFFFC0  }
0x72: {  	v3 =	vld [tilespmem:$0x80];
	_ =	sdelay $0x4  }
0x73: {  	v60 =	vshrl.u32 v3, $0x3  }
0x74: {  	v4 =	vmul.u32 $0x30, v60  }
0x75: {  	v3 =	vand.u32 $0x7, v3  }
0x76: {  	v3 =	vor.u32 v3, v4  }
0x77: {  	v4 =	vperm.xlane v3, v0;
	_ =	sdelay $0x1  }
0x78: {  	v4 =	vadd.s32 v1, v4;
	_ =	sdelay $0x3  }
0x79: {  	v3 =	vperm.xlane v3, v2  }
0x7a: {  	[hbm4b:s4+s3] =	stream.indirect_vreg.scatter [tilespmem:s16], [sflag:$0x2], $0x80, v4, vm0, $0xb8;
	[tilespmem:$0x10100] =	vst v63  }
0x7b: {  	v3 =	vadd.s32 v1, v3  }
0x7c: {  	[hbm4b:s5+s3] =	stream.indirect_vreg.scatter [tilespmem:s18], [sflag:$0x2], $0x80, v4, vm0, $0xb8;
	[tilespmem:$0x10100] =	vst v63  }
0x7d: {  	_ = 	snop  }
0x7e: {  	[hbm4b:s6+s3] =	stream.indirect_vreg.scatter [tilespmem:s22], [sflag:$0x2], $0x80, v4, vm0, $0xb8;
	[tilespmem:$0x10100] =	vst v63  }
0x7f: {  	_ = 	snop  }
0x80: {  	[hbm4b:s4+s3] =	stream.indirect_vreg.scatter [tilespmem:s23], [sflag:$0x2], $0x80, v3, vm0, $0xb8;
	[tilespmem:$0x10100] =	vst v63  }
0x81: {  	_ = 	snop  }
0x82: {  	[hbm4b:s5+s3] =	stream.indirect_vreg.scatter [tilespmem:s24], [sflag:$0x2], $0x80, v3, vm0, $0xb8;
	[tilespmem:$0x10100] =	vst v63  }
0x83: {  	_ = 	snop  }
0x84: {  	[hbm4b:s6+s3] =	stream.indirect_vreg.scatter [tilespmem:s25], [sflag:$0x2], $0x80, v3, vm0, $0xb8;
	[tilespmem:$0x10100] =	vst v63  }
0x85: {  	v3 =	vld [tilespmem:$0x90];
	_ =	sdelay $0x4  }
0x86: {  	v61 =	vshrl.u32 v3, $0x3  }
0x87: {  	v4 =	vmul.u32 $0x30, v61  }
0x88: {  	v3 =	vand.u32 $0x7, v3  }
0x89: {  	v3 =	vor.u32 v3, v4  }
0x8a: {  	v4 =	vperm.xlane v3, v0;
	_ =	sdelay $0x1  }
0x8b: {  	v4 =	vadd.s32 v1, v4;
	_ =	sdelay $0x3  }
0x8c: {  	v3 =	vperm.xlane v3, v2  }
0x8d: {  	[hbm4b:s4+s3] =	stream.indirect_vreg.scatter [tilespmem:s26], [sflag:$0x2], $0x80, v4, vm0, $0xb8;
	[tilespmem:$0x10100] =	vst v63  }
0x8e: {  	v3 =	vadd.s32 v1, v3  }
0x8f: {  	[hbm4b:s5+s3] =	stream.indirect_vreg.scatter [tilespmem:s28], [sflag:$0x2], $0x80, v4, vm0, $0xb8;
	[tilespmem:$0x10100] =	vst v63  }
0x90: {  	_ = 	snop  }
0x91: {  	[hbm4b:s6+s3] =	stream.indirect_vreg.scatter [tilespmem:s29], [sflag:$0x2], $0x80, v4, vm0, $0xb8;
	[tilespmem:$0x10100] =	vst v63  }
0x92: {  	_ = 	snop  }
0x93: {  	[hbm4b:s4+s3] =	stream.indirect_vreg.scatter [tilespmem:s30], [sflag:$0x2], $0x80, v3, vm0, $0xb8;
	[tilespmem:$0x10100] =	vst v63  }
0x94: {  	_ = 	snop  }
0x95: {  	[hbm4b:s5+s3] =	stream.indirect_vreg.scatter [tilespmem:s31], [sflag:$0x2], $0x80, v3, vm0, $0xb8;
	[tilespmem:$0x10100] =	vst v63  }
0x96: {  	_ = 	snop  }
0x97: {  	[hbm4b:s6+s3] =	stream.indirect_vreg.scatter [tilespmem:s1], [sflag:$0x2], $0x80, v3, vm0, $0xb8;
	[tilespmem:$0x10100] =	vst v63  }
0x98: {  	v3 =	vld [tilespmem:$0xA0];
	_ =	sdelay $0x4  }
0x99: {  	v62 =	vshrl.u32 v3, $0x3  }
0x9a: {  	v4 =	vmul.u32 $0x30, v62  }
0x9b: {  	v3 =	vand.u32 $0x7, v3  }
0x9c: {  	v3 =	vor.u32 v3, v4  }
0x9d: {  	v4 =	vperm.xlane v3, v0;
	_ =	sdelay $0x1  }
0x9e: {  	v4 =	vadd.s32 v1, v4;
	_ =	sdelay $0x3  }
0x9f: {  	s18 =	simm.s32 $0x6100;
	v3 =	vperm.xlane v3, v2  }
0xa0: {  	[hbm4b:s4+s3] =	stream.indirect_vreg.scatter [tilespmem:s18], [sflag:$0x2], $0x80, v4, vm0, $0xb8;
	[tilespmem:$0x10100] =	vst v63  }
0xa1: {  	v3 =	vadd.s32 v1, v3  }
0xa2: {  	[hbm4b:s5+s3] =	stream.indirect_vreg.scatter [tilespmem:s2], [sflag:$0x2], $0x80, v4, vm0, $0xb8;
	[tilespmem:$0x10100] =	vst v63  }
0xa3: {  	_ = 	snop  }
0xa4: {  	[hbm4b:s6+s3] =	stream.indirect_vreg.scatter [tilespmem:s8], [sflag:$0x2], $0x80, v4, vm0, $0xb8;
	[tilespmem:$0x10100] =	vst v63  }
0xa5: {  	_ = 	snop  }
0xa6: {  	[hbm4b:s4+s3] =	stream.indirect_vreg.scatter [tilespmem:s10], [sflag:$0x2], $0x80, v3, vm0, $0xb8;
	[tilespmem:$0x10100] =	vst v63  }
0xa7: {  	_ = 	snop  }
0xa8: {  	[hbm4b:s5+s3] =	stream.indirect_vreg.scatter [tilespmem:s11], [sflag:$0x2], $0x80, v3, vm0, $0xb8;
	[tilespmem:$0x10100] =	vst v63  }
0xa9: {  	_ = 	snop  }
0xaa: {  	[hbm4b:s6+s3] =	stream.indirect_vreg.scatter [tilespmem:s17], [sflag:$0x2], $0x80, v3, vm0, $0xb8;
	[tilespmem:$0x10100] =	vst v63  }
0xab: {  	v3 =	vld [tilespmem:$0xB0];
	_ =	sdelay $0x4  }
0xac: {  	v63 =	vshrl.u32 v3, $0x3  }
0xad: {  	v4 =	vmul.u32 $0x30, v63  }
0xae: {  	v3 =	vand.u32 $0x7, v3  }
0xaf: {  	v3 =	vor.u32 v3, v4  }
0xb0: {  	v4 =	vperm.xlane v3, v0;
	_ =	sdelay $0x1  }
0xb1: {  	v4 =	vadd.s32 v1, v4;
	_ =	sdelay $0x3  }
0xb2: {  	v3 =	vperm.xlane v3, v2  }
0xb3: {  	[hbm4b:s4+s3] =	stream.indirect_vreg.scatter [tilespmem:s9], [sflag:$0x2], $0x80, v4, vm0, $0xb8;
	[tilespmem:$0x10100] =	vst v63  }
0xb4: {  	v3 =	vadd.s32 v1, v3  }
0xb5: {  	[hbm4b:s5+s3] =	stream.indirect_vreg.scatter [tilespmem:s12], [sflag:$0x2], $0x80, v4, vm0, $0xb8;
	[tilespmem:$0x10100] =	vst v63  }
0xb6: {  	_ = 	snop  }
0xb7: {  	[hbm4b:s6+s3] =	stream.indirect_vreg.scatter [tilespmem:s20], [sflag:$0x2], $0x80, v4, vm0, $0xb8;
	[tilespmem:$0x10100] =	vst v63  }
0xb8: {  	_ = 	snop  }
0xb9: {  	[hbm4b:s4+s3] =	stream.indirect_vreg.scatter [tilespmem:s21], [sflag:$0x2], $0x80, v3, vm0, $0xb8;
	[tilespmem:$0x10100] =	vst v63  }
0xba: {  	_ = 	snop  }
0xbb: {  	[hbm4b:s5+s3] =	stream.indirect_vreg.scatter [tilespmem:s15], [sflag:$0x2], $0x80, v3, vm0, $0xb8;
	[tilespmem:$0x10100] =	vst v63  }
0xbc: {  	s1 =	simm.s32 $0x4  }
0xbd: {  	[hbm4b:s6+s3] =	stream.indirect_vreg.scatter [tilespmem:s19], [sflag:$0x2], $0x80, v3, vm0, $0xb8;
	[tilespmem:$0x10100] =	vst v63  }
0xbe: {  	_ =	swait.ge [sflag:s1], $0x2000  }
0xbf: {  	[sflag:s1] =	ssyncset.done $0x0  }
0xc0: {  	s18 =	simm.s32 $0x5;
	[sflag:s1] =	ssyncadd.s32 $0xFFFFE000  }
0xc1: {  	_ =	swait.ge [sflag:s18], $0x2000  }
0xc2: {  	[sflag:s18] =	ssyncset.done $0x0  }
0xc3: {  	[sflag:s18] =	ssyncadd.s32 $0xFFFFE000  }
0xc4: {  	s2 =	simm.s32 $0x40;
	s19 =	simm.s32 $0xC100;
	s18 =	rddreg [dreg:$0x2]  }
0xc5: {  	[hbm4b:s18+s2] =	stream.indirect.scatter [tilespmem:s19], [sflag:$0x3], $0x80, s3, s2, $0xb8;
	[tilespmem:$0x10100] =	vst v63  }
0xc6: {  	s9 =	simm.s32 $0x80;
	s19 =	simm.s32 $0xE100  }
0xc7: {  	[hbm4b:s18+s2] =	stream.indirect.scatter [tilespmem:s19], [sflag:$0x4], $0x80, s9, s2, $0xb8;
	[tilespmem:$0x10100] =	vst v63  }
0xc8: {  	_ =	swait.ge [sflag:s13], $0xC000  }
0xc9: {  	[sflag:s13] =	ssyncset.done $0x0  }
0xca: {  	[sflag:s13] =	ssyncadd.s32 $0xFFFF4000  }
0xcb: {  	_ =	swait.ge [sflag:s0], $0xC000  }
0xcc: {  	[sflag:s0] =	ssyncset.done $0x0  }
0xcd: {  	[sflag:s0] =	ssyncadd.s32 $0xFFFF4000  }
0xce: {  	p0 =	sne.s32 s7, $0x1;
	_ =	swait.ge [sflag:s14], $0x2000  }
.Ltmp0:
0xcf: {  	[sflag:s14] =	ssyncset.done $0x0;
	(pc) =	sbr.rel @p0 .LBB2_1-.Ltmp0, $4  }
0xd0: {  	[sflag:s14] =	ssyncadd.s32 $0xFFFFE000  }
0xd1: {  	_ =	swait.ge [sflag:s1], $0x2000  }
0xd2: {  	[sflag:s1] =	ssyncset.done $0x0  }
0xd3: {  	s7 =	sadd.s32 $0xFFFFFFFF, s7;
	[sflag:s1] =	ssyncadd.s32 $0xFFFFE000  }
0xd4: {  	_ =	sfence.sel $0x180000  }
0xd5: {  	[bflag:$0x0] =	sbarrier.arrive $0xFFFF  }
0xd6: {  	_ =	strace $0x90000047  }
0xd7: {  	s0 =	stileid.u32;
	[bflag:$0x2] =	sbarrier.arrive $0xFFFF  }
0xd8: {  	p0 =	sne.s32 s0, $0x0;
	s0 =	rddreg [dreg:$0x3]  }
0xd9: {  	s0 =	sadd.s32 @!p0 $0x100000, s0  }
0xda: {  	[sflag:s0] =	ssyncadd.tile.s32 @!p0 $0x1;
	_ =	shalt  }
.Lfunc_end2:
_tile_overlayer_lowered:
.L_overlay_start_2:
0xdb: {  	(tag) =	ssettag $0x2  }
0xdc: {  	s0 =	rddreg [dreg:$0x0];
	s2 =	stileid.u32  }
0xdd: {  	s1 =	rddreg [dreg:$0x1];
	p0 =	sne.s32 s2, $0x0  }
0xde: {  	s3 =	rddreg [dreg:$0x2];
	[bflag:$0x3] =	sbarrier.arrive $0xFFFF;
	s2 =	simm.s32 @!p0 $0x1C06  }
0xdf: {  	[timem:s3], [sflag:s2] =	dma.local @!p0 [hbm:s0], s1  }
0xe0: {  	s0 =	simm.s32 @!p0 $0x6  }
0xe1: {  	_ =	swait.ge @!p0 [sflag:s0], s1  }
0xe2: {  	s1 =	ssub.s32 @!p0 $0x0, s1;
	[sflag:s0] =	ssyncset.done @!p0 $0x0  }
0xe3: {  	[sflag:s0] =	ssyncadd.s32 @!p0 s1  }
0xe4: {  	[bflag:$0x3] =	sbarrier.arrive $0xFFFF  }
0xe5: {  	_ =	shalt  }

// kernel: kernel.9.cloned.1.call-start
scs
__scs_entry_jumppad:
0x0: {  	(pc) =	sbr.rel $0x88, $3  }
0x1: {  	(tag) =	ssettag $0x0;
	lr =	simm.s32 $0x1  }
0x2: {  	[smem:$0x3F98] =	sst lr;
	_ =	strace $0xD0000000  }
0x3: {  	_ = 	snop  }
0x4: {  	_ = 	snop  }
0x5: {  	_ = 	snop  }
0x6: {  	_ = 	snop  }
0x7: {  	_ = 	snop  }
__scs_overlays_trampoline_lowered:
0x8: {  	[smem:$0x3FA7] =	sst s0  }
0x9: {  	[smem:$0x3FA8] =	sst s1  }
0xa: {  	[smem:$0x3FA9] =	sst s2  }
0xb: {  	[smem:$0x3FAA] =	sst s3  }
0xc: {  	[smem:$0x3FAB] =	sst s4  }
0xd: {  	[smem:$0x3FAC] =	sst s5  }
0xe: {  	[smem:$0x3FAD] =	sst s6  }
0xf: {  	[smem:$0x3FAE] =	sst s7  }
0x10: {  	[smem:$0x3FAF] =	sst s8  }
0x11: {  	[smem:$0x3FB0] =	sst s9;
	s0 =	simm.s32 @!p0 $0x0  }
0x12: {  	s1 =	sld [smem:$0x3F96];
	s0 =	simm.s32 @p0 $0x1  }
0x13: {  	[smem:$0x3FB1] =	sst s0;
	s0 =	simm.s32 @!p1 $0x0  }
0x14: {  	s2 =	sld [smem:$0x3F95];
	s0 =	simm.s32 @p1 $0x1  }
0x15: {  	[smem:$0x3FB2] =	sst s0;
	s0 =	simm.s32 @!p2 $0x0  }
0x16: {  	s3 =	sld [smem:$0x3FDB];
	s0 =	simm.s32 @p2 $0x1  }
0x17: {  	s4 =	simm.s32 $0x1BF5;
	[smem:$0x3FB4] =	sst s0  }
0x18: {  	s0 =	sld [smem:$0x3F97];
	_ =	swait.ge [sflag:s4], $0x0  }
0x19: {  	s7 =	sld [smem:$0x3F98]  }
0x1a: {  	s8 =	sadd.s32 $0xFFFFE003, lr  }
0x1b: {  	s9 =	sadd.s32 $0xFFFFFEF7, lr;
	s5 =	simm.s32 $0xFFFFFFFF;
	p2 =	slt.u32 s8, $0xFFFFF086  }
0x1c: {  	p1 =	slt.u32 s9, $0xF7A;
	s5 =	simm.s32 @!p2 $0x0  }
0x1d: {  	s5 =	simm.s32 @p1 $0x1;
	p0 =	seq.s32 s7, s2  }
0x1e: {  	s7 =	smul.u32 @!p0 $0xF7A, s2;
	p2 =	seq.s32 @!p0 s5, $0x0  }
0x1f: {  	s9 =	smul.u32 $0xF7A, s1;
	s8 =	simm.s32 @!p0 $0x1BF5;
	p2 =	por !p2, p0  }
0x20: {  	[sflag:s8] =	ssyncset.s32 @!p0 $0xFFFFF086;
	s6 =	sadd.s32 @!p0 s3, s7;
	s7 =	simm.s32 @!p0 $0x108  }
0x21: {  	s3 =	sadd.s32 s3, s9;
	s6 =	sadd.s32 @!p0 $0x88, s6;
	s7 =	simm.s32 @p2 $0x1082  }
0x22: {  	[simem:s7], [sflag:s8] =	dma.local @!p0 [hbm:s6], $0xF7A  }
0x23: {  	s9 =	sor.u32 $0xD0000000, s2;
	s6 =	simm.s32 $0x108;
	_ =	swait.ge @!p0 [sflag:s8], $0x0  }
0x24: {  	s3 =	sadd.s32 $0x88, s3;
	s6 =	simm.s32 @!p1 $0x1082;
	[sflag:s4] =	ssyncset.s32 $0xFFFFF086  }
0x25: {  	[simem:s6], [sflag:s4] =	dma.local [hbm:s3], $0xF7A  }
0x26: {  	[smem:$0x3F98] =	sst s1;
	(tag) =	ssettag s2;
	_ =	strace s9  }
0x27: {  	s1 =	sld [smem:$0x3FA8]  }
0x28: {  	s2 =	sld [smem:$0x3FA9]  }
0x29: {  	s4 =	sld [smem:$0x3FAB]  }
0x2a: {  	p0 =	seq.s32 s5, $0x0;
	s5 =	sld [smem:$0x3FAC]  }
0x2b: {  	s6 =	sld [smem:$0x3FAD]  }
0x2c: {  	s7 =	sld [smem:$0x3FAE]  }
0x2d: {  	s3 =	simm.s32 $0x108;
	s8 =	sld [smem:$0x3FAF]  }
0x2e: {  	s3 =	simm.s32 @!p0 $0x1082;
	s9 =	sld [smem:$0x3FB0]  }
0x2f: {  	lr =	sadd.s32 s0, s3;
	s0 =	sld [smem:$0x3FA7]  }
0x30: {  	s3 =	sld [smem:$0x3FAA]  }
0x31: {  	[smem:$0x3FB3] =	sst s10  }
0x32: {  	s10 =	sld [smem:$0x3FB1];
	_ =	sdelay $0x3  }
0x33: {  	p0 =	seq.s32 s10, $0x1;
	s10 =	sld [smem:$0x3FB3];
	_ =	sdelay $0x3  }
0x34: {  	[smem:$0x3FB3] =	sst s10  }
0x35: {  	s10 =	sld [smem:$0x3FB2];
	_ =	sdelay $0x3  }
0x36: {  	p1 =	seq.s32 s10, $0x1;
	s10 =	sld [smem:$0x3FB3];
	_ =	sdelay $0x3  }
0x37: {  	[smem:$0x3FB3] =	sst s10  }
0x38: {  	s10 =	sld [smem:$0x3FB4]  }
0x39: {  	_ = 	snop;
	(pc) =	sbr.ind lr, $3  }
0x3a: {  	_ = 	snop  }
0x3b: {  	_ = 	snop  }
0x3c: {  	p2 =	seq.s32 s10, $0x1;
	s10 =	sld [smem:$0x3FB3]  }
0x3d: {  	_ =	shalt  }
0x3e: {  	_ =	shalt  }
0x3f: {  	_ =	shalt  }
0x40: {  	_ =	shalt  }
0x41: {  	_ =	shalt  }
0x42: {  	_ =	shalt  }
0x43: {  	_ =	shalt  }
0x44: {  	_ =	shalt  }
0x45: {  	_ =	shalt  }
0x46: {  	_ =	shalt  }
0x47: {  	_ =	shalt  }
0x48: {  	_ =	shalt  }
0x49: {  	_ =	shalt  }
0x4a: {  	_ =	shalt  }
0x4b: {  	_ =	shalt  }
0x4c: {  	_ =	shalt  }
0x4d: {  	_ =	shalt  }
0x4e: {  	_ =	shalt  }
0x4f: {  	_ =	shalt  }
0x50: {  	_ =	shalt  }
0x51: {  	_ =	shalt  }
0x52: {  	_ =	shalt  }
0x53: {  	_ =	shalt  }
0x54: {  	_ =	shalt  }
0x55: {  	_ =	shalt  }
0x56: {  	_ =	shalt  }
0x57: {  	_ =	shalt  }
0x58: {  	_ =	shalt  }
0x59: {  	_ =	shalt  }
0x5a: {  	_ =	shalt  }
0x5b: {  	_ =	shalt  }
0x5c: {  	_ =	shalt  }
0x5d: {  	_ =	shalt  }
0x5e: {  	_ =	shalt  }
0x5f: {  	_ =	shalt  }
0x60: {  	_ =	shalt  }
0x61: {  	_ =	shalt  }
0x62: {  	_ =	shalt  }
0x63: {  	_ =	shalt  }
0x64: {  	_ =	shalt  }
0x65: {  	_ =	shalt  }
0x66: {  	_ =	shalt  }
0x67: {  	_ =	shalt  }
0x68: {  	_ =	shalt  }
0x69: {  	_ =	shalt  }
0x6a: {  	_ =	shalt  }
0x6b: {  	_ =	shalt  }
0x6c: {  	_ =	shalt  }
0x6d: {  	_ =	shalt  }
0x6e: {  	_ =	shalt  }
0x6f: {  	_ =	shalt  }
0x70: {  	_ =	shalt  }
0x71: {  	_ =	shalt  }
0x72: {  	_ =	shalt  }
0x73: {  	_ =	shalt  }
0x74: {  	_ =	shalt  }
0x75: {  	_ =	shalt  }
0x76: {  	_ =	shalt  }
0x77: {  	_ =	shalt  }
0x78: {  	_ =	shalt  }
0x79: {  	_ =	shalt  }
0x7a: {  	_ =	shalt  }
0x7b: {  	_ =	shalt  }
0x7c: {  	_ =	shalt  }
0x7d: {  	_ =	shalt  }
0x7e: {  	_ =	shalt  }
0x7f: {  	_ =	shalt  }
0x80: {  	_ =	shalt  }
0x81: {  	_ =	shalt  }
0x82: {  	_ =	shalt  }
0x83: {  	_ =	shalt  }
0x84: {  	_ =	shalt  }
0x85: {  	_ =	shalt  }
0x86: {  	_ =	shalt  }
0x87: {  	_ =	shalt  }
.Lfunc_end0:
.L_simem_size_0:
called_computation.1_lowered:
.L_overlay_start_0:
0x88: {  	s2 =	sld [smem:$0x3FD9]  }
0x89: {  	s3 =	sld [smem:$0x3FFE];
	_ =	sdelay $0x1  }
0x8a: {  	s1 =	srdreg.scid  }
0x8b: {  	s0 =	sand.u32 $0x1, s1  }
0x8c: {  	s17 =	sshll.u32 s0, $0xA;
	s2 =	sadd.s32 s3, s2  }
0x8d: {  	s2 =	sadd.s32 s2, s17  }
0x8e: {  	[smem:$0x3FBF] =	sst s2  }
0x8f: {  	_ = 	snop  }
0x90: {  	s2 =	sld [smem:$0x3FD0];
	(tm) =	ssettm $0x1  }
0x91: {  	s18 =	sld [smem:$0x3FFB];
	_ =	sdelay $0x3  }
0x92: {  	_ =	strace s18  }
0x93: {  	s3 =	sld [smem:$0x3FFC];
	_ =	sdelay $0x3  }
0x94: {  	_ =	strace s3  }
0x95: {  	s3 =	sld [smem:$0x3FFD];
	_ =	sdelay $0x3  }
0x96: {  	_ =	strace s3  }
0x97: {  	_ =	strace $0x8FFFFFFF  }
0x98: {  	s19 =	sld [smem:$0x3FDB];
	_ =	sdelay $0x1  }
0x99: {  	s4 =	simm.s32 $_scs_section_size  }
0x9a: {  	s5 =	simm.s32 $_size__tile_overlayer_lowered;
	s6 =	simm.s32 $_tile_overlayer_lowered  }
0x9b: {  	s22 =	simm.s32 $0x1BFF;
	s21 =	sshll.u32 s6, $0x1;
	s3 =	sadd.s32 s4, s19  }
0x9c: {  	s7 =	simm.s32 $0x0;
	s20 =	sshll.u32 s5, $0x1;
	s5 =	sadd.s32 s21, s3  }
0x9d: {  	[timem:s7], [sflag:s22] =	dma.local [hbm:s5], s20  }
0x9e: {  	_ =	swait.ge [sflag:s22], s20  }
0x9f: {  	s4 =	ssub.s32 $0x0, s20;
	[sflag:s22] =	ssyncset.done $0x0  }
0xa0: {  	[sflag:s22] =	ssyncadd.s32 s4;
	_ =	sdelay $0x1  }
0xa1: {  	s23 =	simm.s32 $0x1B8B  }
0xa2: {  	_ =	swait.ge [sflag:s23], $0x1  }
0xa3: {  	[sflag:s23] =	ssyncset.done $0x0  }
0xa4: {  	s25 =	simm.s32 $0x1B8E;
	s24 =	sld [smem:$0x3FFE];
	[sflag:s23] =	ssyncadd.s32 $0xFFFFFFFF  }
0xa5: {  	s26 =	simm.s32 $execute0_lowered;
	[smem:$0x3FD2] =	sst s25  }
0xa6: {  	s5 =	sshll.u32 s26, $0x1;
	_ =	strace $0x80000049;
	[dreg:$0x1] =	wrdreg $0xFFFFFFFF  }
0xa7: {  	s28 =	simm.s32 $_size_execute0_lowered;
	s3 =	sadd.s32 s3, s5;
	[dreg:$0x0] =	wrdreg $0x0  }
0xa8: {  	s5 =	sshll.u32 s28, $0x1;
	[dreg:$0x2] =	wrdreg s3  }
0xa9: {  	[dreg:$0x3] =	wrdreg s5  }
0xaa: {  	[dreg:$0x4] =	wrdreg $0xC0  }
0xab: {  	_ =	task [dreg:s7], $0x5FFFF  }
0xac: {  	[dreg:$0x1] =	wrdreg $0xFFFFFFFF  }
0xad: {  	[dreg:$0x0] =	wrdreg $0x60  }
0xae: {  	[dreg:$0x2] =	wrdreg s24  }
0xaf: {  	[dreg:$0x3] =	wrdreg s2  }
0xb0: {  	[dreg:$0x4] =	wrdreg $0x9  }
0xb1: {  	_ =	task.clear_ibuf [dreg:s7], $0x5FFFF;
	_ =	strace $0x90000049  }
0xb2: {  	s29 =	simm.s32 $0x9;
	_ =	strace $0x8000004B  }
0xb3: {  	_ =	swait.ge [sflag:s29], $0x1  }
0xb4: {  	[sflag:s29] =	ssyncadd.s32 $0xFFFFFFFF  }
0xb5: {  	_ =	strace $0x9000004B  }
0xb6: {  	_ =	sfence  }
0xb7: {  	s30 =	sld [smem:$0x0];
	_ =	sdelay $0x2  }
0xb8: {  	s31 =	sshll.u32 s1, $0xD;
	s1 =	sshrl.u32 s1, $0x2  }
0xb9: {  	s3 =	sand.u32 $0x4000, s31;
	s1 =	sadd.s32 s1, s30  }
0xba: {  	s0 =	sor.u32 s3, s0;
	s1 =	sshll.u32 s1, $0x11  }
0xbb: {  	s0 =	sor.u32 s1, s0  }
0xbc: {  	s0 =	sadd.s32 $0x8F2B, s0  }
0xbd: {  	[sflag:s0] =	ssyncadd.remote.s32 $0x1  }
0xbe: {  	_ =	sfence.sel $0xFFFF  }
0xbf: {  	[dreg:$0x0] =	wrdreg $0xFFFFFFFF;
	(pc) =	sbr.abs _section_cstart, $3  }
0xc0: {  	[dreg:$0x1] =	wrdreg $0xFFFFFFFF  }
0xc1: {  	_ =	task.clear_ibuf [dreg:s7], $0x2FFFF;
	_ =	strace $0x9FFFFFFF  }
0xc2: {  	(tm) =	ssettm $0x7FFFFFFF  }
0xc3: {  	_ =	shalt  }
tec
execute0_lowered:
.L_overlay_start_1:
0x0: {  	(tag) =	ssettag $0x1  }
0x1: {  	s0 =	rddreg [dreg:$0x0]  }
0x2: {  	s1 =	rddreg [dreg:$0x1]  }
0x3: {  	s3 =	srdreg.scid;
	s2 =	simm.s32 $0x0;
	s4 =	stileid.u32  }
0x4: {  	s11 =	simm.s32 $0x1;
	s12 =	simm.s32 $0x2;
	s13 =	simm.s32 $0x100  }
0x5: {  	s30 =	simm.s32 $0x3;
	s31 =	simm.s32 $0x4;
	s10 =	simm.s32 $0xA100  }
0x6: {  	s14 =	simm.s32 $0xA900;
	s15 =	simm.s32 $0xB100;
	s16 =	simm.s32 $0xB900  }
0x7: {  	s17 =	simm.s32 $0x15100;
	s18 =	simm.s32 $0x15900;
	s19 =	simm.s32 $0x16100  }
0x8: {  	s20 =	simm.s32 $0x16900;
	s21 =	simm.s32 $0x17100;
	s22 =	simm.s32 $0x17900  }
0x9: {  	s23 =	simm.s32 $0x5;
	s24 =	simm.s32 $0x0;
	s3 =	sand.u32 $0x1, s3  }
0xa: {  	[smem:$0x7FF] =	sst s2;
	s4 =	sshll.u32 s4, $0x4;
	s5 =	sshll.u32 s3, $0x3  }
0xb: {  	_ =	strace $0x8000004A;
	s29 =	ssub.s32 $0x2, s3;
	s5 =	sor.u32 s5, s4  }
0xc: {  	s3 =	sadd.s32 $0x12A00, s0;
	s7 =	sshrl.u32 s29, $0x1;
	s6 =	sadd.s32 s5, s0  }
0xd: {  	v2 =	vlaneseq.u32;
	s9 =	ssub.s32 s29, s7;
	s8 =	smul.u32 $0x300, s5;
	s7 =	sadd.s32 $0x12C00, s0  }
0xe: {  	vm0 =	vmmov $0xffff;
	v1 =	vshrl.u32 v2, $0x3;
	s4 =	sadd.s32 $0x12800, s6;
	s5 =	sadd.s32 $0x12600, s6;
	s6 =	sadd.s32 $0x12B00, s0  }
0xf: {  	v0 =	vand.u32 $0x7, v2;
	v2 =	vor.u32 $0x8, v2;
	v1 =	vmul.u32 $0x8, v1;
	s9 =	smax.u32 s9, $0x1;
	s8 =	sadd.s32 s1, s8;
	s1 =	simm.s32 $0x9900  }
.LBB2_1:
0x10: {  	[tilespmem:s2], [sflag:$0x1] =	stream.linear.gather [hbm4b:s4+s2], $0x40, $0x38;
	[tilespmem:$0x18100] =	vst v63  }
0x11: {  	s0 =	simm.s32 $0x80  }
0x12: {  	[tilespmem:s0], [sflag:$0x2] =	stream.linear.gather [hbm4b:s5+s2], $0x40, $0x38;
	[tilespmem:$0x18100] =	vst v63  }
0x13: {  	_ =	swait.ge [sflag:s11], $0x40  }
0x14: {  	[sflag:s11] =	ssyncset.done $0x0  }
0x15: {  	[sflag:s11] =	ssyncadd.s32 $0xFFFFFFC0  }
0x16: {  	_ =	swait.ge [sflag:s12], $0x40  }
0x17: {  	[sflag:s12] =	ssyncset.done $0x0  }
0x18: {  	[sflag:s12] =	ssyncadd.s32 $0xFFFFFFC0  }
0x19: {  	v3 =	vld [tilespmem:$0x0];
	_ =	sdelay $0x4  }
0x1a: {  	v4 =	vshrl.u32 v3, $0x3  }
0x1b: {  	v4 =	vmul.u32 $0x30, v4  }
0x1c: {  	v3 =	vand.u32 $0x7, v3  }
0x1d: {  	v3 =	vor.u32 v3, v4  }
0x1e: {  	v4 =	vperm.xlane v3, v0;
	_ =	sdelay $0x1  }
0x1f: {  	v4 =	vadd.s32 v1, v4;
	_ =	sdelay $0x3  }
0x20: {  	v3 =	vperm.xlane v3, v2  }
0x21: {  	[tilespmem:s13], [sflag:$0x1] =	stream.indirect_vreg.gather [hbm4b:s3+s2], $0x80, v4, vm0, $0xb8;
	[tilespmem:$0x18100] =	vst v63  }
0x22: {  	s26 =	simm.s32 $0x900;
	v3 =	vadd.s32 v1, v3  }
0x23: {  	[tilespmem:s26], [sflag:$0x1] =	stream.indirect_vreg.gather [hbm4b:s6+s2], $0x80, v4, vm0, $0xb8;
	[tilespmem:$0x18100] =	vst v63  }
0x24: {  	s25 =	simm.s32 $0x1100  }
0x25: {  	[tilespmem:s25], [sflag:$0x1] =	stream.indirect_vreg.gather [hbm4b:s7+s2], $0x80, v4, vm0, $0xb8;
	[tilespmem:$0x18100] =	vst v63  }
0x26: {  	s26 =	simm.s32 $0x1900  }
0x27: {  	[tilespmem:s26], [sflag:$0x1] =	stream.indirect_vreg.gather [hbm4b:s3+s2], $0x80, v3, vm0, $0xb8;
	[tilespmem:$0x18100] =	vst v63  }
0x28: {  	s25 =	simm.s32 $0x2100  }
0x29: {  	[tilespmem:s25], [sflag:$0x1] =	stream.indirect_vreg.gather [hbm4b:s6+s2], $0x80, v3, vm0, $0xb8;
	[tilespmem:$0x18100] =	vst v63  }
0x2a: {  	s26 =	simm.s32 $0x2900  }
0x2b: {  	[tilespmem:s26], [sflag:$0x1] =	stream.indirect_vreg.gather [hbm4b:s7+s2], $0x80, v3, vm0, $0xb8;
	[tilespmem:$0x18100] =	vst v63  }
0x2c: {  	v3 =	vld [tilespmem:$0x80];
	_ =	sdelay $0x4  }
0x2d: {  	v4 =	vshrl.u32 v3, $0x3  }
0x2e: {  	v4 =	vmul.u32 $0x30, v4  }
0x2f: {  	v3 =	vand.u32 $0x7, v3  }
0x30: {  	v3 =	vor.u32 v3, v4  }
0x31: {  	v4 =	vperm.xlane v3, v0;
	_ =	sdelay $0x1  }
0x32: {  	v4 =	vadd.s32 v1, v4;
	_ =	sdelay $0x3  }
0x33: {  	s25 =	simm.s32 $0xC100;
	v3 =	vperm.xlane v3, v2  }
0x34: {  	[tilespmem:s25], [sflag:$0x2] =	stream.indirect_vreg.gather [hbm4b:s3+s2], $0x80, v4, vm0, $0xb8;
	[tilespmem:$0x18100] =	vst v63  }
0x35: {  	s26 =	simm.s32 $0xC900;
	v3 =	vadd.s32 v1, v3  }
0x36: {  	[tilespmem:s26], [sflag:$0x2] =	stream.indirect_vreg.gather [hbm4b:s6+s2], $0x80, v4, vm0, $0xb8;
	[tilespmem:$0x18100] =	vst v63  }
0x37: {  	s25 =	simm.s32 $0xD100  }
0x38: {  	[tilespmem:s25], [sflag:$0x2] =	stream.indirect_vreg.gather [hbm4b:s7+s2], $0x80, v4, vm0, $0xb8;
	[tilespmem:$0x18100] =	vst v63  }
0x39: {  	s26 =	simm.s32 $0xD900  }
0x3a: {  	[tilespmem:s26], [sflag:$0x2] =	stream.indirect_vreg.gather [hbm4b:s3+s2], $0x80, v3, vm0, $0xb8;
	[tilespmem:$0x18100] =	vst v63  }
0x3b: {  	s25 =	simm.s32 $0xE100  }
0x3c: {  	[tilespmem:s25], [sflag:$0x2] =	stream.indirect_vreg.gather [hbm4b:s6+s2], $0x80, v3, vm0, $0xb8;
	[tilespmem:$0x18100] =	vst v63  }
0x3d: {  	s26 =	simm.s32 $0xE900  }
0x3e: {  	[tilespmem:s26], [sflag:$0x2] =	stream.indirect_vreg.gather [hbm4b:s7+s2], $0x80, v3, vm0, $0xb8;
	[tilespmem:$0x18100] =	vst v63  }
0x3f: {  	v3 =	vld [tilespmem:$0x10];
	_ =	sdelay $0x4  }
0x40: {  	v4 =	vshrl.u32 v3, $0x3  }
0x41: {  	v4 =	vmul.u32 $0x30, v4  }
0x42: {  	v3 =	vand.u32 $0x7, v3  }
0x43: {  	v3 =	vor.u32 v3, v4  }
0x44: {  	v4 =	vperm.xlane v3, v0;
	_ =	sdelay $0x1  }
0x45: {  	v4 =	vadd.s32 v1, v4;
	_ =	sdelay $0x3  }
0x46: {  	s25 =	simm.s32 $0x3100;
	v3 =	vperm.xlane v3, v2  }
0x47: {  	[tilespmem:s25], [sflag:$0x3] =	stream.indirect_vreg.gather [hbm4b:s3+s2], $0x80, v4, vm0, $0xb8;
	[tilespmem:$0x18100] =	vst v63  }
0x48: {  	s26 =	simm.s32 $0x3900;
	v3 =	vadd.s32 v1, v3  }
0x49: {  	[tilespmem:s26], [sflag:$0x3] =	stream.indirect_vreg.gather [hbm4b:s6+s2], $0x80, v4, vm0, $0xb8;
	[tilespmem:$0x18100] =	vst v63  }
0x4a: {  	s25 =	simm.s32 $0x4100  }
0x4b: {  	[tilespmem:s25], [sflag:$0x3] =	stream.indirect_vreg.gather [hbm4b:s7+s2], $0x80, v4, vm0, $0xb8;
	[tilespmem:$0x18100] =	vst v63  }
0x4c: {  	s26 =	simm.s32 $0x4900  }
0x4d: {  	[tilespmem:s26], [sflag:$0x3] =	stream.indirect_vreg.gather [hbm4b:s3+s2], $0x80, v3, vm0, $0xb8;
	[tilespmem:$0x18100] =	vst v63  }
0x4e: {  	s25 =	simm.s32 $0x5100  }
0x4f: {  	[tilespmem:s25], [sflag:$0x3] =	stream.indirect_vreg.gather [hbm4b:s6+s2], $0x80, v3, vm0, $0xb8;
	[tilespmem:$0x18100] =	vst v63  }
0x50: {  	s26 =	simm.s32 $0x5900  }
0x51: {  	[tilespmem:s26], [sflag:$0x3] =	stream.indirect_vreg.gather [hbm4b:s7+s2], $0x80, v3, vm0, $0xb8;
	[tilespmem:$0x18100] =	vst v63  }
0x52: {  	v3 =	vld [tilespmem:$0x90];
	_ =	sdelay $0x4  }
0x53: {  	v4 =	vshrl.u32 v3, $0x3  }
0x54: {  	v4 =	vmul.u32 $0x30, v4  }
0x55: {  	v3 =	vand.u32 $0x7, v3  }
0x56: {  	v3 =	vor.u32 v3, v4  }
0x57: {  	v4 =	vperm.xlane v3, v0;
	_ =	sdelay $0x1  }
0x58: {  	v4 =	vadd.s32 v1, v4;
	_ =	sdelay $0x3  }
0x59: {  	s25 =	simm.s32 $0xF100;
	v3 =	vperm.xlane v3, v2  }
0x5a: {  	[tilespmem:s25], [sflag:$0x4] =	stream.indirect_vreg.gather [hbm4b:s3+s2], $0x80, v4, vm0, $0xb8;
	[tilespmem:$0x18100] =	vst v63  }
0x5b: {  	s26 =	simm.s32 $0xF900;
	v3 =	vadd.s32 v1, v3  }
0x5c: {  	[tilespmem:s26], [sflag:$0x4] =	stream.indirect_vreg.gather [hbm4b:s6+s2], $0x80, v4, vm0, $0xb8;
	[tilespmem:$0x18100] =	vst v63  }
0x5d: {  	s25 =	simm.s32 $0x10100  }
0x5e: {  	[tilespmem:s25], [sflag:$0x4] =	stream.indirect_vreg.gather [hbm4b:s7+s2], $0x80, v4, vm0, $0xb8;
	[tilespmem:$0x18100] =	vst v63  }
0x5f: {  	s26 =	simm.s32 $0x10900  }
0x60: {  	[tilespmem:s26], [sflag:$0x4] =	stream.indirect_vreg.gather [hbm4b:s3+s2], $0x80, v3, vm0, $0xb8;
	[tilespmem:$0x18100] =	vst v63  }
0x61: {  	s25 =	simm.s32 $0x11100  }
0x62: {  	[tilespmem:s25], [sflag:$0x4] =	stream.indirect_vreg.gather [hbm4b:s6+s2], $0x80, v3, vm0, $0xb8;
	[tilespmem:$0x18100] =	vst v63  }
0x63: {  	s26 =	simm.s32 $0x11900  }
0x64: {  	[tilespmem:s26], [sflag:$0x4] =	stream.indirect_vreg.gather [hbm4b:s7+s2], $0x80, v3, vm0, $0xb8;
	[tilespmem:$0x18100] =	vst v63  }
0x65: {  	_ =	swait.ge [sflag:s11], $0x3000  }
0x66: {  	[sflag:s11] =	ssyncset.done $0x0  }
0x67: {  	s25 =	simm.s32 $0x0;
	[sflag:s11] =	ssyncadd.s32 $0xFFFFD000  }
0x68: {  	s25 =	smul.u32 $0x1800, s25;
	_ =	swait.ge [sflag:s12], $0x3000  }
0x69: {  	s26 =	sand.u32 $0x380, s2;
	[sflag:s12] =	ssyncset.done $0x0  }
0x6a: {  	s25 =	sor.u32 s26, s25;
	[sflag:s12] =	ssyncadd.s32 $0xFFFFD000  }
0x6b: {  	v3 =	vld [tilespmem:s25+$0xD570]  }
0x6c: {  	v6 =	vld [tilespmem:s25+$0xC100]  }
0x6d: {  	v7 =	vld [tilespmem:s25+$0xC110]  }
0x6e: {  	v8 =	vld [tilespmem:s25+$0xC120]  }
0x6f: {  	v9 =	vld [tilespmem:s25+$0xC130]  }
0x70: {  	v10 =	vld [tilespmem:s25+$0xC140]  }
0x71: {  	v11 =	vld [tilespmem:s25+$0xC150]  }
0x72: {  	v12 =	vld [tilespmem:s25+$0xC160]  }
0x73: {  	v13 =	vld [tilespmem:s25+$0xC170]  }
0x74: {  	v14 =	vld [tilespmem:s25+$0xC500]  }
0x75: {  	v15 =	vld [tilespmem:s25+$0xC510]  }
0x76: {  	v16 =	vld [tilespmem:s25+$0xC520]  }
0x77: {  	v17 =	vld [tilespmem:s25+$0xC530]  }
0x78: {  	v18 =	vld [tilespmem:s25+$0xC540]  }
0x79: {  	v19 =	vld [tilespmem:s25+$0xC550]  }
0x7a: {  	v20 =	vld [tilespmem:s25+$0xC560]  }
0x7b: {  	v21 =	vld [tilespmem:s25+$0xC570]  }
0x7c: {  	v22 =	vld [tilespmem:s25+$0xC900]  }
0x7d: {  	v23 =	vld [tilespmem:s25+$0xC910]  }
0x7e: {  	v24 =	vld [tilespmem:s25+$0xC920]  }
0x7f: {  	v25 =	vld [tilespmem:s25+$0xC930]  }
0x80: {  	v26 =	vld [tilespmem:s25+$0xC940]  }
0x81: {  	v27 =	vld [tilespmem:s25+$0xC950]  }
0x82: {  	v28 =	vld [tilespmem:s25+$0xC960]  }
0x83: {  	v29 =	vld [tilespmem:s25+$0xC970]  }
0x84: {  	v30 =	vld [tilespmem:s25+$0xCD00]  }
0x85: {  	v31 =	vld [tilespmem:s25+$0xCD10]  }
0x86: {  	v32 =	vld [tilespmem:s25+$0xCD20]  }
0x87: {  	v33 =	vld [tilespmem:s25+$0xCD30]  }
0x88: {  	v34 =	vld [tilespmem:s25+$0xCD40]  }
0x89: {  	v35 =	vld [tilespmem:s25+$0xCD50]  }
0x8a: {  	v36 =	vld [tilespmem:s25+$0xCD60]  }
0x8b: {  	v37 =	vld [tilespmem:s25+$0xCD70]  }
0x8c: {  	v38 =	vld [tilespmem:s25+$0xD100]  }
0x8d: {  	v39 =	vld [tilespmem:s25+$0xD110]  }
0x8e: {  	v40 =	vld [tilespmem:s25+$0xD120]  }
0x8f: {  	v41 =	vld [tilespmem:s25+$0xD130]  }
0x90: {  	v42 =	vld [tilespmem:s25+$0xD140]  }
0x91: {  	v43 =	vld [tilespmem:s25+$0xD150]  }
0x92: {  	v44 =	vld [tilespmem:s25+$0xD160]  }
0x93: {  	v45 =	vld [tilespmem:s25+$0xD170]  }
0x94: {  	v46 =	vld [tilespmem:s25+$0xD500]  }
0x95: {  	v47 =	vld [tilespmem:s25+$0xD510]  }
0x96: {  	v48 =	vld [tilespmem:s25+$0xD520]  }
0x97: {  	v49 =	vld [tilespmem:s25+$0xD530]  }
0x98: {  	v5 =	vld [tilespmem:s25+$0xD540]  }
0x99: {  	v4 =	vld [tilespmem:s25+$0xD550]  }
0x9a: {  	[tilespmem:s25+$0x1570] =	vst.add.f32.msk $0xffff, v3  }
0x9b: {  	v3 =	vld [tilespmem:s25+$0xD560]  }
0x9c: {  	[tilespmem:s25+$0x100] =	vst.add.f32.msk $0xffff, v6  }
0x9d: {  	[tilespmem:s25+$0x110] =	vst.add.f32.msk $0xffff, v7  }
0x9e: {  	[tilespmem:s25+$0x120] =	vst.add.f32.msk $0xffff, v8  }
0x9f: {  	[tilespmem:s25+$0x130] =	vst.add.f32.msk $0xffff, v9  }
0xa0: {  	[tilespmem:s25+$0x140] =	vst.add.f32.msk $0xffff, v10  }
0xa1: {  	[tilespmem:s25+$0x150] =	vst.add.f32.msk $0xffff, v11  }
0xa2: {  	[tilespmem:s25+$0x160] =	vst.add.f32.msk $0xffff, v12  }
0xa3: {  	[tilespmem:s25+$0x170] =	vst.add.f32.msk $0xffff, v13  }
0xa4: {  	[tilespmem:s25+$0x500] =	vst.add.f32.msk $0xffff, v14  }
0xa5: {  	[tilespmem:s25+$0x510] =	vst.add.f32.msk $0xffff, v15  }
0xa6: {  	[tilespmem:s25+$0x520] =	vst.add.f32.msk $0xffff, v16  }
0xa7: {  	[tilespmem:s25+$0x530] =	vst.add.f32.msk $0xffff, v17  }
0xa8: {  	[tilespmem:s25+$0x540] =	vst.add.f32.msk $0xffff, v18  }
0xa9: {  	[tilespmem:s25+$0x550] =	vst.add.f32.msk $0xffff, v19  }
0xaa: {  	[tilespmem:s25+$0x560] =	vst.add.f32.msk $0xffff, v20  }
0xab: {  	[tilespmem:s25+$0x570] =	vst.add.f32.msk $0xffff, v21  }
0xac: {  	[tilespmem:s25+$0x900] =	vst.add.f32.msk $0xffff, v22  }
0xad: {  	[tilespmem:s25+$0x910] =	vst.add.f32.msk $0xffff, v23  }
0xae: {  	[tilespmem:s25+$0x920] =	vst.add.f32.msk $0xffff, v24  }
0xaf: {  	[tilespmem:s25+$0x930] =	vst.add.f32.msk $0xffff, v25  }
0xb0: {  	[tilespmem:s25+$0x940] =	vst.add.f32.msk $0xffff, v26  }
0xb1: {  	[tilespmem:s25+$0x950] =	vst.add.f32.msk $0xffff, v27  }
0xb2: {  	[tilespmem:s25+$0x960] =	vst.add.f32.msk $0xffff, v28  }
0xb3: {  	[tilespmem:s25+$0x970] =	vst.add.f32.msk $0xffff, v29  }
0xb4: {  	[tilespmem:s25+$0xD00] =	vst.add.f32.msk $0xffff, v30  }
0xb5: {  	[tilespmem:s25+$0xD10] =	vst.add.f32.msk $0xffff, v31  }
0xb6: {  	[tilespmem:s25+$0xD20] =	vst.add.f32.msk $0xffff, v32  }
0xb7: {  	[tilespmem:s25+$0xD30] =	vst.add.f32.msk $0xffff, v33  }
0xb8: {  	[tilespmem:s25+$0xD40] =	vst.add.f32.msk $0xffff, v34  }
0xb9: {  	[tilespmem:s25+$0xD50] =	vst.add.f32.msk $0xffff, v35  }
0xba: {  	[tilespmem:s25+$0xD60] =	vst.add.f32.msk $0xffff, v36  }
0xbb: {  	[tilespmem:s25+$0xD70] =	vst.add.f32.msk $0xffff, v37  }
0xbc: {  	[tilespmem:s25+$0x1100] =	vst.add.f32.msk $0xffff, v38  }
0xbd: {  	[tilespmem:s25+$0x1110] =	vst.add.f32.msk $0xffff, v39  }
0xbe: {  	[tilespmem:s25+$0x1120] =	vst.add.f32.msk $0xffff, v40  }
0xbf: {  	[tilespmem:s25+$0x1130] =	vst.add.f32.msk $0xffff, v41  }
0xc0: {  	[tilespmem:s25+$0x1140] =	vst.add.f32.msk $0xffff, v42  }
0xc1: {  	[tilespmem:s25+$0x1150] =	vst.add.f32.msk $0xffff, v43  }
0xc2: {  	[tilespmem:s25+$0x1160] =	vst.add.f32.msk $0xffff, v44  }
0xc3: {  	[tilespmem:s25+$0x1170] =	vst.add.f32.msk $0xffff, v45  }
0xc4: {  	[tilespmem:s25+$0x1500] =	vst.add.f32.msk $0xffff, v46  }
0xc5: {  	[tilespmem:s25+$0x1510] =	vst.add.f32.msk $0xffff, v47  }
0xc6: {  	[tilespmem:s25+$0x1520] =	vst.add.f32.msk $0xffff, v48  }
0xc7: {  	s29 =	simm.s32 $0x0;
	s28 =	simm.s32 $0x2;
	s26 =	simm.s32 $0x0;
	[tilespmem:s25+$0x1530] =	vst.add.f32.msk $0xffff, v49  }
.LBB2_2:
0xc8: {  	p0 =	sne.s32 s28, $0xF;
	s29 =	smul.u32 $0x1800, s29;
	[tilespmem:s25+$0x1540] =	vst.add.f32.msk $0xffff, v5;
	s26 =	sadd.s32 $0x80, s26  }
0xc9: {  	s0 =	sand.u32 $0x380, s26;
	[tilespmem:s25+$0x1550] =	vst.add.f32.msk $0xffff, v4  }
0xca: {  	[tilespmem:s25+$0x1560] =	vst.add.f32.msk $0xffff, v3;
	s25 =	sor.u32 s0, s29  }
0xcb: {  	v3 =	vld [tilespmem:s25+$0xD570]  }
0xcc: {  	v6 =	vld [tilespmem:s25+$0xC100]  }
0xcd: {  	v7 =	vld [tilespmem:s25+$0xC110]  }
0xce: {  	v8 =	vld [tilespmem:s25+$0xC120]  }
0xcf: {  	v9 =	vld [tilespmem:s25+$0xC130]  }
0xd0: {  	[tilespmem:s25+$0x1570] =	vst.add.f32.msk $0xffff, v3  }
0xd1: {  	v10 =	vld [tilespmem:s25+$0xC140]  }
0xd2: {  	v11 =	vld [tilespmem:s25+$0xC150]  }
0xd3: {  	v12 =	vld [tilespmem:s25+$0xC160]  }
0xd4: {  	v13 =	vld [tilespmem:s25+$0xC170]  }
0xd5: {  	v14 =	vld [tilespmem:s25+$0xC500]  }
0xd6: {  	v15 =	vld [tilespmem:s25+$0xC510]  }
0xd7: {  	v16 =	vld [tilespmem:s25+$0xC520]  }
0xd8: {  	v17 =	vld [tilespmem:s25+$0xC530]  }
0xd9: {  	v18 =	vld [tilespmem:s25+$0xC540]  }
0xda: {  	v19 =	vld [tilespmem:s25+$0xC550]  }
0xdb: {  	v20 =	vld [tilespmem:s25+$0xC560]  }
0xdc: {  	v21 =	vld [tilespmem:s25+$0xC570]  }
0xdd: {  	v22 =	vld [tilespmem:s25+$0xC900]  }
0xde: {  	v23 =	vld [tilespmem:s25+$0xC910]  }
0xdf: {  	v24 =	vld [tilespmem:s25+$0xC920]  }
0xe0: {  	v25 =	vld [tilespmem:s25+$0xC930]  }
0xe1: {  	v26 =	vld [tilespmem:s25+$0xC940]  }
0xe2: {  	v27 =	vld [tilespmem:s25+$0xC950]  }
0xe3: {  	v28 =	vld [tilespmem:s25+$0xC960]  }
0xe4: {  	v29 =	vld [tilespmem:s25+$0xC970]  }
0xe5: {  	v30 =	vld [tilespmem:s25+$0xCD00]  }
0xe6: {  	v31 =	vld [tilespmem:s25+$0xCD10]  }
0xe7: {  	v32 =	vld [tilespmem:s25+$0xCD20]  }
0xe8: {  	v33 =	vld [tilespmem:s25+$0xCD30]  }
0xe9: {  	v34 =	vld [tilespmem:s25+$0xCD40]  }
0xea: {  	v35 =	vld [tilespmem:s25+$0xCD50]  }
0xeb: {  	v36 =	vld [tilespmem:s25+$0xCD60]  }
0xec: {  	v37 =	vld [tilespmem:s25+$0xCD70]  }
0xed: {  	v38 =	vld [tilespmem:s25+$0xD100]  }
0xee: {  	v39 =	vld [tilespmem:s25+$0xD110]  }
0xef: {  	v40 =	vld [tilespmem:s25+$0xD120]  }
0xf0: {  	v41 =	vld [tilespmem:s25+$0xD130]  }
0xf1: {  	v42 =	vld [tilespmem:s25+$0xD140]  }
0xf2: {  	v43 =	vld [tilespmem:s25+$0xD150]  }
0xf3: {  	v44 =	vld [tilespmem:s25+$0xD160]  }
0xf4: {  	v45 =	vld [tilespmem:s25+$0xD170]  }
0xf5: {  	v46 =	vld [tilespmem:s25+$0xD500]  }
0xf6: {  	v47 =	vld [tilespmem:s25+$0xD510]  }
0xf7: {  	v48 =	vld [tilespmem:s25+$0xD520]  }
0xf8: {  	v49 =	vld [tilespmem:s25+$0xD530]  }
0xf9: {  	v5 =	vld [tilespmem:s25+$0xD540]  }
0xfa: {  	v4 =	vld [tilespmem:s25+$0xD550]  }
0xfb: {  	v3 =	vld [tilespmem:s25+$0xD560]  }
0xfc: {  	[tilespmem:s25+$0x100] =	vst.add.f32.msk $0xffff, v6  }
0xfd: {  	[tilespmem:s25+$0x110] =	vst.add.f32.msk $0xffff, v7  }
0xfe: {  	[tilespmem:s25+$0x120] =	vst.add.f32.msk $0xffff, v8  }
0xff: {  	[tilespmem:s25+$0x130] =	vst.add.f32.msk $0xffff, v9  }
0x100: {  	[tilespmem:s25+$0x140] =	vst.add.f32.msk $0xffff, v10  }
0x101: {  	[tilespmem:s25+$0x150] =	vst.add.f32.msk $0xffff, v11  }
0x102: {  	[tilespmem:s25+$0x160] =	vst.add.f32.msk $0xffff, v12  }
0x103: {  	[tilespmem:s25+$0x170] =	vst.add.f32.msk $0xffff, v13  }
0x104: {  	[tilespmem:s25+$0x500] =	vst.add.f32.msk $0xffff, v14  }
0x105: {  	[tilespmem:s25+$0x510] =	vst.add.f32.msk $0xffff, v15  }
0x106: {  	[tilespmem:s25+$0x520] =	vst.add.f32.msk $0xffff, v16  }
0x107: {  	[tilespmem:s25+$0x530] =	vst.add.f32.msk $0xffff, v17  }
0x108: {  	[tilespmem:s25+$0x540] =	vst.add.f32.msk $0xffff, v18  }
0x109: {  	[tilespmem:s25+$0x550] =	vst.add.f32.msk $0xffff, v19  }
0x10a: {  	[tilespmem:s25+$0x560] =	vst.add.f32.msk $0xffff, v20  }
0x10b: {  	[tilespmem:s25+$0x570] =	vst.add.f32.msk $0xffff, v21  }
0x10c: {  	[tilespmem:s25+$0x900] =	vst.add.f32.msk $0xffff, v22  }
0x10d: {  	[tilespmem:s25+$0x910] =	vst.add.f32.msk $0xffff, v23  }
0x10e: {  	[tilespmem:s25+$0x920] =	vst.add.f32.msk $0xffff, v24  }
0x10f: {  	[tilespmem:s25+$0x930] =	vst.add.f32.msk $0xffff, v25  }
0x110: {  	[tilespmem:s25+$0x940] =	vst.add.f32.msk $0xffff, v26  }
0x111: {  	[tilespmem:s25+$0x950] =	vst.add.f32.msk $0xffff, v27  }
0x112: {  	[tilespmem:s25+$0x960] =	vst.add.f32.msk $0xffff, v28  }
0x113: {  	[tilespmem:s25+$0x970] =	vst.add.f32.msk $0xffff, v29  }
0x114: {  	[tilespmem:s25+$0xD00] =	vst.add.f32.msk $0xffff, v30  }
0x115: {  	[tilespmem:s25+$0xD10] =	vst.add.f32.msk $0xffff, v31  }
0x116: {  	[tilespmem:s25+$0xD20] =	vst.add.f32.msk $0xffff, v32  }
0x117: {  	[tilespmem:s25+$0xD30] =	vst.add.f32.msk $0xffff, v33  }
0x118: {  	[tilespmem:s25+$0xD40] =	vst.add.f32.msk $0xffff, v34  }
0x119: {  	[tilespmem:s25+$0xD50] =	vst.add.f32.msk $0xffff, v35  }
0x11a: {  	[tilespmem:s25+$0xD60] =	vst.add.f32.msk $0xffff, v36  }
0x11b: {  	[tilespmem:s25+$0xD70] =	vst.add.f32.msk $0xffff, v37  }
0x11c: {  	[tilespmem:s25+$0x1100] =	vst.add.f32.msk $0xffff, v38  }
0x11d: {  	[tilespmem:s25+$0x1110] =	vst.add.f32.msk $0xffff, v39  }
0x11e: {  	[tilespmem:s25+$0x1120] =	vst.add.f32.msk $0xffff, v40  }
0x11f: {  	[tilespmem:s25+$0x1130] =	vst.add.f32.msk $0xffff, v41  }
0x120: {  	[tilespmem:s25+$0x1140] =	vst.add.f32.msk $0xffff, v42  }
0x121: {  	[tilespmem:s25+$0x1150] =	vst.add.f32.msk $0xffff, v43  }
0x122: {  	[tilespmem:s25+$0x1160] =	vst.add.f32.msk $0xffff, v44  }
.Ltmp0:
0x123: {  	[tilespmem:s25+$0x1170] =	vst.add.f32.msk $0xffff, v45;
	(pc) =	sbr.rel @p0 .LBB2_2-.Ltmp0, $4  }
0x124: {  	[tilespmem:s25+$0x1500] =	vst.add.f32.msk $0xffff, v46  }
0x125: {  	[tilespmem:s25+$0x1510] =	vst.add.f32.msk $0xffff, v47  }
0x126: {  	[tilespmem:s25+$0x1520] =	vst.add.f32.msk $0xffff, v48  }
0x127: {  	s29 =	sshrl.u32 s28, $0x3;
	s28 =	sadd.s32 $0x1, s28;
	[tilespmem:s25+$0x1530] =	vst.add.f32.msk $0xffff, v49  }
0x128: {  	s0 =	smul.u32 $0x1800, s29;
	[tilespmem:s25+$0x1540] =	vst.add.f32.msk $0xffff, v5;
	s26 =	sadd.s32 $0x80, s26  }
0x129: {  	[tilespmem:s25+$0x1550] =	vst.add.f32.msk $0xffff, v4;
	s26 =	sand.u32 $0x380, s26  }
0x12a: {  	[tilespmem:s25+$0x1560] =	vst.add.f32.msk $0xffff, v3;
	s26 =	sor.u32 s26, s0  }
0x12b: {  	v3 =	vld [tilespmem:s26+$0xD570]  }
0x12c: {  	v4 =	vld [tilespmem:s26+$0xC100]  }
0x12d: {  	v5 =	vld [tilespmem:s26+$0xC110]  }
0x12e: {  	v6 =	vld [tilespmem:s26+$0xC120]  }
0x12f: {  	v7 =	vld [tilespmem:s26+$0xC130]  }
0x130: {  	v8 =	vld [tilespmem:s26+$0xC150]  }
0x131: {  	v9 =	vld [tilespmem:s26+$0xC160]  }
0x132: {  	v10 =	vld [tilespmem:s26+$0xC170]  }
0x133: {  	v11 =	vld [tilespmem:s26+$0xC500]  }
0x134: {  	v12 =	vld [tilespmem:s26+$0xC510]  }
0x135: {  	v13 =	vld [tilespmem:s26+$0xC520]  }
0x136: {  	v14 =	vld [tilespmem:s26+$0xC530]  }
0x137: {  	v15 =	vld [tilespmem:s26+$0xC540]  }
0x138: {  	v16 =	vld [tilespmem:s26+$0xC550]  }
0x139: {  	v17 =	vld [tilespmem:s26+$0xC560]  }
0x13a: {  	v18 =	vld [tilespmem:s26+$0xC570]  }
0x13b: {  	v19 =	vld [tilespmem:s26+$0xC900]  }
0x13c: {  	v20 =	vld [tilespmem:s26+$0xC910]  }
0x13d: {  	v21 =	vld [tilespmem:s26+$0xC920]  }
0x13e: {  	v22 =	vld [tilespmem:s26+$0xC930]  }
0x13f: {  	v23 =	vld [tilespmem:s26+$0xC940]  }
0x140: {  	v24 =	vld [tilespmem:s26+$0xC950]  }
0x141: {  	v25 =	vld [tilespmem:s26+$0xC960]  }
0x142: {  	v26 =	vld [tilespmem:s26+$0xC970]  }
0x143: {  	v27 =	vld [tilespmem:s26+$0xCD00]  }
0x144: {  	v28 =	vld [tilespmem:s26+$0xCD10]  }
0x145: {  	v29 =	vld [tilespmem:s26+$0xCD20]  }
0x146: {  	v30 =	vld [tilespmem:s26+$0xCD30]  }
0x147: {  	v31 =	vld [tilespmem:s26+$0xCD40]  }
0x148: {  	v32 =	vld [tilespmem:s26+$0xCD50]  }
0x149: {  	v33 =	vld [tilespmem:s26+$0xCD60]  }
0x14a: {  	v34 =	vld [tilespmem:s26+$0xCD70]  }
0x14b: {  	v35 =	vld [tilespmem:s26+$0xD100]  }
0x14c: {  	v36 =	vld [tilespmem:s26+$0xD110]  }
0x14d: {  	v37 =	vld [tilespmem:s26+$0xD120]  }
0x14e: {  	v38 =	vld [tilespmem:s26+$0xD130]  }
0x14f: {  	v39 =	vld [tilespmem:s26+$0xD140]  }
0x150: {  	v40 =	vld [tilespmem:s26+$0xD150]  }
0x151: {  	v41 =	vld [tilespmem:s26+$0xD160]  }
0x152: {  	v42 =	vld [tilespmem:s26+$0xD170]  }
0x153: {  	v43 =	vld [tilespmem:s26+$0xD500]  }
0x154: {  	v44 =	vld [tilespmem:s26+$0xD510]  }
0x155: {  	v45 =	vld [tilespmem:s26+$0xD520]  }
0x156: {  	v46 =	vld [tilespmem:s26+$0xD530]  }
0x157: {  	v47 =	vld [tilespmem:s26+$0xD540]  }
0x158: {  	v48 =	vld [tilespmem:s26+$0xD550]  }
0x159: {  	v49 =	vld [tilespmem:s26+$0xD560]  }
0x15a: {  	[tilespmem:s26+$0x1570] =	vst.add.f32.msk $0xffff, v3  }
0x15b: {  	v3 =	vld [tilespmem:s26+$0xC140]  }
0x15c: {  	[tilespmem:s26+$0x100] =	vst.add.f32.msk $0xffff, v4  }
0x15d: {  	[tilespmem:s26+$0x110] =	vst.add.f32.msk $0xffff, v5  }
0x15e: {  	[tilespmem:s26+$0x120] =	vst.add.f32.msk $0xffff, v6  }
0x15f: {  	[tilespmem:s26+$0x130] =	vst.add.f32.msk $0xffff, v7  }
0x160: {  	[tilespmem:s26+$0x150] =	vst.add.f32.msk $0xffff, v8  }
0x161: {  	[tilespmem:s26+$0x160] =	vst.add.f32.msk $0xffff, v9  }
0x162: {  	[tilespmem:s26+$0x170] =	vst.add.f32.msk $0xffff, v10  }
0x163: {  	[tilespmem:s26+$0x500] =	vst.add.f32.msk $0xffff, v11  }
0x164: {  	[tilespmem:s26+$0x510] =	vst.add.f32.msk $0xffff, v12  }
0x165: {  	[tilespmem:s26+$0x520] =	vst.add.f32.msk $0xffff, v13  }
0x166: {  	[tilespmem:s26+$0x530] =	vst.add.f32.msk $0xffff, v14  }
0x167: {  	[tilespmem:s26+$0x540] =	vst.add.f32.msk $0xffff, v15  }
0x168: {  	[tilespmem:s26+$0x550] =	vst.add.f32.msk $0xffff, v16  }
0x169: {  	[tilespmem:s26+$0x560] =	vst.add.f32.msk $0xffff, v17  }
0x16a: {  	[tilespmem:s26+$0x570] =	vst.add.f32.msk $0xffff, v18  }
0x16b: {  	[tilespmem:s26+$0x900] =	vst.add.f32.msk $0xffff, v19  }
0x16c: {  	[tilespmem:s26+$0x910] =	vst.add.f32.msk $0xffff, v20  }
0x16d: {  	[tilespmem:s26+$0x920] =	vst.add.f32.msk $0xffff, v21  }
0x16e: {  	[tilespmem:s26+$0x930] =	vst.add.f32.msk $0xffff, v22  }
0x16f: {  	[tilespmem:s26+$0x940] =	vst.add.f32.msk $0xffff, v23  }
0x170: {  	[tilespmem:s26+$0x950] =	vst.add.f32.msk $0xffff, v24  }
0x171: {  	[tilespmem:s26+$0x960] =	vst.add.f32.msk $0xffff, v25  }
0x172: {  	[tilespmem:s26+$0x970] =	vst.add.f32.msk $0xffff, v26  }
0x173: {  	[tilespmem:s26+$0xD00] =	vst.add.f32.msk $0xffff, v27  }
0x174: {  	[tilespmem:s26+$0xD10] =	vst.add.f32.msk $0xffff, v28  }
0x175: {  	[tilespmem:s26+$0xD20] =	vst.add.f32.msk $0xffff, v29  }
0x176: {  	[tilespmem:s26+$0xD30] =	vst.add.f32.msk $0xffff, v30  }
0x177: {  	[tilespmem:s26+$0xD40] =	vst.add.f32.msk $0xffff, v31  }
0x178: {  	[tilespmem:s26+$0xD50] =	vst.add.f32.msk $0xffff, v32  }
0x179: {  	[tilespmem:s26+$0xD60] =	vst.add.f32.msk $0xffff, v33  }
0x17a: {  	[tilespmem:s26+$0xD70] =	vst.add.f32.msk $0xffff, v34  }
0x17b: {  	[tilespmem:s26+$0x1100] =	vst.add.f32.msk $0xffff, v35  }
0x17c: {  	[tilespmem:s26+$0x1110] =	vst.add.f32.msk $0xffff, v36  }
0x17d: {  	[tilespmem:s26+$0x1120] =	vst.add.f32.msk $0xffff, v37  }
0x17e: {  	[tilespmem:s26+$0x1130] =	vst.add.f32.msk $0xffff, v38  }
0x17f: {  	[tilespmem:s26+$0x1140] =	vst.add.f32.msk $0xffff, v39  }
0x180: {  	[tilespmem:s26+$0x1150] =	vst.add.f32.msk $0xffff, v40  }
0x181: {  	[tilespmem:s26+$0x1160] =	vst.add.f32.msk $0xffff, v41  }
0x182: {  	[tilespmem:s26+$0x1170] =	vst.add.f32.msk $0xffff, v42  }
0x183: {  	[tilespmem:s26+$0x1500] =	vst.add.f32.msk $0xffff, v43  }
0x184: {  	[tilespmem:s26+$0x1510] =	vst.add.f32.msk $0xffff, v44  }
0x185: {  	[tilespmem:s26+$0x1520] =	vst.add.f32.msk $0xffff, v45  }
0x186: {  	[tilespmem:s26+$0x1530] =	vst.add.f32.msk $0xffff, v46  }
0x187: {  	[tilespmem:s26+$0x1540] =	vst.add.f32.msk $0xffff, v47  }
0x188: {  	[tilespmem:s26+$0x1550] =	vst.add.f32.msk $0xffff, v48  }
0x189: {  	[tilespmem:s26+$0x1560] =	vst.add.f32.msk $0xffff, v49  }
0x18a: {  	[tilespmem:s26+$0x140] =	vst.add.f32.msk $0xffff, v3  }
0x18b: {  	v3 =	vld [tilespmem:$0x20];
	_ =	sdelay $0x4  }
0x18c: {  	v4 =	vshrl.u32 v3, $0x3  }
0x18d: {  	v4 =	vmul.u32 $0x30, v4  }
0x18e: {  	v3 =	vand.u32 $0x7, v3  }
0x18f: {  	v3 =	vor.u32 v3, v4  }
0x190: {  	v4 =	vperm.xlane v3, v0;
	_ =	sdelay $0x1  }
0x191: {  	v4 =	vadd.s32 v1, v4;
	_ =	sdelay $0x3  }
0x192: {  	s26 =	simm.s32 $0x6100;
	v3 =	vperm.xlane v3, v2  }
0x193: {  	[tilespmem:s26], [sflag:$0x1] =	stream.indirect_vreg.gather [hbm4b:s3+s2], $0x80, v4, vm0, $0xb8;
	[tilespmem:$0x18100] =	vst v63  }
0x194: {  	s25 =	simm.s32 $0x6900;
	v3 =	vadd.s32 v1, v3  }
0x195: {  	[tilespmem:s25], [sflag:$0x1] =	stream.indirect_vreg.gather [hbm4b:s6+s2], $0x80, v4, vm0, $0xb8;
	[tilespmem:$0x18100] =	vst v63  }
0x196: {  	s26 =	simm.s32 $0x7100  }
0x197: {  	[tilespmem:s26], [sflag:$0x1] =	stream.indirect_vreg.gather [hbm4b:s7+s2], $0x80, v4, vm0, $0xb8;
	[tilespmem:$0x18100] =	vst v63  }
0x198: {  	s25 =	simm.s32 $0x7900  }
0x199: {  	[tilespmem:s25], [sflag:$0x1] =	stream.indirect_vreg.gather [hbm4b:s3+s2], $0x80, v3, vm0, $0xb8;
	[tilespmem:$0x18100] =	vst v63  }
0x19a: {  	s26 =	simm.s32 $0x8100  }
0x19b: {  	[tilespmem:s26], [sflag:$0x1] =	stream.indirect_vreg.gather [hbm4b:s6+s2], $0x80, v3, vm0, $0xb8;
	[tilespmem:$0x18100] =	vst v63  }
0x19c: {  	s25 =	simm.s32 $0x8900  }
0x19d: {  	[tilespmem:s25], [sflag:$0x1] =	stream.indirect_vreg.gather [hbm4b:s7+s2], $0x80, v3, vm0, $0xb8;
	[tilespmem:$0x18100] =	vst v63  }
0x19e: {  	v3 =	vld [tilespmem:$0xA0];
	_ =	sdelay $0x4  }
0x19f: {  	v4 =	vshrl.u32 v3, $0x3  }
0x1a0: {  	v4 =	vmul.u32 $0x30, v4  }
0x1a1: {  	v3 =	vand.u32 $0x7, v3  }
0x1a2: {  	v3 =	vor.u32 v3, v4  }
0x1a3: {  	v4 =	vperm.xlane v3, v0;
	_ =	sdelay $0x1  }
0x1a4: {  	v4 =	vadd.s32 v1, v4;
	_ =	sdelay $0x3  }
0x1a5: {  	s26 =	simm.s32 $0x12100;
	v3 =	vperm.xlane v3, v2  }
0x1a6: {  	[tilespmem:s26], [sflag:$0x2] =	stream.indirect_vreg.gather [hbm4b:s3+s2], $0x80, v4, vm0, $0xb8;
	[tilespmem:$0x18100] =	vst v63  }
0x1a7: {  	s25 =	simm.s32 $0x12900;
	v3 =	vadd.s32 v1, v3  }
0x1a8: {  	[tilespmem:s25], [sflag:$0x2] =	stream.indirect_vreg.gather [hbm4b:s6+s2], $0x80, v4, vm0, $0xb8;
	[tilespmem:$0x18100] =	vst v63  }
0x1a9: {  	s26 =	simm.s32 $0x13100  }
0x1aa: {  	[tilespmem:s26], [sflag:$0x2] =	stream.indirect_vreg.gather [hbm4b:s7+s2], $0x80, v4, vm0, $0xb8;
	[tilespmem:$0x18100] =	vst v63  }
0x1ab: {  	s25 =	simm.s32 $0x13900  }
0x1ac: {  	[tilespmem:s25], [sflag:$0x2] =	stream.indirect_vreg.gather [hbm4b:s3+s2], $0x80, v3, vm0, $0xb8;
	[tilespmem:$0x18100] =	vst v63  }
0x1ad: {  	s26 =	simm.s32 $0x14100  }
0x1ae: {  	[tilespmem:s26], [sflag:$0x2] =	stream.indirect_vreg.gather [hbm4b:s6+s2], $0x80, v3, vm0, $0xb8;
	[tilespmem:$0x18100] =	vst v63  }
0x1af: {  	s25 =	simm.s32 $0x14900  }
0x1b0: {  	[tilespmem:s25], [sflag:$0x2] =	stream.indirect_vreg.gather [hbm4b:s7+s2], $0x80, v3, vm0, $0xb8;
	[tilespmem:$0x18100] =	vst v63  }
0x1b1: {  	_ =	swait.ge [sflag:s30], $0x3000  }
0x1b2: {  	[sflag:s30] =	ssyncset.done $0x0  }
0x1b3: {  	s26 =	simm.s32 $0x2;
	[sflag:s30] =	ssyncadd.s32 $0xFFFFD000  }
0x1b4: {  	s0 =	smul.u32 $0x1800, s26;
	s25 =	simm.s32 $0x800;
	_ =	swait.ge [sflag:s31], $0x3000  }
0x1b5: {  	s26 =	sand.u32 $0x380, s25;
	[sflag:s31] =	ssyncset.done $0x0  }
0x1b6: {  	s26 =	sor.u32 s26, s0;
	[sflag:s31] =	ssyncadd.s32 $0xFFFFD000  }
0x1b7: {  	v3 =	vld [tilespmem:s26+$0xD570]  }
0x1b8: {  	v6 =	vld [tilespmem:s26+$0xC100]  }
0x1b9: {  	v7 =	vld [tilespmem:s26+$0xC110]  }
0x1ba: {  	v8 =	vld [tilespmem:s26+$0xC120]  }
0x1bb: {  	v9 =	vld [tilespmem:s26+$0xC130]  }
0x1bc: {  	v10 =	vld [tilespmem:s26+$0xC140]  }
0x1bd: {  	v11 =	vld [tilespmem:s26+$0xC150]  }
0x1be: {  	v12 =	vld [tilespmem:s26+$0xC160]  }
0x1bf: {  	v13 =	vld [tilespmem:s26+$0xC170]  }
0x1c0: {  	v14 =	vld [tilespmem:s26+$0xC500]  }
0x1c1: {  	v15 =	vld [tilespmem:s26+$0xC510]  }
0x1c2: {  	v16 =	vld [tilespmem:s26+$0xC520]  }
0x1c3: {  	v17 =	vld [tilespmem:s26+$0xC530]  }
0x1c4: {  	v18 =	vld [tilespmem:s26+$0xC540]  }
0x1c5: {  	v19 =	vld [tilespmem:s26+$0xC550]  }
0x1c6: {  	v20 =	vld [tilespmem:s26+$0xC560]  }
0x1c7: {  	v21 =	vld [tilespmem:s26+$0xC570]  }
0x1c8: {  	v22 =	vld [tilespmem:s26+$0xC900]  }
0x1c9: {  	v23 =	vld [tilespmem:s26+$0xC910]  }
0x1ca: {  	v24 =	vld [tilespmem:s26+$0xC920]  }
0x1cb: {  	v25 =	vld [tilespmem:s26+$0xC930]  }
0x1cc: {  	v26 =	vld [tilespmem:s26+$0xC940]  }
0x1cd: {  	v27 =	vld [tilespmem:s26+$0xC950]  }
0x1ce: {  	v28 =	vld [tilespmem:s26+$0xC960]  }
0x1cf: {  	v29 =	vld [tilespmem:s26+$0xC970]  }
0x1d0: {  	v30 =	vld [tilespmem:s26+$0xCD00]  }
0x1d1: {  	v31 =	vld [tilespmem:s26+$0xCD10]  }
0x1d2: {  	v32 =	vld [tilespmem:s26+$0xCD20]  }
0x1d3: {  	v33 =	vld [tilespmem:s26+$0xCD30]  }
0x1d4: {  	v34 =	vld [tilespmem:s26+$0xCD40]  }
0x1d5: {  	v35 =	vld [tilespmem:s26+$0xCD50]  }
0x1d6: {  	v36 =	vld [tilespmem:s26+$0xCD60]  }
0x1d7: {  	v37 =	vld [tilespmem:s26+$0xCD70]  }
0x1d8: {  	v52 =	vld [tilespmem:s26+$0xD100]  }
0x1d9: {  	v53 =	vld [tilespmem:s26+$0xD110]  }
0x1da: {  	v54 =	vld [tilespmem:s26+$0xD120]  }
0x1db: {  	v55 =	vld [tilespmem:s26+$0xD130]  }
0x1dc: {  	v56 =	vld [tilespmem:s26+$0xD140]  }
0x1dd: {  	v57 =	vld [tilespmem:s26+$0xD150]  }
0x1de: {  	v58 =	vld [tilespmem:s26+$0xD160]  }
0x1df: {  	v59 =	vld [tilespmem:s26+$0xD170]  }
0x1e0: {  	v60 =	vld [tilespmem:s26+$0xD500]  }
0x1e1: {  	v61 =	vld [tilespmem:s26+$0xD510]  }
0x1e2: {  	v62 =	vld [tilespmem:s26+$0xD520]  }
0x1e3: {  	v63 =	vld [tilespmem:s26+$0xD530]  }
0x1e4: {  	v5 =	vld [tilespmem:s26+$0xD540]  }
0x1e5: {  	v4 =	vld [tilespmem:s26+$0xD550]  }
0x1e6: {  	[tilespmem:s26+$0x1570] =	vst.add.f32.msk $0xffff, v3  }
0x1e7: {  	v3 =	vld [tilespmem:s26+$0xD560]  }
0x1e8: {  	[tilespmem:s26+$0x100] =	vst.add.f32.msk $0xffff, v6  }
0x1e9: {  	[tilespmem:s26+$0x110] =	vst.add.f32.msk $0xffff, v7  }
0x1ea: {  	[tilespmem:s26+$0x120] =	vst.add.f32.msk $0xffff, v8  }
0x1eb: {  	[tilespmem:s26+$0x130] =	vst.add.f32.msk $0xffff, v9  }
0x1ec: {  	[tilespmem:s26+$0x140] =	vst.add.f32.msk $0xffff, v10  }
0x1ed: {  	[tilespmem:s26+$0x150] =	vst.add.f32.msk $0xffff, v11  }
0x1ee: {  	[tilespmem:s26+$0x160] =	vst.add.f32.msk $0xffff, v12  }
0x1ef: {  	[tilespmem:s26+$0x170] =	vst.add.f32.msk $0xffff, v13  }
0x1f0: {  	[tilespmem:s26+$0x500] =	vst.add.f32.msk $0xffff, v14  }
0x1f1: {  	[tilespmem:s26+$0x510] =	vst.add.f32.msk $0xffff, v15  }
0x1f2: {  	[tilespmem:s26+$0x520] =	vst.add.f32.msk $0xffff, v16  }
0x1f3: {  	[tilespmem:s26+$0x530] =	vst.add.f32.msk $0xffff, v17  }
0x1f4: {  	[tilespmem:s26+$0x540] =	vst.add.f32.msk $0xffff, v18  }
0x1f5: {  	[tilespmem:s26+$0x550] =	vst.add.f32.msk $0xffff, v19  }
0x1f6: {  	[tilespmem:s26+$0x560] =	vst.add.f32.msk $0xffff, v20  }
0x1f7: {  	[tilespmem:s26+$0x570] =	vst.add.f32.msk $0xffff, v21  }
0x1f8: {  	[tilespmem:s26+$0x900] =	vst.add.f32.msk $0xffff, v22  }
0x1f9: {  	[tilespmem:s26+$0x910] =	vst.add.f32.msk $0xffff, v23  }
0x1fa: {  	[tilespmem:s26+$0x920] =	vst.add.f32.msk $0xffff, v24  }
0x1fb: {  	[tilespmem:s26+$0x930] =	vst.add.f32.msk $0xffff, v25  }
0x1fc: {  	[tilespmem:s26+$0x940] =	vst.add.f32.msk $0xffff, v26  }
0x1fd: {  	[tilespmem:s26+$0x950] =	vst.add.f32.msk $0xffff, v27  }
0x1fe: {  	[tilespmem:s26+$0x960] =	vst.add.f32.msk $0xffff, v28  }
0x1ff: {  	[tilespmem:s26+$0x970] =	vst.add.f32.msk $0xffff, v29  }
0x200: {  	[tilespmem:s26+$0xD00] =	vst.add.f32.msk $0xffff, v30  }
0x201: {  	[tilespmem:s26+$0xD10] =	vst.add.f32.msk $0xffff, v31  }
0x202: {  	[tilespmem:s26+$0xD20] =	vst.add.f32.msk $0xffff, v32  }
0x203: {  	[tilespmem:s26+$0xD30] =	vst.add.f32.msk $0xffff, v33  }
0x204: {  	[tilespmem:s26+$0xD40] =	vst.add.f32.msk $0xffff, v34  }
0x205: {  	[tilespmem:s26+$0xD50] =	vst.add.f32.msk $0xffff, v35  }
0x206: {  	[tilespmem:s26+$0xD60] =	vst.add.f32.msk $0xffff, v36  }
0x207: {  	[tilespmem:s26+$0xD70] =	vst.add.f32.msk $0xffff, v37  }
0x208: {  	[tilespmem:s26+$0x1100] =	vst.add.f32.msk $0xffff, v52  }
0x209: {  	[tilespmem:s26+$0x1110] =	vst.add.f32.msk $0xffff, v53  }
0x20a: {  	[tilespmem:s26+$0x1120] =	vst.add.f32.msk $0xffff, v54  }
0x20b: {  	[tilespmem:s26+$0x1130] =	vst.add.f32.msk $0xffff, v55  }
0x20c: {  	[tilespmem:s26+$0x1140] =	vst.add.f32.msk $0xffff, v56  }
0x20d: {  	[tilespmem:s26+$0x1150] =	vst.add.f32.msk $0xffff, v57  }
0x20e: {  	[tilespmem:s26+$0x1160] =	vst.add.f32.msk $0xffff, v58  }
0x20f: {  	[tilespmem:s26+$0x1170] =	vst.add.f32.msk $0xffff, v59  }
0x210: {  	[tilespmem:s26+$0x1500] =	vst.add.f32.msk $0xffff, v60  }
0x211: {  	[tilespmem:s26+$0x1510] =	vst.add.f32.msk $0xffff, v61  }
0x212: {  	[tilespmem:s26+$0x1520] =	vst.add.f32.msk $0xffff, v62  }
0x213: {  	s29 =	simm.s32 $0x2;
	s28 =	simm.s32 $0x12;
	[tilespmem:s26+$0x1530] =	vst.add.f32.msk $0xffff, v63  }
.LBB2_4:
0x214: {  	p0 =	sne.s32 s28, $0x1F;
	s0 =	smul.u32 $0x1800, s29;
	[tilespmem:s26+$0x1540] =	vst.add.f32.msk $0xffff, v5;
	s25 =	sadd.s32 $0x80, s25  }
0x215: {  	s29 =	sand.u32 $0x380, s25;
	[tilespmem:s26+$0x1550] =	vst.add.f32.msk $0xffff, v4  }
0x216: {  	[tilespmem:s26+$0x1560] =	vst.add.f32.msk $0xffff, v3;
	s26 =	sor.u32 s29, s0  }
0x217: {  	v3 =	vld [tilespmem:s26+$0xD570]  }
0x218: {  	v6 =	vld [tilespmem:s26+$0xC100]  }
0x219: {  	v7 =	vld [tilespmem:s26+$0xC110]  }
0x21a: {  	v8 =	vld [tilespmem:s26+$0xC120]  }
0x21b: {  	v9 =	vld [tilespmem:s26+$0xC130]  }
0x21c: {  	[tilespmem:s26+$0x1570] =	vst.add.f32.msk $0xffff, v3  }
0x21d: {  	v10 =	vld [tilespmem:s26+$0xC140]  }
0x21e: {  	v11 =	vld [tilespmem:s26+$0xC150]  }
0x21f: {  	v12 =	vld [tilespmem:s26+$0xC160]  }
0x220: {  	v13 =	vld [tilespmem:s26+$0xC170]  }
0x221: {  	v14 =	vld [tilespmem:s26+$0xC500]  }
0x222: {  	v15 =	vld [tilespmem:s26+$0xC510]  }
0x223: {  	v16 =	vld [tilespmem:s26+$0xC520]  }
0x224: {  	v17 =	vld [tilespmem:s26+$0xC530]  }
0x225: {  	v18 =	vld [tilespmem:s26+$0xC540]  }
0x226: {  	v19 =	vld [tilespmem:s26+$0xC550]  }
0x227: {  	v20 =	vld [tilespmem:s26+$0xC560]  }
0x228: {  	v21 =	vld [tilespmem:s26+$0xC570]  }
0x229: {  	v22 =	vld [tilespmem:s26+$0xC900]  }
0x22a: {  	v23 =	vld [tilespmem:s26+$0xC910]  }
0x22b: {  	v24 =	vld [tilespmem:s26+$0xC920]  }
0x22c: {  	v25 =	vld [tilespmem:s26+$0xC930]  }
0x22d: {  	v26 =	vld [tilespmem:s26+$0xC940]  }
0x22e: {  	v27 =	vld [tilespmem:s26+$0xC950]  }
0x22f: {  	v28 =	vld [tilespmem:s26+$0xC960]  }
0x230: {  	v29 =	vld [tilespmem:s26+$0xC970]  }
0x231: {  	v30 =	vld [tilespmem:s26+$0xCD00]  }
0x232: {  	v31 =	vld [tilespmem:s26+$0xCD10]  }
0x233: {  	v32 =	vld [tilespmem:s26+$0xCD20]  }
0x234: {  	v33 =	vld [tilespmem:s26+$0xCD30]  }
0x235: {  	v34 =	vld [tilespmem:s26+$0xCD40]  }
0x236: {  	v35 =	vld [tilespmem:s26+$0xCD50]  }
0x237: {  	v36 =	vld [tilespmem:s26+$0xCD60]  }
0x238: {  	v37 =	vld [tilespmem:s26+$0xCD70]  }
0x239: {  	v38 =	vld [tilespmem:s26+$0xD100]  }
0x23a: {  	v39 =	vld [tilespmem:s26+$0xD110]  }
0x23b: {  	v40 =	vld [tilespmem:s26+$0xD120]  }
0x23c: {  	v41 =	vld [tilespmem:s26+$0xD130]  }
0x23d: {  	v42 =	vld [tilespmem:s26+$0xD140]  }
0x23e: {  	v43 =	vld [tilespmem:s26+$0xD150]  }
0x23f: {  	v44 =	vld [tilespmem:s26+$0xD160]  }
0x240: {  	v45 =	vld [tilespmem:s26+$0xD170]  }
0x241: {  	v46 =	vld [tilespmem:s26+$0xD500]  }
0x242: {  	v47 =	vld [tilespmem:s26+$0xD510]  }
0x243: {  	v48 =	vld [tilespmem:s26+$0xD520]  }
0x244: {  	v49 =	vld [tilespmem:s26+$0xD530]  }
0x245: {  	v5 =	vld [tilespmem:s26+$0xD540]  }
0x246: {  	v4 =	vld [tilespmem:s26+$0xD550]  }
0x247: {  	v3 =	vld [tilespmem:s26+$0xD560]  }
0x248: {  	[tilespmem:s26+$0x100] =	vst.add.f32.msk $0xffff, v6  }
0x249: {  	[tilespmem:s26+$0x110] =	vst.add.f32.msk $0xffff, v7  }
0x24a: {  	[tilespmem:s26+$0x120] =	vst.add.f32.msk $0xffff, v8  }
0x24b: {  	[tilespmem:s26+$0x130] =	vst.add.f32.msk $0xffff, v9  }
0x24c: {  	[tilespmem:s26+$0x140] =	vst.add.f32.msk $0xffff, v10  }
0x24d: {  	[tilespmem:s26+$0x150] =	vst.add.f32.msk $0xffff, v11  }
0x24e: {  	[tilespmem:s26+$0x160] =	vst.add.f32.msk $0xffff, v12  }
0x24f: {  	[tilespmem:s26+$0x170] =	vst.add.f32.msk $0xffff, v13  }
0x250: {  	[tilespmem:s26+$0x500] =	vst.add.f32.msk $0xffff, v14  }
0x251: {  	[tilespmem:s26+$0x510] =	vst.add.f32.msk $0xffff, v15  }
0x252: {  	[tilespmem:s26+$0x520] =	vst.add.f32.msk $0xffff, v16  }
0x253: {  	[tilespmem:s26+$0x530] =	vst.add.f32.msk $0xffff, v17  }
0x254: {  	[tilespmem:s26+$0x540] =	vst.add.f32.msk $0xffff, v18  }
0x255: {  	[tilespmem:s26+$0x550] =	vst.add.f32.msk $0xffff, v19  }
0x256: {  	[tilespmem:s26+$0x560] =	vst.add.f32.msk $0xffff, v20  }
0x257: {  	[tilespmem:s26+$0x570] =	vst.add.f32.msk $0xffff, v21  }
0x258: {  	[tilespmem:s26+$0x900] =	vst.add.f32.msk $0xffff, v22  }
0x259: {  	[tilespmem:s26+$0x910] =	vst.add.f32.msk $0xffff, v23  }
0x25a: {  	[tilespmem:s26+$0x920] =	vst.add.f32.msk $0xffff, v24  }
0x25b: {  	[tilespmem:s26+$0x930] =	vst.add.f32.msk $0xffff, v25  }
0x25c: {  	[tilespmem:s26+$0x940] =	vst.add.f32.msk $0xffff, v26  }
0x25d: {  	[tilespmem:s26+$0x950] =	vst.add.f32.msk $0xffff, v27  }
0x25e: {  	[tilespmem:s26+$0x960] =	vst.add.f32.msk $0xffff, v28  }
0x25f: {  	[tilespmem:s26+$0x970] =	vst.add.f32.msk $0xffff, v29  }
0x260: {  	[tilespmem:s26+$0xD00] =	vst.add.f32.msk $0xffff, v30  }
0x261: {  	[tilespmem:s26+$0xD10] =	vst.add.f32.msk $0xffff, v31  }
0x262: {  	[tilespmem:s26+$0xD20] =	vst.add.f32.msk $0xffff, v32  }
0x263: {  	[tilespmem:s26+$0xD30] =	vst.add.f32.msk $0xffff, v33  }
0x264: {  	[tilespmem:s26+$0xD40] =	vst.add.f32.msk $0xffff, v34  }
0x265: {  	[tilespmem:s26+$0xD50] =	vst.add.f32.msk $0xffff, v35  }
0x266: {  	[tilespmem:s26+$0xD60] =	vst.add.f32.msk $0xffff, v36  }
0x267: {  	[tilespmem:s26+$0xD70] =	vst.add.f32.msk $0xffff, v37  }
0x268: {  	[tilespmem:s26+$0x1100] =	vst.add.f32.msk $0xffff, v38  }
0x269: {  	[tilespmem:s26+$0x1110] =	vst.add.f32.msk $0xffff, v39  }
0x26a: {  	[tilespmem:s26+$0x1120] =	vst.add.f32.msk $0xffff, v40  }
0x26b: {  	[tilespmem:s26+$0x1130] =	vst.add.f32.msk $0xffff, v41  }
0x26c: {  	[tilespmem:s26+$0x1140] =	vst.add.f32.msk $0xffff, v42  }
0x26d: {  	[tilespmem:s26+$0x1150] =	vst.add.f32.msk $0xffff, v43  }
0x26e: {  	[tilespmem:s26+$0x1160] =	vst.add.f32.msk $0xffff, v44  }
.Ltmp1:
0x26f: {  	[tilespmem:s26+$0x1170] =	vst.add.f32.msk $0xffff, v45;
	(pc) =	sbr.rel @p0 .LBB2_4-.Ltmp1, $4  }
0x270: {  	[tilespmem:s26+$0x1500] =	vst.add.f32.msk $0xffff, v46  }
0x271: {  	[tilespmem:s26+$0x1510] =	vst.add.f32.msk $0xffff, v47  }
0x272: {  	[tilespmem:s26+$0x1520] =	vst.add.f32.msk $0xffff, v48  }
0x273: {  	s29 =	sshrl.u32 s28, $0x3;
	s28 =	sadd.s32 $0x1, s28;
	[tilespmem:s26+$0x1530] =	vst.add.f32.msk $0xffff, v49  }
0x274: {  	s0 =	smul.u32 $0x1800, s29;
	[tilespmem:s26+$0x1540] =	vst.add.f32.msk $0xffff, v5;
	s25 =	sadd.s32 $0x80, s25  }
0x275: {  	[tilespmem:s26+$0x1550] =	vst.add.f32.msk $0xffff, v4;
	s25 =	sand.u32 $0x380, s25  }
0x276: {  	[tilespmem:s26+$0x1560] =	vst.add.f32.msk $0xffff, v3;
	s25 =	sor.u32 s25, s0  }
0x277: {  	v3 =	vld [tilespmem:s25+$0xD570]  }
0x278: {  	v4 =	vld [tilespmem:s25+$0xC100]  }
0x279: {  	v5 =	vld [tilespmem:s25+$0xC110]  }
0x27a: {  	v6 =	vld [tilespmem:s25+$0xC120]  }
0x27b: {  	v7 =	vld [tilespmem:s25+$0xC130]  }
0x27c: {  	v8 =	vld [tilespmem:s25+$0xC150]  }
0x27d: {  	v9 =	vld [tilespmem:s25+$0xC160]  }
0x27e: {  	v10 =	vld [tilespmem:s25+$0xC170]  }
0x27f: {  	v11 =	vld [tilespmem:s25+$0xC500]  }
0x280: {  	v12 =	vld [tilespmem:s25+$0xC510]  }
0x281: {  	v13 =	vld [tilespmem:s25+$0xC520]  }
0x282: {  	v14 =	vld [tilespmem:s25+$0xC530]  }
0x283: {  	v15 =	vld [tilespmem:s25+$0xC540]  }
0x284: {  	v16 =	vld [tilespmem:s25+$0xC550]  }
0x285: {  	v17 =	vld [tilespmem:s25+$0xC560]  }
0x286: {  	v18 =	vld [tilespmem:s25+$0xC570]  }
0x287: {  	v19 =	vld [tilespmem:s25+$0xC900]  }
0x288: {  	v20 =	vld [tilespmem:s25+$0xC910]  }
0x289: {  	v21 =	vld [tilespmem:s25+$0xC920]  }
0x28a: {  	v22 =	vld [tilespmem:s25+$0xC930]  }
0x28b: {  	v23 =	vld [tilespmem:s25+$0xC940]  }
0x28c: {  	v24 =	vld [tilespmem:s25+$0xC950]  }
0x28d: {  	v25 =	vld [tilespmem:s25+$0xC960]  }
0x28e: {  	v26 =	vld [tilespmem:s25+$0xC970]  }
0x28f: {  	v27 =	vld [tilespmem:s25+$0xCD00]  }
0x290: {  	v28 =	vld [tilespmem:s25+$0xCD10]  }
0x291: {  	v29 =	vld [tilespmem:s25+$0xCD20]  }
0x292: {  	v30 =	vld [tilespmem:s25+$0xCD30]  }
0x293: {  	v31 =	vld [tilespmem:s25+$0xCD40]  }
0x294: {  	v32 =	vld [tilespmem:s25+$0xCD50]  }
0x295: {  	v33 =	vld [tilespmem:s25+$0xCD60]  }
0x296: {  	v34 =	vld [tilespmem:s25+$0xCD70]  }
0x297: {  	v35 =	vld [tilespmem:s25+$0xD100]  }
0x298: {  	v36 =	vld [tilespmem:s25+$0xD110]  }
0x299: {  	v37 =	vld [tilespmem:s25+$0xD120]  }
0x29a: {  	v38 =	vld [tilespmem:s25+$0xD130]  }
0x29b: {  	v39 =	vld [tilespmem:s25+$0xD140]  }
0x29c: {  	v40 =	vld [tilespmem:s25+$0xD150]  }
0x29d: {  	v41 =	vld [tilespmem:s25+$0xD160]  }
0x29e: {  	v42 =	vld [tilespmem:s25+$0xD170]  }
0x29f: {  	v43 =	vld [tilespmem:s25+$0xD500]  }
0x2a0: {  	v44 =	vld [tilespmem:s25+$0xD510]  }
0x2a1: {  	v45 =	vld [tilespmem:s25+$0xD520]  }
0x2a2: {  	v46 =	vld [tilespmem:s25+$0xD530]  }
0x2a3: {  	v47 =	vld [tilespmem:s25+$0xD540]  }
0x2a4: {  	v48 =	vld [tilespmem:s25+$0xD550]  }
0x2a5: {  	v49 =	vld [tilespmem:s25+$0xD560]  }
0x2a6: {  	[tilespmem:s25+$0x1570] =	vst.add.f32.msk $0xffff, v3  }
0x2a7: {  	v3 =	vld [tilespmem:s25+$0xC140]  }
0x2a8: {  	[tilespmem:s25+$0x100] =	vst.add.f32.msk $0xffff, v4  }
0x2a9: {  	[tilespmem:s25+$0x110] =	vst.add.f32.msk $0xffff, v5  }
0x2aa: {  	[tilespmem:s25+$0x120] =	vst.add.f32.msk $0xffff, v6  }
0x2ab: {  	[tilespmem:s25+$0x130] =	vst.add.f32.msk $0xffff, v7  }
0x2ac: {  	[tilespmem:s25+$0x150] =	vst.add.f32.msk $0xffff, v8  }
0x2ad: {  	[tilespmem:s25+$0x160] =	vst.add.f32.msk $0xffff, v9  }
0x2ae: {  	[tilespmem:s25+$0x170] =	vst.add.f32.msk $0xffff, v10  }
0x2af: {  	[tilespmem:s25+$0x500] =	vst.add.f32.msk $0xffff, v11  }
0x2b0: {  	[tilespmem:s25+$0x510] =	vst.add.f32.msk $0xffff, v12  }
0x2b1: {  	[tilespmem:s25+$0x520] =	vst.add.f32.msk $0xffff, v13  }
0x2b2: {  	[tilespmem:s25+$0x530] =	vst.add.f32.msk $0xffff, v14  }
0x2b3: {  	[tilespmem:s25+$0x540] =	vst.add.f32.msk $0xffff, v15  }
0x2b4: {  	[tilespmem:s25+$0x550] =	vst.add.f32.msk $0xffff, v16  }
0x2b5: {  	[tilespmem:s25+$0x560] =	vst.add.f32.msk $0xffff, v17  }
0x2b6: {  	[tilespmem:s25+$0x570] =	vst.add.f32.msk $0xffff, v18  }
0x2b7: {  	[tilespmem:s25+$0x900] =	vst.add.f32.msk $0xffff, v19  }
0x2b8: {  	[tilespmem:s25+$0x910] =	vst.add.f32.msk $0xffff, v20  }
0x2b9: {  	[tilespmem:s25+$0x920] =	vst.add.f32.msk $0xffff, v21  }
0x2ba: {  	[tilespmem:s25+$0x930] =	vst.add.f32.msk $0xffff, v22  }
0x2bb: {  	[tilespmem:s25+$0x940] =	vst.add.f32.msk $0xffff, v23  }
0x2bc: {  	[tilespmem:s25+$0x950] =	vst.add.f32.msk $0xffff, v24  }
0x2bd: {  	[tilespmem:s25+$0x960] =	vst.add.f32.msk $0xffff, v25  }
0x2be: {  	[tilespmem:s25+$0x970] =	vst.add.f32.msk $0xffff, v26  }
0x2bf: {  	[tilespmem:s25+$0xD00] =	vst.add.f32.msk $0xffff, v27  }
0x2c0: {  	[tilespmem:s25+$0xD10] =	vst.add.f32.msk $0xffff, v28  }
0x2c1: {  	[tilespmem:s25+$0xD20] =	vst.add.f32.msk $0xffff, v29  }
0x2c2: {  	[tilespmem:s25+$0xD30] =	vst.add.f32.msk $0xffff, v30  }
0x2c3: {  	[tilespmem:s25+$0xD40] =	vst.add.f32.msk $0xffff, v31  }
0x2c4: {  	[tilespmem:s25+$0xD50] =	vst.add.f32.msk $0xffff, v32  }
0x2c5: {  	[tilespmem:s25+$0xD60] =	vst.add.f32.msk $0xffff, v33  }
0x2c6: {  	[tilespmem:s25+$0xD70] =	vst.add.f32.msk $0xffff, v34  }
0x2c7: {  	[tilespmem:s25+$0x1100] =	vst.add.f32.msk $0xffff, v35  }
0x2c8: {  	[tilespmem:s25+$0x1110] =	vst.add.f32.msk $0xffff, v36  }
0x2c9: {  	[tilespmem:s25+$0x1120] =	vst.add.f32.msk $0xffff, v37  }
0x2ca: {  	[tilespmem:s25+$0x1130] =	vst.add.f32.msk $0xffff, v38  }
0x2cb: {  	[tilespmem:s25+$0x1140] =	vst.add.f32.msk $0xffff, v39  }
0x2cc: {  	[tilespmem:s25+$0x1150] =	vst.add.f32.msk $0xffff, v40  }
0x2cd: {  	[tilespmem:s25+$0x1160] =	vst.add.f32.msk $0xffff, v41  }
0x2ce: {  	[tilespmem:s25+$0x1170] =	vst.add.f32.msk $0xffff, v42  }
0x2cf: {  	[tilespmem:s25+$0x1500] =	vst.add.f32.msk $0xffff, v43  }
0x2d0: {  	[tilespmem:s25+$0x1510] =	vst.add.f32.msk $0xffff, v44  }
0x2d1: {  	[tilespmem:s25+$0x1520] =	vst.add.f32.msk $0xffff, v45  }
0x2d2: {  	[tilespmem:s25+$0x1530] =	vst.add.f32.msk $0xffff, v46  }
0x2d3: {  	[tilespmem:s25+$0x1540] =	vst.add.f32.msk $0xffff, v47  }
0x2d4: {  	[tilespmem:s25+$0x1550] =	vst.add.f32.msk $0xffff, v48  }
0x2d5: {  	[tilespmem:s25+$0x1560] =	vst.add.f32.msk $0xffff, v49  }
0x2d6: {  	[tilespmem:s25+$0x140] =	vst.add.f32.msk $0xffff, v3  }
0x2d7: {  	v3 =	vld [tilespmem:$0x30];
	_ =	sdelay $0x4  }
0x2d8: {  	v4 =	vshrl.u32 v3, $0x3  }
0x2d9: {  	v4 =	vmul.u32 $0x30, v4  }
0x2da: {  	v3 =	vand.u32 $0x7, v3  }
0x2db: {  	v3 =	vor.u32 v3, v4  }
0x2dc: {  	v4 =	vperm.xlane v3, v0;
	_ =	sdelay $0x1  }
0x2dd: {  	v4 =	vadd.s32 v1, v4;
	_ =	sdelay $0x3  }
0x2de: {  	s25 =	simm.s32 $0x9100;
	v3 =	vperm.xlane v3, v2  }
0x2df: {  	[tilespmem:s25], [sflag:$0x3] =	stream.indirect_vreg.gather [hbm4b:s3+s2], $0x80, v4, vm0, $0xb8;
	[tilespmem:$0x18100] =	vst v63  }
0x2e0: {  	v3 =	vadd.s32 v1, v3  }
0x2e1: {  	[tilespmem:s1], [sflag:$0x3] =	stream.indirect_vreg.gather [hbm4b:s6+s2], $0x80, v4, vm0, $0xb8;
	[tilespmem:$0x18100] =	vst v63  }
0x2e2: {  	_ = 	snop  }
0x2e3: {  	[tilespmem:s10], [sflag:$0x3] =	stream.indirect_vreg.gather [hbm4b:s7+s2], $0x80, v4, vm0, $0xb8;
	[tilespmem:$0x18100] =	vst v63  }
0x2e4: {  	_ = 	snop  }
0x2e5: {  	[tilespmem:s14], [sflag:$0x3] =	stream.indirect_vreg.gather [hbm4b:s3+s2], $0x80, v3, vm0, $0xb8;
	[tilespmem:$0x18100] =	vst v63  }
0x2e6: {  	_ = 	snop  }
0x2e7: {  	[tilespmem:s15], [sflag:$0x3] =	stream.indirect_vreg.gather [hbm4b:s6+s2], $0x80, v3, vm0, $0xb8;
	[tilespmem:$0x18100] =	vst v63  }
0x2e8: {  	_ = 	snop  }
0x2e9: {  	[tilespmem:s16], [sflag:$0x3] =	stream.indirect_vreg.gather [hbm4b:s7+s2], $0x80, v3, vm0, $0xb8;
	[tilespmem:$0x18100] =	vst v63  }
0x2ea: {  	v3 =	vld [tilespmem:$0xB0];
	_ =	sdelay $0x4  }
0x2eb: {  	v4 =	vshrl.u32 v3, $0x3  }
0x2ec: {  	v4 =	vmul.u32 $0x30, v4  }
0x2ed: {  	v3 =	vand.u32 $0x7, v3  }
0x2ee: {  	v3 =	vor.u32 v3, v4  }
0x2ef: {  	v4 =	vperm.xlane v3, v0;
	_ =	sdelay $0x1  }
0x2f0: {  	v4 =	vadd.s32 v1, v4;
	_ =	sdelay $0x3  }
0x2f1: {  	v3 =	vperm.xlane v3, v2  }
0x2f2: {  	[tilespmem:s17], [sflag:$0x4] =	stream.indirect_vreg.gather [hbm4b:s3+s2], $0x80, v4, vm0, $0xb8;
	[tilespmem:$0x18100] =	vst v63  }
0x2f3: {  	v3 =	vadd.s32 v1, v3  }
0x2f4: {  	[tilespmem:s18], [sflag:$0x4] =	stream.indirect_vreg.gather [hbm4b:s6+s2], $0x80, v4, vm0, $0xb8;
	[tilespmem:$0x18100] =	vst v63  }
0x2f5: {  	_ = 	snop  }
0x2f6: {  	[tilespmem:s19], [sflag:$0x4] =	stream.indirect_vreg.gather [hbm4b:s7+s2], $0x80, v4, vm0, $0xb8;
	[tilespmem:$0x18100] =	vst v63  }
0x2f7: {  	_ = 	snop  }
0x2f8: {  	[tilespmem:s20], [sflag:$0x4] =	stream.indirect_vreg.gather [hbm4b:s3+s2], $0x80, v3, vm0, $0xb8;
	[tilespmem:$0x18100] =	vst v63  }
0x2f9: {  	_ = 	snop  }
0x2fa: {  	[tilespmem:s21], [sflag:$0x4] =	stream.indirect_vreg.gather [hbm4b:s6+s2], $0x80, v3, vm0, $0xb8;
	[tilespmem:$0x18100] =	vst v63  }
0x2fb: {  	_ = 	snop  }
0x2fc: {  	[tilespmem:s22], [sflag:$0x4] =	stream.indirect_vreg.gather [hbm4b:s7+s2], $0x80, v3, vm0, $0xb8;
	[tilespmem:$0x18100] =	vst v63  }
0x2fd: {  	_ =	swait.ge [sflag:s11], $0x3000  }
0x2fe: {  	[sflag:s11] =	ssyncset.done $0x0  }
0x2ff: {  	s26 =	simm.s32 $0x4;
	[sflag:s11] =	ssyncadd.s32 $0xFFFFD000  }
0x300: {  	s0 =	smul.u32 $0x1800, s26;
	s25 =	simm.s32 $0x1000;
	_ =	swait.ge [sflag:s12], $0x3000  }
0x301: {  	s26 =	sand.u32 $0x380, s25;
	[sflag:s12] =	ssyncset.done $0x0  }
0x302: {  	s26 =	sor.u32 s26, s0;
	[sflag:s12] =	ssyncadd.s32 $0xFFFFD000  }
0x303: {  	v3 =	vld [tilespmem:s26+$0xD570]  }
0x304: {  	v6 =	vld [tilespmem:s26+$0xC100]  }
0x305: {  	v7 =	vld [tilespmem:s26+$0xC110]  }
0x306: {  	v8 =	vld [tilespmem:s26+$0xC120]  }
0x307: {  	v9 =	vld [tilespmem:s26+$0xC130]  }
0x308: {  	v10 =	vld [tilespmem:s26+$0xC140]  }
0x309: {  	v11 =	vld [tilespmem:s26+$0xC150]  }
0x30a: {  	v12 =	vld [tilespmem:s26+$0xC160]  }
0x30b: {  	v13 =	vld [tilespmem:s26+$0xC170]  }
0x30c: {  	v14 =	vld [tilespmem:s26+$0xC500]  }
0x30d: {  	v15 =	vld [tilespmem:s26+$0xC510]  }
0x30e: {  	v16 =	vld [tilespmem:s26+$0xC520]  }
0x30f: {  	v17 =	vld [tilespmem:s26+$0xC530]  }
0x310: {  	v18 =	vld [tilespmem:s26+$0xC540]  }
0x311: {  	v19 =	vld [tilespmem:s26+$0xC550]  }
0x312: {  	v20 =	vld [tilespmem:s26+$0xC560]  }
0x313: {  	v21 =	vld [tilespmem:s26+$0xC570]  }
0x314: {  	v22 =	vld [tilespmem:s26+$0xC900]  }
0x315: {  	v23 =	vld [tilespmem:s26+$0xC910]  }
0x316: {  	v24 =	vld [tilespmem:s26+$0xC920]  }
0x317: {  	v25 =	vld [tilespmem:s26+$0xC930]  }
0x318: {  	v26 =	vld [tilespmem:s26+$0xC940]  }
0x319: {  	v27 =	vld [tilespmem:s26+$0xC950]  }
0x31a: {  	v28 =	vld [tilespmem:s26+$0xC960]  }
0x31b: {  	v29 =	vld [tilespmem:s26+$0xC970]  }
0x31c: {  	v30 =	vld [tilespmem:s26+$0xCD00]  }
0x31d: {  	v31 =	vld [tilespmem:s26+$0xCD10]  }
0x31e: {  	v32 =	vld [tilespmem:s26+$0xCD20]  }
0x31f: {  	v33 =	vld [tilespmem:s26+$0xCD30]  }
0x320: {  	v34 =	vld [tilespmem:s26+$0xCD40]  }
0x321: {  	v35 =	vld [tilespmem:s26+$0xCD50]  }
0x322: {  	v36 =	vld [tilespmem:s26+$0xCD60]  }
0x323: {  	v37 =	vld [tilespmem:s26+$0xCD70]  }
0x324: {  	v52 =	vld [tilespmem:s26+$0xD100]  }
0x325: {  	v53 =	vld [tilespmem:s26+$0xD110]  }
0x326: {  	v54 =	vld [tilespmem:s26+$0xD120]  }
0x327: {  	v55 =	vld [tilespmem:s26+$0xD130]  }
0x328: {  	v56 =	vld [tilespmem:s26+$0xD140]  }
0x329: {  	v57 =	vld [tilespmem:s26+$0xD150]  }
0x32a: {  	v58 =	vld [tilespmem:s26+$0xD160]  }
0x32b: {  	v59 =	vld [tilespmem:s26+$0xD170]  }
0x32c: {  	v60 =	vld [tilespmem:s26+$0xD500]  }
0x32d: {  	v61 =	vld [tilespmem:s26+$0xD510]  }
0x32e: {  	v62 =	vld [tilespmem:s26+$0xD520]  }
0x32f: {  	v63 =	vld [tilespmem:s26+$0xD530]  }
0x330: {  	v5 =	vld [tilespmem:s26+$0xD540]  }
0x331: {  	v4 =	vld [tilespmem:s26+$0xD550]  }
0x332: {  	[tilespmem:s26+$0x1570] =	vst.add.f32.msk $0xffff, v3  }
0x333: {  	v3 =	vld [tilespmem:s26+$0xD560]  }
0x334: {  	[tilespmem:s26+$0x100] =	vst.add.f32.msk $0xffff, v6  }
0x335: {  	[tilespmem:s26+$0x110] =	vst.add.f32.msk $0xffff, v7  }
0x336: {  	[tilespmem:s26+$0x120] =	vst.add.f32.msk $0xffff, v8  }
0x337: {  	[tilespmem:s26+$0x130] =	vst.add.f32.msk $0xffff, v9  }
0x338: {  	[tilespmem:s26+$0x140] =	vst.add.f32.msk $0xffff, v10  }
0x339: {  	[tilespmem:s26+$0x150] =	vst.add.f32.msk $0xffff, v11  }
0x33a: {  	[tilespmem:s26+$0x160] =	vst.add.f32.msk $0xffff, v12  }
0x33b: {  	[tilespmem:s26+$0x170] =	vst.add.f32.msk $0xffff, v13  }
0x33c: {  	[tilespmem:s26+$0x500] =	vst.add.f32.msk $0xffff, v14  }
0x33d: {  	[tilespmem:s26+$0x510] =	vst.add.f32.msk $0xffff, v15  }
0x33e: {  	[tilespmem:s26+$0x520] =	vst.add.f32.msk $0xffff, v16  }
0x33f: {  	[tilespmem:s26+$0x530] =	vst.add.f32.msk $0xffff, v17  }
0x340: {  	[tilespmem:s26+$0x540] =	vst.add.f32.msk $0xffff, v18  }
0x341: {  	[tilespmem:s26+$0x550] =	vst.add.f32.msk $0xffff, v19  }
0x342: {  	[tilespmem:s26+$0x560] =	vst.add.f32.msk $0xffff, v20  }
0x343: {  	[tilespmem:s26+$0x570] =	vst.add.f32.msk $0xffff, v21  }
0x344: {  	[tilespmem:s26+$0x900] =	vst.add.f32.msk $0xffff, v22  }
0x345: {  	[tilespmem:s26+$0x910] =	vst.add.f32.msk $0xffff, v23  }
0x346: {  	[tilespmem:s26+$0x920] =	vst.add.f32.msk $0xffff, v24  }
0x347: {  	[tilespmem:s26+$0x930] =	vst.add.f32.msk $0xffff, v25  }
0x348: {  	[tilespmem:s26+$0x940] =	vst.add.f32.msk $0xffff, v26  }
0x349: {  	[tilespmem:s26+$0x950] =	vst.add.f32.msk $0xffff, v27  }
0x34a: {  	[tilespmem:s26+$0x960] =	vst.add.f32.msk $0xffff, v28  }
0x34b: {  	[tilespmem:s26+$0x970] =	vst.add.f32.msk $0xffff, v29  }
0x34c: {  	[tilespmem:s26+$0xD00] =	vst.add.f32.msk $0xffff, v30  }
0x34d: {  	[tilespmem:s26+$0xD10] =	vst.add.f32.msk $0xffff, v31  }
0x34e: {  	[tilespmem:s26+$0xD20] =	vst.add.f32.msk $0xffff, v32  }
0x34f: {  	[tilespmem:s26+$0xD30] =	vst.add.f32.msk $0xffff, v33  }
0x350: {  	[tilespmem:s26+$0xD40] =	vst.add.f32.msk $0xffff, v34  }
0x351: {  	[tilespmem:s26+$0xD50] =	vst.add.f32.msk $0xffff, v35  }
0x352: {  	[tilespmem:s26+$0xD60] =	vst.add.f32.msk $0xffff, v36  }
0x353: {  	[tilespmem:s26+$0xD70] =	vst.add.f32.msk $0xffff, v37  }
0x354: {  	[tilespmem:s26+$0x1100] =	vst.add.f32.msk $0xffff, v52  }
0x355: {  	[tilespmem:s26+$0x1110] =	vst.add.f32.msk $0xffff, v53  }
0x356: {  	[tilespmem:s26+$0x1120] =	vst.add.f32.msk $0xffff, v54  }
0x357: {  	[tilespmem:s26+$0x1130] =	vst.add.f32.msk $0xffff, v55  }
0x358: {  	[tilespmem:s26+$0x1140] =	vst.add.f32.msk $0xffff, v56  }
0x359: {  	[tilespmem:s26+$0x1150] =	vst.add.f32.msk $0xffff, v57  }
0x35a: {  	[tilespmem:s26+$0x1160] =	vst.add.f32.msk $0xffff, v58  }
0x35b: {  	[tilespmem:s26+$0x1170] =	vst.add.f32.msk $0xffff, v59  }
0x35c: {  	[tilespmem:s26+$0x1500] =	vst.add.f32.msk $0xffff, v60  }
0x35d: {  	[tilespmem:s26+$0x1510] =	vst.add.f32.msk $0xffff, v61  }
0x35e: {  	[tilespmem:s26+$0x1520] =	vst.add.f32.msk $0xffff, v62  }
0x35f: {  	s29 =	simm.s32 $0x4;
	s28 =	simm.s32 $0x22;
	[tilespmem:s26+$0x1530] =	vst.add.f32.msk $0xffff, v63  }
.LBB2_6:
0x360: {  	p0 =	sne.s32 s28, $0x2F;
	s0 =	smul.u32 $0x1800, s29;
	[tilespmem:s26+$0x1540] =	vst.add.f32.msk $0xffff, v5;
	s25 =	sadd.s32 $0x80, s25  }
0x361: {  	s29 =	sand.u32 $0x380, s25;
	[tilespmem:s26+$0x1550] =	vst.add.f32.msk $0xffff, v4  }
0x362: {  	[tilespmem:s26+$0x1560] =	vst.add.f32.msk $0xffff, v3;
	s26 =	sor.u32 s29, s0  }
0x363: {  	v3 =	vld [tilespmem:s26+$0xD570]  }
0x364: {  	v6 =	vld [tilespmem:s26+$0xC100]  }
0x365: {  	v7 =	vld [tilespmem:s26+$0xC110]  }
0x366: {  	v8 =	vld [tilespmem:s26+$0xC120]  }
0x367: {  	v9 =	vld [tilespmem:s26+$0xC130]  }
0x368: {  	[tilespmem:s26+$0x1570] =	vst.add.f32.msk $0xffff, v3  }
0x369: {  	v10 =	vld [tilespmem:s26+$0xC140]  }
0x36a: {  	v11 =	vld [tilespmem:s26+$0xC150]  }
0x36b: {  	v12 =	vld [tilespmem:s26+$0xC160]  }
0x36c: {  	v13 =	vld [tilespmem:s26+$0xC170]  }
0x36d: {  	v14 =	vld [tilespmem:s26+$0xC500]  }
0x36e: {  	v15 =	vld [tilespmem:s26+$0xC510]  }
0x36f: {  	v16 =	vld [tilespmem:s26+$0xC520]  }
0x370: {  	v17 =	vld [tilespmem:s26+$0xC530]  }
0x371: {  	v18 =	vld [tilespmem:s26+$0xC540]  }
0x372: {  	v19 =	vld [tilespmem:s26+$0xC550]  }
0x373: {  	v20 =	vld [tilespmem:s26+$0xC560]  }
0x374: {  	v21 =	vld [tilespmem:s26+$0xC570]  }
0x375: {  	v22 =	vld [tilespmem:s26+$0xC900]  }
0x376: {  	v23 =	vld [tilespmem:s26+$0xC910]  }
0x377: {  	v24 =	vld [tilespmem:s26+$0xC920]  }
0x378: {  	v25 =	vld [tilespmem:s26+$0xC930]  }
0x379: {  	v26 =	vld [tilespmem:s26+$0xC940]  }
0x37a: {  	v27 =	vld [tilespmem:s26+$0xC950]  }
0x37b: {  	v28 =	vld [tilespmem:s26+$0xC960]  }
0x37c: {  	v29 =	vld [tilespmem:s26+$0xC970]  }
0x37d: {  	v30 =	vld [tilespmem:s26+$0xCD00]  }
0x37e: {  	v31 =	vld [tilespmem:s26+$0xCD10]  }
0x37f: {  	v32 =	vld [tilespmem:s26+$0xCD20]  }
0x380: {  	v33 =	vld [tilespmem:s26+$0xCD30]  }
0x381: {  	v34 =	vld [tilespmem:s26+$0xCD40]  }
0x382: {  	v35 =	vld [tilespmem:s26+$0xCD50]  }
0x383: {  	v36 =	vld [tilespmem:s26+$0xCD60]  }
0x384: {  	v37 =	vld [tilespmem:s26+$0xCD70]  }
0x385: {  	v38 =	vld [tilespmem:s26+$0xD100]  }
0x386: {  	v39 =	vld [tilespmem:s26+$0xD110]  }
0x387: {  	v40 =	vld [tilespmem:s26+$0xD120]  }
0x388: {  	v41 =	vld [tilespmem:s26+$0xD130]  }
0x389: {  	v42 =	vld [tilespmem:s26+$0xD140]  }
0x38a: {  	v43 =	vld [tilespmem:s26+$0xD150]  }
0x38b: {  	v44 =	vld [tilespmem:s26+$0xD160]  }
0x38c: {  	v45 =	vld [tilespmem:s26+$0xD170]  }
0x38d: {  	v46 =	vld [tilespmem:s26+$0xD500]  }
0x38e: {  	v47 =	vld [tilespmem:s26+$0xD510]  }
0x38f: {  	v48 =	vld [tilespmem:s26+$0xD520]  }
0x390: {  	v49 =	vld [tilespmem:s26+$0xD530]  }
0x391: {  	v5 =	vld [tilespmem:s26+$0xD540]  }
0x392: {  	v4 =	vld [tilespmem:s26+$0xD550]  }
0x393: {  	v3 =	vld [tilespmem:s26+$0xD560]  }
0x394: {  	[tilespmem:s26+$0x100] =	vst.add.f32.msk $0xffff, v6  }
0x395: {  	[tilespmem:s26+$0x110] =	vst.add.f32.msk $0xffff, v7  }
0x396: {  	[tilespmem:s26+$0x120] =	vst.add.f32.msk $0xffff, v8  }
0x397: {  	[tilespmem:s26+$0x130] =	vst.add.f32.msk $0xffff, v9  }
0x398: {  	[tilespmem:s26+$0x140] =	vst.add.f32.msk $0xffff, v10  }
0x399: {  	[tilespmem:s26+$0x150] =	vst.add.f32.msk $0xffff, v11  }
0x39a: {  	[tilespmem:s26+$0x160] =	vst.add.f32.msk $0xffff, v12  }
0x39b: {  	[tilespmem:s26+$0x170] =	vst.add.f32.msk $0xffff, v13  }
0x39c: {  	[tilespmem:s26+$0x500] =	vst.add.f32.msk $0xffff, v14  }
0x39d: {  	[tilespmem:s26+$0x510] =	vst.add.f32.msk $0xffff, v15  }
0x39e: {  	[tilespmem:s26+$0x520] =	vst.add.f32.msk $0xffff, v16  }
0x39f: {  	[tilespmem:s26+$0x530] =	vst.add.f32.msk $0xffff, v17  }
0x3a0: {  	[tilespmem:s26+$0x540] =	vst.add.f32.msk $0xffff, v18  }
0x3a1: {  	[tilespmem:s26+$0x550] =	vst.add.f32.msk $0xffff, v19  }
0x3a2: {  	[tilespmem:s26+$0x560] =	vst.add.f32.msk $0xffff, v20  }
0x3a3: {  	[tilespmem:s26+$0x570] =	vst.add.f32.msk $0xffff, v21  }
0x3a4: {  	[tilespmem:s26+$0x900] =	vst.add.f32.msk $0xffff, v22  }
0x3a5: {  	[tilespmem:s26+$0x910] =	vst.add.f32.msk $0xffff, v23  }
0x3a6: {  	[tilespmem:s26+$0x920] =	vst.add.f32.msk $0xffff, v24  }
0x3a7: {  	[tilespmem:s26+$0x930] =	vst.add.f32.msk $0xffff, v25  }
0x3a8: {  	[tilespmem:s26+$0x940] =	vst.add.f32.msk $0xffff, v26  }
0x3a9: {  	[tilespmem:s26+$0x950] =	vst.add.f32.msk $0xffff, v27  }
0x3aa: {  	[tilespmem:s26+$0x960] =	vst.add.f32.msk $0xffff, v28  }
0x3ab: {  	[tilespmem:s26+$0x970] =	vst.add.f32.msk $0xffff, v29  }
0x3ac: {  	[tilespmem:s26+$0xD00] =	vst.add.f32.msk $0xffff, v30  }
0x3ad: {  	[tilespmem:s26+$0xD10] =	vst.add.f32.msk $0xffff, v31  }
0x3ae: {  	[tilespmem:s26+$0xD20] =	vst.add.f32.msk $0xffff, v32  }
0x3af: {  	[tilespmem:s26+$0xD30] =	vst.add.f32.msk $0xffff, v33  }
0x3b0: {  	[tilespmem:s26+$0xD40] =	vst.add.f32.msk $0xffff, v34  }
0x3b1: {  	[tilespmem:s26+$0xD50] =	vst.add.f32.msk $0xffff, v35  }
0x3b2: {  	[tilespmem:s26+$0xD60] =	vst.add.f32.msk $0xffff, v36  }
0x3b3: {  	[tilespmem:s26+$0xD70] =	vst.add.f32.msk $0xffff, v37  }
0x3b4: {  	[tilespmem:s26+$0x1100] =	vst.add.f32.msk $0xffff, v38  }
0x3b5: {  	[tilespmem:s26+$0x1110] =	vst.add.f32.msk $0xffff, v39  }
0x3b6: {  	[tilespmem:s26+$0x1120] =	vst.add.f32.msk $0xffff, v40  }
0x3b7: {  	[tilespmem:s26+$0x1130] =	vst.add.f32.msk $0xffff, v41  }
0x3b8: {  	[tilespmem:s26+$0x1140] =	vst.add.f32.msk $0xffff, v42  }
0x3b9: {  	[tilespmem:s26+$0x1150] =	vst.add.f32.msk $0xffff, v43  }
0x3ba: {  	[tilespmem:s26+$0x1160] =	vst.add.f32.msk $0xffff, v44  }
.Ltmp2:
0x3bb: {  	[tilespmem:s26+$0x1170] =	vst.add.f32.msk $0xffff, v45;
	(pc) =	sbr.rel @p0 .LBB2_6-.Ltmp2, $4  }
0x3bc: {  	[tilespmem:s26+$0x1500] =	vst.add.f32.msk $0xffff, v46  }
0x3bd: {  	[tilespmem:s26+$0x1510] =	vst.add.f32.msk $0xffff, v47  }
0x3be: {  	[tilespmem:s26+$0x1520] =	vst.add.f32.msk $0xffff, v48  }
0x3bf: {  	s29 =	sshrl.u32 s28, $0x3;
	s28 =	sadd.s32 $0x1, s28;
	[tilespmem:s26+$0x1530] =	vst.add.f32.msk $0xffff, v49  }
0x3c0: {  	s0 =	smul.u32 $0x1800, s29;
	[tilespmem:s26+$0x1540] =	vst.add.f32.msk $0xffff, v5;
	s25 =	sadd.s32 $0x80, s25  }
0x3c1: {  	[tilespmem:s26+$0x1550] =	vst.add.f32.msk $0xffff, v4;
	s25 =	sand.u32 $0x380, s25  }
0x3c2: {  	[tilespmem:s26+$0x1560] =	vst.add.f32.msk $0xffff, v3;
	s25 =	sor.u32 s25, s0  }
0x3c3: {  	v3 =	vld [tilespmem:s25+$0xD570]  }
0x3c4: {  	v4 =	vld [tilespmem:s25+$0xC100]  }
0x3c5: {  	v5 =	vld [tilespmem:s25+$0xC110]  }
0x3c6: {  	v6 =	vld [tilespmem:s25+$0xC120]  }
0x3c7: {  	v7 =	vld [tilespmem:s25+$0xC130]  }
0x3c8: {  	v8 =	vld [tilespmem:s25+$0xC150]  }
0x3c9: {  	v9 =	vld [tilespmem:s25+$0xC160]  }
0x3ca: {  	v10 =	vld [tilespmem:s25+$0xC170]  }
0x3cb: {  	v11 =	vld [tilespmem:s25+$0xC500]  }
0x3cc: {  	v12 =	vld [tilespmem:s25+$0xC510]  }
0x3cd: {  	v13 =	vld [tilespmem:s25+$0xC520]  }
0x3ce: {  	v14 =	vld [tilespmem:s25+$0xC530]  }
0x3cf: {  	v15 =	vld [tilespmem:s25+$0xC540]  }
0x3d0: {  	v16 =	vld [tilespmem:s25+$0xC550]  }
0x3d1: {  	v17 =	vld [tilespmem:s25+$0xC560]  }
0x3d2: {  	v18 =	vld [tilespmem:s25+$0xC570]  }
0x3d3: {  	v19 =	vld [tilespmem:s25+$0xC900]  }
0x3d4: {  	v20 =	vld [tilespmem:s25+$0xC910]  }
0x3d5: {  	v21 =	vld [tilespmem:s25+$0xC920]  }
0x3d6: {  	v22 =	vld [tilespmem:s25+$0xC930]  }
0x3d7: {  	v23 =	vld [tilespmem:s25+$0xC940]  }
0x3d8: {  	v24 =	vld [tilespmem:s25+$0xC950]  }
0x3d9: {  	v25 =	vld [tilespmem:s25+$0xC960]  }
0x3da: {  	v26 =	vld [tilespmem:s25+$0xC970]  }
0x3db: {  	v27 =	vld [tilespmem:s25+$0xCD00]  }
0x3dc: {  	v28 =	vld [tilespmem:s25+$0xCD10]  }
0x3dd: {  	v29 =	vld [tilespmem:s25+$0xCD20]  }
0x3de: {  	v30 =	vld [tilespmem:s25+$0xCD30]  }
0x3df: {  	v31 =	vld [tilespmem:s25+$0xCD40]  }
0x3e0: {  	v32 =	vld [tilespmem:s25+$0xCD50]  }
0x3e1: {  	v33 =	vld [tilespmem:s25+$0xCD60]  }
0x3e2: {  	v34 =	vld [tilespmem:s25+$0xCD70]  }
0x3e3: {  	v35 =	vld [tilespmem:s25+$0xD100]  }
0x3e4: {  	v36 =	vld [tilespmem:s25+$0xD110]  }
0x3e5: {  	v37 =	vld [tilespmem:s25+$0xD120]  }
0x3e6: {  	v38 =	vld [tilespmem:s25+$0xD130]  }
0x3e7: {  	v39 =	vld [tilespmem:s25+$0xD140]  }
0x3e8: {  	v40 =	vld [tilespmem:s25+$0xD150]  }
0x3e9: {  	v41 =	vld [tilespmem:s25+$0xD160]  }
0x3ea: {  	v42 =	vld [tilespmem:s25+$0xD170]  }
0x3eb: {  	v43 =	vld [tilespmem:s25+$0xD500]  }
0x3ec: {  	v44 =	vld [tilespmem:s25+$0xD510]  }
0x3ed: {  	v45 =	vld [tilespmem:s25+$0xD520]  }
0x3ee: {  	v46 =	vld [tilespmem:s25+$0xD530]  }
0x3ef: {  	v47 =	vld [tilespmem:s25+$0xD540]  }
0x3f0: {  	v48 =	vld [tilespmem:s25+$0xD550]  }
0x3f1: {  	v49 =	vld [tilespmem:s25+$0xD560]  }
0x3f2: {  	[tilespmem:s25+$0x1570] =	vst.add.f32.msk $0xffff, v3  }
0x3f3: {  	v3 =	vld [tilespmem:s25+$0xC140]  }
0x3f4: {  	[tilespmem:s25+$0x100] =	vst.add.f32.msk $0xffff, v4  }
0x3f5: {  	[tilespmem:s25+$0x110] =	vst.add.f32.msk $0xffff, v5  }
0x3f6: {  	[tilespmem:s25+$0x120] =	vst.add.f32.msk $0xffff, v6  }
0x3f7: {  	[tilespmem:s25+$0x130] =	vst.add.f32.msk $0xffff, v7  }
0x3f8: {  	[tilespmem:s25+$0x150] =	vst.add.f32.msk $0xffff, v8  }
0x3f9: {  	[tilespmem:s25+$0x160] =	vst.add.f32.msk $0xffff, v9  }
0x3fa: {  	[tilespmem:s25+$0x170] =	vst.add.f32.msk $0xffff, v10  }
0x3fb: {  	[tilespmem:s25+$0x500] =	vst.add.f32.msk $0xffff, v11  }
0x3fc: {  	[tilespmem:s25+$0x510] =	vst.add.f32.msk $0xffff, v12  }
0x3fd: {  	[tilespmem:s25+$0x520] =	vst.add.f32.msk $0xffff, v13  }
0x3fe: {  	[tilespmem:s25+$0x530] =	vst.add.f32.msk $0xffff, v14  }
0x3ff: {  	[tilespmem:s25+$0x540] =	vst.add.f32.msk $0xffff, v15  }
0x400: {  	[tilespmem:s25+$0x550] =	vst.add.f32.msk $0xffff, v16  }
0x401: {  	[tilespmem:s25+$0x560] =	vst.add.f32.msk $0xffff, v17  }
0x402: {  	[tilespmem:s25+$0x570] =	vst.add.f32.msk $0xffff, v18  }
0x403: {  	[tilespmem:s25+$0x900] =	vst.add.f32.msk $0xffff, v19  }
0x404: {  	[tilespmem:s25+$0x910] =	vst.add.f32.msk $0xffff, v20  }
0x405: {  	[tilespmem:s25+$0x920] =	vst.add.f32.msk $0xffff, v21  }
0x406: {  	[tilespmem:s25+$0x930] =	vst.add.f32.msk $0xffff, v22  }
0x407: {  	[tilespmem:s25+$0x940] =	vst.add.f32.msk $0xffff, v23  }
0x408: {  	[tilespmem:s25+$0x950] =	vst.add.f32.msk $0xffff, v24  }
0x409: {  	[tilespmem:s25+$0x960] =	vst.add.f32.msk $0xffff, v25  }
0x40a: {  	[tilespmem:s25+$0x970] =	vst.add.f32.msk $0xffff, v26  }
0x40b: {  	[tilespmem:s25+$0xD00] =	vst.add.f32.msk $0xffff, v27  }
0x40c: {  	[tilespmem:s25+$0xD10] =	vst.add.f32.msk $0xffff, v28  }
0x40d: {  	[tilespmem:s25+$0xD20] =	vst.add.f32.msk $0xffff, v29  }
0x40e: {  	[tilespmem:s25+$0xD30] =	vst.add.f32.msk $0xffff, v30  }
0x40f: {  	[tilespmem:s25+$0xD40] =	vst.add.f32.msk $0xffff, v31  }
0x410: {  	[tilespmem:s25+$0xD50] =	vst.add.f32.msk $0xffff, v32  }
0x411: {  	[tilespmem:s25+$0xD60] =	vst.add.f32.msk $0xffff, v33  }
0x412: {  	[tilespmem:s25+$0xD70] =	vst.add.f32.msk $0xffff, v34  }
0x413: {  	[tilespmem:s25+$0x1100] =	vst.add.f32.msk $0xffff, v35  }
0x414: {  	[tilespmem:s25+$0x1110] =	vst.add.f32.msk $0xffff, v36  }
0x415: {  	[tilespmem:s25+$0x1120] =	vst.add.f32.msk $0xffff, v37  }
0x416: {  	[tilespmem:s25+$0x1130] =	vst.add.f32.msk $0xffff, v38  }
0x417: {  	[tilespmem:s25+$0x1140] =	vst.add.f32.msk $0xffff, v39  }
0x418: {  	[tilespmem:s25+$0x1150] =	vst.add.f32.msk $0xffff, v40  }
0x419: {  	[tilespmem:s25+$0x1160] =	vst.add.f32.msk $0xffff, v41  }
0x41a: {  	[tilespmem:s25+$0x1170] =	vst.add.f32.msk $0xffff, v42  }
0x41b: {  	[tilespmem:s25+$0x1500] =	vst.add.f32.msk $0xffff, v43  }
0x41c: {  	[tilespmem:s25+$0x1510] =	vst.add.f32.msk $0xffff, v44  }
0x41d: {  	[tilespmem:s25+$0x1520] =	vst.add.f32.msk $0xffff, v45  }
0x41e: {  	[tilespmem:s25+$0x1530] =	vst.add.f32.msk $0xffff, v46  }
0x41f: {  	[tilespmem:s25+$0x1540] =	vst.add.f32.msk $0xffff, v47  }
0x420: {  	[tilespmem:s25+$0x1550] =	vst.add.f32.msk $0xffff, v48  }
0x421: {  	[tilespmem:s25+$0x1560] =	vst.add.f32.msk $0xffff, v49  }
0x422: {  	[tilespmem:s25+$0x140] =	vst.add.f32.msk $0xffff, v3  }
0x423: {  	_ =	swait.ge [sflag:s30], $0x3000  }
0x424: {  	[sflag:s30] =	ssyncset.done $0x0  }
0x425: {  	s26 =	simm.s32 $0x6;
	[sflag:s30] =	ssyncadd.s32 $0xFFFFD000  }
0x426: {  	s0 =	smul.u32 $0x1800, s26;
	s25 =	simm.s32 $0x1800;
	_ =	swait.ge [sflag:s31], $0x3000  }
0x427: {  	s26 =	sand.u32 $0x380, s25;
	[sflag:s31] =	ssyncset.done $0x0  }
0x428: {  	s26 =	sor.u32 s26, s0;
	[sflag:s31] =	ssyncadd.s32 $0xFFFFD000  }
0x429: {  	v3 =	vld [tilespmem:s26+$0xD570]  }
0x42a: {  	v6 =	vld [tilespmem:s26+$0xC100]  }
0x42b: {  	v7 =	vld [tilespmem:s26+$0xC110]  }
0x42c: {  	v8 =	vld [tilespmem:s26+$0xC120]  }
0x42d: {  	v9 =	vld [tilespmem:s26+$0xC130]  }
0x42e: {  	v10 =	vld [tilespmem:s26+$0xC140]  }
0x42f: {  	v11 =	vld [tilespmem:s26+$0xC150]  }
0x430: {  	v12 =	vld [tilespmem:s26+$0xC160]  }
0x431: {  	v13 =	vld [tilespmem:s26+$0xC170]  }
0x432: {  	v14 =	vld [tilespmem:s26+$0xC500]  }
0x433: {  	v15 =	vld [tilespmem:s26+$0xC510]  }
0x434: {  	v16 =	vld [tilespmem:s26+$0xC520]  }
0x435: {  	v17 =	vld [tilespmem:s26+$0xC530]  }
0x436: {  	v18 =	vld [tilespmem:s26+$0xC540]  }
0x437: {  	v19 =	vld [tilespmem:s26+$0xC550]  }
0x438: {  	v20 =	vld [tilespmem:s26+$0xC560]  }
0x439: {  	v21 =	vld [tilespmem:s26+$0xC570]  }
0x43a: {  	v22 =	vld [tilespmem:s26+$0xC900]  }
0x43b: {  	v23 =	vld [tilespmem:s26+$0xC910]  }
0x43c: {  	v24 =	vld [tilespmem:s26+$0xC920]  }
0x43d: {  	v25 =	vld [tilespmem:s26+$0xC930]  }
0x43e: {  	v26 =	vld [tilespmem:s26+$0xC940]  }
0x43f: {  	v27 =	vld [tilespmem:s26+$0xC950]  }
0x440: {  	v28 =	vld [tilespmem:s26+$0xC960]  }
0x441: {  	v29 =	vld [tilespmem:s26+$0xC970]  }
0x442: {  	v30 =	vld [tilespmem:s26+$0xCD00]  }
0x443: {  	v31 =	vld [tilespmem:s26+$0xCD10]  }
0x444: {  	v32 =	vld [tilespmem:s26+$0xCD20]  }
0x445: {  	v33 =	vld [tilespmem:s26+$0xCD30]  }
0x446: {  	v34 =	vld [tilespmem:s26+$0xCD40]  }
0x447: {  	v35 =	vld [tilespmem:s26+$0xCD50]  }
0x448: {  	v36 =	vld [tilespmem:s26+$0xCD60]  }
0x449: {  	v37 =	vld [tilespmem:s26+$0xCD70]  }
0x44a: {  	v52 =	vld [tilespmem:s26+$0xD100]  }
0x44b: {  	v53 =	vld [tilespmem:s26+$0xD110]  }
0x44c: {  	v54 =	vld [tilespmem:s26+$0xD120]  }
0x44d: {  	v55 =	vld [tilespmem:s26+$0xD130]  }
0x44e: {  	v56 =	vld [tilespmem:s26+$0xD140]  }
0x44f: {  	v57 =	vld [tilespmem:s26+$0xD150]  }
0x450: {  	v58 =	vld [tilespmem:s26+$0xD160]  }
0x451: {  	v59 =	vld [tilespmem:s26+$0xD170]  }
0x452: {  	v60 =	vld [tilespmem:s26+$0xD500]  }
0x453: {  	v61 =	vld [tilespmem:s26+$0xD510]  }
0x454: {  	v62 =	vld [tilespmem:s26+$0xD520]  }
0x455: {  	v63 =	vld [tilespmem:s26+$0xD530]  }
0x456: {  	v5 =	vld [tilespmem:s26+$0xD540]  }
0x457: {  	v4 =	vld [tilespmem:s26+$0xD550]  }
0x458: {  	[tilespmem:s26+$0x1570] =	vst.add.f32.msk $0xffff, v3  }
0x459: {  	v3 =	vld [tilespmem:s26+$0xD560]  }
0x45a: {  	[tilespmem:s26+$0x100] =	vst.add.f32.msk $0xffff, v6  }
0x45b: {  	[tilespmem:s26+$0x110] =	vst.add.f32.msk $0xffff, v7  }
0x45c: {  	[tilespmem:s26+$0x120] =	vst.add.f32.msk $0xffff, v8  }
0x45d: {  	[tilespmem:s26+$0x130] =	vst.add.f32.msk $0xffff, v9  }
0x45e: {  	[tilespmem:s26+$0x140] =	vst.add.f32.msk $0xffff, v10  }
0x45f: {  	[tilespmem:s26+$0x150] =	vst.add.f32.msk $0xffff, v11  }
0x460: {  	[tilespmem:s26+$0x160] =	vst.add.f32.msk $0xffff, v12  }
0x461: {  	[tilespmem:s26+$0x170] =	vst.add.f32.msk $0xffff, v13  }
0x462: {  	[tilespmem:s26+$0x500] =	vst.add.f32.msk $0xffff, v14  }
0x463: {  	[tilespmem:s26+$0x510] =	vst.add.f32.msk $0xffff, v15  }
0x464: {  	[tilespmem:s26+$0x520] =	vst.add.f32.msk $0xffff, v16  }
0x465: {  	[tilespmem:s26+$0x530] =	vst.add.f32.msk $0xffff, v17  }
0x466: {  	[tilespmem:s26+$0x540] =	vst.add.f32.msk $0xffff, v18  }
0x467: {  	[tilespmem:s26+$0x550] =	vst.add.f32.msk $0xffff, v19  }
0x468: {  	[tilespmem:s26+$0x560] =	vst.add.f32.msk $0xffff, v20  }
0x469: {  	[tilespmem:s26+$0x570] =	vst.add.f32.msk $0xffff, v21  }
0x46a: {  	[tilespmem:s26+$0x900] =	vst.add.f32.msk $0xffff, v22  }
0x46b: {  	[tilespmem:s26+$0x910] =	vst.add.f32.msk $0xffff, v23  }
0x46c: {  	[tilespmem:s26+$0x920] =	vst.add.f32.msk $0xffff, v24  }
0x46d: {  	[tilespmem:s26+$0x930] =	vst.add.f32.msk $0xffff, v25  }
0x46e: {  	[tilespmem:s26+$0x940] =	vst.add.f32.msk $0xffff, v26  }
0x46f: {  	[tilespmem:s26+$0x950] =	vst.add.f32.msk $0xffff, v27  }
0x470: {  	[tilespmem:s26+$0x960] =	vst.add.f32.msk $0xffff, v28  }
0x471: {  	[tilespmem:s26+$0x970] =	vst.add.f32.msk $0xffff, v29  }
0x472: {  	[tilespmem:s26+$0xD00] =	vst.add.f32.msk $0xffff, v30  }
0x473: {  	[tilespmem:s26+$0xD10] =	vst.add.f32.msk $0xffff, v31  }
0x474: {  	[tilespmem:s26+$0xD20] =	vst.add.f32.msk $0xffff, v32  }
0x475: {  	[tilespmem:s26+$0xD30] =	vst.add.f32.msk $0xffff, v33  }
0x476: {  	[tilespmem:s26+$0xD40] =	vst.add.f32.msk $0xffff, v34  }
0x477: {  	[tilespmem:s26+$0xD50] =	vst.add.f32.msk $0xffff, v35  }
0x478: {  	[tilespmem:s26+$0xD60] =	vst.add.f32.msk $0xffff, v36  }
0x479: {  	[tilespmem:s26+$0xD70] =	vst.add.f32.msk $0xffff, v37  }
0x47a: {  	[tilespmem:s26+$0x1100] =	vst.add.f32.msk $0xffff, v52  }
0x47b: {  	[tilespmem:s26+$0x1110] =	vst.add.f32.msk $0xffff, v53  }
0x47c: {  	[tilespmem:s26+$0x1120] =	vst.add.f32.msk $0xffff, v54  }
0x47d: {  	[tilespmem:s26+$0x1130] =	vst.add.f32.msk $0xffff, v55  }
0x47e: {  	[tilespmem:s26+$0x1140] =	vst.add.f32.msk $0xffff, v56  }
0x47f: {  	[tilespmem:s26+$0x1150] =	vst.add.f32.msk $0xffff, v57  }
0x480: {  	[tilespmem:s26+$0x1160] =	vst.add.f32.msk $0xffff, v58  }
0x481: {  	[tilespmem:s26+$0x1170] =	vst.add.f32.msk $0xffff, v59  }
0x482: {  	[tilespmem:s26+$0x1500] =	vst.add.f32.msk $0xffff, v60  }
0x483: {  	[tilespmem:s26+$0x1510] =	vst.add.f32.msk $0xffff, v61  }
0x484: {  	[tilespmem:s26+$0x1520] =	vst.add.f32.msk $0xffff, v62  }
0x485: {  	s29 =	simm.s32 $0x6;
	s28 =	simm.s32 $0x32;
	[tilespmem:s26+$0x1530] =	vst.add.f32.msk $0xffff, v63  }
.LBB2_8:
0x486: {  	p0 =	sne.s32 s28, $0x3F;
	s0 =	smul.u32 $0x1800, s29;
	[tilespmem:s26+$0x1540] =	vst.add.f32.msk $0xffff, v5;
	s25 =	sadd.s32 $0x80, s25  }
0x487: {  	s29 =	sand.u32 $0x380, s25;
	[tilespmem:s26+$0x1550] =	vst.add.f32.msk $0xffff, v4  }
0x488: {  	[tilespmem:s26+$0x1560] =	vst.add.f32.msk $0xffff, v3;
	s26 =	sor.u32 s29, s0  }
0x489: {  	v3 =	vld [tilespmem:s26+$0xD570]  }
0x48a: {  	v6 =	vld [tilespmem:s26+$0xC100]  }
0x48b: {  	v7 =	vld [tilespmem:s26+$0xC110]  }
0x48c: {  	v8 =	vld [tilespmem:s26+$0xC120]  }
0x48d: {  	v9 =	vld [tilespmem:s26+$0xC130]  }
0x48e: {  	[tilespmem:s26+$0x1570] =	vst.add.f32.msk $0xffff, v3  }
0x48f: {  	v10 =	vld [tilespmem:s26+$0xC140]  }
0x490: {  	v11 =	vld [tilespmem:s26+$0xC150]  }
0x491: {  	v12 =	vld [tilespmem:s26+$0xC160]  }
0x492: {  	v13 =	vld [tilespmem:s26+$0xC170]  }
0x493: {  	v14 =	vld [tilespmem:s26+$0xC500]  }
0x494: {  	v15 =	vld [tilespmem:s26+$0xC510]  }
0x495: {  	v16 =	vld [tilespmem:s26+$0xC520]  }
0x496: {  	v17 =	vld [tilespmem:s26+$0xC530]  }
0x497: {  	v18 =	vld [tilespmem:s26+$0xC540]  }
0x498: {  	v19 =	vld [tilespmem:s26+$0xC550]  }
0x499: {  	v20 =	vld [tilespmem:s26+$0xC560]  }
0x49a: {  	v21 =	vld [tilespmem:s26+$0xC570]  }
0x49b: {  	v22 =	vld [tilespmem:s26+$0xC900]  }
0x49c: {  	v23 =	vld [tilespmem:s26+$0xC910]  }
0x49d: {  	v24 =	vld [tilespmem:s26+$0xC920]  }
0x49e: {  	v25 =	vld [tilespmem:s26+$0xC930]  }
0x49f: {  	v26 =	vld [tilespmem:s26+$0xC940]  }
0x4a0: {  	v27 =	vld [tilespmem:s26+$0xC950]  }
0x4a1: {  	v28 =	vld [tilespmem:s26+$0xC960]  }
0x4a2: {  	v29 =	vld [tilespmem:s26+$0xC970]  }
0x4a3: {  	v30 =	vld [tilespmem:s26+$0xCD00]  }
0x4a4: {  	v31 =	vld [tilespmem:s26+$0xCD10]  }
0x4a5: {  	v32 =	vld [tilespmem:s26+$0xCD20]  }
0x4a6: {  	v33 =	vld [tilespmem:s26+$0xCD30]  }
0x4a7: {  	v34 =	vld [tilespmem:s26+$0xCD40]  }
0x4a8: {  	v35 =	vld [tilespmem:s26+$0xCD50]  }
0x4a9: {  	v36 =	vld [tilespmem:s26+$0xCD60]  }
0x4aa: {  	v37 =	vld [tilespmem:s26+$0xCD70]  }
0x4ab: {  	v38 =	vld [tilespmem:s26+$0xD100]  }
0x4ac: {  	v39 =	vld [tilespmem:s26+$0xD110]  }
0x4ad: {  	v40 =	vld [tilespmem:s26+$0xD120]  }
0x4ae: {  	v41 =	vld [tilespmem:s26+$0xD130]  }
0x4af: {  	v42 =	vld [tilespmem:s26+$0xD140]  }
0x4b0: {  	v43 =	vld [tilespmem:s26+$0xD150]  }
0x4b1: {  	v44 =	vld [tilespmem:s26+$0xD160]  }
0x4b2: {  	v45 =	vld [tilespmem:s26+$0xD170]  }
0x4b3: {  	v46 =	vld [tilespmem:s26+$0xD500]  }
0x4b4: {  	v47 =	vld [tilespmem:s26+$0xD510]  }
0x4b5: {  	v48 =	vld [tilespmem:s26+$0xD520]  }
0x4b6: {  	v49 =	vld [tilespmem:s26+$0xD530]  }
0x4b7: {  	v5 =	vld [tilespmem:s26+$0xD540]  }
0x4b8: {  	v4 =	vld [tilespmem:s26+$0xD550]  }
0x4b9: {  	v3 =	vld [tilespmem:s26+$0xD560]  }
0x4ba: {  	[tilespmem:s26+$0x100] =	vst.add.f32.msk $0xffff, v6  }
0x4bb: {  	[tilespmem:s26+$0x110] =	vst.add.f32.msk $0xffff, v7  }
0x4bc: {  	[tilespmem:s26+$0x120] =	vst.add.f32.msk $0xffff, v8  }
0x4bd: {  	[tilespmem:s26+$0x130] =	vst.add.f32.msk $0xffff, v9  }
0x4be: {  	[tilespmem:s26+$0x140] =	vst.add.f32.msk $0xffff, v10  }
0x4bf: {  	[tilespmem:s26+$0x150] =	vst.add.f32.msk $0xffff, v11  }
0x4c0: {  	[tilespmem:s26+$0x160] =	vst.add.f32.msk $0xffff, v12  }
0x4c1: {  	[tilespmem:s26+$0x170] =	vst.add.f32.msk $0xffff, v13  }
0x4c2: {  	[tilespmem:s26+$0x500] =	vst.add.f32.msk $0xffff, v14  }
0x4c3: {  	[tilespmem:s26+$0x510] =	vst.add.f32.msk $0xffff, v15  }
0x4c4: {  	[tilespmem:s26+$0x520] =	vst.add.f32.msk $0xffff, v16  }
0x4c5: {  	[tilespmem:s26+$0x530] =	vst.add.f32.msk $0xffff, v17  }
0x4c6: {  	[tilespmem:s26+$0x540] =	vst.add.f32.msk $0xffff, v18  }
0x4c7: {  	[tilespmem:s26+$0x550] =	vst.add.f32.msk $0xffff, v19  }
0x4c8: {  	[tilespmem:s26+$0x560] =	vst.add.f32.msk $0xffff, v20  }
0x4c9: {  	[tilespmem:s26+$0x570] =	vst.add.f32.msk $0xffff, v21  }
0x4ca: {  	[tilespmem:s26+$0x900] =	vst.add.f32.msk $0xffff, v22  }
0x4cb: {  	[tilespmem:s26+$0x910] =	vst.add.f32.msk $0xffff, v23  }
0x4cc: {  	[tilespmem:s26+$0x920] =	vst.add.f32.msk $0xffff, v24  }
0x4cd: {  	[tilespmem:s26+$0x930] =	vst.add.f32.msk $0xffff, v25  }
0x4ce: {  	[tilespmem:s26+$0x940] =	vst.add.f32.msk $0xffff, v26  }
0x4cf: {  	[tilespmem:s26+$0x950] =	vst.add.f32.msk $0xffff, v27  }
0x4d0: {  	[tilespmem:s26+$0x960] =	vst.add.f32.msk $0xffff, v28  }
0x4d1: {  	[tilespmem:s26+$0x970] =	vst.add.f32.msk $0xffff, v29  }
0x4d2: {  	[tilespmem:s26+$0xD00] =	vst.add.f32.msk $0xffff, v30  }
0x4d3: {  	[tilespmem:s26+$0xD10] =	vst.add.f32.msk $0xffff, v31  }
0x4d4: {  	[tilespmem:s26+$0xD20] =	vst.add.f32.msk $0xffff, v32  }
0x4d5: {  	[tilespmem:s26+$0xD30] =	vst.add.f32.msk $0xffff, v33  }
0x4d6: {  	[tilespmem:s26+$0xD40] =	vst.add.f32.msk $0xffff, v34  }
0x4d7: {  	[tilespmem:s26+$0xD50] =	vst.add.f32.msk $0xffff, v35  }
0x4d8: {  	[tilespmem:s26+$0xD60] =	vst.add.f32.msk $0xffff, v36  }
0x4d9: {  	[tilespmem:s26+$0xD70] =	vst.add.f32.msk $0xffff, v37  }
0x4da: {  	[tilespmem:s26+$0x1100] =	vst.add.f32.msk $0xffff, v38  }
0x4db: {  	[tilespmem:s26+$0x1110] =	vst.add.f32.msk $0xffff, v39  }
0x4dc: {  	[tilespmem:s26+$0x1120] =	vst.add.f32.msk $0xffff, v40  }
0x4dd: {  	[tilespmem:s26+$0x1130] =	vst.add.f32.msk $0xffff, v41  }
0x4de: {  	[tilespmem:s26+$0x1140] =	vst.add.f32.msk $0xffff, v42  }
0x4df: {  	[tilespmem:s26+$0x1150] =	vst.add.f32.msk $0xffff, v43  }
0x4e0: {  	[tilespmem:s26+$0x1160] =	vst.add.f32.msk $0xffff, v44  }
.Ltmp3:
0x4e1: {  	[tilespmem:s26+$0x1170] =	vst.add.f32.msk $0xffff, v45;
	(pc) =	sbr.rel @p0 .LBB2_8-.Ltmp3, $4  }
0x4e2: {  	[tilespmem:s26+$0x1500] =	vst.add.f32.msk $0xffff, v46  }
0x4e3: {  	[tilespmem:s26+$0x1510] =	vst.add.f32.msk $0xffff, v47  }
0x4e4: {  	[tilespmem:s26+$0x1520] =	vst.add.f32.msk $0xffff, v48  }
0x4e5: {  	s29 =	sshrl.u32 s28, $0x3;
	s28 =	sadd.s32 $0x1, s28;
	[tilespmem:s26+$0x1530] =	vst.add.f32.msk $0xffff, v49  }
0x4e6: {  	s0 =	smul.u32 $0x1800, s29;
	[tilespmem:s26+$0x1540] =	vst.add.f32.msk $0xffff, v5;
	s25 =	sadd.s32 $0x80, s25  }
0x4e7: {  	[tilespmem:s26+$0x1550] =	vst.add.f32.msk $0xffff, v4;
	s25 =	sand.u32 $0x380, s25  }
0x4e8: {  	[tilespmem:s26+$0x1560] =	vst.add.f32.msk $0xffff, v3;
	s25 =	sor.u32 s25, s0  }
0x4e9: {  	v3 =	vld [tilespmem:s25+$0xD570]  }
0x4ea: {  	v4 =	vld [tilespmem:s25+$0xC100]  }
0x4eb: {  	v5 =	vld [tilespmem:s25+$0xC110]  }
0x4ec: {  	v6 =	vld [tilespmem:s25+$0xC120]  }
0x4ed: {  	v7 =	vld [tilespmem:s25+$0xC130]  }
0x4ee: {  	v8 =	vld [tilespmem:s25+$0xC150]  }
0x4ef: {  	v9 =	vld [tilespmem:s25+$0xC160]  }
0x4f0: {  	v10 =	vld [tilespmem:s25+$0xC170]  }
0x4f1: {  	v11 =	vld [tilespmem:s25+$0xC500]  }
0x4f2: {  	v12 =	vld [tilespmem:s25+$0xC510]  }
0x4f3: {  	v13 =	vld [tilespmem:s25+$0xC520]  }
0x4f4: {  	v14 =	vld [tilespmem:s25+$0xC530]  }
0x4f5: {  	v15 =	vld [tilespmem:s25+$0xC540]  }
0x4f6: {  	v16 =	vld [tilespmem:s25+$0xC550]  }
0x4f7: {  	v17 =	vld [tilespmem:s25+$0xC560]  }
0x4f8: {  	v18 =	vld [tilespmem:s25+$0xC570]  }
0x4f9: {  	v19 =	vld [tilespmem:s25+$0xC900]  }
0x4fa: {  	v20 =	vld [tilespmem:s25+$0xC910]  }
0x4fb: {  	v21 =	vld [tilespmem:s25+$0xC920]  }
0x4fc: {  	v22 =	vld [tilespmem:s25+$0xC930]  }
0x4fd: {  	v23 =	vld [tilespmem:s25+$0xC940]  }
0x4fe: {  	v24 =	vld [tilespmem:s25+$0xC950]  }
0x4ff: {  	v25 =	vld [tilespmem:s25+$0xC960]  }
0x500: {  	v26 =	vld [tilespmem:s25+$0xC970]  }
0x501: {  	v27 =	vld [tilespmem:s25+$0xCD00]  }
0x502: {  	v28 =	vld [tilespmem:s25+$0xCD10]  }
0x503: {  	v29 =	vld [tilespmem:s25+$0xCD20]  }
0x504: {  	v30 =	vld [tilespmem:s25+$0xCD30]  }
0x505: {  	v31 =	vld [tilespmem:s25+$0xCD40]  }
0x506: {  	v32 =	vld [tilespmem:s25+$0xCD50]  }
0x507: {  	v33 =	vld [tilespmem:s25+$0xCD60]  }
0x508: {  	v34 =	vld [tilespmem:s25+$0xCD70]  }
0x509: {  	v35 =	vld [tilespmem:s25+$0xD100]  }
0x50a: {  	v36 =	vld [tilespmem:s25+$0xD110]  }
0x50b: {  	v37 =	vld [tilespmem:s25+$0xD120]  }
0x50c: {  	v38 =	vld [tilespmem:s25+$0xD130]  }
0x50d: {  	v39 =	vld [tilespmem:s25+$0xD140]  }
0x50e: {  	v40 =	vld [tilespmem:s25+$0xD150]  }
0x50f: {  	v41 =	vld [tilespmem:s25+$0xD160]  }
0x510: {  	v42 =	vld [tilespmem:s25+$0xD170]  }
0x511: {  	v43 =	vld [tilespmem:s25+$0xD500]  }
0x512: {  	v44 =	vld [tilespmem:s25+$0xD510]  }
0x513: {  	v45 =	vld [tilespmem:s25+$0xD520]  }
0x514: {  	v46 =	vld [tilespmem:s25+$0xD530]  }
0x515: {  	v47 =	vld [tilespmem:s25+$0xD540]  }
0x516: {  	v48 =	vld [tilespmem:s25+$0xD550]  }
0x517: {  	v49 =	vld [tilespmem:s25+$0xD560]  }
0x518: {  	[tilespmem:s25+$0x1570] =	vst.add.f32.msk $0xffff, v3  }
0x519: {  	v3 =	vld [tilespmem:s25+$0xC140]  }
0x51a: {  	[tilespmem:s25+$0x100] =	vst.add.f32.msk $0xffff, v4  }
0x51b: {  	[tilespmem:s25+$0x110] =	vst.add.f32.msk $0xffff, v5  }
0x51c: {  	[tilespmem:s25+$0x120] =	vst.add.f32.msk $0xffff, v6  }
0x51d: {  	[tilespmem:s25+$0x130] =	vst.add.f32.msk $0xffff, v7  }
0x51e: {  	[tilespmem:s25+$0x150] =	vst.add.f32.msk $0xffff, v8  }
0x51f: {  	[tilespmem:s25+$0x160] =	vst.add.f32.msk $0xffff, v9  }
0x520: {  	[tilespmem:s25+$0x170] =	vst.add.f32.msk $0xffff, v10  }
0x521: {  	[tilespmem:s25+$0x500] =	vst.add.f32.msk $0xffff, v11  }
0x522: {  	[tilespmem:s25+$0x510] =	vst.add.f32.msk $0xffff, v12  }
0x523: {  	[tilespmem:s25+$0x520] =	vst.add.f32.msk $0xffff, v13  }
0x524: {  	[tilespmem:s25+$0x530] =	vst.add.f32.msk $0xffff, v14  }
0x525: {  	[tilespmem:s25+$0x540] =	vst.add.f32.msk $0xffff, v15  }
0x526: {  	[tilespmem:s25+$0x550] =	vst.add.f32.msk $0xffff, v16  }
0x527: {  	[tilespmem:s25+$0x560] =	vst.add.f32.msk $0xffff, v17  }
0x528: {  	[tilespmem:s25+$0x570] =	vst.add.f32.msk $0xffff, v18  }
0x529: {  	[tilespmem:s25+$0x900] =	vst.add.f32.msk $0xffff, v19  }
0x52a: {  	[tilespmem:s25+$0x910] =	vst.add.f32.msk $0xffff, v20  }
0x52b: {  	[tilespmem:s25+$0x920] =	vst.add.f32.msk $0xffff, v21  }
0x52c: {  	[tilespmem:s25+$0x930] =	vst.add.f32.msk $0xffff, v22  }
0x52d: {  	[tilespmem:s25+$0x940] =	vst.add.f32.msk $0xffff, v23  }
0x52e: {  	[tilespmem:s25+$0x950] =	vst.add.f32.msk $0xffff, v24  }
0x52f: {  	[tilespmem:s25+$0x960] =	vst.add.f32.msk $0xffff, v25  }
0x530: {  	[tilespmem:s25+$0x970] =	vst.add.f32.msk $0xffff, v26  }
0x531: {  	[tilespmem:s25+$0xD00] =	vst.add.f32.msk $0xffff, v27  }
0x532: {  	[tilespmem:s25+$0xD10] =	vst.add.f32.msk $0xffff, v28  }
0x533: {  	[tilespmem:s25+$0xD20] =	vst.add.f32.msk $0xffff, v29  }
0x534: {  	[tilespmem:s25+$0xD30] =	vst.add.f32.msk $0xffff, v30  }
0x535: {  	[tilespmem:s25+$0xD40] =	vst.add.f32.msk $0xffff, v31  }
0x536: {  	[tilespmem:s25+$0xD50] =	vst.add.f32.msk $0xffff, v32  }
0x537: {  	[tilespmem:s25+$0xD60] =	vst.add.f32.msk $0xffff, v33  }
0x538: {  	[tilespmem:s25+$0xD70] =	vst.add.f32.msk $0xffff, v34  }
0x539: {  	[tilespmem:s25+$0x1100] =	vst.add.f32.msk $0xffff, v35  }
0x53a: {  	[tilespmem:s25+$0x1110] =	vst.add.f32.msk $0xffff, v36  }
0x53b: {  	[tilespmem:s25+$0x1120] =	vst.add.f32.msk $0xffff, v37  }
0x53c: {  	[tilespmem:s25+$0x1130] =	vst.add.f32.msk $0xffff, v38  }
0x53d: {  	[tilespmem:s25+$0x1140] =	vst.add.f32.msk $0xffff, v39  }
0x53e: {  	[tilespmem:s25+$0x1150] =	vst.add.f32.msk $0xffff, v40  }
0x53f: {  	[tilespmem:s25+$0x1160] =	vst.add.f32.msk $0xffff, v41  }
0x540: {  	[tilespmem:s25+$0x1170] =	vst.add.f32.msk $0xffff, v42  }
0x541: {  	[tilespmem:s25+$0x1500] =	vst.add.f32.msk $0xffff, v43  }
0x542: {  	[tilespmem:s25+$0x1510] =	vst.add.f32.msk $0xffff, v44  }
0x543: {  	[tilespmem:s25+$0x1520] =	vst.add.f32.msk $0xffff, v45  }
0x544: {  	[tilespmem:s25+$0x1530] =	vst.add.f32.msk $0xffff, v46  }
0x545: {  	[tilespmem:s25+$0x1540] =	vst.add.f32.msk $0xffff, v47  }
0x546: {  	s24 =	sadd.s32 $0x1, s24;
	[tilespmem:s25+$0x1550] =	vst.add.f32.msk $0xffff, v48  }
0x547: {  	p0 =	sne.s32 s24, s9;
	[tilespmem:s25+$0x1560] =	vst.add.f32.msk $0xffff, v49  }
.Ltmp4:
0x548: {  	[tilespmem:s25+$0x140] =	vst.add.f32.msk $0xffff, v3;
	(pc) =	sbr.rel @p0 .LBB2_1-.Ltmp4, $4  }
0x549: {  	[hbm4b:s8+s2] =	stream.linear.scatter [tilespmem:s13], [sflag:$0x5], $0xC000, $0x38;
	[tilespmem:$0x18100] =	vst v63  }
0x54a: {  	_ =	swait.ge [sflag:s23], $0xC000  }
0x54b: {  	[sflag:s23] =	ssyncset.done $0x0  }
0x54c: {  	[sflag:s23] =	ssyncadd.s32 $0xFFFF4000  }
0x54d: {  	_ =	sfence.sel $0x180000  }
0x54e: {  	[bflag:$0x0] =	sbarrier.arrive $0xFFFF  }
0x54f: {  	_ =	strace $0x9000004A  }
0x550: {  	s0 =	stileid.u32;
	[bflag:$0x2] =	sbarrier.arrive $0xFFFF  }
0x551: {  	p0 =	sne.s32 s0, $0x0;
	s0 =	rddreg [dreg:$0x2]  }
0x552: {  	s0 =	sadd.s32 @!p0 $0x100000, s0  }
0x553: {  	[sflag:s0] =	ssyncadd.tile.s32 @!p0 $0x1;
	_ =	shalt  }
.Lfunc_end2:
_tile_overlayer_lowered:
.L_overlay_start_2:
0x554: {  	(tag) =	ssettag $0x2  }
0x555: {  	s0 =	rddreg [dreg:$0x0];
	s2 =	stileid.u32  }
0x556: {  	s1 =	rddreg [dreg:$0x1];
	p0 =	sne.s32 s2, $0x0  }
0x557: {  	s3 =	rddreg [dreg:$0x2];
	[bflag:$0x3] =	sbarrier.arrive $0xFFFF;
	s2 =	simm.s32 @!p0 $0x1C05  }
0x558: {  	[timem:s3], [sflag:s2] =	dma.local @!p0 [hbm:s0], s1  }
0x559: {  	s0 =	simm.s32 @!p0 $0x5  }
0x55a: {  	_ =	swait.ge @!p0 [sflag:s0], s1  }
0x55b: {  	s1 =	ssub.s32 @!p0 $0x0, s1;
	[sflag:s0] =	ssyncset.done @!p0 $0x0  }
0x55c: {  	[sflag:s0] =	ssyncadd.s32 @!p0 s1  }
0x55d: {  	[bflag:$0x3] =	sbarrier.arrive $0xFFFF  }
0x55e: {  	_ =	shalt  }

</sc_bundles>
